<compile_context>
chip_gen: v7x
topology: tpu7x:2x2x1
jax: 0.10.2.dev20260603
libtpu: 0.0.44.dev20260713+nightly
codegen_flags: <defaults>
</compile_context>

<pallas_src>
import jax
import jax.numpy as jnp
from jax import lax
from jax.experimental import pallas as pl
from jax.experimental.pallas import tpu as pltpu
from jax.experimental.pallas import tpu_sc as plsc

N = 10000
E = 320000
D = 128
DH = 64
NC = 2
NS = 16
CHUNK = 80
NBUF = 4
GRAN = NS * CHUNK * NBUF
E_PAD = ((E + GRAN - 1) // GRAN) * GRAN
EPT = E_PAD // NS
NCHUNK = EPT // CHUNK
N_PAD = 10240
ROWS_PER_TILE = N_PAD // NS
WB_BLK = ROWS_PER_TILE // CHUNK


def _body(xcat, srccat, dst, wb, out, acc, xsp, *bufs):
    c = lax.axis_index("c")
    s = lax.axis_index("s")

    idx_src = bufs[0:NBUF]
    idx_dst = bufs[NBUF:2 * NBUF]
    wv = bufs[2 * NBUF:3 * NBUF]
    rows = bufs[3 * NBUF:4 * NBUF]
    sem_pf = bufs[4 * NBUF:5 * NBUF]
    sem_g = bufs[5 * NBUF:6 * NBUF]

    def zrow(i, _):
        for j in range(DH // 16):
            rows[0][i, pl.ds(j * 16, 16)] = jnp.zeros((16,), jnp.float32)
        return 0
    lax.fori_loop(0, CHUNK, zrow, 0, unroll=4)
    for q in range(WB_BLK):
        sl = pl.ds(s * ROWS_PER_TILE + q * CHUNK, CHUNK)
        pltpu.sync_copy(rows[0], acc.at[sl])
        pltpu.sync_copy(xcat.at[c, sl, :], rows[1])
        pltpu.sync_copy(rows[1], xsp.at[sl])
    plsc.subcore_barrier()

    base_e = s * EPT

    def pf_copies(k, b):
        off = base_e + k * CHUNK
        return (
            (srccat.at[pl.ds(off, CHUNK)], idx_src[b]),
            (dst.at[pl.ds(off, CHUNK)], idx_dst[b]),
            (wb.at[pl.ds(off, CHUNK)], wv[b]),
        )

    def prefetch(k, b):
        for src_ref, dst_ref in pf_copies(k, b):
            pltpu.async_copy(src_ref, dst_ref, sem_pf[b])

    def wait_prefetch(k, b):
        for src_ref, dst_ref in pf_copies(k, b):
            pltpu.make_async_copy(src_ref, dst_ref, sem_pf[b]).wait()

    def issue_gather(b):
        pltpu.async_copy(xsp.at[idx_src[b]], rows[b], sem_g[b])

    def wait_gather(b):
        pltpu.make_async_copy(xsp.at[idx_src[b]], rows[b], sem_g[b]).wait()

    def compute(b):
        r = rows[b]
        w = wv[b]

        def edge(e, _):
            we = w[e, :]
            for j in range(DH // 16):
                sl = pl.ds(j * 16, 16)
                r[e, sl] = r[e, sl] * we
            return 0
        lax.fori_loop(0, CHUNK, edge, 0, unroll=8)

    def step(k, b):
        @pl.when(k + 2 < NCHUNK)
        def _():
            wait_prefetch(k + 2, (b + 2) % NBUF)
            issue_gather((b + 2) % NBUF)
        wait_gather(b)
        compute(b)
        pltpu.sync_copy(rows[b], acc.at[idx_dst[b]], add=True)

        @pl.when(k + NBUF < NCHUNK)
        def _():
            prefetch(k + NBUF, b)

    for b in range(NBUF):
        prefetch(b, b)
    for b in range(2):
        wait_prefetch(b, b)
        issue_gather(b)

    def group(p, _):
        for b in range(NBUF):
            step(NBUF * p + b, b)
        return 0
    lax.fori_loop(0, NCHUNK // NBUF, group, 0)

    plsc.subcore_barrier()
    for q in range(WB_BLK):
        sl = pl.ds(s * ROWS_PER_TILE + q * CHUNK, CHUNK)
        b = q % 2
        pltpu.sync_copy(acc.at[sl], rows[b])
        pltpu.sync_copy(rows[b], out.at[c, sl, :])


@jax.jit
def _spmm(xcat, srccat, dst, wb):
    mesh = plsc.VectorSubcoreMesh(
        core_axis_name="c", subcore_axis_name="s", num_cores=NC, num_subcores=NS
    )
    scratch = [
        pltpu.VMEM_SHARED((N_PAD, DH), jnp.float32),
        pltpu.VMEM_SHARED((N_PAD, DH), jnp.float32),
    ]
    scratch += [pltpu.VMEM((CHUNK,), jnp.int32) for _ in range(NBUF)]
    scratch += [pltpu.VMEM((CHUNK,), jnp.int32) for _ in range(NBUF)]
    scratch += [pltpu.VMEM((CHUNK, 16), jnp.float32) for _ in range(NBUF)]
    scratch += [pltpu.VMEM((CHUNK, DH), jnp.float32) for _ in range(NBUF)]
    scratch += [pltpu.SemaphoreType.DMA for _ in range(2 * NBUF)]
    f = pl.kernel(
        _body,
        out_type=jax.ShapeDtypeStruct((NC, N_PAD, DH), jnp.float32),
        mesh=mesh,
        scratch_types=scratch,
        compiler_params=pltpu.CompilerParams(use_tc_tiling_on_sc=False),
    )
    return f(xcat, srccat, dst, wb)


def kernel(x, edge_index, edge_weight):
    dst = edge_index[0]
    src = edge_index[1]
    pad = E_PAD - E
    xcat = jnp.stack([x[:, :DH], x[:, DH:]])
    xcat = jnp.pad(xcat, ((0, 0), (0, N_PAD - N), (0, 0)))
    srccat = jnp.pad(src, (0, pad))
    dst_p = jnp.pad(dst, (0, pad))
    w_p = jnp.pad(edge_weight, (0, pad))
    wb = jnp.broadcast_to(w_p[:, None], (E_PAD, 16))
    o = _spmm(xcat, srccat, dst_p, wb)
    return jnp.concatenate([o[0, :N], o[1, :N]], axis=1)

# --- scband reference (transcript-rebuilt; emitter-appended) ---
"""Pipeline reference for scband-lpalayer-35115652612235 (READ-ONLY COPY).

The authoritative reference and input builder live on the scoring server;
editing this copy changes nothing except your own understanding.
"""

import jax, jax.numpy as jnp
import numpy as np

N_NODES = 10000
N_EDGES = 320000
D_FEAT = 128


def setup_inputs(seed: int = 0) -> dict:
    key = jax.random.key(seed)
    k1, k2, k3 = jax.random.split(key, 3)
    x = jax.random.normal(k1, (N_NODES, D_FEAT), dtype=jnp.float32)
    edge_index = jax.random.randint(k2, (2, N_EDGES), 0, N_NODES, dtype=jnp.int32)
    edge_weight = jax.random.uniform(k3, (N_EDGES,), dtype=jnp.float32)
    return {"x": x, "edge_index": edge_index, "edge_weight": edge_weight}


def reference(x, edge_index, edge_weight):
    # LPALayer._call: output = sparse_tensor_dense_matmul(adj, inputs)
    # adj is an N x N sparse matrix given in COO form:
    #   edge_index[0] = row (destination node), edge_index[1] = col (source node)
    #   edge_weight   = nonzero values of adj
    # SpMM row i: out[i] = sum_{e: row[e]==i} edge_weight[e] * x[col[e]]
    dst = edge_index[0]
    src = edge_index[1]
    msgs = edge_weight[:, None] * jnp.take(x, src, axis=0)  # gather
    out = jax.ops.segment_sum(msgs, dst, num_segments=N_NODES)  # scatter-add
    return out

if __name__ == "__main__":
    import jax
    _d = setup_inputs()
    print(jax.jit(kernel)(*tuple(_d.values())))

</pallas_src>

<mosaic_0001>
#map = affine_map<(d0, d1) -> (0, 0, 0)>
#map1 = affine_map<(d0, d1) -> (0)>
#map2 = affine_map<(d0, d1) -> (0, 0)>
module attributes {stable_mosaic.version = 14 : i64} {
  func.func @_body(%arg0: i32, %arg1: i32, %arg2: memref<2x10240x64xf32, #tpu.memory_space<hbm>>, %arg3: memref<322560xi32, #tpu.memory_space<hbm>>, %arg4: memref<322560xi32, #tpu.memory_space<hbm>>, %arg5: memref<322560x16xf32, #tpu.memory_space<hbm>>, %arg6: memref<2x10240x64xf32, #tpu.memory_space<hbm>>, %arg7: memref<10240x64xf32, #tpu.memory_space<vmem_shared>>, %arg8: memref<10240x64xf32, #tpu.memory_space<vmem_shared>>, %arg9: memref<80xi32, #tpu.memory_space<vmem>>, %arg10: memref<80xi32, #tpu.memory_space<vmem>>, %arg11: memref<80xi32, #tpu.memory_space<vmem>>, %arg12: memref<80xi32, #tpu.memory_space<vmem>>, %arg13: memref<80xi32, #tpu.memory_space<vmem>>, %arg14: memref<80xi32, #tpu.memory_space<vmem>>, %arg15: memref<80xi32, #tpu.memory_space<vmem>>, %arg16: memref<80xi32, #tpu.memory_space<vmem>>, %arg17: memref<80x16xf32, #tpu.memory_space<vmem>>, %arg18: memref<80x16xf32, #tpu.memory_space<vmem>>, %arg19: memref<80x16xf32, #tpu.memory_space<vmem>>, %arg20: memref<80x16xf32, #tpu.memory_space<vmem>>, %arg21: memref<80x64xf32, #tpu.memory_space<vmem>>, %arg22: memref<80x64xf32, #tpu.memory_space<vmem>>, %arg23: memref<80x64xf32, #tpu.memory_space<vmem>>, %arg24: memref<80x64xf32, #tpu.memory_space<vmem>>, %arg25: memref<!tpu.dma_semaphore, #tpu.memory_space<semaphore_mem>>, %arg26: memref<!tpu.dma_semaphore, #tpu.memory_space<semaphore_mem>>, %arg27: memref<!tpu.dma_semaphore, #tpu.memory_space<semaphore_mem>>, %arg28: memref<!tpu.dma_semaphore, #tpu.memory_space<semaphore_mem>>, %arg29: memref<!tpu.dma_semaphore, #tpu.memory_space<semaphore_mem>>, %arg30: memref<!tpu.dma_semaphore, #tpu.memory_space<semaphore_mem>>, %arg31: memref<!tpu.dma_semaphore, #tpu.memory_space<semaphore_mem>>, %arg32: memref<!tpu.dma_semaphore, #tpu.memory_space<semaphore_mem>>) attributes {dimension_semantics = [#tpu.dimension_semantics<core_parallel>, #tpu.dimension_semantics<subcore_parallel>], iteration_bounds = array<i64: 2, 16>, scalar_prefetch = 0 : i64, scratch_operands = 26 : i64, tpu.core_type = #tpu.core_type<sc_vector_subcore>, window_params = [{transform_indices = #map}, {transform_indices = #map1}, {transform_indices = #map1}, {transform_indices = #map2}, {transform_indices = #map}]} {
    %scan3A = arith.constant 0 : i32
    %scan3A_0 = arith.constant 0 : i32
    %scan3A_1 = arith.constant 80 : i32
    %scan3A_2 = arith.addi %scan3A_0, %scan3A_1 : i32
    %scan3A_3 = arith.constant 4 : i32
    %scan3A_4 = scf.for %scan3A_142 = %scan3A_0 to %scan3A_2 step %scan3A_3 iter_args(%scan3A_143 = %scan3A) -> (i32)  : i32 {
      %broadcast_in_dim3A = arith.constant 0.000000e+00 : f32
      %broadcast_in_dim3A_144 = vector.broadcast %broadcast_in_dim3A : f32 to vector<16xf32>
      %swap3A = arith.index_cast %scan3A_142 : i32 to index
      %swap3A_145 = arith.constant 0 : index
      %swap3A_146 = tpu.vector_load %arg21[%swap3A, %swap3A_145] {strides = array<i32>} : memref<80x64xf32, #tpu.memory_space<vmem>>, vector<1x16xf32>,
      %swap3A_147 = vector.shape_cast %swap3A_146 : vector<1x16xf32> to vector<16xf32>
      %swap3A_148 = vector.shape_cast %broadcast_in_dim3A_144 : vector<16xf32> to vector<1x16xf32>
      tpu.vector_store %arg21[%swap3A, %swap3A_145], %swap3A_148 {strides = array<i32>} : memref<80x64xf32, #tpu.memory_space<vmem>>, vector<1x16xf32>,
      %broadcast_in_dim3A_149 = arith.constant 0.000000e+00 : f32
      %broadcast_in_dim3A_150 = vector.broadcast %broadcast_in_dim3A_149 : f32 to vector<16xf32>
      %swap3A_151 = arith.index_cast %scan3A_142 : i32 to index
      %swap3A_152 = arith.constant 16 : index
      %swap3A_153 = tpu.vector_load %arg21[%swap3A_151, %swap3A_152] {strides = array<i32>} : memref<80x64xf32, #tpu.memory_space<vmem>>, vector<1x16xf32>,
      %swap3A_154 = vector.shape_cast %swap3A_153 : vector<1x16xf32> to vector<16xf32>
      %swap3A_155 = vector.shape_cast %broadcast_in_dim3A_150 : vector<16xf32> to vector<1x16xf32>
      tpu.vector_store %arg21[%swap3A_151, %swap3A_152], %swap3A_155 {strides = array<i32>} : memref<80x64xf32, #tpu.memory_space<vmem>>, vector<1x16xf32>,
      %broadcast_in_dim3A_156 = arith.constant 0.000000e+00 : f32
      %broadcast_in_dim3A_157 = vector.broadcast %broadcast_in_dim3A_156 : f32 to vector<16xf32>
      %swap3A_158 = arith.index_cast %scan3A_142 : i32 to index
      %swap3A_159 = arith.constant 32 : index
      %swap3A_160 = tpu.vector_load %arg21[%swap3A_158, %swap3A_159] {strides = array<i32>} : memref<80x64xf32, #tpu.memory_space<vmem>>, vector<1x16xf32>,
      %swap3A_161 = vector.shape_cast %swap3A_160 : vector<1x16xf32> to vector<16xf32>
      %swap3A_162 = vector.shape_cast %broadcast_in_dim3A_157 : vector<16xf32> to vector<1x16xf32>
      tpu.vector_store %arg21[%swap3A_158, %swap3A_159], %swap3A_162 {strides = array<i32>} : memref<80x64xf32, #tpu.memory_space<vmem>>, vector<1x16xf32>,
      %broadcast_in_dim3A_163 = arith.constant 0.000000e+00 : f32
      %broadcast_in_dim3A_164 = vector.broadcast %broadcast_in_dim3A_163 : f32 to vector<16xf32>
      %swap3A_165 = arith.index_cast %scan3A_142 : i32 to index
      %swap3A_166 = arith.constant 48 : index
      %swap3A_167 = tpu.vector_load %arg21[%swap3A_165, %swap3A_166] {strides = array<i32>} : memref<80x64xf32, #tpu.memory_space<vmem>>, vector<1x16xf32>,
      %swap3A_168 = vector.shape_cast %swap3A_167 : vector<1x16xf32> to vector<16xf32>
      %swap3A_169 = vector.shape_cast %broadcast_in_dim3A_164 : vector<16xf32> to vector<1x16xf32>
      tpu.vector_store %arg21[%swap3A_165, %swap3A_166], %swap3A_169 {strides = array<i32>} : memref<80x64xf32, #tpu.memory_space<vmem>>, vector<1x16xf32>,
      %scan3A_170 = arith.constant 0 : i32
      %scan3A_171 = arith.constant 1 : i32
      %scan3A_172 = arith.addi %scan3A_142, %scan3A_171 : i32
      %broadcast_in_dim3A_173 = arith.constant 0.000000e+00 : f32
      %broadcast_in_dim3A_174 = vector.broadcast %broadcast_in_dim3A_173 : f32 to vector<16xf32>
      %swap3A_175 = arith.index_cast %scan3A_172 : i32 to index
      %swap3A_176 = arith.constant 0 : index
      %swap3A_177 = tpu.vector_load %arg21[%swap3A_175, %swap3A_176] {strides = array<i32>} : memref<80x64xf32, #tpu.memory_space<vmem>>, vector<1x16xf32>,
      %swap3A_178 = vector.shape_cast %swap3A_177 : vector<1x16xf32> to vector<16xf32>
      %swap3A_179 = vector.shape_cast %broadcast_in_dim3A_174 : vector<16xf32> to vector<1x16xf32>
      tpu.vector_store %arg21[%swap3A_175, %swap3A_176], %swap3A_179 {strides = array<i32>} : memref<80x64xf32, #tpu.memory_space<vmem>>, vector<1x16xf32>,
      %broadcast_in_dim3A_180 = arith.constant 0.000000e+00 : f32
      %broadcast_in_dim3A_181 = vector.broadcast %broadcast_in_dim3A_180 : f32 to vector<16xf32>
      %swap3A_182 = arith.index_cast %scan3A_172 : i32 to index
      %swap3A_183 = arith.constant 16 : index
      %swap3A_184 = tpu.vector_load %arg21[%swap3A_182, %swap3A_183] {strides = array<i32>} : memref<80x64xf32, #tpu.memory_space<vmem>>, vector<1x16xf32>,
      %swap3A_185 = vector.shape_cast %swap3A_184 : vector<1x16xf32> to vector<16xf32>
      %swap3A_186 = vector.shape_cast %broadcast_in_dim3A_181 : vector<16xf32> to vector<1x16xf32>
      tpu.vector_store %arg21[%swap3A_182, %swap3A_183], %swap3A_186 {strides = array<i32>} : memref<80x64xf32, #tpu.memory_space<vmem>>, vector<1x16xf32>,
      %broadcast_in_dim3A_187 = arith.constant 0.000000e+00 : f32
      %broadcast_in_dim3A_188 = vector.broadcast %broadcast_in_dim3A_187 : f32 to vector<16xf32>
      %swap3A_189 = arith.index_cast %scan3A_172 : i32 to index
      %swap3A_190 = arith.constant 32 : index
      %swap3A_191 = tpu.vector_load %arg21[%swap3A_189, %swap3A_190] {strides = array<i32>} : memref<80x64xf32, #tpu.memory_space<vmem>>, vector<1x16xf32>,
      %swap3A_192 = vector.shape_cast %swap3A_191 : vector<1x16xf32> to vector<16xf32>
      %swap3A_193 = vector.shape_cast %broadcast_in_dim3A_188 : vector<16xf32> to vector<1x16xf32>
      tpu.vector_store %arg21[%swap3A_189, %swap3A_190], %swap3A_193 {strides = array<i32>} : memref<80x64xf32, #tpu.memory_space<vmem>>, vector<1x16xf32>,
      %broadcast_in_dim3A_194 = arith.constant 0.000000e+00 : f32
      %broadcast_in_dim3A_195 = vector.broadcast %broadcast_in_dim3A_194 : f32 to vector<16xf32>
      %swap3A_196 = arith.index_cast %scan3A_172 : i32 to index
      %swap3A_197 = arith.constant 48 : index
      %swap3A_198 = tpu.vector_load %arg21[%swap3A_196, %swap3A_197] {strides = array<i32>} : memref<80x64xf32, #tpu.memory_space<vmem>>, vector<1x16xf32>,
      %swap3A_199 = vector.shape_cast %swap3A_198 : vector<1x16xf32> to vector<16xf32>
      %swap3A_200 = vector.shape_cast %broadcast_in_dim3A_195 : vector<16xf32> to vector<1x16xf32>
      tpu.vector_store %arg21[%swap3A_196, %swap3A_197], %swap3A_200 {strides = array<i32>} : memref<80x64xf32, #tpu.memory_space<vmem>>, vector<1x16xf32>,
      %scan3A_201 = arith.constant 0 : i32
      %scan3A_202 = arith.constant 2 : i32
      %scan3A_203 = arith.addi %scan3A_142, %scan3A_202 : i32
      %broadcast_in_dim3A_204 = arith.constant 0.000000e+00 : f32
      %broadcast_in_dim3A_205 = vector.broadcast %broadcast_in_dim3A_204 : f32 to vector<16xf32>
      %swap3A_206 = arith.index_cast %scan3A_203 : i32 to index
      %swap3A_207 = arith.constant 0 : index
      %swap3A_208 = tpu.vector_load %arg21[%swap3A_206, %swap3A_207] {strides = array<i32>} : memref<80x64xf32, #tpu.memory_space<vmem>>, vector<1x16xf32>,
      %swap3A_209 = vector.shape_cast %swap3A_208 : vector<1x16xf32> to vector<16xf32>
      %swap3A_210 = vector.shape_cast %broadcast_in_dim3A_205 : vector<16xf32> to vector<1x16xf32>
      tpu.vector_store %arg21[%swap3A_206, %swap3A_207], %swap3A_210 {strides = array<i32>} : memref<80x64xf32, #tpu.memory_space<vmem>>, vector<1x16xf32>,
      %broadcast_in_dim3A_211 = arith.constant 0.000000e+00 : f32
      %broadcast_in_dim3A_212 = vector.broadcast %broadcast_in_dim3A_211 : f32 to vector<16xf32>
      %swap3A_213 = arith.index_cast %scan3A_203 : i32 to index
      %swap3A_214 = arith.constant 16 : index
      %swap3A_215 = tpu.vector_load %arg21[%swap3A_213, %swap3A_214] {strides = array<i32>} : memref<80x64xf32, #tpu.memory_space<vmem>>, vector<1x16xf32>,
      %swap3A_216 = vector.shape_cast %swap3A_215 : vector<1x16xf32> to vector<16xf32>
      %swap3A_217 = vector.shape_cast %broadcast_in_dim3A_212 : vector<16xf32> to vector<1x16xf32>
      tpu.vector_store %arg21[%swap3A_213, %swap3A_214], %swap3A_217 {strides = array<i32>} : memref<80x64xf32, #tpu.memory_space<vmem>>, vector<1x16xf32>,
      %broadcast_in_dim3A_218 = arith.constant 0.000000e+00 : f32
      %broadcast_in_dim3A_219 = vector.broadcast %broadcast_in_dim3A_218 : f32 to vector<16xf32>
      %swap3A_220 = arith.index_cast %scan3A_203 : i32 to index
      %swap3A_221 = arith.constant 32 : index
      %swap3A_222 = tpu.vector_load %arg21[%swap3A_220, %swap3A_221] {strides = array<i32>} : memref<80x64xf32, #tpu.memory_space<vmem>>, vector<1x16xf32>,
      %swap3A_223 = vector.shape_cast %swap3A_222 : vector<1x16xf32> to vector<16xf32>
      %swap3A_224 = vector.shape_cast %broadcast_in_dim3A_219 : vector<16xf32> to vector<1x16xf32>
      tpu.vector_store %arg21[%swap3A_220, %swap3A_221], %swap3A_224 {strides = array<i32>} : memref<80x64xf32, #tpu.memory_space<vmem>>, vector<1x16xf32>,
      %broadcast_in_dim3A_225 = arith.constant 0.000000e+00 : f32
      %broadcast_in_dim3A_226 = vector.broadcast %broadcast_in_dim3A_225 : f32 to vector<16xf32>
      %swap3A_227 = arith.index_cast %scan3A_203 : i32 to index
      %swap3A_228 = arith.constant 48 : index
      %swap3A_229 = tpu.vector_load %arg21[%swap3A_227, %swap3A_228] {strides = array<i32>} : memref<80x64xf32, #tpu.memory_space<vmem>>, vector<1x16xf32>,
      %swap3A_230 = vector.shape_cast %swap3A_229 : vector<1x16xf32> to vector<16xf32>
      %swap3A_231 = vector.shape_cast %broadcast_in_dim3A_226 : vector<16xf32> to vector<1x16xf32>
      tpu.vector_store %arg21[%swap3A_227, %swap3A_228], %swap3A_231 {strides = array<i32>} : memref<80x64xf32, #tpu.memory_space<vmem>>, vector<1x16xf32>,
      %scan3A_232 = arith.constant 0 : i32
      %scan3A_233 = arith.constant 3 : i32
      %scan3A_234 = arith.addi %scan3A_142, %scan3A_233 : i32
      %broadcast_in_dim3A_235 = arith.constant 0.000000e+00 : f32
      %broadcast_in_dim3A_236 = vector.broadcast %broadcast_in_dim3A_235 : f32 to vector<16xf32>
      %swap3A_237 = arith.index_cast %scan3A_234 : i32 to index
      %swap3A_238 = arith.constant 0 : index
      %swap3A_239 = tpu.vector_load %arg21[%swap3A_237, %swap3A_238] {strides = array<i32>} : memref<80x64xf32, #tpu.memory_space<vmem>>, vector<1x16xf32>,
      %swap3A_240 = vector.shape_cast %swap3A_239 : vector<1x16xf32> to vector<16xf32>
      %swap3A_241 = vector.shape_cast %broadcast_in_dim3A_236 : vector<16xf32> to vector<1x16xf32>
      tpu.vector_store %arg21[%swap3A_237, %swap3A_238], %swap3A_241 {strides = array<i32>} : memref<80x64xf32, #tpu.memory_space<vmem>>, vector<1x16xf32>,
      %broadcast_in_dim3A_242 = arith.constant 0.000000e+00 : f32
      %broadcast_in_dim3A_243 = vector.broadcast %broadcast_in_dim3A_242 : f32 to vector<16xf32>
      %swap3A_244 = arith.index_cast %scan3A_234 : i32 to index
      %swap3A_245 = arith.constant 16 : index
      %swap3A_246 = tpu.vector_load %arg21[%swap3A_244, %swap3A_245] {strides = array<i32>} : memref<80x64xf32, #tpu.memory_space<vmem>>, vector<1x16xf32>,
      %swap3A_247 = vector.shape_cast %swap3A_246 : vector<1x16xf32> to vector<16xf32>
      %swap3A_248 = vector.shape_cast %broadcast_in_dim3A_243 : vector<16xf32> to vector<1x16xf32>
      tpu.vector_store %arg21[%swap3A_244, %swap3A_245], %swap3A_248 {strides = array<i32>} : memref<80x64xf32, #tpu.memory_space<vmem>>, vector<1x16xf32>,
      %broadcast_in_dim3A_249 = arith.constant 0.000000e+00 : f32
      %broadcast_in_dim3A_250 = vector.broadcast %broadcast_in_dim3A_249 : f32 to vector<16xf32>
      %swap3A_251 = arith.index_cast %scan3A_234 : i32 to index
      %swap3A_252 = arith.constant 32 : index
      %swap3A_253 = tpu.vector_load %arg21[%swap3A_251, %swap3A_252] {strides = array<i32>} : memref<80x64xf32, #tpu.memory_space<vmem>>, vector<1x16xf32>,
      %swap3A_254 = vector.shape_cast %swap3A_253 : vector<1x16xf32> to vector<16xf32>
      %swap3A_255 = vector.shape_cast %broadcast_in_dim3A_250 : vector<16xf32> to vector<1x16xf32>
      tpu.vector_store %arg21[%swap3A_251, %swap3A_252], %swap3A_255 {strides = array<i32>} : memref<80x64xf32, #tpu.memory_space<vmem>>, vector<1x16xf32>,
      %broadcast_in_dim3A_256 = arith.constant 0.000000e+00 : f32
      %broadcast_in_dim3A_257 = vector.broadcast %broadcast_in_dim3A_256 : f32 to vector<16xf32>
      %swap3A_258 = arith.index_cast %scan3A_234 : i32 to index
      %swap3A_259 = arith.constant 48 : index
      %swap3A_260 = tpu.vector_load %arg21[%swap3A_258, %swap3A_259] {strides = array<i32>} : memref<80x64xf32, #tpu.memory_space<vmem>>, vector<1x16xf32>,
      %swap3A_261 = vector.shape_cast %swap3A_260 : vector<1x16xf32> to vector<16xf32>
      %swap3A_262 = vector.shape_cast %broadcast_in_dim3A_257 : vector<16xf32> to vector<1x16xf32>
      tpu.vector_store %arg21[%swap3A_258, %swap3A_259], %swap3A_262 {strides = array<i32>} : memref<80x64xf32, #tpu.memory_space<vmem>>, vector<1x16xf32>,
      %scan3A_263 = arith.constant 0 : i32
      scf.yield %scan3A_263 : i32
    }
    %scan3A_5 = arith.constant 80 : i32
    %mul3A = arith.constant 640 : i32
    %mul3A_6 = arith.muli %arg1, %mul3A : i32
    %add3A = arith.constant 0 : i32
    %add3A_7 = arith.addi %mul3A_6, %add3A : i32
    "tpu.region"() ({
      %run_scoped3A = tpu.sem_alloc : memref<!tpu.dma_semaphore, #tpu.memory_space<semaphore_mem>>
      %dma_start3A_142 = arith.constant 0 : i32
      %dma_start3A_143 = tpu.memref_slice %arg7[%add3A_7, %dma_start3A_142] : memref<10240x64xf32, #tpu.memory_space<vmem_shared>> -> memref<80x64xf32, #tpu.memory_space<vmem_shared>>
      %dma_start3A_144 = arith.constant 0 : i32
      %dma_start3A_145 = tpu.memref_slice %arg7[%add3A_7, %dma_start3A_144] : memref<10240x64xf32, #tpu.memory_space<vmem_shared>> -> memref<80x64xf32, #tpu.memory_space<vmem_shared>>
      tpu.enqueue_dma source(%arg21 : memref<80x64xf32, #tpu.memory_space<vmem>>) target(%dma_start3A_145 : memref<80x64xf32, #tpu.memory_space<vmem_shared>>) target_semaphore(%run_scoped3A : memref<!tpu.dma_semaphore, #tpu.memory_space<semaphore_mem>>)
      %dma_wait3A_146 = arith.constant 0 : i32
      %dma_wait3A_147 = tpu.memref_slice %arg7[%add3A_7, %dma_wait3A_146] : memref<10240x64xf32, #tpu.memory_space<vmem_shared>> -> memref<80x64xf32, #tpu.memory_space<vmem_shared>>
      %dma_wait3A_148 = arith.constant 0 : i32
      %dma_wait3A_149 = tpu.memref_slice %arg7[%add3A_7, %dma_wait3A_148] : memref<10240x64xf32, #tpu.memory_space<vmem_shared>> -> memref<80x64xf32, #tpu.memory_space<vmem_shared>>
      tpu.wait_dma2 semaphore(%run_scoped3A : memref<!tpu.dma_semaphore, #tpu.memory_space<semaphore_mem>>) src(%arg21 : memref<80x64xf32, #tpu.memory_space<vmem>>) dst(%dma_wait3A_149 : memref<80x64xf32, #tpu.memory_space<vmem_shared>>)
      tpu.yield
    }) : () -> ()
    "tpu.region"() ({
      %run_scoped3A = tpu.sem_alloc : memref<!tpu.dma_semaphore, #tpu.memory_space<semaphore_mem>>
      %dma_start3A_142 = arith.constant 0 : i32
      %dma_start3A_143 = tpu.memref_slice %arg2[%arg0, %add3A_7, %dma_start3A_142] : memref<2x10240x64xf32, #tpu.memory_space<hbm>> -> memref<1x80x64xf32, #tpu.memory_space<hbm>>
      %dma_start3A_144 = tpu.memref_squeeze %dma_start3A_143 : memref<1x80x64xf32, #tpu.memory_space<hbm>> -> memref<80x64xf32, #tpu.memory_space<hbm>>
      %dma_start3A_145 = arith.constant 0 : i32
      %dma_start3A_146 = tpu.memref_slice %arg2[%arg0, %add3A_7, %dma_start3A_145] : memref<2x10240x64xf32, #tpu.memory_space<hbm>> -> memref<1x80x64xf32, #tpu.memory_space<hbm>>
      %dma_start3A_147 = tpu.memref_squeeze %dma_start3A_146 : memref<1x80x64xf32, #tpu.memory_space<hbm>> -> memref<80x64xf32, #tpu.memory_space<hbm>>
      tpu.enqueue_dma source(%dma_start3A_147 : memref<80x64xf32, #tpu.memory_space<hbm>>) target(%arg22 : memref<80x64xf32, #tpu.memory_space<vmem>>) target_semaphore(%run_scoped3A : memref<!tpu.dma_semaphore, #tpu.memory_space<semaphore_mem>>)
      %dma_wait3A_148 = arith.constant 0 : i32
      %dma_wait3A_149 = tpu.memref_slice %arg2[%arg0, %add3A_7, %dma_wait3A_148] : memref<2x10240x64xf32, #tpu.memory_space<hbm>> -> memref<1x80x64xf32, #tpu.memory_space<hbm>>
      %dma_wait3A_150 = tpu.memref_squeeze %dma_wait3A_149 : memref<1x80x64xf32, #tpu.memory_space<hbm>> -> memref<80x64xf32, #tpu.memory_space<hbm>>
      %dma_wait3A_151 = arith.constant 0 : i32
      %dma_wait3A_152 = tpu.memref_slice %arg2[%arg0, %add3A_7, %dma_wait3A_151] : memref<2x10240x64xf32, #tpu.memory_space<hbm>> -> memref<1x80x64xf32, #tpu.memory_space<hbm>>
      %dma_wait3A_153 = tpu.memref_squeeze %dma_wait3A_152 : memref<1x80x64xf32, #tpu.memory_space<hbm>> -> memref<80x64xf32, #tpu.memory_space<hbm>>
      tpu.wait_dma2 semaphore(%run_scoped3A : memref<!tpu.dma_semaphore, #tpu.memory_space<semaphore_mem>>) src(%dma_wait3A_153 : memref<80x64xf32, #tpu.memory_space<hbm>>) dst(%arg22 : memref<80x64xf32, #tpu.memory_space<vmem>>)
      tpu.yield
    }) : () -> ()
    "tpu.region"() ({
      %run_scoped3A = tpu.sem_alloc : memref<!tpu.dma_semaphore, #tpu.memory_space<semaphore_mem>>
      %dma_start3A_142 = arith.constant 0 : i32
      %dma_start3A_143 = tpu.memref_slice %arg8[%add3A_7, %dma_start3A_142] : memref<10240x64xf32, #tpu.memory_space<vmem_shared>> -> memref<80x64xf32, #tpu.memory_space<vmem_shared>>
      %dma_start3A_144 = arith.constant 0 : i32
      %dma_start3A_145 = tpu.memref_slice %arg8[%add3A_7, %dma_start3A_144] : memref<10240x64xf32, #tpu.memory_space<vmem_shared>> -> memref<80x64xf32, #tpu.memory_space<vmem_shared>>
      tpu.enqueue_dma source(%arg22 : memref<80x64xf32, #tpu.memory_space<vmem>>) target(%dma_start3A_145 : memref<80x64xf32, #tpu.memory_space<vmem_shared>>) target_semaphore(%run_scoped3A : memref<!tpu.dma_semaphore, #tpu.memory_space<semaphore_mem>>)
      %dma_wait3A_146 = arith.constant 0 : i32
      %dma_wait3A_147 = tpu.memref_slice %arg8[%add3A_7, %dma_wait3A_146] : memref<10240x64xf32, #tpu.memory_space<vmem_shared>> -> memref<80x64xf32, #tpu.memory_space<vmem_shared>>
      %dma_wait3A_148 = arith.constant 0 : i32
      %dma_wait3A_149 = tpu.memref_slice %arg8[%add3A_7, %dma_wait3A_148] : memref<10240x64xf32, #tpu.memory_space<vmem_shared>> -> memref<80x64xf32, #tpu.memory_space<vmem_shared>>
      tpu.wait_dma2 semaphore(%run_scoped3A : memref<!tpu.dma_semaphore, #tpu.memory_space<semaphore_mem>>) src(%arg22 : memref<80x64xf32, #tpu.memory_space<vmem>>) dst(%dma_wait3A_149 : memref<80x64xf32, #tpu.memory_space<vmem_shared>>)
      tpu.yield
    }) : () -> ()
    %mul3A_8 = arith.constant 640 : i32
    %mul3A_9 = arith.muli %arg1, %mul3A_8 : i32
    %add3A_10 = arith.constant 80 : i32
    %add3A_11 = arith.addi %mul3A_9, %add3A_10 : i32
    "tpu.region"() ({
      %run_scoped3A = tpu.sem_alloc : memref<!tpu.dma_semaphore, #tpu.memory_space<semaphore_mem>>
      %dma_start3A_142 = arith.constant 0 : i32
      %dma_start3A_143 = tpu.memref_slice %arg7[%add3A_11, %dma_start3A_142] : memref<10240x64xf32, #tpu.memory_space<vmem_shared>> -> memref<80x64xf32, #tpu.memory_space<vmem_shared>>
      %dma_start3A_144 = arith.constant 0 : i32
      %dma_start3A_145 = tpu.memref_slice %arg7[%add3A_11, %dma_start3A_144] : memref<10240x64xf32, #tpu.memory_space<vmem_shared>> -> memref<80x64xf32, #tpu.memory_space<vmem_shared>>
      tpu.enqueue_dma source(%arg21 : memref<80x64xf32, #tpu.memory_space<vmem>>) target(%dma_start3A_145 : memref<80x64xf32, #tpu.memory_space<vmem_shared>>) target_semaphore(%run_scoped3A : memref<!tpu.dma_semaphore, #tpu.memory_space<semaphore_mem>>)
      %dma_wait3A_146 = arith.constant 0 : i32
      %dma_wait3A_147 = tpu.memref_slice %arg7[%add3A_11, %dma_wait3A_146] : memref<10240x64xf32, #tpu.memory_space<vmem_shared>> -> memref<80x64xf32, #tpu.memory_space<vmem_shared>>
      %dma_wait3A_148 = arith.constant 0 : i32
      %dma_wait3A_149 = tpu.memref_slice %arg7[%add3A_11, %dma_wait3A_148] : memref<10240x64xf32, #tpu.memory_space<vmem_shared>> -> memref<80x64xf32, #tpu.memory_space<vmem_shared>>
      tpu.wait_dma2 semaphore(%run_scoped3A : memref<!tpu.dma_semaphore, #tpu.memory_space<semaphore_mem>>) src(%arg21 : memref<80x64xf32, #tpu.memory_space<vmem>>) dst(%dma_wait3A_149 : memref<80x64xf32, #tpu.memory_space<vmem_shared>>)
      tpu.yield
    }) : () -> ()
    "tpu.region"() ({
      %run_scoped3A = tpu.sem_alloc : memref<!tpu.dma_semaphore, #tpu.memory_space<semaphore_mem>>
      %dma_start3A_142 = arith.constant 0 : i32
      %dma_start3A_143 = tpu.memref_slice %arg2[%arg0, %add3A_11, %dma_start3A_142] : memref<2x10240x64xf32, #tpu.memory_space<hbm>> -> memref<1x80x64xf32, #tpu.memory_space<hbm>>
      %dma_start3A_144 = tpu.memref_squeeze %dma_start3A_143 : memref<1x80x64xf32, #tpu.memory_space<hbm>> -> memref<80x64xf32, #tpu.memory_space<hbm>>
      %dma_start3A_145 = arith.constant 0 : i32
      %dma_start3A_146 = tpu.memref_slice %arg2[%arg0, %add3A_11, %dma_start3A_145] : memref<2x10240x64xf32, #tpu.memory_space<hbm>> -> memref<1x80x64xf32, #tpu.memory_space<hbm>>
      %dma_start3A_147 = tpu.memref_squeeze %dma_start3A_146 : memref<1x80x64xf32, #tpu.memory_space<hbm>> -> memref<80x64xf32, #tpu.memory_space<hbm>>
      tpu.enqueue_dma source(%dma_start3A_147 : memref<80x64xf32, #tpu.memory_space<hbm>>) target(%arg22 : memref<80x64xf32, #tpu.memory_space<vmem>>) target_semaphore(%run_scoped3A : memref<!tpu.dma_semaphore, #tpu.memory_space<semaphore_mem>>)
      %dma_wait3A_148 = arith.constant 0 : i32
      %dma_wait3A_149 = tpu.memref_slice %arg2[%arg0, %add3A_11, %dma_wait3A_148] : memref<2x10240x64xf32, #tpu.memory_space<hbm>> -> memref<1x80x64xf32, #tpu.memory_space<hbm>>
      %dma_wait3A_150 = tpu.memref_squeeze %dma_wait3A_149 : memref<1x80x64xf32, #tpu.memory_space<hbm>> -> memref<80x64xf32, #tpu.memory_space<hbm>>
      %dma_wait3A_151 = arith.constant 0 : i32
      %dma_wait3A_152 = tpu.memref_slice %arg2[%arg0, %add3A_11, %dma_wait3A_151] : memref<2x10240x64xf32, #tpu.memory_space<hbm>> -> memref<1x80x64xf32, #tpu.memory_space<hbm>>
      %dma_wait3A_153 = tpu.memref_squeeze %dma_wait3A_152 : memref<1x80x64xf32, #tpu.memory_space<hbm>> -> memref<80x64xf32, #tpu.memory_space<hbm>>
      tpu.wait_dma2 semaphore(%run_scoped3A : memref<!tpu.dma_semaphore, #tpu.memory_space<semaphore_mem>>) src(%dma_wait3A_153 : memref<80x64xf32, #tpu.memory_space<hbm>>) dst(%arg22 : memref<80x64xf32, #tpu.memory_space<vmem>>)
      tpu.yield
    }) : () -> ()
    "tpu.region"() ({
      %run_scoped3A = tpu.sem_alloc : memref<!tpu.dma_semaphore, #tpu.memory_space<semaphore_mem>>
      %dma_start3A_142 = arith.constant 0 : i32
      %dma_start3A_143 = tpu.memref_slice %arg8[%add3A_11, %dma_start3A_142] : memref<10240x64xf32, #tpu.memory_space<vmem_shared>> -> memref<80x64xf32, #tpu.memory_space<vmem_shared>>
      %dma_start3A_144 = arith.constant 0 : i32
      %dma_start3A_145 = tpu.memref_slice %arg8[%add3A_11, %dma_start3A_144] : memref<10240x64xf32, #tpu.memory_space<vmem_shared>> -> memref<80x64xf32, #tpu.memory_space<vmem_shared>>
      tpu.enqueue_dma source(%arg22 : memref<80x64xf32, #tpu.memory_space<vmem>>) target(%dma_start3A_145 : memref<80x64xf32, #tpu.memory_space<vmem_shared>>) target_semaphore(%run_scoped3A : memref<!tpu.dma_semaphore, #tpu.memory_space<semaphore_mem>>)
      %dma_wait3A_146 = arith.constant 0 : i32
      %dma_wait3A_147 = tpu.memref_slice %arg8[%add3A_11, %dma_wait3A_146] : memref<10240x64xf32, #tpu.memory_space<vmem_shared>> -> memref<80x64xf32, #tpu.memory_space<vmem_shared>>
      %dma_wait3A_148 = arith.constant 0 : i32
      %dma_wait3A_149 = tpu.memref_slice %arg8[%add3A_11, %dma_wait3A_148] : memref<10240x64xf32, #tpu.memory_space<vmem_shared>> -> memref<80x64xf32, #tpu.memory_space<vmem_shared>>
      tpu.wait_dma2 semaphore(%run_scoped3A : memref<!tpu.dma_semaphore, #tpu.memory_space<semaphore_mem>>) src(%arg22 : memref<80x64xf32, #tpu.memory_space<vmem>>) dst(%dma_wait3A_149 : memref<80x64xf32, #tpu.memory_space<vmem_shared>>)
      tpu.yield
    }) : () -> ()
    %mul3A_12 = arith.constant 640 : i32
    %mul3A_13 = arith.muli %arg1, %mul3A_12 : i32
    %add3A_14 = arith.constant 160 : i32
    %add3A_15 = arith.addi %mul3A_13, %add3A_14 : i32
    "tpu.region"() ({
      %run_scoped3A = tpu.sem_alloc : memref<!tpu.dma_semaphore, #tpu.memory_space<semaphore_mem>>
      %dma_start3A_142 = arith.constant 0 : i32
      %dma_start3A_143 = tpu.memref_slice %arg7[%add3A_15, %dma_start3A_142] : memref<10240x64xf32, #tpu.memory_space<vmem_shared>> -> memref<80x64xf32, #tpu.memory_space<vmem_shared>>
      %dma_start3A_144 = arith.constant 0 : i32
      %dma_start3A_145 = tpu.memref_slice %arg7[%add3A_15, %dma_start3A_144] : memref<10240x64xf32, #tpu.memory_space<vmem_shared>> -> memref<80x64xf32, #tpu.memory_space<vmem_shared>>
      tpu.enqueue_dma source(%arg21 : memref<80x64xf32, #tpu.memory_space<vmem>>) target(%dma_start3A_145 : memref<80x64xf32, #tpu.memory_space<vmem_shared>>) target_semaphore(%run_scoped3A : memref<!tpu.dma_semaphore, #tpu.memory_space<semaphore_mem>>)
      %dma_wait3A_146 = arith.constant 0 : i32
      %dma_wait3A_147 = tpu.memref_slice %arg7[%add3A_15, %dma_wait3A_146] : memref<10240x64xf32, #tpu.memory_space<vmem_shared>> -> memref<80x64xf32, #tpu.memory_space<vmem_shared>>
      %dma_wait3A_148 = arith.constant 0 : i32
      %dma_wait3A_149 = tpu.memref_slice %arg7[%add3A_15, %dma_wait3A_148] : memref<10240x64xf32, #tpu.memory_space<vmem_shared>> -> memref<80x64xf32, #tpu.memory_space<vmem_shared>>
      tpu.wait_dma2 semaphore(%run_scoped3A : memref<!tpu.dma_semaphore, #tpu.memory_space<semaphore_mem>>) src(%arg21 : memref<80x64xf32, #tpu.memory_space<vmem>>) dst(%dma_wait3A_149 : memref<80x64xf32, #tpu.memory_space<vmem_shared>>)
      tpu.yield
    }) : () -> ()
    "tpu.region"() ({
      %run_scoped3A = tpu.sem_alloc : memref<!tpu.dma_semaphore, #tpu.memory_space<semaphore_mem>>
      %dma_start3A_142 = arith.constant 0 : i32
      %dma_start3A_143 = tpu.memref_slice %arg2[%arg0, %add3A_15, %dma_start3A_142] : memref<2x10240x64xf32, #tpu.memory_space<hbm>> -> memref<1x80x64xf32, #tpu.memory_space<hbm>>
      %dma_start3A_144 = tpu.memref_squeeze %dma_start3A_143 : memref<1x80x64xf32, #tpu.memory_space<hbm>> -> memref<80x64xf32, #tpu.memory_space<hbm>>
      %dma_start3A_145 = arith.constant 0 : i32
      %dma_start3A_146 = tpu.memref_slice %arg2[%arg0, %add3A_15, %dma_start3A_145] : memref<2x10240x64xf32, #tpu.memory_space<hbm>> -> memref<1x80x64xf32, #tpu.memory_space<hbm>>
      %dma_start3A_147 = tpu.memref_squeeze %dma_start3A_146 : memref<1x80x64xf32, #tpu.memory_space<hbm>> -> memref<80x64xf32, #tpu.memory_space<hbm>>
      tpu.enqueue_dma source(%dma_start3A_147 : memref<80x64xf32, #tpu.memory_space<hbm>>) target(%arg22 : memref<80x64xf32, #tpu.memory_space<vmem>>) target_semaphore(%run_scoped3A : memref<!tpu.dma_semaphore, #tpu.memory_space<semaphore_mem>>)
      %dma_wait3A_148 = arith.constant 0 : i32
      %dma_wait3A_149 = tpu.memref_slice %arg2[%arg0, %add3A_15, %dma_wait3A_148] : memref<2x10240x64xf32, #tpu.memory_space<hbm>> -> memref<1x80x64xf32, #tpu.memory_space<hbm>>
      %dma_wait3A_150 = tpu.memref_squeeze %dma_wait3A_149 : memref<1x80x64xf32, #tpu.memory_space<hbm>> -> memref<80x64xf32, #tpu.memory_space<hbm>>
      %dma_wait3A_151 = arith.constant 0 : i32
      %dma_wait3A_152 = tpu.memref_slice %arg2[%arg0, %add3A_15, %dma_wait3A_151] : memref<2x10240x64xf32, #tpu.memory_space<hbm>> -> memref<1x80x64xf32, #tpu.memory_space<hbm>>
      %dma_wait3A_153 = tpu.memref_squeeze %dma_wait3A_152 : memref<1x80x64xf32, #tpu.memory_space<hbm>> -> memref<80x64xf32, #tpu.memory_space<hbm>>
      tpu.wait_dma2 semaphore(%run_scoped3A : memref<!tpu.dma_semaphore, #tpu.memory_space<semaphore_mem>>) src(%dma_wait3A_153 : memref<80x64xf32, #tpu.memory_space<hbm>>) dst(%arg22 : memref<80x64xf32, #tpu.memory_space<vmem>>)
      tpu.yield
    }) : () -> ()
    "tpu.region"() ({
      %run_scoped3A = tpu.sem_alloc : memref<!tpu.dma_semaphore, #tpu.memory_space<semaphore_mem>>
      %dma_start3A_142 = arith.constant 0 : i32
      %dma_start3A_143 = tpu.memref_slice %arg8[%add3A_15, %dma_start3A_142] : memref<10240x64xf32, #tpu.memory_space<vmem_shared>> -> memref<80x64xf32, #tpu.memory_space<vmem_shared>>
      %dma_start3A_144 = arith.constant 0 : i32
      %dma_start3A_145 = tpu.memref_slice %arg8[%add3A_15, %dma_start3A_144] : memref<10240x64xf32, #tpu.memory_space<vmem_shared>> -> memref<80x64xf32, #tpu.memory_space<vmem_shared>>
      tpu.enqueue_dma source(%arg22 : memref<80x64xf32, #tpu.memory_space<vmem>>) target(%dma_start3A_145 : memref<80x64xf32, #tpu.memory_space<vmem_shared>>) target_semaphore(%run_scoped3A : memref<!tpu.dma_semaphore, #tpu.memory_space<semaphore_mem>>)
      %dma_wait3A_146 = arith.constant 0 : i32
      %dma_wait3A_147 = tpu.memref_slice %arg8[%add3A_15, %dma_wait3A_146] : memref<10240x64xf32, #tpu.memory_space<vmem_shared>> -> memref<80x64xf32, #tpu.memory_space<vmem_shared>>
      %dma_wait3A_148 = arith.constant 0 : i32
      %dma_wait3A_149 = tpu.memref_slice %arg8[%add3A_15, %dma_wait3A_148] : memref<10240x64xf32, #tpu.memory_space<vmem_shared>> -> memref<80x64xf32, #tpu.memory_space<vmem_shared>>
      tpu.wait_dma2 semaphore(%run_scoped3A : memref<!tpu.dma_semaphore, #tpu.memory_space<semaphore_mem>>) src(%arg22 : memref<80x64xf32, #tpu.memory_space<vmem>>) dst(%dma_wait3A_149 : memref<80x64xf32, #tpu.memory_space<vmem_shared>>)
      tpu.yield
    }) : () -> ()
    %mul3A_16 = arith.constant 640 : i32
    %mul3A_17 = arith.muli %arg1, %mul3A_16 : i32
    %add3A_18 = arith.constant 240 : i32
    %add3A_19 = arith.addi %mul3A_17, %add3A_18 : i32
    "tpu.region"() ({
      %run_scoped3A = tpu.sem_alloc : memref<!tpu.dma_semaphore, #tpu.memory_space<semaphore_mem>>
      %dma_start3A_142 = arith.constant 0 : i32
      %dma_start3A_143 = tpu.memref_slice %arg7[%add3A_19, %dma_start3A_142] : memref<10240x64xf32, #tpu.memory_space<vmem_shared>> -> memref<80x64xf32, #tpu.memory_space<vmem_shared>>
      %dma_start3A_144 = arith.constant 0 : i32
      %dma_start3A_145 = tpu.memref_slice %arg7[%add3A_19, %dma_start3A_144] : memref<10240x64xf32, #tpu.memory_space<vmem_shared>> -> memref<80x64xf32, #tpu.memory_space<vmem_shared>>
      tpu.enqueue_dma source(%arg21 : memref<80x64xf32, #tpu.memory_space<vmem>>) target(%dma_start3A_145 : memref<80x64xf32, #tpu.memory_space<vmem_shared>>) target_semaphore(%run_scoped3A : memref<!tpu.dma_semaphore, #tpu.memory_space<semaphore_mem>>)
      %dma_wait3A_146 = arith.constant 0 : i32
      %dma_wait3A_147 = tpu.memref_slice %arg7[%add3A_19, %dma_wait3A_146] : memref<10240x64xf32, #tpu.memory_space<vmem_shared>> -> memref<80x64xf32, #tpu.memory_space<vmem_shared>>
      %dma_wait3A_148 = arith.constant 0 : i32
      %dma_wait3A_149 = tpu.memref_slice %arg7[%add3A_19, %dma_wait3A_148] : memref<10240x64xf32, #tpu.memory_space<vmem_shared>> -> memref<80x64xf32, #tpu.memory_space<vmem_shared>>
      tpu.wait_dma2 semaphore(%run_scoped3A : memref<!tpu.dma_semaphore, #tpu.memory_space<semaphore_mem>>) src(%arg21 : memref<80x64xf32, #tpu.memory_space<vmem>>) dst(%dma_wait3A_149 : memref<80x64xf32, #tpu.memory_space<vmem_shared>>)
      tpu.yield
    }) : () -> ()
    "tpu.region"() ({
      %run_scoped3A = tpu.sem_alloc : memref<!tpu.dma_semaphore, #tpu.memory_space<semaphore_mem>>
      %dma_start3A_142 = arith.constant 0 : i32
      %dma_start3A_143 = tpu.memref_slice %arg2[%arg0, %add3A_19, %dma_start3A_142] : memref<2x10240x64xf32, #tpu.memory_space<hbm>> -> memref<1x80x64xf32, #tpu.memory_space<hbm>>
      %dma_start3A_144 = tpu.memref_squeeze %dma_start3A_143 : memref<1x80x64xf32, #tpu.memory_space<hbm>> -> memref<80x64xf32, #tpu.memory_space<hbm>>
      %dma_start3A_145 = arith.constant 0 : i32
      %dma_start3A_146 = tpu.memref_slice %arg2[%arg0, %add3A_19, %dma_start3A_145] : memref<2x10240x64xf32, #tpu.memory_space<hbm>> -> memref<1x80x64xf32, #tpu.memory_space<hbm>>
      %dma_start3A_147 = tpu.memref_squeeze %dma_start3A_146 : memref<1x80x64xf32, #tpu.memory_space<hbm>> -> memref<80x64xf32, #tpu.memory_space<hbm>>
      tpu.enqueue_dma source(%dma_start3A_147 : memref<80x64xf32, #tpu.memory_space<hbm>>) target(%arg22 : memref<80x64xf32, #tpu.memory_space<vmem>>) target_semaphore(%run_scoped3A : memref<!tpu.dma_semaphore, #tpu.memory_space<semaphore_mem>>)
      %dma_wait3A_148 = arith.constant 0 : i32
      %dma_wait3A_149 = tpu.memref_slice %arg2[%arg0, %add3A_19, %dma_wait3A_148] : memref<2x10240x64xf32, #tpu.memory_space<hbm>> -> memref<1x80x64xf32, #tpu.memory_space<hbm>>
      %dma_wait3A_150 = tpu.memref_squeeze %dma_wait3A_149 : memref<1x80x64xf32, #tpu.memory_space<hbm>> -> memref<80x64xf32, #tpu.memory_space<hbm>>
      %dma_wait3A_151 = arith.constant 0 : i32
      %dma_wait3A_152 = tpu.memref_slice %arg2[%arg0, %add3A_19, %dma_wait3A_151] : memref<2x10240x64xf32, #tpu.memory_space<hbm>> -> memref<1x80x64xf32, #tpu.memory_space<hbm>>
      %dma_wait3A_153 = tpu.memref_squeeze %dma_wait3A_152 : memref<1x80x64xf32, #tpu.memory_space<hbm>> -> memref<80x64xf32, #tpu.memory_space<hbm>>
      tpu.wait_dma2 semaphore(%run_scoped3A : memref<!tpu.dma_semaphore, #tpu.memory_space<semaphore_mem>>) src(%dma_wait3A_153 : memref<80x64xf32, #tpu.memory_space<hbm>>) dst(%arg22 : memref<80x64xf32, #tpu.memory_space<vmem>>)
      tpu.yield
    }) : () -> ()
    "tpu.region"() ({
      %run_scoped3A = tpu.sem_alloc : memref<!tpu.dma_semaphore, #tpu.memory_space<semaphore_mem>>
      %dma_start3A_142 = arith.constant 0 : i32
      %dma_start3A_143 = tpu.memref_slice %arg8[%add3A_19, %dma_start3A_142] : memref<10240x64xf32, #tpu.memory_space<vmem_shared>> -> memref<80x64xf32, #tpu.memory_space<vmem_shared>>
      %dma_start3A_144 = arith.constant 0 : i32
      %dma_start3A_145 = tpu.memref_slice %arg8[%add3A_19, %dma_start3A_144] : memref<10240x64xf32, #tpu.memory_space<vmem_shared>> -> memref<80x64xf32, #tpu.memory_space<vmem_shared>>
      tpu.enqueue_dma source(%arg22 : memref<80x64xf32, #tpu.memory_space<vmem>>) target(%dma_start3A_145 : memref<80x64xf32, #tpu.memory_space<vmem_shared>>) target_semaphore(%run_scoped3A : memref<!tpu.dma_semaphore, #tpu.memory_space<semaphore_mem>>)
      %dma_wait3A_146 = arith.constant 0 : i32
      %dma_wait3A_147 = tpu.memref_slice %arg8[%add3A_19, %dma_wait3A_146] : memref<10240x64xf32, #tpu.memory_space<vmem_shared>> -> memref<80x64xf32, #tpu.memory_space<vmem_shared>>
      %dma_wait3A_148 = arith.constant 0 : i32
      %dma_wait3A_149 = tpu.memref_slice %arg8[%add3A_19, %dma_wait3A_148] : memref<10240x64xf32, #tpu.memory_space<vmem_shared>> -> memref<80x64xf32, #tpu.memory_space<vmem_shared>>
      tpu.wait_dma2 semaphore(%run_scoped3A : memref<!tpu.dma_semaphore, #tpu.memory_space<semaphore_mem>>) src(%arg22 : memref<80x64xf32, #tpu.memory_space<vmem>>) dst(%dma_wait3A_149 : memref<80x64xf32, #tpu.memory_space<vmem_shared>>)
      tpu.yield
    }) : () -> ()
    %mul3A_20 = arith.constant 640 : i32
    %mul3A_21 = arith.muli %arg1, %mul3A_20 : i32
    %add3A_22 = arith.constant 320 : i32
    %add3A_23 = arith.addi %mul3A_21, %add3A_22 : i32
    "tpu.region"() ({
      %run_scoped3A = tpu.sem_alloc : memref<!tpu.dma_semaphore, #tpu.memory_space<semaphore_mem>>
      %dma_start3A_142 = arith.constant 0 : i32
      %dma_start3A_143 = tpu.memref_slice %arg7[%add3A_23, %dma_start3A_142] : memref<10240x64xf32, #tpu.memory_space<vmem_shared>> -> memref<80x64xf32, #tpu.memory_space<vmem_shared>>
      %dma_start3A_144 = arith.constant 0 : i32
      %dma_start3A_145 = tpu.memref_slice %arg7[%add3A_23, %dma_start3A_144] : memref<10240x64xf32, #tpu.memory_space<vmem_shared>> -> memref<80x64xf32, #tpu.memory_space<vmem_shared>>
      tpu.enqueue_dma source(%arg21 : memref<80x64xf32, #tpu.memory_space<vmem>>) target(%dma_start3A_145 : memref<80x64xf32, #tpu.memory_space<vmem_shared>>) target_semaphore(%run_scoped3A : memref<!tpu.dma_semaphore, #tpu.memory_space<semaphore_mem>>)
      %dma_wait3A_146 = arith.constant 0 : i32
      %dma_wait3A_147 = tpu.memref_slice %arg7[%add3A_23, %dma_wait3A_146] : memref<10240x64xf32, #tpu.memory_space<vmem_shared>> -> memref<80x64xf32, #tpu.memory_space<vmem_shared>>
      %dma_wait3A_148 = arith.constant 0 : i32
      %dma_wait3A_149 = tpu.memref_slice %arg7[%add3A_23, %dma_wait3A_148] : memref<10240x64xf32, #tpu.memory_space<vmem_shared>> -> memref<80x64xf32, #tpu.memory_space<vmem_shared>>
      tpu.wait_dma2 semaphore(%run_scoped3A : memref<!tpu.dma_semaphore, #tpu.memory_space<semaphore_mem>>) src(%arg21 : memref<80x64xf32, #tpu.memory_space<vmem>>) dst(%dma_wait3A_149 : memref<80x64xf32, #tpu.memory_space<vmem_shared>>)
      tpu.yield
    }) : () -> ()
    "tpu.region"() ({
      %run_scoped3A = tpu.sem_alloc : memref<!tpu.dma_semaphore, #tpu.memory_space<semaphore_mem>>
      %dma_start3A_142 = arith.constant 0 : i32
      %dma_start3A_143 = tpu.memref_slice %arg2[%arg0, %add3A_23, %dma_start3A_142] : memref<2x10240x64xf32, #tpu.memory_space<hbm>> -> memref<1x80x64xf32, #tpu.memory_space<hbm>>
      %dma_start3A_144 = tpu.memref_squeeze %dma_start3A_143 : memref<1x80x64xf32, #tpu.memory_space<hbm>> -> memref<80x64xf32, #tpu.memory_space<hbm>>
      %dma_start3A_145 = arith.constant 0 : i32
      %dma_start3A_146 = tpu.memref_slice %arg2[%arg0, %add3A_23, %dma_start3A_145] : memref<2x10240x64xf32, #tpu.memory_space<hbm>> -> memref<1x80x64xf32, #tpu.memory_space<hbm>>
      %dma_start3A_147 = tpu.memref_squeeze %dma_start3A_146 : memref<1x80x64xf32, #tpu.memory_space<hbm>> -> memref<80x64xf32, #tpu.memory_space<hbm>>
      tpu.enqueue_dma source(%dma_start3A_147 : memref<80x64xf32, #tpu.memory_space<hbm>>) target(%arg22 : memref<80x64xf32, #tpu.memory_space<vmem>>) target_semaphore(%run_scoped3A : memref<!tpu.dma_semaphore, #tpu.memory_space<semaphore_mem>>)
      %dma_wait3A_148 = arith.constant 0 : i32
      %dma_wait3A_149 = tpu.memref_slice %arg2[%arg0, %add3A_23, %dma_wait3A_148] : memref<2x10240x64xf32, #tpu.memory_space<hbm>> -> memref<1x80x64xf32, #tpu.memory_space<hbm>>
      %dma_wait3A_150 = tpu.memref_squeeze %dma_wait3A_149 : memref<1x80x64xf32, #tpu.memory_space<hbm>> -> memref<80x64xf32, #tpu.memory_space<hbm>>
      %dma_wait3A_151 = arith.constant 0 : i32
      %dma_wait3A_152 = tpu.memref_slice %arg2[%arg0, %add3A_23, %dma_wait3A_151] : memref<2x10240x64xf32, #tpu.memory_space<hbm>> -> memref<1x80x64xf32, #tpu.memory_space<hbm>>
      %dma_wait3A_153 = tpu.memref_squeeze %dma_wait3A_152 : memref<1x80x64xf32, #tpu.memory_space<hbm>> -> memref<80x64xf32, #tpu.memory_space<hbm>>
      tpu.wait_dma2 semaphore(%run_scoped3A : memref<!tpu.dma_semaphore, #tpu.memory_space<semaphore_mem>>) src(%dma_wait3A_153 : memref<80x64xf32, #tpu.memory_space<hbm>>) dst(%arg22 : memref<80x64xf32, #tpu.memory_space<vmem>>)
      tpu.yield
    }) : () -> ()
    "tpu.region"() ({
      %run_scoped3A = tpu.sem_alloc : memref<!tpu.dma_semaphore, #tpu.memory_space<semaphore_mem>>
      %dma_start3A_142 = arith.constant 0 : i32
      %dma_start3A_143 = tpu.memref_slice %arg8[%add3A_23, %dma_start3A_142] : memref<10240x64xf32, #tpu.memory_space<vmem_shared>> -> memref<80x64xf32, #tpu.memory_space<vmem_shared>>
      %dma_start3A_144 = arith.constant 0 : i32
      %dma_start3A_145 = tpu.memref_slice %arg8[%add3A_23, %dma_start3A_144] : memref<10240x64xf32, #tpu.memory_space<vmem_shared>> -> memref<80x64xf32, #tpu.memory_space<vmem_shared>>
      tpu.enqueue_dma source(%arg22 : memref<80x64xf32, #tpu.memory_space<vmem>>) target(%dma_start3A_145 : memref<80x64xf32, #tpu.memory_space<vmem_shared>>) target_semaphore(%run_scoped3A : memref<!tpu.dma_semaphore, #tpu.memory_space<semaphore_mem>>)
      %dma_wait3A_146 = arith.constant 0 : i32
      %dma_wait3A_147 = tpu.memref_slice %arg8[%add3A_23, %dma_wait3A_146] : memref<10240x64xf32, #tpu.memory_space<vmem_shared>> -> memref<80x64xf32, #tpu.memory_space<vmem_shared>>
      %dma_wait3A_148 = arith.constant 0 : i32
      %dma_wait3A_149 = tpu.memref_slice %arg8[%add3A_23, %dma_wait3A_148] : memref<10240x64xf32, #tpu.memory_space<vmem_shared>> -> memref<80x64xf32, #tpu.memory_space<vmem_shared>>
      tpu.wait_dma2 semaphore(%run_scoped3A : memref<!tpu.dma_semaphore, #tpu.memory_space<semaphore_mem>>) src(%arg22 : memref<80x64xf32, #tpu.memory_space<vmem>>) dst(%dma_wait3A_149 : memref<80x64xf32, #tpu.memory_space<vmem_shared>>)
      tpu.yield
    }) : () -> ()
    %mul3A_24 = arith.constant 640 : i32
    %mul3A_25 = arith.muli %arg1, %mul3A_24 : i32
    %add3A_26 = arith.constant 400 : i32
    %add3A_27 = arith.addi %mul3A_25, %add3A_26 : i32
    "tpu.region"() ({
      %run_scoped3A = tpu.sem_alloc : memref<!tpu.dma_semaphore, #tpu.memory_space<semaphore_mem>>
      %dma_start3A_142 = arith.constant 0 : i32
      %dma_start3A_143 = tpu.memref_slice %arg7[%add3A_27, %dma_start3A_142] : memref<10240x64xf32, #tpu.memory_space<vmem_shared>> -> memref<80x64xf32, #tpu.memory_space<vmem_shared>>
      %dma_start3A_144 = arith.constant 0 : i32
      %dma_start3A_145 = tpu.memref_slice %arg7[%add3A_27, %dma_start3A_144] : memref<10240x64xf32, #tpu.memory_space<vmem_shared>> -> memref<80x64xf32, #tpu.memory_space<vmem_shared>>
      tpu.enqueue_dma source(%arg21 : memref<80x64xf32, #tpu.memory_space<vmem>>) target(%dma_start3A_145 : memref<80x64xf32, #tpu.memory_space<vmem_shared>>) target_semaphore(%run_scoped3A : memref<!tpu.dma_semaphore, #tpu.memory_space<semaphore_mem>>)
      %dma_wait3A_146 = arith.constant 0 : i32
      %dma_wait3A_147 = tpu.memref_slice %arg7[%add3A_27, %dma_wait3A_146] : memref<10240x64xf32, #tpu.memory_space<vmem_shared>> -> memref<80x64xf32, #tpu.memory_space<vmem_shared>>
      %dma_wait3A_148 = arith.constant 0 : i32
      %dma_wait3A_149 = tpu.memref_slice %arg7[%add3A_27, %dma_wait3A_148] : memref<10240x64xf32, #tpu.memory_space<vmem_shared>> -> memref<80x64xf32, #tpu.memory_space<vmem_shared>>
      tpu.wait_dma2 semaphore(%run_scoped3A : memref<!tpu.dma_semaphore, #tpu.memory_space<semaphore_mem>>) src(%arg21 : memref<80x64xf32, #tpu.memory_space<vmem>>) dst(%dma_wait3A_149 : memref<80x64xf32, #tpu.memory_space<vmem_shared>>)
      tpu.yield
    }) : () -> ()
    "tpu.region"() ({
      %run_scoped3A = tpu.sem_alloc : memref<!tpu.dma_semaphore, #tpu.memory_space<semaphore_mem>>
      %dma_start3A_142 = arith.constant 0 : i32
      %dma_start3A_143 = tpu.memref_slice %arg2[%arg0, %add3A_27, %dma_start3A_142] : memref<2x10240x64xf32, #tpu.memory_space<hbm>> -> memref<1x80x64xf32, #tpu.memory_space<hbm>>
      %dma_start3A_144 = tpu.memref_squeeze %dma_start3A_143 : memref<1x80x64xf32, #tpu.memory_space<hbm>> -> memref<80x64xf32, #tpu.memory_space<hbm>>
      %dma_start3A_145 = arith.constant 0 : i32
      %dma_start3A_146 = tpu.memref_slice %arg2[%arg0, %add3A_27, %dma_start3A_145] : memref<2x10240x64xf32, #tpu.memory_space<hbm>> -> memref<1x80x64xf32, #tpu.memory_space<hbm>>
      %dma_start3A_147 = tpu.memref_squeeze %dma_start3A_146 : memref<1x80x64xf32, #tpu.memory_space<hbm>> -> memref<80x64xf32, #tpu.memory_space<hbm>>
      tpu.enqueue_dma source(%dma_start3A_147 : memref<80x64xf32, #tpu.memory_space<hbm>>) target(%arg22 : memref<80x64xf32, #tpu.memory_space<vmem>>) target_semaphore(%run_scoped3A : memref<!tpu.dma_semaphore, #tpu.memory_space<semaphore_mem>>)
      %dma_wait3A_148 = arith.constant 0 : i32
      %dma_wait3A_149 = tpu.memref_slice %arg2[%arg0, %add3A_27, %dma_wait3A_148] : memref<2x10240x64xf32, #tpu.memory_space<hbm>> -> memref<1x80x64xf32, #tpu.memory_space<hbm>>
      %dma_wait3A_150 = tpu.memref_squeeze %dma_wait3A_149 : memref<1x80x64xf32, #tpu.memory_space<hbm>> -> memref<80x64xf32, #tpu.memory_space<hbm>>
      %dma_wait3A_151 = arith.constant 0 : i32
      %dma_wait3A_152 = tpu.memref_slice %arg2[%arg0, %add3A_27, %dma_wait3A_151] : memref<2x10240x64xf32, #tpu.memory_space<hbm>> -> memref<1x80x64xf32, #tpu.memory_space<hbm>>
      %dma_wait3A_153 = tpu.memref_squeeze %dma_wait3A_152 : memref<1x80x64xf32, #tpu.memory_space<hbm>> -> memref<80x64xf32, #tpu.memory_space<hbm>>
      tpu.wait_dma2 semaphore(%run_scoped3A : memref<!tpu.dma_semaphore, #tpu.memory_space<semaphore_mem>>) src(%dma_wait3A_153 : memref<80x64xf32, #tpu.memory_space<hbm>>) dst(%arg22 : memref<80x64xf32, #tpu.memory_space<vmem>>)
      tpu.yield
    }) : () -> ()
    "tpu.region"() ({
      %run_scoped3A = tpu.sem_alloc : memref<!tpu.dma_semaphore, #tpu.memory_space<semaphore_mem>>
      %dma_start3A_142 = arith.constant 0 : i32
      %dma_start3A_143 = tpu.memref_slice %arg8[%add3A_27, %dma_start3A_142] : memref<10240x64xf32, #tpu.memory_space<vmem_shared>> -> memref<80x64xf32, #tpu.memory_space<vmem_shared>>
      %dma_start3A_144 = arith.constant 0 : i32
      %dma_start3A_145 = tpu.memref_slice %arg8[%add3A_27, %dma_start3A_144] : memref<10240x64xf32, #tpu.memory_space<vmem_shared>> -> memref<80x64xf32, #tpu.memory_space<vmem_shared>>
      tpu.enqueue_dma source(%arg22 : memref<80x64xf32, #tpu.memory_space<vmem>>) target(%dma_start3A_145 : memref<80x64xf32, #tpu.memory_space<vmem_shared>>) target_semaphore(%run_scoped3A : memref<!tpu.dma_semaphore, #tpu.memory_space<semaphore_mem>>)
      %dma_wait3A_146 = arith.constant 0 : i32
      %dma_wait3A_147 = tpu.memref_slice %arg8[%add3A_27, %dma_wait3A_146] : memref<10240x64xf32, #tpu.memory_space<vmem_shared>> -> memref<80x64xf32, #tpu.memory_space<vmem_shared>>
      %dma_wait3A_148 = arith.constant 0 : i32
      %dma_wait3A_149 = tpu.memref_slice %arg8[%add3A_27, %dma_wait3A_148] : memref<10240x64xf32, #tpu.memory_space<vmem_shared>> -> memref<80x64xf32, #tpu.memory_space<vmem_shared>>
      tpu.wait_dma2 semaphore(%run_scoped3A : memref<!tpu.dma_semaphore, #tpu.memory_space<semaphore_mem>>) src(%arg22 : memref<80x64xf32, #tpu.memory_space<vmem>>) dst(%dma_wait3A_149 : memref<80x64xf32, #tpu.memory_space<vmem_shared>>)
      tpu.yield
    }) : () -> ()
    %mul3A_28 = arith.constant 640 : i32
    %mul3A_29 = arith.muli %arg1, %mul3A_28 : i32
    %add3A_30 = arith.constant 480 : i32
    %add3A_31 = arith.addi %mul3A_29, %add3A_30 : i32
    "tpu.region"() ({
      %run_scoped3A = tpu.sem_alloc : memref<!tpu.dma_semaphore, #tpu.memory_space<semaphore_mem>>
      %dma_start3A_142 = arith.constant 0 : i32
      %dma_start3A_143 = tpu.memref_slice %arg7[%add3A_31, %dma_start3A_142] : memref<10240x64xf32, #tpu.memory_space<vmem_shared>> -> memref<80x64xf32, #tpu.memory_space<vmem_shared>>
      %dma_start3A_144 = arith.constant 0 : i32
      %dma_start3A_145 = tpu.memref_slice %arg7[%add3A_31, %dma_start3A_144] : memref<10240x64xf32, #tpu.memory_space<vmem_shared>> -> memref<80x64xf32, #tpu.memory_space<vmem_shared>>
      tpu.enqueue_dma source(%arg21 : memref<80x64xf32, #tpu.memory_space<vmem>>) target(%dma_start3A_145 : memref<80x64xf32, #tpu.memory_space<vmem_shared>>) target_semaphore(%run_scoped3A : memref<!tpu.dma_semaphore, #tpu.memory_space<semaphore_mem>>)
      %dma_wait3A_146 = arith.constant 0 : i32
      %dma_wait3A_147 = tpu.memref_slice %arg7[%add3A_31, %dma_wait3A_146] : memref<10240x64xf32, #tpu.memory_space<vmem_shared>> -> memref<80x64xf32, #tpu.memory_space<vmem_shared>>
      %dma_wait3A_148 = arith.constant 0 : i32
      %dma_wait3A_149 = tpu.memref_slice %arg7[%add3A_31, %dma_wait3A_148] : memref<10240x64xf32, #tpu.memory_space<vmem_shared>> -> memref<80x64xf32, #tpu.memory_space<vmem_shared>>
      tpu.wait_dma2 semaphore(%run_scoped3A : memref<!tpu.dma_semaphore, #tpu.memory_space<semaphore_mem>>) src(%arg21 : memref<80x64xf32, #tpu.memory_space<vmem>>) dst(%dma_wait3A_149 : memref<80x64xf32, #tpu.memory_space<vmem_shared>>)
      tpu.yield
    }) : () -> ()
    "tpu.region"() ({
      %run_scoped3A = tpu.sem_alloc : memref<!tpu.dma_semaphore, #tpu.memory_space<semaphore_mem>>
      %dma_start3A_142 = arith.constant 0 : i32
      %dma_start3A_143 = tpu.memref_slice %arg2[%arg0, %add3A_31, %dma_start3A_142] : memref<2x10240x64xf32, #tpu.memory_space<hbm>> -> memref<1x80x64xf32, #tpu.memory_space<hbm>>
      %dma_start3A_144 = tpu.memref_squeeze %dma_start3A_143 : memref<1x80x64xf32, #tpu.memory_space<hbm>> -> memref<80x64xf32, #tpu.memory_space<hbm>>
      %dma_start3A_145 = arith.constant 0 : i32
      %dma_start3A_146 = tpu.memref_slice %arg2[%arg0, %add3A_31, %dma_start3A_145] : memref<2x10240x64xf32, #tpu.memory_space<hbm>> -> memref<1x80x64xf32, #tpu.memory_space<hbm>>
      %dma_start3A_147 = tpu.memref_squeeze %dma_start3A_146 : memref<1x80x64xf32, #tpu.memory_space<hbm>> -> memref<80x64xf32, #tpu.memory_space<hbm>>
      tpu.enqueue_dma source(%dma_start3A_147 : memref<80x64xf32, #tpu.memory_space<hbm>>) target(%arg22 : memref<80x64xf32, #tpu.memory_space<vmem>>) target_semaphore(%run_scoped3A : memref<!tpu.dma_semaphore, #tpu.memory_space<semaphore_mem>>)
      %dma_wait3A_148 = arith.constant 0 : i32
      %dma_wait3A_149 = tpu.memref_slice %arg2[%arg0, %add3A_31, %dma_wait3A_148] : memref<2x10240x64xf32, #tpu.memory_space<hbm>> -> memref<1x80x64xf32, #tpu.memory_space<hbm>>
      %dma_wait3A_150 = tpu.memref_squeeze %dma_wait3A_149 : memref<1x80x64xf32, #tpu.memory_space<hbm>> -> memref<80x64xf32, #tpu.memory_space<hbm>>
      %dma_wait3A_151 = arith.constant 0 : i32
      %dma_wait3A_152 = tpu.memref_slice %arg2[%arg0, %add3A_31, %dma_wait3A_151] : memref<2x10240x64xf32, #tpu.memory_space<hbm>> -> memref<1x80x64xf32, #tpu.memory_space<hbm>>
      %dma_wait3A_153 = tpu.memref_squeeze %dma_wait3A_152 : memref<1x80x64xf32, #tpu.memory_space<hbm>> -> memref<80x64xf32, #tpu.memory_space<hbm>>
      tpu.wait_dma2 semaphore(%run_scoped3A : memref<!tpu.dma_semaphore, #tpu.memory_space<semaphore_mem>>) src(%dma_wait3A_153 : memref<80x64xf32, #tpu.memory_space<hbm>>) dst(%arg22 : memref<80x64xf32, #tpu.memory_space<vmem>>)
      tpu.yield
    }) : () -> ()
    "tpu.region"() ({
      %run_scoped3A = tpu.sem_alloc : memref<!tpu.dma_semaphore, #tpu.memory_space<semaphore_mem>>
      %dma_start3A_142 = arith.constant 0 : i32
      %dma_start3A_143 = tpu.memref_slice %arg8[%add3A_31, %dma_start3A_142] : memref<10240x64xf32, #tpu.memory_space<vmem_shared>> -> memref<80x64xf32, #tpu.memory_space<vmem_shared>>
      %dma_start3A_144 = arith.constant 0 : i32
      %dma_start3A_145 = tpu.memref_slice %arg8[%add3A_31, %dma_start3A_144] : memref<10240x64xf32, #tpu.memory_space<vmem_shared>> -> memref<80x64xf32, #tpu.memory_space<vmem_shared>>
      tpu.enqueue_dma source(%arg22 : memref<80x64xf32, #tpu.memory_space<vmem>>) target(%dma_start3A_145 : memref<80x64xf32, #tpu.memory_space<vmem_shared>>) target_semaphore(%run_scoped3A : memref<!tpu.dma_semaphore, #tpu.memory_space<semaphore_mem>>)
      %dma_wait3A_146 = arith.constant 0 : i32
      %dma_wait3A_147 = tpu.memref_slice %arg8[%add3A_31, %dma_wait3A_146] : memref<10240x64xf32, #tpu.memory_space<vmem_shared>> -> memref<80x64xf32, #tpu.memory_space<vmem_shared>>
      %dma_wait3A_148 = arith.constant 0 : i32
      %dma_wait3A_149 = tpu.memref_slice %arg8[%add3A_31, %dma_wait3A_148] : memref<10240x64xf32, #tpu.memory_space<vmem_shared>> -> memref<80x64xf32, #tpu.memory_space<vmem_shared>>
      tpu.wait_dma2 semaphore(%run_scoped3A : memref<!tpu.dma_semaphore, #tpu.memory_space<semaphore_mem>>) src(%arg22 : memref<80x64xf32, #tpu.memory_space<vmem>>) dst(%dma_wait3A_149 : memref<80x64xf32, #tpu.memory_space<vmem_shared>>)
      tpu.yield
    }) : () -> ()
    %mul3A_32 = arith.constant 640 : i32
    %mul3A_33 = arith.muli %arg1, %mul3A_32 : i32
    %add3A_34 = arith.constant 560 : i32
    %add3A_35 = arith.addi %mul3A_33, %add3A_34 : i32
    "tpu.region"() ({
      %run_scoped3A = tpu.sem_alloc : memref<!tpu.dma_semaphore, #tpu.memory_space<semaphore_mem>>
      %dma_start3A_142 = arith.constant 0 : i32
      %dma_start3A_143 = tpu.memref_slice %arg7[%add3A_35, %dma_start3A_142] : memref<10240x64xf32, #tpu.memory_space<vmem_shared>> -> memref<80x64xf32, #tpu.memory_space<vmem_shared>>
      %dma_start3A_144 = arith.constant 0 : i32
      %dma_start3A_145 = tpu.memref_slice %arg7[%add3A_35, %dma_start3A_144] : memref<10240x64xf32, #tpu.memory_space<vmem_shared>> -> memref<80x64xf32, #tpu.memory_space<vmem_shared>>
      tpu.enqueue_dma source(%arg21 : memref<80x64xf32, #tpu.memory_space<vmem>>) target(%dma_start3A_145 : memref<80x64xf32, #tpu.memory_space<vmem_shared>>) target_semaphore(%run_scoped3A : memref<!tpu.dma_semaphore, #tpu.memory_space<semaphore_mem>>)
      %dma_wait3A_146 = arith.constant 0 : i32
      %dma_wait3A_147 = tpu.memref_slice %arg7[%add3A_35, %dma_wait3A_146] : memref<10240x64xf32, #tpu.memory_space<vmem_shared>> -> memref<80x64xf32, #tpu.memory_space<vmem_shared>>
      %dma_wait3A_148 = arith.constant 0 : i32
      %dma_wait3A_149 = tpu.memref_slice %arg7[%add3A_35, %dma_wait3A_148] : memref<10240x64xf32, #tpu.memory_space<vmem_shared>> -> memref<80x64xf32, #tpu.memory_space<vmem_shared>>
      tpu.wait_dma2 semaphore(%run_scoped3A : memref<!tpu.dma_semaphore, #tpu.memory_space<semaphore_mem>>) src(%arg21 : memref<80x64xf32, #tpu.memory_space<vmem>>) dst(%dma_wait3A_149 : memref<80x64xf32, #tpu.memory_space<vmem_shared>>)
      tpu.yield
    }) : () -> ()
    "tpu.region"() ({
      %run_scoped3A = tpu.sem_alloc : memref<!tpu.dma_semaphore, #tpu.memory_space<semaphore_mem>>
      %dma_start3A_142 = arith.constant 0 : i32
      %dma_start3A_143 = tpu.memref_slice %arg2[%arg0, %add3A_35, %dma_start3A_142] : memref<2x10240x64xf32, #tpu.memory_space<hbm>> -> memref<1x80x64xf32, #tpu.memory_space<hbm>>
      %dma_start3A_144 = tpu.memref_squeeze %dma_start3A_143 : memref<1x80x64xf32, #tpu.memory_space<hbm>> -> memref<80x64xf32, #tpu.memory_space<hbm>>
      %dma_start3A_145 = arith.constant 0 : i32
      %dma_start3A_146 = tpu.memref_slice %arg2[%arg0, %add3A_35, %dma_start3A_145] : memref<2x10240x64xf32, #tpu.memory_space<hbm>> -> memref<1x80x64xf32, #tpu.memory_space<hbm>>
      %dma_start3A_147 = tpu.memref_squeeze %dma_start3A_146 : memref<1x80x64xf32, #tpu.memory_space<hbm>> -> memref<80x64xf32, #tpu.memory_space<hbm>>
      tpu.enqueue_dma source(%dma_start3A_147 : memref<80x64xf32, #tpu.memory_space<hbm>>) target(%arg22 : memref<80x64xf32, #tpu.memory_space<vmem>>) target_semaphore(%run_scoped3A : memref<!tpu.dma_semaphore, #tpu.memory_space<semaphore_mem>>)
      %dma_wait3A_148 = arith.constant 0 : i32
      %dma_wait3A_149 = tpu.memref_slice %arg2[%arg0, %add3A_35, %dma_wait3A_148] : memref<2x10240x64xf32, #tpu.memory_space<hbm>> -> memref<1x80x64xf32, #tpu.memory_space<hbm>>
      %dma_wait3A_150 = tpu.memref_squeeze %dma_wait3A_149 : memref<1x80x64xf32, #tpu.memory_space<hbm>> -> memref<80x64xf32, #tpu.memory_space<hbm>>
      %dma_wait3A_151 = arith.constant 0 : i32
      %dma_wait3A_152 = tpu.memref_slice %arg2[%arg0, %add3A_35, %dma_wait3A_151] : memref<2x10240x64xf32, #tpu.memory_space<hbm>> -> memref<1x80x64xf32, #tpu.memory_space<hbm>>
      %dma_wait3A_153 = tpu.memref_squeeze %dma_wait3A_152 : memref<1x80x64xf32, #tpu.memory_space<hbm>> -> memref<80x64xf32, #tpu.memory_space<hbm>>
      tpu.wait_dma2 semaphore(%run_scoped3A : memref<!tpu.dma_semaphore, #tpu.memory_space<semaphore_mem>>) src(%dma_wait3A_153 : memref<80x64xf32, #tpu.memory_space<hbm>>) dst(%arg22 : memref<80x64xf32, #tpu.memory_space<vmem>>)
      tpu.yield
    }) : () -> ()
    "tpu.region"() ({
      %run_scoped3A = tpu.sem_alloc : memref<!tpu.dma_semaphore, #tpu.memory_space<semaphore_mem>>
      %dma_start3A_142 = arith.constant 0 : i32
      %dma_start3A_143 = tpu.memref_slice %arg8[%add3A_35, %dma_start3A_142] : memref<10240x64xf32, #tpu.memory_space<vmem_shared>> -> memref<80x64xf32, #tpu.memory_space<vmem_shared>>
      %dma_start3A_144 = arith.constant 0 : i32
      %dma_start3A_145 = tpu.memref_slice %arg8[%add3A_35, %dma_start3A_144] : memref<10240x64xf32, #tpu.memory_space<vmem_shared>> -> memref<80x64xf32, #tpu.memory_space<vmem_shared>>
      tpu.enqueue_dma source(%arg22 : memref<80x64xf32, #tpu.memory_space<vmem>>) target(%dma_start3A_145 : memref<80x64xf32, #tpu.memory_space<vmem_shared>>) target_semaphore(%run_scoped3A : memref<!tpu.dma_semaphore, #tpu.memory_space<semaphore_mem>>)
      %dma_wait3A_146 = arith.constant 0 : i32
      %dma_wait3A_147 = tpu.memref_slice %arg8[%add3A_35, %dma_wait3A_146] : memref<10240x64xf32, #tpu.memory_space<vmem_shared>> -> memref<80x64xf32, #tpu.memory_space<vmem_shared>>
      %dma_wait3A_148 = arith.constant 0 : i32
      %dma_wait3A_149 = tpu.memref_slice %arg8[%add3A_35, %dma_wait3A_148] : memref<10240x64xf32, #tpu.memory_space<vmem_shared>> -> memref<80x64xf32, #tpu.memory_space<vmem_shared>>
      tpu.wait_dma2 semaphore(%run_scoped3A : memref<!tpu.dma_semaphore, #tpu.memory_space<semaphore_mem>>) src(%arg22 : memref<80x64xf32, #tpu.memory_space<vmem>>) dst(%dma_wait3A_149 : memref<80x64xf32, #tpu.memory_space<vmem_shared>>)
      tpu.yield
    }) : () -> ()
    %barrier3A = arith.constant 0 : index
    tpu.barrier barrier_id(%barrier3A)
    %mul3A_36 = arith.constant 20160 : i32
    %mul3A_37 = arith.muli %arg1, %mul3A_36 : i32
    %add3A_38 = arith.constant 0 : i32
    %add3A_39 = arith.addi %mul3A_37, %add3A_38 : i32
    %dma_start3A = tpu.memref_slice %arg3[%add3A_39] : memref<322560xi32, #tpu.memory_space<hbm>> -> memref<80xi32, #tpu.memory_space<hbm>>
    %dma_start3A_40 = tpu.memref_slice %arg3[%add3A_39] : memref<322560xi32, #tpu.memory_space<hbm>> -> memref<80xi32, #tpu.memory_space<hbm>>
    tpu.enqueue_dma source(%dma_start3A_40 : memref<80xi32, #tpu.memory_space<hbm>>) target(%arg9 : memref<80xi32, #tpu.memory_space<vmem>>) target_semaphore(%arg25 : memref<!tpu.dma_semaphore, #tpu.memory_space<semaphore_mem>>)
    %dma_start3A_41 = tpu.memref_slice %arg4[%add3A_39] : memref<322560xi32, #tpu.memory_space<hbm>> -> memref<80xi32, #tpu.memory_space<hbm>>
    %dma_start3A_42 = tpu.memref_slice %arg4[%add3A_39] : memref<322560xi32, #tpu.memory_space<hbm>> -> memref<80xi32, #tpu.memory_space<hbm>>
    tpu.enqueue_dma source(%dma_start3A_42 : memref<80xi32, #tpu.memory_space<hbm>>) target(%arg13 : memref<80xi32, #tpu.memory_space<vmem>>) target_semaphore(%arg25 : memref<!tpu.dma_semaphore, #tpu.memory_space<semaphore_mem>>)
    %dma_start3A_43 = arith.constant 0 : i32
    %dma_start3A_44 = tpu.memref_slice %arg5[%add3A_39, %dma_start3A_43] : memref<322560x16xf32, #tpu.memory_space<hbm>> -> memref<80x16xf32, #tpu.memory_space<hbm>>
    %dma_start3A_45 = arith.constant 0 : i32
    %dma_start3A_46 = tpu.memref_slice %arg5[%add3A_39, %dma_start3A_45] : memref<322560x16xf32, #tpu.memory_space<hbm>> -> memref<80x16xf32, #tpu.memory_space<hbm>>
    tpu.enqueue_dma source(%dma_start3A_46 : memref<80x16xf32, #tpu.memory_space<hbm>>) target(%arg17 : memref<80x16xf32, #tpu.memory_space<vmem>>) target_semaphore(%arg25 : memref<!tpu.dma_semaphore, #tpu.memory_space<semaphore_mem>>)
    %add3A_47 = arith.constant 80 : i32
    %add3A_48 = arith.addi %mul3A_37, %add3A_47 : i32
    %dma_start3A_49 = tpu.memref_slice %arg3[%add3A_48] : memref<322560xi32, #tpu.memory_space<hbm>> -> memref<80xi32, #tpu.memory_space<hbm>>
    %dma_start3A_50 = tpu.memref_slice %arg3[%add3A_48] : memref<322560xi32, #tpu.memory_space<hbm>> -> memref<80xi32, #tpu.memory_space<hbm>>
    tpu.enqueue_dma source(%dma_start3A_50 : memref<80xi32, #tpu.memory_space<hbm>>) target(%arg10 : memref<80xi32, #tpu.memory_space<vmem>>) target_semaphore(%arg26 : memref<!tpu.dma_semaphore, #tpu.memory_space<semaphore_mem>>)
    %dma_start3A_51 = tpu.memref_slice %arg4[%add3A_48] : memref<322560xi32, #tpu.memory_space<hbm>> -> memref<80xi32, #tpu.memory_space<hbm>>
    %dma_start3A_52 = tpu.memref_slice %arg4[%add3A_48] : memref<322560xi32, #tpu.memory_space<hbm>> -> memref<80xi32, #tpu.memory_space<hbm>>
    tpu.enqueue_dma source(%dma_start3A_52 : memref<80xi32, #tpu.memory_space<hbm>>) target(%arg14 : memref<80xi32, #tpu.memory_space<vmem>>) target_semaphore(%arg26 : memref<!tpu.dma_semaphore, #tpu.memory_space<semaphore_mem>>)
    %dma_start3A_53 = arith.constant 0 : i32
    %dma_start3A_54 = tpu.memref_slice %arg5[%add3A_48, %dma_start3A_53] : memref<322560x16xf32, #tpu.memory_space<hbm>> -> memref<80x16xf32, #tpu.memory_space<hbm>>
    %dma_start3A_55 = arith.constant 0 : i32
    %dma_start3A_56 = tpu.memref_slice %arg5[%add3A_48, %dma_start3A_55] : memref<322560x16xf32, #tpu.memory_space<hbm>> -> memref<80x16xf32, #tpu.memory_space<hbm>>
    tpu.enqueue_dma source(%dma_start3A_56 : memref<80x16xf32, #tpu.memory_space<hbm>>) target(%arg18 : memref<80x16xf32, #tpu.memory_space<vmem>>) target_semaphore(%arg26 : memref<!tpu.dma_semaphore, #tpu.memory_space<semaphore_mem>>)
    %add3A_57 = arith.constant 160 : i32
    %add3A_58 = arith.addi %mul3A_37, %add3A_57 : i32
    %dma_start3A_59 = tpu.memref_slice %arg3[%add3A_58] : memref<322560xi32, #tpu.memory_space<hbm>> -> memref<80xi32, #tpu.memory_space<hbm>>
    %dma_start3A_60 = tpu.memref_slice %arg3[%add3A_58] : memref<322560xi32, #tpu.memory_space<hbm>> -> memref<80xi32, #tpu.memory_space<hbm>>
    tpu.enqueue_dma source(%dma_start3A_60 : memref<80xi32, #tpu.memory_space<hbm>>) target(%arg11 : memref<80xi32, #tpu.memory_space<vmem>>) target_semaphore(%arg27 : memref<!tpu.dma_semaphore, #tpu.memory_space<semaphore_mem>>)
    %dma_start3A_61 = tpu.memref_slice %arg4[%add3A_58] : memref<322560xi32, #tpu.memory_space<hbm>> -> memref<80xi32, #tpu.memory_space<hbm>>
    %dma_start3A_62 = tpu.memref_slice %arg4[%add3A_58] : memref<322560xi32, #tpu.memory_space<hbm>> -> memref<80xi32, #tpu.memory_space<hbm>>
    tpu.enqueue_dma source(%dma_start3A_62 : memref<80xi32, #tpu.memory_space<hbm>>) target(%arg15 : memref<80xi32, #tpu.memory_space<vmem>>) target_semaphore(%arg27 : memref<!tpu.dma_semaphore, #tpu.memory_space<semaphore_mem>>)
    %dma_start3A_63 = arith.constant 0 : i32
    %dma_start3A_64 = tpu.memref_slice %arg5[%add3A_58, %dma_start3A_63] : memref<322560x16xf32, #tpu.memory_space<hbm>> -> memref<80x16xf32, #tpu.memory_space<hbm>>
    %dma_start3A_65 = arith.constant 0 : i32
    %dma_start3A_66 = tpu.memref_slice %arg5[%add3A_58, %dma_start3A_65] : memref<322560x16xf32, #tpu.memory_space<hbm>> -> memref<80x16xf32, #tpu.memory_space<hbm>>
    tpu.enqueue_dma source(%dma_start3A_66 : memref<80x16xf32, #tpu.memory_space<hbm>>) target(%arg19 : memref<80x16xf32, #tpu.memory_space<vmem>>) target_semaphore(%arg27 : memref<!tpu.dma_semaphore, #tpu.memory_space<semaphore_mem>>)
    %add3A_67 = arith.constant 240 : i32
    %add3A_68 = arith.addi %mul3A_37, %add3A_67 : i32
    %dma_start3A_69 = tpu.memref_slice %arg3[%add3A_68] : memref<322560xi32, #tpu.memory_space<hbm>> -> memref<80xi32, #tpu.memory_space<hbm>>
    %dma_start3A_70 = tpu.memref_slice %arg3[%add3A_68] : memref<322560xi32, #tpu.memory_space<hbm>> -> memref<80xi32, #tpu.memory_space<hbm>>
    tpu.enqueue_dma source(%dma_start3A_70 : memref<80xi32, #tpu.memory_space<hbm>>) target(%arg12 : memref<80xi32, #tpu.memory_space<vmem>>) target_semaphore(%arg28 : memref<!tpu.dma_semaphore, #tpu.memory_space<semaphore_mem>>)
    %dma_start3A_71 = tpu.memref_slice %arg4[%add3A_68] : memref<322560xi32, #tpu.memory_space<hbm>> -> memref<80xi32, #tpu.memory_space<hbm>>
    %dma_start3A_72 = tpu.memref_slice %arg4[%add3A_68] : memref<322560xi32, #tpu.memory_space<hbm>> -> memref<80xi32, #tpu.memory_space<hbm>>
    tpu.enqueue_dma source(%dma_start3A_72 : memref<80xi32, #tpu.memory_space<hbm>>) target(%arg16 : memref<80xi32, #tpu.memory_space<vmem>>) target_semaphore(%arg28 : memref<!tpu.dma_semaphore, #tpu.memory_space<semaphore_mem>>)
    %dma_start3A_73 = arith.constant 0 : i32
    %dma_start3A_74 = tpu.memref_slice %arg5[%add3A_68, %dma_start3A_73] : memref<322560x16xf32, #tpu.memory_space<hbm>> -> memref<80x16xf32, #tpu.memory_space<hbm>>
    %dma_start3A_75 = arith.constant 0 : i32
    %dma_start3A_76 = tpu.memref_slice %arg5[%add3A_68, %dma_start3A_75] : memref<322560x16xf32, #tpu.memory_space<hbm>> -> memref<80x16xf32, #tpu.memory_space<hbm>>
    tpu.enqueue_dma source(%dma_start3A_76 : memref<80x16xf32, #tpu.memory_space<hbm>>) target(%arg20 : memref<80x16xf32, #tpu.memory_space<vmem>>) target_semaphore(%arg28 : memref<!tpu.dma_semaphore, #tpu.memory_space<semaphore_mem>>)
    %add3A_77 = arith.constant 0 : i32
    %add3A_78 = arith.addi %mul3A_37, %add3A_77 : i32
    %dma_wait3A = tpu.memref_slice %arg3[%add3A_78] : memref<322560xi32, #tpu.memory_space<hbm>> -> memref<80xi32, #tpu.memory_space<hbm>>
    %dma_wait3A_79 = tpu.memref_slice %arg3[%add3A_78] : memref<322560xi32, #tpu.memory_space<hbm>> -> memref<80xi32, #tpu.memory_space<hbm>>
    tpu.wait_dma2 semaphore(%arg25 : memref<!tpu.dma_semaphore, #tpu.memory_space<semaphore_mem>>) src(%dma_wait3A_79 : memref<80xi32, #tpu.memory_space<hbm>>) dst(%arg9 : memref<80xi32, #tpu.memory_space<vmem>>)
    %dma_wait3A_80 = tpu.memref_slice %arg4[%add3A_78] : memref<322560xi32, #tpu.memory_space<hbm>> -> memref<80xi32, #tpu.memory_space<hbm>>
    %dma_wait3A_81 = tpu.memref_slice %arg4[%add3A_78] : memref<322560xi32, #tpu.memory_space<hbm>> -> memref<80xi32, #tpu.memory_space<hbm>>
    tpu.wait_dma2 semaphore(%arg25 : memref<!tpu.dma_semaphore, #tpu.memory_space<semaphore_mem>>) src(%dma_wait3A_81 : memref<80xi32, #tpu.memory_space<hbm>>) dst(%arg13 : memref<80xi32, #tpu.memory_space<vmem>>)
    %dma_wait3A_82 = arith.constant 0 : i32
    %dma_wait3A_83 = tpu.memref_slice %arg5[%add3A_78, %dma_wait3A_82] : memref<322560x16xf32, #tpu.memory_space<hbm>> -> memref<80x16xf32, #tpu.memory_space<hbm>>
    %dma_wait3A_84 = arith.constant 0 : i32
    %dma_wait3A_85 = tpu.memref_slice %arg5[%add3A_78, %dma_wait3A_84] : memref<322560x16xf32, #tpu.memory_space<hbm>> -> memref<80x16xf32, #tpu.memory_space<hbm>>
    tpu.wait_dma2 semaphore(%arg25 : memref<!tpu.dma_semaphore, #tpu.memory_space<semaphore_mem>>) src(%dma_wait3A_85 : memref<80x16xf32, #tpu.memory_space<hbm>>) dst(%arg17 : memref<80x16xf32, #tpu.memory_space<vmem>>)
    %dma_start3A_86 = arith.constant 0 : i32
    %dma_start3A_87 = arith.constant 0 : i32
    %dma_start3A_88 = tpu.memref_slice %arg8[%dma_start3A_86, %dma_start3A_87] : memref<10240x64xf32, #tpu.memory_space<vmem_shared>> -> memref<10240x64xf32, #tpu.memory_space<vmem_shared>>
    tpu.enqueue_indirect_dma source(%dma_start3A_88 : memref<10240x64xf32, #tpu.memory_space<vmem_shared>>) target(%arg21 : memref<80x64xf32, #tpu.memory_space<vmem>>) offsets(%arg9 : memref<80xi32, #tpu.memory_space<vmem>>) semaphore(%arg29 : memref<!tpu.dma_semaphore, #tpu.memory_space<semaphore_mem>>)
    %add3A_89 = arith.constant 80 : i32
    %add3A_90 = arith.addi %mul3A_37, %add3A_89 : i32
    %dma_wait3A_91 = tpu.memref_slice %arg3[%add3A_90] : memref<322560xi32, #tpu.memory_space<hbm>> -> memref<80xi32, #tpu.memory_space<hbm>>
    %dma_wait3A_92 = tpu.memref_slice %arg3[%add3A_90] : memref<322560xi32, #tpu.memory_space<hbm>> -> memref<80xi32, #tpu.memory_space<hbm>>
    tpu.wait_dma2 semaphore(%arg26 : memref<!tpu.dma_semaphore, #tpu.memory_space<semaphore_mem>>) src(%dma_wait3A_92 : memref<80xi32, #tpu.memory_space<hbm>>) dst(%arg10 : memref<80xi32, #tpu.memory_space<vmem>>)
    %dma_wait3A_93 = tpu.memref_slice %arg4[%add3A_90] : memref<322560xi32, #tpu.memory_space<hbm>> -> memref<80xi32, #tpu.memory_space<hbm>>
    %dma_wait3A_94 = tpu.memref_slice %arg4[%add3A_90] : memref<322560xi32, #tpu.memory_space<hbm>> -> memref<80xi32, #tpu.memory_space<hbm>>
    tpu.wait_dma2 semaphore(%arg26 : memref<!tpu.dma_semaphore, #tpu.memory_space<semaphore_mem>>) src(%dma_wait3A_94 : memref<80xi32, #tpu.memory_space<hbm>>) dst(%arg14 : memref<80xi32, #tpu.memory_space<vmem>>)
    %dma_wait3A_95 = arith.constant 0 : i32
    %dma_wait3A_96 = tpu.memref_slice %arg5[%add3A_90, %dma_wait3A_95] : memref<322560x16xf32, #tpu.memory_space<hbm>> -> memref<80x16xf32, #tpu.memory_space<hbm>>
    %dma_wait3A_97 = arith.constant 0 : i32
    %dma_wait3A_98 = tpu.memref_slice %arg5[%add3A_90, %dma_wait3A_97] : memref<322560x16xf32, #tpu.memory_space<hbm>> -> memref<80x16xf32, #tpu.memory_space<hbm>>
    tpu.wait_dma2 semaphore(%arg26 : memref<!tpu.dma_semaphore, #tpu.memory_space<semaphore_mem>>) src(%dma_wait3A_98 : memref<80x16xf32, #tpu.memory_space<hbm>>) dst(%arg18 : memref<80x16xf32, #tpu.memory_space<vmem>>)
    %dma_start3A_99 = arith.constant 0 : i32
    %dma_start3A_100 = arith.constant 0 : i32
    %dma_start3A_101 = tpu.memref_slice %arg8[%dma_start3A_99, %dma_start3A_100] : memref<10240x64xf32, #tpu.memory_space<vmem_shared>> -> memref<10240x64xf32, #tpu.memory_space<vmem_shared>>
    tpu.enqueue_indirect_dma source(%dma_start3A_101 : memref<10240x64xf32, #tpu.memory_space<vmem_shared>>) target(%arg22 : memref<80x64xf32, #tpu.memory_space<vmem>>) offsets(%arg10 : memref<80xi32, #tpu.memory_space<vmem>>) semaphore(%arg30 : memref<!tpu.dma_semaphore, #tpu.memory_space<semaphore_mem>>)
    %scan3A_102 = arith.constant 0 : i32
    %scan3A_103 = arith.constant 0 : i32
    %scan3A_104 = arith.constant 63 : i32
    %scan3A_105 = arith.addi %scan3A_103, %scan3A_104 : i32
    %scan3A_106 = arith.constant 1 : i32
    %scan3A_107 = scf.for %scan3A_142 = %scan3A_103 to %scan3A_105 step %scan3A_106 iter_args(%scan3A_143 = %scan3A_102) -> (i32)  : i32 {
      %mul3A_144 = arith.constant 4 : i32
      %mul3A_145 = arith.muli %mul3A_144, %scan3A_142 : i32
      %add3A_146 = arith.constant 0 : i32
      %add3A_147 = arith.addi %mul3A_145, %add3A_146 : i32
      %add3A_148 = arith.constant 2 : i32
      %add3A_149 = arith.addi %add3A_147, %add3A_148 : i32
      %lt3A = arith.constant 252 : i32
      %lt3A_150 = arith.cmpi slt, %add3A_149, %lt3A : i32
      %convert_element_type3A = arith.extui %lt3A_150 : i1 to i32
      %cond3A = arith.constant 0 : i32
      %cond3A_151 = arith.cmpi ne, %convert_element_type3A, %cond3A : i32
      scf.if %cond3A_151 {
        %add3A_254 = arith.constant 2 : i32
        %add3A_255 = arith.addi %add3A_147, %add3A_254 : i32
        %mul3A_256 = arith.constant 80 : i32
        %mul3A_257 = arith.muli %add3A_255, %mul3A_256 : i32
        %add3A_258 = arith.addi %mul3A_37, %mul3A_257 : i32
        %dma_wait3A_259 = tpu.memref_slice %arg3[%add3A_258] : memref<322560xi32, #tpu.memory_space<hbm>> -> memref<80xi32, #tpu.memory_space<hbm>>
        %dma_wait3A_260 = tpu.memref_slice %arg3[%add3A_258] : memref<322560xi32, #tpu.memory_space<hbm>> -> memref<80xi32, #tpu.memory_space<hbm>>
        tpu.wait_dma2 semaphore(%arg27 : memref<!tpu.dma_semaphore, #tpu.memory_space<semaphore_mem>>) src(%dma_wait3A_260 : memref<80xi32, #tpu.memory_space<hbm>>) dst(%arg11 : memref<80xi32, #tpu.memory_space<vmem>>)
        %dma_wait3A_261 = tpu.memref_slice %arg4[%add3A_258] : memref<322560xi32, #tpu.memory_space<hbm>> -> memref<80xi32, #tpu.memory_space<hbm>>
        %dma_wait3A_262 = tpu.memref_slice %arg4[%add3A_258] : memref<322560xi32, #tpu.memory_space<hbm>> -> memref<80xi32, #tpu.memory_space<hbm>>
        tpu.wait_dma2 semaphore(%arg27 : memref<!tpu.dma_semaphore, #tpu.memory_space<semaphore_mem>>) src(%dma_wait3A_262 : memref<80xi32, #tpu.memory_space<hbm>>) dst(%arg15 : memref<80xi32, #tpu.memory_space<vmem>>)
        %dma_wait3A_263 = arith.constant 0 : i32
        %dma_wait3A_264 = tpu.memref_slice %arg5[%add3A_258, %dma_wait3A_263] : memref<322560x16xf32, #tpu.memory_space<hbm>> -> memref<80x16xf32, #tpu.memory_space<hbm>>
        %dma_wait3A_265 = arith.constant 0 : i32
        %dma_wait3A_266 = tpu.memref_slice %arg5[%add3A_258, %dma_wait3A_265] : memref<322560x16xf32, #tpu.memory_space<hbm>> -> memref<80x16xf32, #tpu.memory_space<hbm>>
        tpu.wait_dma2 semaphore(%arg27 : memref<!tpu.dma_semaphore, #tpu.memory_space<semaphore_mem>>) src(%dma_wait3A_266 : memref<80x16xf32, #tpu.memory_space<hbm>>) dst(%arg19 : memref<80x16xf32, #tpu.memory_space<vmem>>)
        %dma_start3A_267 = arith.constant 0 : i32
        %dma_start3A_268 = arith.constant 0 : i32
        %dma_start3A_269 = tpu.memref_slice %arg8[%dma_start3A_267, %dma_start3A_268] : memref<10240x64xf32, #tpu.memory_space<vmem_shared>> -> memref<10240x64xf32, #tpu.memory_space<vmem_shared>>
        tpu.enqueue_indirect_dma source(%dma_start3A_269 : memref<10240x64xf32, #tpu.memory_space<vmem_shared>>) target(%arg23 : memref<80x64xf32, #tpu.memory_space<vmem>>) offsets(%arg11 : memref<80xi32, #tpu.memory_space<vmem>>) semaphore(%arg31 : memref<!tpu.dma_semaphore, #tpu.memory_space<semaphore_mem>>)
      } else {
      }
      %dma_wait3A_152 = arith.constant 0 : i32
      %dma_wait3A_153 = arith.constant 0 : i32
      %dma_wait3A_154 = tpu.memref_slice %arg8[%dma_wait3A_152, %dma_wait3A_153] : memref<10240x64xf32, #tpu.memory_space<vmem_shared>> -> memref<10240x64xf32, #tpu.memory_space<vmem_shared>>
      tpu.wait_indirect_dma semaphore(%arg29 : memref<!tpu.dma_semaphore, #tpu.memory_space<semaphore_mem>>) src(%dma_wait3A_154 : memref<10240x64xf32, #tpu.memory_space<vmem_shared>>) dst(%arg21 : memref<80x64xf32, #tpu.memory_space<vmem>>)
      %scan3A_155 = arith.constant 0 : i32
      %scan3A_156 = arith.constant 0 : i32
      %scan3A_157 = arith.constant 80 : i32
      %scan3A_158 = arith.addi %scan3A_156, %scan3A_157 : i32
      %scan3A_159 = arith.constant 8 : i32
      %scan3A_160 = scf.for %scan3A_254 = %scan3A_156 to %scan3A_158 step %scan3A_159 iter_args(%scan3A_255 = %scan3A_155) -> (i32)  : i32 {
        %get3A = arith.index_cast %scan3A_254 : i32 to index
        %get3A_256 = arith.constant 0 : index
        %get3A_257 = tpu.vector_load %arg17[%get3A, %get3A_256] {strides = array<i32>} : memref<80x16xf32, #tpu.memory_space<vmem>>, vector<1x16xf32>,
        %get3A_258 = vector.shape_cast %get3A_257 : vector<1x16xf32> to vector<16xf32>
        %get3A_259 = arith.index_cast %scan3A_254 : i32 to index
        %get3A_260 = arith.constant 0 : index
        %get3A_261 = tpu.vector_load %arg21[%get3A_259, %get3A_260] {strides = array<i32>} : memref<80x64xf32, #tpu.memory_space<vmem>>, vector<1x16xf32>,
        %get3A_262 = vector.shape_cast %get3A_261 : vector<1x16xf32> to vector<16xf32>
        %mul3A_263 = arith.mulf %get3A_262, %get3A_258 : vector<16xf32>
        %swap3A = arith.index_cast %scan3A_254 : i32 to index
        %swap3A_264 = arith.constant 0 : index
        %swap3A_265 = tpu.vector_load %arg21[%swap3A, %swap3A_264] {strides = array<i32>} : memref<80x64xf32, #tpu.memory_space<vmem>>, vector<1x16xf32>,
        %swap3A_266 = vector.shape_cast %swap3A_265 : vector<1x16xf32> to vector<16xf32>
        %swap3A_267 = vector.shape_cast %mul3A_263 : vector<16xf32> to vector<1x16xf32>
        tpu.vector_store %arg21[%swap3A, %swap3A_264], %swap3A_267 {strides = array<i32>} : memref<80x64xf32, #tpu.memory_space<vmem>>, vector<1x16xf32>,
        %get3A_268 = arith.index_cast %scan3A_254 : i32 to index
        %get3A_269 = arith.constant 16 : index
        %get3A_270 = tpu.vector_load %arg21[%get3A_268, %get3A_269] {strides = array<i32>} : memref<80x64xf32, #tpu.memory_space<vmem>>, vector<1x16xf32>,
        %get3A_271 = vector.shape_cast %get3A_270 : vector<1x16xf32> to vector<16xf32>
        %mul3A_272 = arith.mulf %get3A_271, %get3A_258 : vector<16xf32>
        %swap3A_273 = arith.index_cast %scan3A_254 : i32 to index
        %swap3A_274 = arith.constant 16 : index
        %swap3A_275 = tpu.vector_load %arg21[%swap3A_273, %swap3A_274] {strides = array<i32>} : memref<80x64xf32, #tpu.memory_space<vmem>>, vector<1x16xf32>,
        %swap3A_276 = vector.shape_cast %swap3A_275 : vector<1x16xf32> to vector<16xf32>
        %swap3A_277 = vector.shape_cast %mul3A_272 : vector<16xf32> to vector<1x16xf32>
        tpu.vector_store %arg21[%swap3A_273, %swap3A_274], %swap3A_277 {strides = array<i32>} : memref<80x64xf32, #tpu.memory_space<vmem>>, vector<1x16xf32>,
        %get3A_278 = arith.index_cast %scan3A_254 : i32 to index
        %get3A_279 = arith.constant 32 : index
        %get3A_280 = tpu.vector_load %arg21[%get3A_278, %get3A_279] {strides = array<i32>} : memref<80x64xf32, #tpu.memory_space<vmem>>, vector<1x16xf32>,
        %get3A_281 = vector.shape_cast %get3A_280 : vector<1x16xf32> to vector<16xf32>
        %mul3A_282 = arith.mulf %get3A_281, %get3A_258 : vector<16xf32>
        %swap3A_283 = arith.index_cast %scan3A_254 : i32 to index
        %swap3A_284 = arith.constant 32 : index
        %swap3A_285 = tpu.vector_load %arg21[%swap3A_283, %swap3A_284] {strides = array<i32>} : memref<80x64xf32, #tpu.memory_space<vmem>>, vector<1x16xf32>,
        %swap3A_286 = vector.shape_cast %swap3A_285 : vector<1x16xf32> to vector<16xf32>
        %swap3A_287 = vector.shape_cast %mul3A_282 : vector<16xf32> to vector<1x16xf32>
        tpu.vector_store %arg21[%swap3A_283, %swap3A_284], %swap3A_287 {strides = array<i32>} : memref<80x64xf32, #tpu.memory_space<vmem>>, vector<1x16xf32>,
        %get3A_288 = arith.index_cast %scan3A_254 : i32 to index
        %get3A_289 = arith.constant 48 : index
        %get3A_290 = tpu.vector_load %arg21[%get3A_288, %get3A_289] {strides = array<i32>} : memref<80x64xf32, #tpu.memory_space<vmem>>, vector<1x16xf32>,
        %get3A_291 = vector.shape_cast %get3A_290 : vector<1x16xf32> to vector<16xf32>
        %mul3A_292 = arith.mulf %get3A_291, %get3A_258 : vector<16xf32>
        %swap3A_293 = arith.index_cast %scan3A_254 : i32 to index
        %swap3A_294 = arith.constant 48 : index
        %swap3A_295 = tpu.vector_load %arg21[%swap3A_293, %swap3A_294] {strides = array<i32>} : memref<80x64xf32, #tpu.memory_space<vmem>>, vector<1x16xf32>,
        %swap3A_296 = vector.shape_cast %swap3A_295 : vector<1x16xf32> to vector<16xf32>
        %swap3A_297 = vector.shape_cast %mul3A_292 : vector<16xf32> to vector<1x16xf32>
        tpu.vector_store %arg21[%swap3A_293, %swap3A_294], %swap3A_297 {strides = array<i32>} : memref<80x64xf32, #tpu.memory_space<vmem>>, vector<1x16xf32>,
        %scan3A_298 = arith.constant 0 : i32
        %scan3A_299 = arith.constant 1 : i32
        %scan3A_300 = arith.addi %scan3A_254, %scan3A_299 : i32
        %get3A_301 = arith.index_cast %scan3A_300 : i32 to index
        %get3A_302 = arith.constant 0 : index
        %get3A_303 = tpu.vector_load %arg17[%get3A_301, %get3A_302] {strides = array<i32>} : memref<80x16xf32, #tpu.memory_space<vmem>>, vector<1x16xf32>,
        %get3A_304 = vector.shape_cast %get3A_303 : vector<1x16xf32> to vector<16xf32>
        %get3A_305 = arith.index_cast %scan3A_300 : i32 to index
        %get3A_306 = arith.constant 0 : index
        %get3A_307 = tpu.vector_load %arg21[%get3A_305, %get3A_306] {strides = array<i32>} : memref<80x64xf32, #tpu.memory_space<vmem>>, vector<1x16xf32>,
        %get3A_308 = vector.shape_cast %get3A_307 : vector<1x16xf32> to vector<16xf32>
        %mul3A_309 = arith.mulf %get3A_308, %get3A_304 : vector<16xf32>
        %swap3A_310 = arith.index_cast %scan3A_300 : i32 to index
        %swap3A_311 = arith.constant 0 : index
        %swap3A_312 = tpu.vector_load %arg21[%swap3A_310, %swap3A_311] {strides = array<i32>} : memref<80x64xf32, #tpu.memory_space<vmem>>, vector<1x16xf32>,
        %swap3A_313 = vector.shape_cast %swap3A_312 : vector<1x16xf32> to vector<16xf32>
        %swap3A_314 = vector.shape_cast %mul3A_309 : vector<16xf32> to vector<1x16xf32>
        tpu.vector_store %arg21[%swap3A_310, %swap3A_311], %swap3A_314 {strides = array<i32>} : memref<80x64xf32, #tpu.memory_space<vmem>>, vector<1x16xf32>,
        %get3A_315 = arith.index_cast %scan3A_300 : i32 to index
        %get3A_316 = arith.constant 16 : index
        %get3A_317 = tpu.vector_load %arg21[%get3A_315, %get3A_316] {strides = array<i32>} : memref<80x64xf32, #tpu.memory_space<vmem>>, vector<1x16xf32>,
        %get3A_318 = vector.shape_cast %get3A_317 : vector<1x16xf32> to vector<16xf32>
        %mul3A_319 = arith.mulf %get3A_318, %get3A_304 : vector<16xf32>
        %swap3A_320 = arith.index_cast %scan3A_300 : i32 to index
        %swap3A_321 = arith.constant 16 : index
        %swap3A_322 = tpu.vector_load %arg21[%swap3A_320, %swap3A_321] {strides = array<i32>} : memref<80x64xf32, #tpu.memory_space<vmem>>, vector<1x16xf32>,
        %swap3A_323 = vector.shape_cast %swap3A_322 : vector<1x16xf32> to vector<16xf32>
        %swap3A_324 = vector.shape_cast %mul3A_319 : vector<16xf32> to vector<1x16xf32>
        tpu.vector_store %arg21[%swap3A_320, %swap3A_321], %swap3A_324 {strides = array<i32>} : memref<80x64xf32, #tpu.memory_space<vmem>>, vector<1x16xf32>,
        %get3A_325 = arith.index_cast %scan3A_300 : i32 to index
        %get3A_326 = arith.constant 32 : index
        %get3A_327 = tpu.vector_load %arg21[%get3A_325, %get3A_326] {strides = array<i32>} : memref<80x64xf32, #tpu.memory_space<vmem>>, vector<1x16xf32>,
        %get3A_328 = vector.shape_cast %get3A_327 : vector<1x16xf32> to vector<16xf32>
        %mul3A_329 = arith.mulf %get3A_328, %get3A_304 : vector<16xf32>
        %swap3A_330 = arith.index_cast %scan3A_300 : i32 to index
        %swap3A_331 = arith.constant 32 : index
        %swap3A_332 = tpu.vector_load %arg21[%swap3A_330, %swap3A_331] {strides = array<i32>} : memref<80x64xf32, #tpu.memory_space<vmem>>, vector<1x16xf32>,
        %swap3A_333 = vector.shape_cast %swap3A_332 : vector<1x16xf32> to vector<16xf32>
        %swap3A_334 = vector.shape_cast %mul3A_329 : vector<16xf32> to vector<1x16xf32>
        tpu.vector_store %arg21[%swap3A_330, %swap3A_331], %swap3A_334 {strides = array<i32>} : memref<80x64xf32, #tpu.memory_space<vmem>>, vector<1x16xf32>,
        %get3A_335 = arith.index_cast %scan3A_300 : i32 to index
        %get3A_336 = arith.constant 48 : index
        %get3A_337 = tpu.vector_load %arg21[%get3A_335, %get3A_336] {strides = array<i32>} : memref<80x64xf32, #tpu.memory_space<vmem>>, vector<1x16xf32>,
        %get3A_338 = vector.shape_cast %get3A_337 : vector<1x16xf32> to vector<16xf32>
        %mul3A_339 = arith.mulf %get3A_338, %get3A_304 : vector<16xf32>
        %swap3A_340 = arith.index_cast %scan3A_300 : i32 to index
        %swap3A_341 = arith.constant 48 : index
        %swap3A_342 = tpu.vector_load %arg21[%swap3A_340, %swap3A_341] {strides = array<i32>} : memref<80x64xf32, #tpu.memory_space<vmem>>, vector<1x16xf32>,
        %swap3A_343 = vector.shape_cast %swap3A_342 : vector<1x16xf32> to vector<16xf32>
        %swap3A_344 = vector.shape_cast %mul3A_339 : vector<16xf32> to vector<1x16xf32>
        tpu.vector_store %arg21[%swap3A_340, %swap3A_341], %swap3A_344 {strides = array<i32>} : memref<80x64xf32, #tpu.memory_space<vmem>>, vector<1x16xf32>,
        %scan3A_345 = arith.constant 0 : i32
        %scan3A_346 = arith.constant 2 : i32
        %scan3A_347 = arith.addi %scan3A_254, %scan3A_346 : i32
        %get3A_348 = arith.index_cast %scan3A_347 : i32 to index
        %get3A_349 = arith.constant 0 : index
        %get3A_350 = tpu.vector_load %arg17[%get3A_348, %get3A_349] {strides = array<i32>} : memref<80x16xf32, #tpu.memory_space<vmem>>, vector<1x16xf32>,
        %get3A_351 = vector.shape_cast %get3A_350 : vector<1x16xf32> to vector<16xf32>
        %get3A_352 = arith.index_cast %scan3A_347 : i32 to index
        %get3A_353 = arith.constant 0 : index
        %get3A_354 = tpu.vector_load %arg21[%get3A_352, %get3A_353] {strides = array<i32>} : memref<80x64xf32, #tpu.memory_space<vmem>>, vector<1x16xf32>,
        %get3A_355 = vector.shape_cast %get3A_354 : vector<1x16xf32> to vector<16xf32>
        %mul3A_356 = arith.mulf %get3A_355, %get3A_351 : vector<16xf32>
        %swap3A_357 = arith.index_cast %scan3A_347 : i32 to index
        %swap3A_358 = arith.constant 0 : index
        %swap3A_359 = tpu.vector_load %arg21[%swap3A_357, %swap3A_358] {strides = array<i32>} : memref<80x64xf32, #tpu.memory_space<vmem>>, vector<1x16xf32>,
        %swap3A_360 = vector.shape_cast %swap3A_359 : vector<1x16xf32> to vector<16xf32>
        %swap3A_361 = vector.shape_cast %mul3A_356 : vector<16xf32> to vector<1x16xf32>
        tpu.vector_store %arg21[%swap3A_357, %swap3A_358], %swap3A_361 {strides = array<i32>} : memref<80x64xf32, #tpu.memory_space<vmem>>, vector<1x16xf32>,
        %get3A_362 = arith.index_cast %scan3A_347 : i32 to index
        %get3A_363 = arith.constant 16 : index
        %get3A_364 = tpu.vector_load %arg21[%get3A_362, %get3A_363] {strides = array<i32>} : memref<80x64xf32, #tpu.memory_space<vmem>>, vector<1x16xf32>,
        %get3A_365 = vector.shape_cast %get3A_364 : vector<1x16xf32> to vector<16xf32>
        %mul3A_366 = arith.mulf %get3A_365, %get3A_351 : vector<16xf32>
        %swap3A_367 = arith.index_cast %scan3A_347 : i32 to index
        %swap3A_368 = arith.constant 16 : index
        %swap3A_369 = tpu.vector_load %arg21[%swap3A_367, %swap3A_368] {strides = array<i32>} : memref<80x64xf32, #tpu.memory_space<vmem>>, vector<1x16xf32>,
        %swap3A_370 = vector.shape_cast %swap3A_369 : vector<1x16xf32> to vector<16xf32>
        %swap3A_371 = vector.shape_cast %mul3A_366 : vector<16xf32> to vector<1x16xf32>
        tpu.vector_store %arg21[%swap3A_367, %swap3A_368], %swap3A_371 {strides = array<i32>} : memref<80x64xf32, #tpu.memory_space<vmem>>, vector<1x16xf32>,
        %get3A_372 = arith.index_cast %scan3A_347 : i32 to index
        %get3A_373 = arith.constant 32 : index
        %get3A_374 = tpu.vector_load %arg21[%get3A_372, %get3A_373] {strides = array<i32>} : memref<80x64xf32, #tpu.memory_space<vmem>>, vector<1x16xf32>,
        %get3A_375 = vector.shape_cast %get3A_374 : vector<1x16xf32> to vector<16xf32>
        %mul3A_376 = arith.mulf %get3A_375, %get3A_351 : vector<16xf32>
        %swap3A_377 = arith.index_cast %scan3A_347 : i32 to index
        %swap3A_378 = arith.constant 32 : index
        %swap3A_379 = tpu.vector_load %arg21[%swap3A_377, %swap3A_378] {strides = array<i32>} : memref<80x64xf32, #tpu.memory_space<vmem>>, vector<1x16xf32>,
        %swap3A_380 = vector.shape_cast %swap3A_379 : vector<1x16xf32> to vector<16xf32>
        %swap3A_381 = vector.shape_cast %mul3A_376 : vector<16xf32> to vector<1x16xf32>
        tpu.vector_store %arg21[%swap3A_377, %swap3A_378], %swap3A_381 {strides = array<i32>} : memref<80x64xf32, #tpu.memory_space<vmem>>, vector<1x16xf32>,
        %get3A_382 = arith.index_cast %scan3A_347 : i32 to index
        %get3A_383 = arith.constant 48 : index
        %get3A_384 = tpu.vector_load %arg21[%get3A_382, %get3A_383] {strides = array<i32>} : memref<80x64xf32, #tpu.memory_space<vmem>>, vector<1x16xf32>,
        %get3A_385 = vector.shape_cast %get3A_384 : vector<1x16xf32> to vector<16xf32>
        %mul3A_386 = arith.mulf %get3A_385, %get3A_351 : vector<16xf32>
        %swap3A_387 = arith.index_cast %scan3A_347 : i32 to index
        %swap3A_388 = arith.constant 48 : index
        %swap3A_389 = tpu.vector_load %arg21[%swap3A_387, %swap3A_388] {strides = array<i32>} : memref<80x64xf32, #tpu.memory_space<vmem>>, vector<1x16xf32>,
        %swap3A_390 = vector.shape_cast %swap3A_389 : vector<1x16xf32> to vector<16xf32>
        %swap3A_391 = vector.shape_cast %mul3A_386 : vector<16xf32> to vector<1x16xf32>
        tpu.vector_store %arg21[%swap3A_387, %swap3A_388], %swap3A_391 {strides = array<i32>} : memref<80x64xf32, #tpu.memory_space<vmem>>, vector<1x16xf32>,
        %scan3A_392 = arith.constant 0 : i32
        %scan3A_393 = arith.constant 3 : i32
        %scan3A_394 = arith.addi %scan3A_254, %scan3A_393 : i32
        %get3A_395 = arith.index_cast %scan3A_394 : i32 to index
        %get3A_396 = arith.constant 0 : index
        %get3A_397 = tpu.vector_load %arg17[%get3A_395, %get3A_396] {strides = array<i32>} : memref<80x16xf32, #tpu.memory_space<vmem>>, vector<1x16xf32>,
        %get3A_398 = vector.shape_cast %get3A_397 : vector<1x16xf32> to vector<16xf32>
        %get3A_399 = arith.index_cast %scan3A_394 : i32 to index
        %get3A_400 = arith.constant 0 : index
        %get3A_401 = tpu.vector_load %arg21[%get3A_399, %get3A_400] {strides = array<i32>} : memref<80x64xf32, #tpu.memory_space<vmem>>, vector<1x16xf32>,
        %get3A_402 = vector.shape_cast %get3A_401 : vector<1x16xf32> to vector<16xf32>
        %mul3A_403 = arith.mulf %get3A_402, %get3A_398 : vector<16xf32>
        %swap3A_404 = arith.index_cast %scan3A_394 : i32 to index
        %swap3A_405 = arith.constant 0 : index
        %swap3A_406 = tpu.vector_load %arg21[%swap3A_404, %swap3A_405] {strides = array<i32>} : memref<80x64xf32, #tpu.memory_space<vmem>>, vector<1x16xf32>,
        %swap3A_407 = vector.shape_cast %swap3A_406 : vector<1x16xf32> to vector<16xf32>
        %swap3A_408 = vector.shape_cast %mul3A_403 : vector<16xf32> to vector<1x16xf32>
        tpu.vector_store %arg21[%swap3A_404, %swap3A_405], %swap3A_408 {strides = array<i32>} : memref<80x64xf32, #tpu.memory_space<vmem>>, vector<1x16xf32>,
        %get3A_409 = arith.index_cast %scan3A_394 : i32 to index
        %get3A_410 = arith.constant 16 : index
        %get3A_411 = tpu.vector_load %arg21[%get3A_409, %get3A_410] {strides = array<i32>} : memref<80x64xf32, #tpu.memory_space<vmem>>, vector<1x16xf32>,
        %get3A_412 = vector.shape_cast %get3A_411 : vector<1x16xf32> to vector<16xf32>
        %mul3A_413 = arith.mulf %get3A_412, %get3A_398 : vector<16xf32>
        %swap3A_414 = arith.index_cast %scan3A_394 : i32 to index
        %swap3A_415 = arith.constant 16 : index
        %swap3A_416 = tpu.vector_load %arg21[%swap3A_414, %swap3A_415] {strides = array<i32>} : memref<80x64xf32, #tpu.memory_space<vmem>>, vector<1x16xf32>,
        %swap3A_417 = vector.shape_cast %swap3A_416 : vector<1x16xf32> to vector<16xf32>
        %swap3A_418 = vector.shape_cast %mul3A_413 : vector<16xf32> to vector<1x16xf32>
        tpu.vector_store %arg21[%swap3A_414, %swap3A_415], %swap3A_418 {strides = array<i32>} : memref<80x64xf32, #tpu.memory_space<vmem>>, vector<1x16xf32>,
        %get3A_419 = arith.index_cast %scan3A_394 : i32 to index
        %get3A_420 = arith.constant 32 : index
        %get3A_421 = tpu.vector_load %arg21[%get3A_419, %get3A_420] {strides = array<i32>} : memref<80x64xf32, #tpu.memory_space<vmem>>, vector<1x16xf32>,
        %get3A_422 = vector.shape_cast %get3A_421 : vector<1x16xf32> to vector<16xf32>
        %mul3A_423 = arith.mulf %get3A_422, %get3A_398 : vector<16xf32>
        %swap3A_424 = arith.index_cast %scan3A_394 : i32 to index
        %swap3A_425 = arith.constant 32 : index
        %swap3A_426 = tpu.vector_load %arg21[%swap3A_424, %swap3A_425] {strides = array<i32>} : memref<80x64xf32, #tpu.memory_space<vmem>>, vector<1x16xf32>,
        %swap3A_427 = vector.shape_cast %swap3A_426 : vector<1x16xf32> to vector<16xf32>
        %swap3A_428 = vector.shape_cast %mul3A_423 : vector<16xf32> to vector<1x16xf32>
        tpu.vector_store %arg21[%swap3A_424, %swap3A_425], %swap3A_428 {strides = array<i32>} : memref<80x64xf32, #tpu.memory_space<vmem>>, vector<1x16xf32>,
        %get3A_429 = arith.index_cast %scan3A_394 : i32 to index
        %get3A_430 = arith.constant 48 : index
        %get3A_431 = tpu.vector_load %arg21[%get3A_429, %get3A_430] {strides = array<i32>} : memref<80x64xf32, #tpu.memory_space<vmem>>, vector<1x16xf32>,
        %get3A_432 = vector.shape_cast %get3A_431 : vector<1x16xf32> to vector<16xf32>
        %mul3A_433 = arith.mulf %get3A_432, %get3A_398 : vector<16xf32>
        %swap3A_434 = arith.index_cast %scan3A_394 : i32 to index
        %swap3A_435 = arith.constant 48 : index
        %swap3A_436 = tpu.vector_load %arg21[%swap3A_434, %swap3A_435] {strides = array<i32>} : memref<80x64xf32, #tpu.memory_space<vmem>>, vector<1x16xf32>,
        %swap3A_437 = vector.shape_cast %swap3A_436 : vector<1x16xf32> to vector<16xf32>
        %swap3A_438 = vector.shape_cast %mul3A_433 : vector<16xf32> to vector<1x16xf32>
        tpu.vector_store %arg21[%swap3A_434, %swap3A_435], %swap3A_438 {strides = array<i32>} : memref<80x64xf32, #tpu.memory_space<vmem>>, vector<1x16xf32>,
        %scan3A_439 = arith.constant 0 : i32
        %scan3A_440 = arith.constant 4 : i32
        %scan3A_441 = arith.addi %scan3A_254, %scan3A_440 : i32
        %get3A_442 = arith.index_cast %scan3A_441 : i32 to index
        %get3A_443 = arith.constant 0 : index
        %get3A_444 = tpu.vector_load %arg17[%get3A_442, %get3A_443] {strides = array<i32>} : memref<80x16xf32, #tpu.memory_space<vmem>>, vector<1x16xf32>,
        %get3A_445 = vector.shape_cast %get3A_444 : vector<1x16xf32> to vector<16xf32>
        %get3A_446 = arith.index_cast %scan3A_441 : i32 to index
        %get3A_447 = arith.constant 0 : index
        %get3A_448 = tpu.vector_load %arg21[%get3A_446, %get3A_447] {strides = array<i32>} : memref<80x64xf32, #tpu.memory_space<vmem>>, vector<1x16xf32>,
        %get3A_449 = vector.shape_cast %get3A_448 : vector<1x16xf32> to vector<16xf32>
        %mul3A_450 = arith.mulf %get3A_449, %get3A_445 : vector<16xf32>
        %swap3A_451 = arith.index_cast %scan3A_441 : i32 to index
        %swap3A_452 = arith.constant 0 : index
        %swap3A_453 = tpu.vector_load %arg21[%swap3A_451, %swap3A_452] {strides = array<i32>} : memref<80x64xf32, #tpu.memory_space<vmem>>, vector<1x16xf32>,
        %swap3A_454 = vector.shape_cast %swap3A_453 : vector<1x16xf32> to vector<16xf32>
        %swap3A_455 = vector.shape_cast %mul3A_450 : vector<16xf32> to vector<1x16xf32>
        tpu.vector_store %arg21[%swap3A_451, %swap3A_452], %swap3A_455 {strides = array<i32>} : memref<80x64xf32, #tpu.memory_space<vmem>>, vector<1x16xf32>,
        %get3A_456 = arith.index_cast %scan3A_441 : i32 to index
        %get3A_457 = arith.constant 16 : index
        %get3A_458 = tpu.vector_load %arg21[%get3A_456, %get3A_457] {strides = array<i32>} : memref<80x64xf32, #tpu.memory_space<vmem>>, vector<1x16xf32>,
        %get3A_459 = vector.shape_cast %get3A_458 : vector<1x16xf32> to vector<16xf32>
        %mul3A_460 = arith.mulf %get3A_459, %get3A_445 : vector<16xf32>
        %swap3A_461 = arith.index_cast %scan3A_441 : i32 to index
        %swap3A_462 = arith.constant 16 : index
        %swap3A_463 = tpu.vector_load %arg21[%swap3A_461, %swap3A_462] {strides = array<i32>} : memref<80x64xf32, #tpu.memory_space<vmem>>, vector<1x16xf32>,
        %swap3A_464 = vector.shape_cast %swap3A_463 : vector<1x16xf32> to vector<16xf32>
        %swap3A_465 = vector.shape_cast %mul3A_460 : vector<16xf32> to vector<1x16xf32>
        tpu.vector_store %arg21[%swap3A_461, %swap3A_462], %swap3A_465 {strides = array<i32>} : memref<80x64xf32, #tpu.memory_space<vmem>>, vector<1x16xf32>,
        %get3A_466 = arith.index_cast %scan3A_441 : i32 to index
        %get3A_467 = arith.constant 32 : index
        %get3A_468 = tpu.vector_load %arg21[%get3A_466, %get3A_467] {strides = array<i32>} : memref<80x64xf32, #tpu.memory_space<vmem>>, vector<1x16xf32>,
        %get3A_469 = vector.shape_cast %get3A_468 : vector<1x16xf32> to vector<16xf32>
        %mul3A_470 = arith.mulf %get3A_469, %get3A_445 : vector<16xf32>
        %swap3A_471 = arith.index_cast %scan3A_441 : i32 to index
        %swap3A_472 = arith.constant 32 : index
        %swap3A_473 = tpu.vector_load %arg21[%swap3A_471, %swap3A_472] {strides = array<i32>} : memref<80x64xf32, #tpu.memory_space<vmem>>, vector<1x16xf32>,
        %swap3A_474 = vector.shape_cast %swap3A_473 : vector<1x16xf32> to vector<16xf32>
        %swap3A_475 = vector.shape_cast %mul3A_470 : vector<16xf32> to vector<1x16xf32>
        tpu.vector_store %arg21[%swap3A_471, %swap3A_472], %swap3A_475 {strides = array<i32>} : memref<80x64xf32, #tpu.memory_space<vmem>>, vector<1x16xf32>,
        %get3A_476 = arith.index_cast %scan3A_441 : i32 to index
        %get3A_477 = arith.constant 48 : index
        %get3A_478 = tpu.vector_load %arg21[%get3A_476, %get3A_477] {strides = array<i32>} : memref<80x64xf32, #tpu.memory_space<vmem>>, vector<1x16xf32>,
        %get3A_479 = vector.shape_cast %get3A_478 : vector<1x16xf32> to vector<16xf32>
        %mul3A_480 = arith.mulf %get3A_479, %get3A_445 : vector<16xf32>
        %swap3A_481 = arith.index_cast %scan3A_441 : i32 to index
        %swap3A_482 = arith.constant 48 : index
        %swap3A_483 = tpu.vector_load %arg21[%swap3A_481, %swap3A_482] {strides = array<i32>} : memref<80x64xf32, #tpu.memory_space<vmem>>, vector<1x16xf32>,
        %swap3A_484 = vector.shape_cast %swap3A_483 : vector<1x16xf32> to vector<16xf32>
        %swap3A_485 = vector.shape_cast %mul3A_480 : vector<16xf32> to vector<1x16xf32>
        tpu.vector_store %arg21[%swap3A_481, %swap3A_482], %swap3A_485 {strides = array<i32>} : memref<80x64xf32, #tpu.memory_space<vmem>>, vector<1x16xf32>,
        %scan3A_486 = arith.constant 0 : i32
        %scan3A_487 = arith.constant 5 : i32
        %scan3A_488 = arith.addi %scan3A_254, %scan3A_487 : i32
        %get3A_489 = arith.index_cast %scan3A_488 : i32 to index
        %get3A_490 = arith.constant 0 : index
        %get3A_491 = tpu.vector_load %arg17[%get3A_489, %get3A_490] {strides = array<i32>} : memref<80x16xf32, #tpu.memory_space<vmem>>, vector<1x16xf32>,
        %get3A_492 = vector.shape_cast %get3A_491 : vector<1x16xf32> to vector<16xf32>
        %get3A_493 = arith.index_cast %scan3A_488 : i32 to index
        %get3A_494 = arith.constant 0 : index
        %get3A_495 = tpu.vector_load %arg21[%get3A_493, %get3A_494] {strides = array<i32>} : memref<80x64xf32, #tpu.memory_space<vmem>>, vector<1x16xf32>,
        %get3A_496 = vector.shape_cast %get3A_495 : vector<1x16xf32> to vector<16xf32>
        %mul3A_497 = arith.mulf %get3A_496, %get3A_492 : vector<16xf32>
        %swap3A_498 = arith.index_cast %scan3A_488 : i32 to index
        %swap3A_499 = arith.constant 0 : index
        %swap3A_500 = tpu.vector_load %arg21[%swap3A_498, %swap3A_499] {strides = array<i32>} : memref<80x64xf32, #tpu.memory_space<vmem>>, vector<1x16xf32>,
        %swap3A_501 = vector.shape_cast %swap3A_500 : vector<1x16xf32> to vector<16xf32>
        %swap3A_502 = vector.shape_cast %mul3A_497 : vector<16xf32> to vector<1x16xf32>
        tpu.vector_store %arg21[%swap3A_498, %swap3A_499], %swap3A_502 {strides = array<i32>} : memref<80x64xf32, #tpu.memory_space<vmem>>, vector<1x16xf32>,
        %get3A_503 = arith.index_cast %scan3A_488 : i32 to index
        %get3A_504 = arith.constant 16 : index
        %get3A_505 = tpu.vector_load %arg21[%get3A_503, %get3A_504] {strides = array<i32>} : memref<80x64xf32, #tpu.memory_space<vmem>>, vector<1x16xf32>,
        %get3A_506 = vector.shape_cast %get3A_505 : vector<1x16xf32> to vector<16xf32>
        %mul3A_507 = arith.mulf %get3A_506, %get3A_492 : vector<16xf32>
        %swap3A_508 = arith.index_cast %scan3A_488 : i32 to index
        %swap3A_509 = arith.constant 16 : index
        %swap3A_510 = tpu.vector_load %arg21[%swap3A_508, %swap3A_509] {strides = array<i32>} : memref<80x64xf32, #tpu.memory_space<vmem>>, vector<1x16xf32>,
        %swap3A_511 = vector.shape_cast %swap3A_510 : vector<1x16xf32> to vector<16xf32>
        %swap3A_512 = vector.shape_cast %mul3A_507 : vector<16xf32> to vector<1x16xf32>
        tpu.vector_store %arg21[%swap3A_508, %swap3A_509], %swap3A_512 {strides = array<i32>} : memref<80x64xf32, #tpu.memory_space<vmem>>, vector<1x16xf32>,
        %get3A_513 = arith.index_cast %scan3A_488 : i32 to index
        %get3A_514 = arith.constant 32 : index
        %get3A_515 = tpu.vector_load %arg21[%get3A_513, %get3A_514] {strides = array<i32>} : memref<80x64xf32, #tpu.memory_space<vmem>>, vector<1x16xf32>,
        %get3A_516 = vector.shape_cast %get3A_515 : vector<1x16xf32> to vector<16xf32>
        %mul3A_517 = arith.mulf %get3A_516, %get3A_492 : vector<16xf32>
        %swap3A_518 = arith.index_cast %scan3A_488 : i32 to index
        %swap3A_519 = arith.constant 32 : index
        %swap3A_520 = tpu.vector_load %arg21[%swap3A_518, %swap3A_519] {strides = array<i32>} : memref<80x64xf32, #tpu.memory_space<vmem>>, vector<1x16xf32>,
        %swap3A_521 = vector.shape_cast %swap3A_520 : vector<1x16xf32> to vector<16xf32>
        %swap3A_522 = vector.shape_cast %mul3A_517 : vector<16xf32> to vector<1x16xf32>
        tpu.vector_store %arg21[%swap3A_518, %swap3A_519], %swap3A_522 {strides = array<i32>} : memref<80x64xf32, #tpu.memory_space<vmem>>, vector<1x16xf32>,
        %get3A_523 = arith.index_cast %scan3A_488 : i32 to index
        %get3A_524 = arith.constant 48 : index
        %get3A_525 = tpu.vector_load %arg21[%get3A_523, %get3A_524] {strides = array<i32>} : memref<80x64xf32, #tpu.memory_space<vmem>>, vector<1x16xf32>,
        %get3A_526 = vector.shape_cast %get3A_525 : vector<1x16xf32> to vector<16xf32>
        %mul3A_527 = arith.mulf %get3A_526, %get3A_492 : vector<16xf32>
        %swap3A_528 = arith.index_cast %scan3A_488 : i32 to index
        %swap3A_529 = arith.constant 48 : index
        %swap3A_530 = tpu.vector_load %arg21[%swap3A_528, %swap3A_529] {strides = array<i32>} : memref<80x64xf32, #tpu.memory_space<vmem>>, vector<1x16xf32>,
        %swap3A_531 = vector.shape_cast %swap3A_530 : vector<1x16xf32> to vector<16xf32>
        %swap3A_532 = vector.shape_cast %mul3A_527 : vector<16xf32> to vector<1x16xf32>
        tpu.vector_store %arg21[%swap3A_528, %swap3A_529], %swap3A_532 {strides = array<i32>} : memref<80x64xf32, #tpu.memory_space<vmem>>, vector<1x16xf32>,
        %scan3A_533 = arith.constant 0 : i32
        %scan3A_534 = arith.constant 6 : i32
        %scan3A_535 = arith.addi %scan3A_254, %scan3A_534 : i32
        %get3A_536 = arith.index_cast %scan3A_535 : i32 to index
        %get3A_537 = arith.constant 0 : index
        %get3A_538 = tpu.vector_load %arg17[%get3A_536, %get3A_537] {strides = array<i32>} : memref<80x16xf32, #tpu.memory_space<vmem>>, vector<1x16xf32>,
        %get3A_539 = vector.shape_cast %get3A_538 : vector<1x16xf32> to vector<16xf32>
        %get3A_540 = arith.index_cast %scan3A_535 : i32 to index
        %get3A_541 = arith.constant 0 : index
        %get3A_542 = tpu.vector_load %arg21[%get3A_540, %get3A_541] {strides = array<i32>} : memref<80x64xf32, #tpu.memory_space<vmem>>, vector<1x16xf32>,
        %get3A_543 = vector.shape_cast %get3A_542 : vector<1x16xf32> to vector<16xf32>
        %mul3A_544 = arith.mulf %get3A_543, %get3A_539 : vector<16xf32>
        %swap3A_545 = arith.index_cast %scan3A_535 : i32 to index
        %swap3A_546 = arith.constant 0 : index
        %swap3A_547 = tpu.vector_load %arg21[%swap3A_545, %swap3A_546] {strides = array<i32>} : memref<80x64xf32, #tpu.memory_space<vmem>>, vector<1x16xf32>,
        %swap3A_548 = vector.shape_cast %swap3A_547 : vector<1x16xf32> to vector<16xf32>
        %swap3A_549 = vector.shape_cast %mul3A_544 : vector<16xf32> to vector<1x16xf32>
        tpu.vector_store %arg21[%swap3A_545, %swap3A_546], %swap3A_549 {strides = array<i32>} : memref<80x64xf32, #tpu.memory_space<vmem>>, vector<1x16xf32>,
        %get3A_550 = arith.index_cast %scan3A_535 : i32 to index
        %get3A_551 = arith.constant 16 : index
        %get3A_552 = tpu.vector_load %arg21[%get3A_550, %get3A_551] {strides = array<i32>} : memref<80x64xf32, #tpu.memory_space<vmem>>, vector<1x16xf32>,
        %get3A_553 = vector.shape_cast %get3A_552 : vector<1x16xf32> to vector<16xf32>
        %mul3A_554 = arith.mulf %get3A_553, %get3A_539 : vector<16xf32>
        %swap3A_555 = arith.index_cast %scan3A_535 : i32 to index
        %swap3A_556 = arith.constant 16 : index
        %swap3A_557 = tpu.vector_load %arg21[%swap3A_555, %swap3A_556] {strides = array<i32>} : memref<80x64xf32, #tpu.memory_space<vmem>>, vector<1x16xf32>,
        %swap3A_558 = vector.shape_cast %swap3A_557 : vector<1x16xf32> to vector<16xf32>
        %swap3A_559 = vector.shape_cast %mul3A_554 : vector<16xf32> to vector<1x16xf32>
        tpu.vector_store %arg21[%swap3A_555, %swap3A_556], %swap3A_559 {strides = array<i32>} : memref<80x64xf32, #tpu.memory_space<vmem>>, vector<1x16xf32>,
        %get3A_560 = arith.index_cast %scan3A_535 : i32 to index
        %get3A_561 = arith.constant 32 : index
        %get3A_562 = tpu.vector_load %arg21[%get3A_560, %get3A_561] {strides = array<i32>} : memref<80x64xf32, #tpu.memory_space<vmem>>, vector<1x16xf32>,
        %get3A_563 = vector.shape_cast %get3A_562 : vector<1x16xf32> to vector<16xf32>
        %mul3A_564 = arith.mulf %get3A_563, %get3A_539 : vector<16xf32>
        %swap3A_565 = arith.index_cast %scan3A_535 : i32 to index
        %swap3A_566 = arith.constant 32 : index
        %swap3A_567 = tpu.vector_load %arg21[%swap3A_565, %swap3A_566] {strides = array<i32>} : memref<80x64xf32, #tpu.memory_space<vmem>>, vector<1x16xf32>,
        %swap3A_568 = vector.shape_cast %swap3A_567 : vector<1x16xf32> to vector<16xf32>
        %swap3A_569 = vector.shape_cast %mul3A_564 : vector<16xf32> to vector<1x16xf32>
        tpu.vector_store %arg21[%swap3A_565, %swap3A_566], %swap3A_569 {strides = array<i32>} : memref<80x64xf32, #tpu.memory_space<vmem>>, vector<1x16xf32>,
        %get3A_570 = arith.index_cast %scan3A_535 : i32 to index
        %get3A_571 = arith.constant 48 : index
        %get3A_572 = tpu.vector_load %arg21[%get3A_570, %get3A_571] {strides = array<i32>} : memref<80x64xf32, #tpu.memory_space<vmem>>, vector<1x16xf32>,
        %get3A_573 = vector.shape_cast %get3A_572 : vector<1x16xf32> to vector<16xf32>
        %mul3A_574 = arith.mulf %get3A_573, %get3A_539 : vector<16xf32>
        %swap3A_575 = arith.index_cast %scan3A_535 : i32 to index
        %swap3A_576 = arith.constant 48 : index
        %swap3A_577 = tpu.vector_load %arg21[%swap3A_575, %swap3A_576] {strides = array<i32>} : memref<80x64xf32, #tpu.memory_space<vmem>>, vector<1x16xf32>,
        %swap3A_578 = vector.shape_cast %swap3A_577 : vector<1x16xf32> to vector<16xf32>
        %swap3A_579 = vector.shape_cast %mul3A_574 : vector<16xf32> to vector<1x16xf32>
        tpu.vector_store %arg21[%swap3A_575, %swap3A_576], %swap3A_579 {strides = array<i32>} : memref<80x64xf32, #tpu.memory_space<vmem>>, vector<1x16xf32>,
        %scan3A_580 = arith.constant 0 : i32
        %scan3A_581 = arith.constant 7 : i32
        %scan3A_582 = arith.addi %scan3A_254, %scan3A_581 : i32
        %get3A_583 = arith.index_cast %scan3A_582 : i32 to index
        %get3A_584 = arith.constant 0 : index
        %get3A_585 = tpu.vector_load %arg17[%get3A_583, %get3A_584] {strides = array<i32>} : memref<80x16xf32, #tpu.memory_space<vmem>>, vector<1x16xf32>,
        %get3A_586 = vector.shape_cast %get3A_585 : vector<1x16xf32> to vector<16xf32>
        %get3A_587 = arith.index_cast %scan3A_582 : i32 to index
        %get3A_588 = arith.constant 0 : index
        %get3A_589 = tpu.vector_load %arg21[%get3A_587, %get3A_588] {strides = array<i32>} : memref<80x64xf32, #tpu.memory_space<vmem>>, vector<1x16xf32>,
        %get3A_590 = vector.shape_cast %get3A_589 : vector<1x16xf32> to vector<16xf32>
        %mul3A_591 = arith.mulf %get3A_590, %get3A_586 : vector<16xf32>
        %swap3A_592 = arith.index_cast %scan3A_582 : i32 to index
        %swap3A_593 = arith.constant 0 : index
        %swap3A_594 = tpu.vector_load %arg21[%swap3A_592, %swap3A_593] {strides = array<i32>} : memref<80x64xf32, #tpu.memory_space<vmem>>, vector<1x16xf32>,
        %swap3A_595 = vector.shape_cast %swap3A_594 : vector<1x16xf32> to vector<16xf32>
        %swap3A_596 = vector.shape_cast %mul3A_591 : vector<16xf32> to vector<1x16xf32>
        tpu.vector_store %arg21[%swap3A_592, %swap3A_593], %swap3A_596 {strides = array<i32>} : memref<80x64xf32, #tpu.memory_space<vmem>>, vector<1x16xf32>,
        %get3A_597 = arith.index_cast %scan3A_582 : i32 to index
        %get3A_598 = arith.constant 16 : index
        %get3A_599 = tpu.vector_load %arg21[%get3A_597, %get3A_598] {strides = array<i32>} : memref<80x64xf32, #tpu.memory_space<vmem>>, vector<1x16xf32>,
        %get3A_600 = vector.shape_cast %get3A_599 : vector<1x16xf32> to vector<16xf32>
        %mul3A_601 = arith.mulf %get3A_600, %get3A_586 : vector<16xf32>
        %swap3A_602 = arith.index_cast %scan3A_582 : i32 to index
        %swap3A_603 = arith.constant 16 : index
        %swap3A_604 = tpu.vector_load %arg21[%swap3A_602, %swap3A_603] {strides = array<i32>} : memref<80x64xf32, #tpu.memory_space<vmem>>, vector<1x16xf32>,
        %swap3A_605 = vector.shape_cast %swap3A_604 : vector<1x16xf32> to vector<16xf32>
        %swap3A_606 = vector.shape_cast %mul3A_601 : vector<16xf32> to vector<1x16xf32>
        tpu.vector_store %arg21[%swap3A_602, %swap3A_603], %swap3A_606 {strides = array<i32>} : memref<80x64xf32, #tpu.memory_space<vmem>>, vector<1x16xf32>,
        %get3A_607 = arith.index_cast %scan3A_582 : i32 to index
        %get3A_608 = arith.constant 32 : index
        %get3A_609 = tpu.vector_load %arg21[%get3A_607, %get3A_608] {strides = array<i32>} : memref<80x64xf32, #tpu.memory_space<vmem>>, vector<1x16xf32>,
        %get3A_610 = vector.shape_cast %get3A_609 : vector<1x16xf32> to vector<16xf32>
        %mul3A_611 = arith.mulf %get3A_610, %get3A_586 : vector<16xf32>
        %swap3A_612 = arith.index_cast %scan3A_582 : i32 to index
        %swap3A_613 = arith.constant 32 : index
        %swap3A_614 = tpu.vector_load %arg21[%swap3A_612, %swap3A_613] {strides = array<i32>} : memref<80x64xf32, #tpu.memory_space<vmem>>, vector<1x16xf32>,
        %swap3A_615 = vector.shape_cast %swap3A_614 : vector<1x16xf32> to vector<16xf32>
        %swap3A_616 = vector.shape_cast %mul3A_611 : vector<16xf32> to vector<1x16xf32>
        tpu.vector_store %arg21[%swap3A_612, %swap3A_613], %swap3A_616 {strides = array<i32>} : memref<80x64xf32, #tpu.memory_space<vmem>>, vector<1x16xf32>,
        %get3A_617 = arith.index_cast %scan3A_582 : i32 to index
        %get3A_618 = arith.constant 48 : index
        %get3A_619 = tpu.vector_load %arg21[%get3A_617, %get3A_618] {strides = array<i32>} : memref<80x64xf32, #tpu.memory_space<vmem>>, vector<1x16xf32>,
        %get3A_620 = vector.shape_cast %get3A_619 : vector<1x16xf32> to vector<16xf32>
        %mul3A_621 = arith.mulf %get3A_620, %get3A_586 : vector<16xf32>
        %swap3A_622 = arith.index_cast %scan3A_582 : i32 to index
        %swap3A_623 = arith.constant 48 : index
        %swap3A_624 = tpu.vector_load %arg21[%swap3A_622, %swap3A_623] {strides = array<i32>} : memref<80x64xf32, #tpu.memory_space<vmem>>, vector<1x16xf32>,
        %swap3A_625 = vector.shape_cast %swap3A_624 : vector<1x16xf32> to vector<16xf32>
        %swap3A_626 = vector.shape_cast %mul3A_621 : vector<16xf32> to vector<1x16xf32>
        tpu.vector_store %arg21[%swap3A_622, %swap3A_623], %swap3A_626 {strides = array<i32>} : memref<80x64xf32, #tpu.memory_space<vmem>>, vector<1x16xf32>,
        %scan3A_627 = arith.constant 0 : i32
        scf.yield %scan3A_627 : i32
      }
      %scan3A_161 = arith.constant 80 : i32
      "tpu.region"() ({
        %run_scoped3A = tpu.sem_alloc : memref<!tpu.dma_semaphore, #tpu.memory_space<semaphore_mem>>
        %dma_start3A_254 = arith.constant 0 : i32
        %dma_start3A_255 = arith.constant 0 : i32
        %dma_start3A_256 = tpu.memref_slice %arg7[%dma_start3A_254, %dma_start3A_255] : memref<10240x64xf32, #tpu.memory_space<vmem_shared>> -> memref<10240x64xf32, #tpu.memory_space<vmem_shared>>
        tpu.enqueue_indirect_dma source(%arg21 : memref<80x64xf32, #tpu.memory_space<vmem>>) target(%dma_start3A_256 : memref<10240x64xf32, #tpu.memory_space<vmem_shared>>) offsets(%arg13 : memref<80xi32, #tpu.memory_space<vmem>>) semaphore(%run_scoped3A : memref<!tpu.dma_semaphore, #tpu.memory_space<semaphore_mem>>) {add = true}
        %dma_wait3A_257 = arith.constant 0 : i32
        %dma_wait3A_258 = arith.constant 0 : i32
        %dma_wait3A_259 = tpu.memref_slice %arg7[%dma_wait3A_257, %dma_wait3A_258] : memref<10240x64xf32, #tpu.memory_space<vmem_shared>> -> memref<10240x64xf32, #tpu.memory_space<vmem_shared>>
        tpu.wait_indirect_dma semaphore(%run_scoped3A : memref<!tpu.dma_semaphore, #tpu.memory_space<semaphore_mem>>) src(%arg21 : memref<80x64xf32, #tpu.memory_space<vmem>>) dst(%dma_wait3A_259 : memref<10240x64xf32, #tpu.memory_space<vmem_shared>>)
        tpu.yield
      }) : () -> ()
      %add3A_162 = arith.constant 4 : i32
      %add3A_163 = arith.addi %add3A_147, %add3A_162 : i32
      %lt3A_164 = arith.constant 252 : i32
      %lt3A_165 = arith.cmpi slt, %add3A_163, %lt3A_164 : i32
      %convert_element_type3A_166 = arith.extui %lt3A_165 : i1 to i32
      %cond3A_167 = arith.constant 0 : i32
      %cond3A_168 = arith.cmpi ne, %convert_element_type3A_166, %cond3A_167 : i32
      scf.if %cond3A_168 {
        %add3A_254 = arith.constant 4 : i32
        %add3A_255 = arith.addi %add3A_147, %add3A_254 : i32
        %mul3A_256 = arith.constant 80 : i32
        %mul3A_257 = arith.muli %add3A_255, %mul3A_256 : i32
        %add3A_258 = arith.addi %mul3A_37, %mul3A_257 : i32
        %dma_start3A_259 = tpu.memref_slice %arg3[%add3A_258] : memref<322560xi32, #tpu.memory_space<hbm>> -> memref<80xi32, #tpu.memory_space<hbm>>
        %dma_start3A_260 = tpu.memref_slice %arg3[%add3A_258] : memref<322560xi32, #tpu.memory_space<hbm>> -> memref<80xi32, #tpu.memory_space<hbm>>
        tpu.enqueue_dma source(%dma_start3A_260 : memref<80xi32, #tpu.memory_space<hbm>>) target(%arg9 : memref<80xi32, #tpu.memory_space<vmem>>) target_semaphore(%arg25 : memref<!tpu.dma_semaphore, #tpu.memory_space<semaphore_mem>>)
        %dma_start3A_261 = tpu.memref_slice %arg4[%add3A_258] : memref<322560xi32, #tpu.memory_space<hbm>> -> memref<80xi32, #tpu.memory_space<hbm>>
        %dma_start3A_262 = tpu.memref_slice %arg4[%add3A_258] : memref<322560xi32, #tpu.memory_space<hbm>> -> memref<80xi32, #tpu.memory_space<hbm>>
        tpu.enqueue_dma source(%dma_start3A_262 : memref<80xi32, #tpu.memory_space<hbm>>) target(%arg13 : memref<80xi32, #tpu.memory_space<vmem>>) target_semaphore(%arg25 : memref<!tpu.dma_semaphore, #tpu.memory_space<semaphore_mem>>)
        %dma_start3A_263 = arith.constant 0 : i32
        %dma_start3A_264 = tpu.memref_slice %arg5[%add3A_258, %dma_start3A_263] : memref<322560x16xf32, #tpu.memory_space<hbm>> -> memref<80x16xf32, #tpu.memory_space<hbm>>
        %dma_start3A_265 = arith.constant 0 : i32
        %dma_start3A_266 = tpu.memref_slice %arg5[%add3A_258, %dma_start3A_265] : memref<322560x16xf32, #tpu.memory_space<hbm>> -> memref<80x16xf32, #tpu.memory_space<hbm>>
        tpu.enqueue_dma source(%dma_start3A_266 : memref<80x16xf32, #tpu.memory_space<hbm>>) target(%arg17 : memref<80x16xf32, #tpu.memory_space<vmem>>) target_semaphore(%arg25 : memref<!tpu.dma_semaphore, #tpu.memory_space<semaphore_mem>>)
      } else {
      }
      %mul3A_169 = arith.constant 4 : i32
      %mul3A_170 = arith.muli %mul3A_169, %scan3A_142 : i32
      %add3A_171 = arith.constant 1 : i32
      %add3A_172 = arith.addi %mul3A_170, %add3A_171 : i32
      %add3A_173 = arith.constant 2 : i32
      %add3A_174 = arith.addi %add3A_172, %add3A_173 : i32
      %lt3A_175 = arith.constant 252 : i32
      %lt3A_176 = arith.cmpi slt, %add3A_174, %lt3A_175 : i32
      %convert_element_type3A_177 = arith.extui %lt3A_176 : i1 to i32
      %cond3A_178 = arith.constant 0 : i32
      %cond3A_179 = arith.cmpi ne, %convert_element_type3A_177, %cond3A_178 : i32
      scf.if %cond3A_179 {
        %add3A_254 = arith.constant 2 : i32
        %add3A_255 = arith.addi %add3A_172, %add3A_254 : i32
        %mul3A_256 = arith.constant 80 : i32
        %mul3A_257 = arith.muli %add3A_255, %mul3A_256 : i32
        %add3A_258 = arith.addi %mul3A_37, %mul3A_257 : i32
        %dma_wait3A_259 = tpu.memref_slice %arg3[%add3A_258] : memref<322560xi32, #tpu.memory_space<hbm>> -> memref<80xi32, #tpu.memory_space<hbm>>
        %dma_wait3A_260 = tpu.memref_slice %arg3[%add3A_258] : memref<322560xi32, #tpu.memory_space<hbm>> -> memref<80xi32, #tpu.memory_space<hbm>>
        tpu.wait_dma2 semaphore(%arg28 : memref<!tpu.dma_semaphore, #tpu.memory_space<semaphore_mem>>) src(%dma_wait3A_260 : memref<80xi32, #tpu.memory_space<hbm>>) dst(%arg12 : memref<80xi32, #tpu.memory_space<vmem>>)
        %dma_wait3A_261 = tpu.memref_slice %arg4[%add3A_258] : memref<322560xi32, #tpu.memory_space<hbm>> -> memref<80xi32, #tpu.memory_space<hbm>>
        %dma_wait3A_262 = tpu.memref_slice %arg4[%add3A_258] : memref<322560xi32, #tpu.memory_space<hbm>> -> memref<80xi32, #tpu.memory_space<hbm>>
        tpu.wait_dma2 semaphore(%arg28 : memref<!tpu.dma_semaphore, #tpu.memory_space<semaphore_mem>>) src(%dma_wait3A_262 : memref<80xi32, #tpu.memory_space<hbm>>) dst(%arg16 : memref<80xi32, #tpu.memory_space<vmem>>)
        %dma_wait3A_263 = arith.constant 0 : i32
        %dma_wait3A_264 = tpu.memref_slice %arg5[%add3A_258, %dma_wait3A_263] : memref<322560x16xf32, #tpu.memory_space<hbm>> -> memref<80x16xf32, #tpu.memory_space<hbm>>
        %dma_wait3A_265 = arith.constant 0 : i32
        %dma_wait3A_266 = tpu.memref_slice %arg5[%add3A_258, %dma_wait3A_265] : memref<322560x16xf32, #tpu.memory_space<hbm>> -> memref<80x16xf32, #tpu.memory_space<hbm>>
        tpu.wait_dma2 semaphore(%arg28 : memref<!tpu.dma_semaphore, #tpu.memory_space<semaphore_mem>>) src(%dma_wait3A_266 : memref<80x16xf32, #tpu.memory_space<hbm>>) dst(%arg20 : memref<80x16xf32, #tpu.memory_space<vmem>>)
        %dma_start3A_267 = arith.constant 0 : i32
        %dma_start3A_268 = arith.constant 0 : i32
        %dma_start3A_269 = tpu.memref_slice %arg8[%dma_start3A_267, %dma_start3A_268] : memref<10240x64xf32, #tpu.memory_space<vmem_shared>> -> memref<10240x64xf32, #tpu.memory_space<vmem_shared>>
        tpu.enqueue_indirect_dma source(%dma_start3A_269 : memref<10240x64xf32, #tpu.memory_space<vmem_shared>>) target(%arg24 : memref<80x64xf32, #tpu.memory_space<vmem>>) offsets(%arg12 : memref<80xi32, #tpu.memory_space<vmem>>) semaphore(%arg32 : memref<!tpu.dma_semaphore, #tpu.memory_space<semaphore_mem>>)
      } else {
      }
      %dma_wait3A_180 = arith.constant 0 : i32
      %dma_wait3A_181 = arith.constant 0 : i32
      %dma_wait3A_182 = tpu.memref_slice %arg8[%dma_wait3A_180, %dma_wait3A_181] : memref<10240x64xf32, #tpu.memory_space<vmem_shared>> -> memref<10240x64xf32, #tpu.memory_space<vmem_shared>>
      tpu.wait_indirect_dma semaphore(%arg30 : memref<!tpu.dma_semaphore, #tpu.memory_space<semaphore_mem>>) src(%dma_wait3A_182 : memref<10240x64xf32, #tpu.memory_space<vmem_shared>>) dst(%arg22 : memref<80x64xf32, #tpu.memory_space<vmem>>)
      %scan3A_183 = arith.constant 0 : i32
      %scan3A_184 = arith.constant 0 : i32
      %scan3A_185 = arith.constant 80 : i32
      %scan3A_186 = arith.addi %scan3A_184, %scan3A_185 : i32
      %scan3A_187 = arith.constant 8 : i32
      %scan3A_188 = scf.for %scan3A_254 = %scan3A_184 to %scan3A_186 step %scan3A_187 iter_args(%scan3A_255 = %scan3A_183) -> (i32)  : i32 {
        %get3A = arith.index_cast %scan3A_254 : i32 to index
        %get3A_256 = arith.constant 0 : index
        %get3A_257 = tpu.vector_load %arg18[%get3A, %get3A_256] {strides = array<i32>} : memref<80x16xf32, #tpu.memory_space<vmem>>, vector<1x16xf32>,
        %get3A_258 = vector.shape_cast %get3A_257 : vector<1x16xf32> to vector<16xf32>
        %get3A_259 = arith.index_cast %scan3A_254 : i32 to index
        %get3A_260 = arith.constant 0 : index
        %get3A_261 = tpu.vector_load %arg22[%get3A_259, %get3A_260] {strides = array<i32>} : memref<80x64xf32, #tpu.memory_space<vmem>>, vector<1x16xf32>,
        %get3A_262 = vector.shape_cast %get3A_261 : vector<1x16xf32> to vector<16xf32>
        %mul3A_263 = arith.mulf %get3A_262, %get3A_258 : vector<16xf32>
        %swap3A = arith.index_cast %scan3A_254 : i32 to index
        %swap3A_264 = arith.constant 0 : index
        %swap3A_265 = tpu.vector_load %arg22[%swap3A, %swap3A_264] {strides = array<i32>} : memref<80x64xf32, #tpu.memory_space<vmem>>, vector<1x16xf32>,
        %swap3A_266 = vector.shape_cast %swap3A_265 : vector<1x16xf32> to vector<16xf32>
        %swap3A_267 = vector.shape_cast %mul3A_263 : vector<16xf32> to vector<1x16xf32>
        tpu.vector_store %arg22[%swap3A, %swap3A_264], %swap3A_267 {strides = array<i32>} : memref<80x64xf32, #tpu.memory_space<vmem>>, vector<1x16xf32>,
        %get3A_268 = arith.index_cast %scan3A_254 : i32 to index
        %get3A_269 = arith.constant 16 : index
        %get3A_270 = tpu.vector_load %arg22[%get3A_268, %get3A_269] {strides = array<i32>} : memref<80x64xf32, #tpu.memory_space<vmem>>, vector<1x16xf32>,
        %get3A_271 = vector.shape_cast %get3A_270 : vector<1x16xf32> to vector<16xf32>
        %mul3A_272 = arith.mulf %get3A_271, %get3A_258 : vector<16xf32>
        %swap3A_273 = arith.index_cast %scan3A_254 : i32 to index
        %swap3A_274 = arith.constant 16 : index
        %swap3A_275 = tpu.vector_load %arg22[%swap3A_273, %swap3A_274] {strides = array<i32>} : memref<80x64xf32, #tpu.memory_space<vmem>>, vector<1x16xf32>,
        %swap3A_276 = vector.shape_cast %swap3A_275 : vector<1x16xf32> to vector<16xf32>
        %swap3A_277 = vector.shape_cast %mul3A_272 : vector<16xf32> to vector<1x16xf32>
        tpu.vector_store %arg22[%swap3A_273, %swap3A_274], %swap3A_277 {strides = array<i32>} : memref<80x64xf32, #tpu.memory_space<vmem>>, vector<1x16xf32>,
        %get3A_278 = arith.index_cast %scan3A_254 : i32 to index
        %get3A_279 = arith.constant 32 : index
        %get3A_280 = tpu.vector_load %arg22[%get3A_278, %get3A_279] {strides = array<i32>} : memref<80x64xf32, #tpu.memory_space<vmem>>, vector<1x16xf32>,
        %get3A_281 = vector.shape_cast %get3A_280 : vector<1x16xf32> to vector<16xf32>
        %mul3A_282 = arith.mulf %get3A_281, %get3A_258 : vector<16xf32>
        %swap3A_283 = arith.index_cast %scan3A_254 : i32 to index
        %swap3A_284 = arith.constant 32 : index
        %swap3A_285 = tpu.vector_load %arg22[%swap3A_283, %swap3A_284] {strides = array<i32>} : memref<80x64xf32, #tpu.memory_space<vmem>>, vector<1x16xf32>,
        %swap3A_286 = vector.shape_cast %swap3A_285 : vector<1x16xf32> to vector<16xf32>
        %swap3A_287 = vector.shape_cast %mul3A_282 : vector<16xf32> to vector<1x16xf32>
        tpu.vector_store %arg22[%swap3A_283, %swap3A_284], %swap3A_287 {strides = array<i32>} : memref<80x64xf32, #tpu.memory_space<vmem>>, vector<1x16xf32>,
        %get3A_288 = arith.index_cast %scan3A_254 : i32 to index
        %get3A_289 = arith.constant 48 : index
        %get3A_290 = tpu.vector_load %arg22[%get3A_288, %get3A_289] {strides = array<i32>} : memref<80x64xf32, #tpu.memory_space<vmem>>, vector<1x16xf32>,
        %get3A_291 = vector.shape_cast %get3A_290 : vector<1x16xf32> to vector<16xf32>
        %mul3A_292 = arith.mulf %get3A_291, %get3A_258 : vector<16xf32>
        %swap3A_293 = arith.index_cast %scan3A_254 : i32 to index
        %swap3A_294 = arith.constant 48 : index
        %swap3A_295 = tpu.vector_load %arg22[%swap3A_293, %swap3A_294] {strides = array<i32>} : memref<80x64xf32, #tpu.memory_space<vmem>>, vector<1x16xf32>,
        %swap3A_296 = vector.shape_cast %swap3A_295 : vector<1x16xf32> to vector<16xf32>
        %swap3A_297 = vector.shape_cast %mul3A_292 : vector<16xf32> to vector<1x16xf32>
        tpu.vector_store %arg22[%swap3A_293, %swap3A_294], %swap3A_297 {strides = array<i32>} : memref<80x64xf32, #tpu.memory_space<vmem>>, vector<1x16xf32>,
        %scan3A_298 = arith.constant 0 : i32
        %scan3A_299 = arith.constant 1 : i32
        %scan3A_300 = arith.addi %scan3A_254, %scan3A_299 : i32
        %get3A_301 = arith.index_cast %scan3A_300 : i32 to index
        %get3A_302 = arith.constant 0 : index
        %get3A_303 = tpu.vector_load %arg18[%get3A_301, %get3A_302] {strides = array<i32>} : memref<80x16xf32, #tpu.memory_space<vmem>>, vector<1x16xf32>,
        %get3A_304 = vector.shape_cast %get3A_303 : vector<1x16xf32> to vector<16xf32>
        %get3A_305 = arith.index_cast %scan3A_300 : i32 to index
        %get3A_306 = arith.constant 0 : index
        %get3A_307 = tpu.vector_load %arg22[%get3A_305, %get3A_306] {strides = array<i32>} : memref<80x64xf32, #tpu.memory_space<vmem>>, vector<1x16xf32>,
        %get3A_308 = vector.shape_cast %get3A_307 : vector<1x16xf32> to vector<16xf32>
        %mul3A_309 = arith.mulf %get3A_308, %get3A_304 : vector<16xf32>
        %swap3A_310 = arith.index_cast %scan3A_300 : i32 to index
        %swap3A_311 = arith.constant 0 : index
        %swap3A_312 = tpu.vector_load %arg22[%swap3A_310, %swap3A_311] {strides = array<i32>} : memref<80x64xf32, #tpu.memory_space<vmem>>, vector<1x16xf32>,
        %swap3A_313 = vector.shape_cast %swap3A_312 : vector<1x16xf32> to vector<16xf32>
        %swap3A_314 = vector.shape_cast %mul3A_309 : vector<16xf32> to vector<1x16xf32>
        tpu.vector_store %arg22[%swap3A_310, %swap3A_311], %swap3A_314 {strides = array<i32>} : memref<80x64xf32, #tpu.memory_space<vmem>>, vector<1x16xf32>,
        %get3A_315 = arith.index_cast %scan3A_300 : i32 to index
        %get3A_316 = arith.constant 16 : index
        %get3A_317 = tpu.vector_load %arg22[%get3A_315, %get3A_316] {strides = array<i32>} : memref<80x64xf32, #tpu.memory_space<vmem>>, vector<1x16xf32>,
        %get3A_318 = vector.shape_cast %get3A_317 : vector<1x16xf32> to vector<16xf32>
        %mul3A_319 = arith.mulf %get3A_318, %get3A_304 : vector<16xf32>
        %swap3A_320 = arith.index_cast %scan3A_300 : i32 to index
        %swap3A_321 = arith.constant 16 : index
        %swap3A_322 = tpu.vector_load %arg22[%swap3A_320, %swap3A_321] {strides = array<i32>} : memref<80x64xf32, #tpu.memory_space<vmem>>, vector<1x16xf32>,
        %swap3A_323 = vector.shape_cast %swap3A_322 : vector<1x16xf32> to vector<16xf32>
        %swap3A_324 = vector.shape_cast %mul3A_319 : vector<16xf32> to vector<1x16xf32>
        tpu.vector_store %arg22[%swap3A_320, %swap3A_321], %swap3A_324 {strides = array<i32>} : memref<80x64xf32, #tpu.memory_space<vmem>>, vector<1x16xf32>,
        %get3A_325 = arith.index_cast %scan3A_300 : i32 to index
        %get3A_326 = arith.constant 32 : index
        %get3A_327 = tpu.vector_load %arg22[%get3A_325, %get3A_326] {strides = array<i32>} : memref<80x64xf32, #tpu.memory_space<vmem>>, vector<1x16xf32>,
        %get3A_328 = vector.shape_cast %get3A_327 : vector<1x16xf32> to vector<16xf32>
        %mul3A_329 = arith.mulf %get3A_328, %get3A_304 : vector<16xf32>
        %swap3A_330 = arith.index_cast %scan3A_300 : i32 to index
        %swap3A_331 = arith.constant 32 : index
        %swap3A_332 = tpu.vector_load %arg22[%swap3A_330, %swap3A_331] {strides = array<i32>} : memref<80x64xf32, #tpu.memory_space<vmem>>, vector<1x16xf32>,
        %swap3A_333 = vector.shape_cast %swap3A_332 : vector<1x16xf32> to vector<16xf32>
        %swap3A_334 = vector.shape_cast %mul3A_329 : vector<16xf32> to vector<1x16xf32>
        tpu.vector_store %arg22[%swap3A_330, %swap3A_331], %swap3A_334 {strides = array<i32>} : memref<80x64xf32, #tpu.memory_space<vmem>>, vector<1x16xf32>,
        %get3A_335 = arith.index_cast %scan3A_300 : i32 to index
        %get3A_336 = arith.constant 48 : index
        %get3A_337 = tpu.vector_load %arg22[%get3A_335, %get3A_336] {strides = array<i32>} : memref<80x64xf32, #tpu.memory_space<vmem>>, vector<1x16xf32>,
        %get3A_338 = vector.shape_cast %get3A_337 : vector<1x16xf32> to vector<16xf32>
        %mul3A_339 = arith.mulf %get3A_338, %get3A_304 : vector<16xf32>
        %swap3A_340 = arith.index_cast %scan3A_300 : i32 to index
        %swap3A_341 = arith.constant 48 : index
        %swap3A_342 = tpu.vector_load %arg22[%swap3A_340, %swap3A_341] {strides = array<i32>} : memref<80x64xf32, #tpu.memory_space<vmem>>, vector<1x16xf32>,
        %swap3A_343 = vector.shape_cast %swap3A_342 : vector<1x16xf32> to vector<16xf32>
        %swap3A_344 = vector.shape_cast %mul3A_339 : vector<16xf32> to vector<1x16xf32>
        tpu.vector_store %arg22[%swap3A_340, %swap3A_341], %swap3A_344 {strides = array<i32>} : memref<80x64xf32, #tpu.memory_space<vmem>>, vector<1x16xf32>,
        %scan3A_345 = arith.constant 0 : i32
        %scan3A_346 = arith.constant 2 : i32
        %scan3A_347 = arith.addi %scan3A_254, %scan3A_346 : i32
        %get3A_348 = arith.index_cast %scan3A_347 : i32 to index
        %get3A_349 = arith.constant 0 : index
        %get3A_350 = tpu.vector_load %arg18[%get3A_348, %get3A_349] {strides = array<i32>} : memref<80x16xf32, #tpu.memory_space<vmem>>, vector<1x16xf32>,
        %get3A_351 = vector.shape_cast %get3A_350 : vector<1x16xf32> to vector<16xf32>
        %get3A_352 = arith.index_cast %scan3A_347 : i32 to index
        %get3A_353 = arith.constant 0 : index
        %get3A_354 = tpu.vector_load %arg22[%get3A_352, %get3A_353] {strides = array<i32>} : memref<80x64xf32, #tpu.memory_space<vmem>>, vector<1x16xf32>,
        %get3A_355 = vector.shape_cast %get3A_354 : vector<1x16xf32> to vector<16xf32>
        %mul3A_356 = arith.mulf %get3A_355, %get3A_351 : vector<16xf32>
        %swap3A_357 = arith.index_cast %scan3A_347 : i32 to index
        %swap3A_358 = arith.constant 0 : index
        %swap3A_359 = tpu.vector_load %arg22[%swap3A_357, %swap3A_358] {strides = array<i32>} : memref<80x64xf32, #tpu.memory_space<vmem>>, vector<1x16xf32>,
        %swap3A_360 = vector.shape_cast %swap3A_359 : vector<1x16xf32> to vector<16xf32>
        %swap3A_361 = vector.shape_cast %mul3A_356 : vector<16xf32> to vector<1x16xf32>
        tpu.vector_store %arg22[%swap3A_357, %swap3A_358], %swap3A_361 {strides = array<i32>} : memref<80x64xf32, #tpu.memory_space<vmem>>, vector<1x16xf32>,
        %get3A_362 = arith.index_cast %scan3A_347 : i32 to index
        %get3A_363 = arith.constant 16 : index
        %get3A_364 = tpu.vector_load %arg22[%get3A_362, %get3A_363] {strides = array<i32>} : memref<80x64xf32, #tpu.memory_space<vmem>>, vector<1x16xf32>,
        %get3A_365 = vector.shape_cast %get3A_364 : vector<1x16xf32> to vector<16xf32>
        %mul3A_366 = arith.mulf %get3A_365, %get3A_351 : vector<16xf32>
        %swap3A_367 = arith.index_cast %scan3A_347 : i32 to index
        %swap3A_368 = arith.constant 16 : index
        %swap3A_369 = tpu.vector_load %arg22[%swap3A_367, %swap3A_368] {strides = array<i32>} : memref<80x64xf32, #tpu.memory_space<vmem>>, vector<1x16xf32>,
        %swap3A_370 = vector.shape_cast %swap3A_369 : vector<1x16xf32> to vector<16xf32>
        %swap3A_371 = vector.shape_cast %mul3A_366 : vector<16xf32> to vector<1x16xf32>
        tpu.vector_store %arg22[%swap3A_367, %swap3A_368], %swap3A_371 {strides = array<i32>} : memref<80x64xf32, #tpu.memory_space<vmem>>, vector<1x16xf32>,
        %get3A_372 = arith.index_cast %scan3A_347 : i32 to index
        %get3A_373 = arith.constant 32 : index
        %get3A_374 = tpu.vector_load %arg22[%get3A_372, %get3A_373] {strides = array<i32>} : memref<80x64xf32, #tpu.memory_space<vmem>>, vector<1x16xf32>,
        %get3A_375 = vector.shape_cast %get3A_374 : vector<1x16xf32> to vector<16xf32>
        %mul3A_376 = arith.mulf %get3A_375, %get3A_351 : vector<16xf32>
        %swap3A_377 = arith.index_cast %scan3A_347 : i32 to index
        %swap3A_378 = arith.constant 32 : index
        %swap3A_379 = tpu.vector_load %arg22[%swap3A_377, %swap3A_378] {strides = array<i32>} : memref<80x64xf32, #tpu.memory_space<vmem>>, vector<1x16xf32>,
        %swap3A_380 = vector.shape_cast %swap3A_379 : vector<1x16xf32> to vector<16xf32>
        %swap3A_381 = vector.shape_cast %mul3A_376 : vector<16xf32> to vector<1x16xf32>
        tpu.vector_store %arg22[%swap3A_377, %swap3A_378], %swap3A_381 {strides = array<i32>} : memref<80x64xf32, #tpu.memory_space<vmem>>, vector<1x16xf32>,
        %get3A_382 = arith.index_cast %scan3A_347 : i32 to index
        %get3A_383 = arith.constant 48 : index
        %get3A_384 = tpu.vector_load %arg22[%get3A_382, %get3A_383] {strides = array<i32>} : memref<80x64xf32, #tpu.memory_space<vmem>>, vector<1x16xf32>,
        %get3A_385 = vector.shape_cast %get3A_384 : vector<1x16xf32> to vector<16xf32>
        %mul3A_386 = arith.mulf %get3A_385, %get3A_351 : vector<16xf32>
        %swap3A_387 = arith.index_cast %scan3A_347 : i32 to index
        %swap3A_388 = arith.constant 48 : index
        %swap3A_389 = tpu.vector_load %arg22[%swap3A_387, %swap3A_388] {strides = array<i32>} : memref<80x64xf32, #tpu.memory_space<vmem>>, vector<1x16xf32>,
        %swap3A_390 = vector.shape_cast %swap3A_389 : vector<1x16xf32> to vector<16xf32>
        %swap3A_391 = vector.shape_cast %mul3A_386 : vector<16xf32> to vector<1x16xf32>
        tpu.vector_store %arg22[%swap3A_387, %swap3A_388], %swap3A_391 {strides = array<i32>} : memref<80x64xf32, #tpu.memory_space<vmem>>, vector<1x16xf32>,
        %scan3A_392 = arith.constant 0 : i32
        %scan3A_393 = arith.constant 3 : i32
        %scan3A_394 = arith.addi %scan3A_254, %scan3A_393 : i32
        %get3A_395 = arith.index_cast %scan3A_394 : i32 to index
        %get3A_396 = arith.constant 0 : index
        %get3A_397 = tpu.vector_load %arg18[%get3A_395, %get3A_396] {strides = array<i32>} : memref<80x16xf32, #tpu.memory_space<vmem>>, vector<1x16xf32>,
        %get3A_398 = vector.shape_cast %get3A_397 : vector<1x16xf32> to vector<16xf32>
        %get3A_399 = arith.index_cast %scan3A_394 : i32 to index
        %get3A_400 = arith.constant 0 : index
        %get3A_401 = tpu.vector_load %arg22[%get3A_399, %get3A_400] {strides = array<i32>} : memref<80x64xf32, #tpu.memory_space<vmem>>, vector<1x16xf32>,
        %get3A_402 = vector.shape_cast %get3A_401 : vector<1x16xf32> to vector<16xf32>
        %mul3A_403 = arith.mulf %get3A_402, %get3A_398 : vector<16xf32>
        %swap3A_404 = arith.index_cast %scan3A_394 : i32 to index
        %swap3A_405 = arith.constant 0 : index
        %swap3A_406 = tpu.vector_load %arg22[%swap3A_404, %swap3A_405] {strides = array<i32>} : memref<80x64xf32, #tpu.memory_space<vmem>>, vector<1x16xf32>,
        %swap3A_407 = vector.shape_cast %swap3A_406 : vector<1x16xf32> to vector<16xf32>
        %swap3A_408 = vector.shape_cast %mul3A_403 : vector<16xf32> to vector<1x16xf32>
        tpu.vector_store %arg22[%swap3A_404, %swap3A_405], %swap3A_408 {strides = array<i32>} : memref<80x64xf32, #tpu.memory_space<vmem>>, vector<1x16xf32>,
        %get3A_409 = arith.index_cast %scan3A_394 : i32 to index
        %get3A_410 = arith.constant 16 : index
        %get3A_411 = tpu.vector_load %arg22[%get3A_409, %get3A_410] {strides = array<i32>} : memref<80x64xf32, #tpu.memory_space<vmem>>, vector<1x16xf32>,
        %get3A_412 = vector.shape_cast %get3A_411 : vector<1x16xf32> to vector<16xf32>
        %mul3A_413 = arith.mulf %get3A_412, %get3A_398 : vector<16xf32>
        %swap3A_414 = arith.index_cast %scan3A_394 : i32 to index
        %swap3A_415 = arith.constant 16 : index
        %swap3A_416 = tpu.vector_load %arg22[%swap3A_414, %swap3A_415] {strides = array<i32>} : memref<80x64xf32, #tpu.memory_space<vmem>>, vector<1x16xf32>,
        %swap3A_417 = vector.shape_cast %swap3A_416 : vector<1x16xf32> to vector<16xf32>
        %swap3A_418 = vector.shape_cast %mul3A_413 : vector<16xf32> to vector<1x16xf32>
        tpu.vector_store %arg22[%swap3A_414, %swap3A_415], %swap3A_418 {strides = array<i32>} : memref<80x64xf32, #tpu.memory_space<vmem>>, vector<1x16xf32>,
        %get3A_419 = arith.index_cast %scan3A_394 : i32 to index
        %get3A_420 = arith.constant 32 : index
        %get3A_421 = tpu.vector_load %arg22[%get3A_419, %get3A_420] {strides = array<i32>} : memref<80x64xf32, #tpu.memory_space<vmem>>, vector<1x16xf32>,
        %get3A_422 = vector.shape_cast %get3A_421 : vector<1x16xf32> to vector<16xf32>
        %mul3A_423 = arith.mulf %get3A_422, %get3A_398 : vector<16xf32>
        %swap3A_424 = arith.index_cast %scan3A_394 : i32 to index
        %swap3A_425 = arith.constant 32 : index
        %swap3A_426 = tpu.vector_load %arg22[%swap3A_424, %swap3A_425] {strides = array<i32>} : memref<80x64xf32, #tpu.memory_space<vmem>>, vector<1x16xf32>,
        %swap3A_427 = vector.shape_cast %swap3A_426 : vector<1x16xf32> to vector<16xf32>
        %swap3A_428 = vector.shape_cast %mul3A_423 : vector<16xf32> to vector<1x16xf32>
        tpu.vector_store %arg22[%swap3A_424, %swap3A_425], %swap3A_428 {strides = array<i32>} : memref<80x64xf32, #tpu.memory_space<vmem>>, vector<1x16xf32>,
        %get3A_429 = arith.index_cast %scan3A_394 : i32 to index
        %get3A_430 = arith.constant 48 : index
        %get3A_431 = tpu.vector_load %arg22[%get3A_429, %get3A_430] {strides = array<i32>} : memref<80x64xf32, #tpu.memory_space<vmem>>, vector<1x16xf32>,
        %get3A_432 = vector.shape_cast %get3A_431 : vector<1x16xf32> to vector<16xf32>
        %mul3A_433 = arith.mulf %get3A_432, %get3A_398 : vector<16xf32>
        %swap3A_434 = arith.index_cast %scan3A_394 : i32 to index
        %swap3A_435 = arith.constant 48 : index
        %swap3A_436 = tpu.vector_load %arg22[%swap3A_434, %swap3A_435] {strides = array<i32>} : memref<80x64xf32, #tpu.memory_space<vmem>>, vector<1x16xf32>,
        %swap3A_437 = vector.shape_cast %swap3A_436 : vector<1x16xf32> to vector<16xf32>
        %swap3A_438 = vector.shape_cast %mul3A_433 : vector<16xf32> to vector<1x16xf32>
        tpu.vector_store %arg22[%swap3A_434, %swap3A_435], %swap3A_438 {strides = array<i32>} : memref<80x64xf32, #tpu.memory_space<vmem>>, vector<1x16xf32>,
        %scan3A_439 = arith.constant 0 : i32
        %scan3A_440 = arith.constant 4 : i32
        %scan3A_441 = arith.addi %scan3A_254, %scan3A_440 : i32
        %get3A_442 = arith.index_cast %scan3A_441 : i32 to index
        %get3A_443 = arith.constant 0 : index
        %get3A_444 = tpu.vector_load %arg18[%get3A_442, %get3A_443] {strides = array<i32>} : memref<80x16xf32, #tpu.memory_space<vmem>>, vector<1x16xf32>,
        %get3A_445 = vector.shape_cast %get3A_444 : vector<1x16xf32> to vector<16xf32>
        %get3A_446 = arith.index_cast %scan3A_441 : i32 to index
        %get3A_447 = arith.constant 0 : index
        %get3A_448 = tpu.vector_load %arg22[%get3A_446, %get3A_447] {strides = array<i32>} : memref<80x64xf32, #tpu.memory_space<vmem>>, vector<1x16xf32>,
        %get3A_449 = vector.shape_cast %get3A_448 : vector<1x16xf32> to vector<16xf32>
        %mul3A_450 = arith.mulf %get3A_449, %get3A_445 : vector<16xf32>
        %swap3A_451 = arith.index_cast %scan3A_441 : i32 to index
        %swap3A_452 = arith.constant 0 : index
        %swap3A_453 = tpu.vector_load %arg22[%swap3A_451, %swap3A_452] {strides = array<i32>} : memref<80x64xf32, #tpu.memory_space<vmem>>, vector<1x16xf32>,
        %swap3A_454 = vector.shape_cast %swap3A_453 : vector<1x16xf32> to vector<16xf32>
        %swap3A_455 = vector.shape_cast %mul3A_450 : vector<16xf32> to vector<1x16xf32>
        tpu.vector_store %arg22[%swap3A_451, %swap3A_452], %swap3A_455 {strides = array<i32>} : memref<80x64xf32, #tpu.memory_space<vmem>>, vector<1x16xf32>,
        %get3A_456 = arith.index_cast %scan3A_441 : i32 to index
        %get3A_457 = arith.constant 16 : index
        %get3A_458 = tpu.vector_load %arg22[%get3A_456, %get3A_457] {strides = array<i32>} : memref<80x64xf32, #tpu.memory_space<vmem>>, vector<1x16xf32>,
        %get3A_459 = vector.shape_cast %get3A_458 : vector<1x16xf32> to vector<16xf32>
        %mul3A_460 = arith.mulf %get3A_459, %get3A_445 : vector<16xf32>
        %swap3A_461 = arith.index_cast %scan3A_441 : i32 to index
        %swap3A_462 = arith.constant 16 : index
        %swap3A_463 = tpu.vector_load %arg22[%swap3A_461, %swap3A_462] {strides = array<i32>} : memref<80x64xf32, #tpu.memory_space<vmem>>, vector<1x16xf32>,
        %swap3A_464 = vector.shape_cast %swap3A_463 : vector<1x16xf32> to vector<16xf32>
        %swap3A_465 = vector.shape_cast %mul3A_460 : vector<16xf32> to vector<1x16xf32>
        tpu.vector_store %arg22[%swap3A_461, %swap3A_462], %swap3A_465 {strides = array<i32>} : memref<80x64xf32, #tpu.memory_space<vmem>>, vector<1x16xf32>,
        %get3A_466 = arith.index_cast %scan3A_441 : i32 to index
        %get3A_467 = arith.constant 32 : index
        %get3A_468 = tpu.vector_load %arg22[%get3A_466, %get3A_467] {strides = array<i32>} : memref<80x64xf32, #tpu.memory_space<vmem>>, vector<1x16xf32>,
        %get3A_469 = vector.shape_cast %get3A_468 : vector<1x16xf32> to vector<16xf32>
        %mul3A_470 = arith.mulf %get3A_469, %get3A_445 : vector<16xf32>
        %swap3A_471 = arith.index_cast %scan3A_441 : i32 to index
        %swap3A_472 = arith.constant 32 : index
        %swap3A_473 = tpu.vector_load %arg22[%swap3A_471, %swap3A_472] {strides = array<i32>} : memref<80x64xf32, #tpu.memory_space<vmem>>, vector<1x16xf32>,
        %swap3A_474 = vector.shape_cast %swap3A_473 : vector<1x16xf32> to vector<16xf32>
        %swap3A_475 = vector.shape_cast %mul3A_470 : vector<16xf32> to vector<1x16xf32>
        tpu.vector_store %arg22[%swap3A_471, %swap3A_472], %swap3A_475 {strides = array<i32>} : memref<80x64xf32, #tpu.memory_space<vmem>>, vector<1x16xf32>,
        %get3A_476 = arith.index_cast %scan3A_441 : i32 to index
        %get3A_477 = arith.constant 48 : index
        %get3A_478 = tpu.vector_load %arg22[%get3A_476, %get3A_477] {strides = array<i32>} : memref<80x64xf32, #tpu.memory_space<vmem>>, vector<1x16xf32>,
        %get3A_479 = vector.shape_cast %get3A_478 : vector<1x16xf32> to vector<16xf32>
        %mul3A_480 = arith.mulf %get3A_479, %get3A_445 : vector<16xf32>
        %swap3A_481 = arith.index_cast %scan3A_441 : i32 to index
        %swap3A_482 = arith.constant 48 : index
        %swap3A_483 = tpu.vector_load %arg22[%swap3A_481, %swap3A_482] {strides = array<i32>} : memref<80x64xf32, #tpu.memory_space<vmem>>, vector<1x16xf32>,
        %swap3A_484 = vector.shape_cast %swap3A_483 : vector<1x16xf32> to vector<16xf32>
        %swap3A_485 = vector.shape_cast %mul3A_480 : vector<16xf32> to vector<1x16xf32>
        tpu.vector_store %arg22[%swap3A_481, %swap3A_482], %swap3A_485 {strides = array<i32>} : memref<80x64xf32, #tpu.memory_space<vmem>>, vector<1x16xf32>,
        %scan3A_486 = arith.constant 0 : i32
        %scan3A_487 = arith.constant 5 : i32
        %scan3A_488 = arith.addi %scan3A_254, %scan3A_487 : i32
        %get3A_489 = arith.index_cast %scan3A_488 : i32 to index
        %get3A_490 = arith.constant 0 : index
        %get3A_491 = tpu.vector_load %arg18[%get3A_489, %get3A_490] {strides = array<i32>} : memref<80x16xf32, #tpu.memory_space<vmem>>, vector<1x16xf32>,
        %get3A_492 = vector.shape_cast %get3A_491 : vector<1x16xf32> to vector<16xf32>
        %get3A_493 = arith.index_cast %scan3A_488 : i32 to index
        %get3A_494 = arith.constant 0 : index
        %get3A_495 = tpu.vector_load %arg22[%get3A_493, %get3A_494] {strides = array<i32>} : memref<80x64xf32, #tpu.memory_space<vmem>>, vector<1x16xf32>,
        %get3A_496 = vector.shape_cast %get3A_495 : vector<1x16xf32> to vector<16xf32>
        %mul3A_497 = arith.mulf %get3A_496, %get3A_492 : vector<16xf32>
        %swap3A_498 = arith.index_cast %scan3A_488 : i32 to index
        %swap3A_499 = arith.constant 0 : index
        %swap3A_500 = tpu.vector_load %arg22[%swap3A_498, %swap3A_499] {strides = array<i32>} : memref<80x64xf32, #tpu.memory_space<vmem>>, vector<1x16xf32>,
        %swap3A_501 = vector.shape_cast %swap3A_500 : vector<1x16xf32> to vector<16xf32>
        %swap3A_502 = vector.shape_cast %mul3A_497 : vector<16xf32> to vector<1x16xf32>
        tpu.vector_store %arg22[%swap3A_498, %swap3A_499], %swap3A_502 {strides = array<i32>} : memref<80x64xf32, #tpu.memory_space<vmem>>, vector<1x16xf32>,
        %get3A_503 = arith.index_cast %scan3A_488 : i32 to index
        %get3A_504 = arith.constant 16 : index
        %get3A_505 = tpu.vector_load %arg22[%get3A_503, %get3A_504] {strides = array<i32>} : memref<80x64xf32, #tpu.memory_space<vmem>>, vector<1x16xf32>,
        %get3A_506 = vector.shape_cast %get3A_505 : vector<1x16xf32> to vector<16xf32>
        %mul3A_507 = arith.mulf %get3A_506, %get3A_492 : vector<16xf32>
        %swap3A_508 = arith.index_cast %scan3A_488 : i32 to index
        %swap3A_509 = arith.constant 16 : index
        %swap3A_510 = tpu.vector_load %arg22[%swap3A_508, %swap3A_509] {strides = array<i32>} : memref<80x64xf32, #tpu.memory_space<vmem>>, vector<1x16xf32>,
        %swap3A_511 = vector.shape_cast %swap3A_510 : vector<1x16xf32> to vector<16xf32>
        %swap3A_512 = vector.shape_cast %mul3A_507 : vector<16xf32> to vector<1x16xf32>
        tpu.vector_store %arg22[%swap3A_508, %swap3A_509], %swap3A_512 {strides = array<i32>} : memref<80x64xf32, #tpu.memory_space<vmem>>, vector<1x16xf32>,
        %get3A_513 = arith.index_cast %scan3A_488 : i32 to index
        %get3A_514 = arith.constant 32 : index
        %get3A_515 = tpu.vector_load %arg22[%get3A_513, %get3A_514] {strides = array<i32>} : memref<80x64xf32, #tpu.memory_space<vmem>>, vector<1x16xf32>,
        %get3A_516 = vector.shape_cast %get3A_515 : vector<1x16xf32> to vector<16xf32>
        %mul3A_517 = arith.mulf %get3A_516, %get3A_492 : vector<16xf32>
        %swap3A_518 = arith.index_cast %scan3A_488 : i32 to index
        %swap3A_519 = arith.constant 32 : index
        %swap3A_520 = tpu.vector_load %arg22[%swap3A_518, %swap3A_519] {strides = array<i32>} : memref<80x64xf32, #tpu.memory_space<vmem>>, vector<1x16xf32>,
        %swap3A_521 = vector.shape_cast %swap3A_520 : vector<1x16xf32> to vector<16xf32>
        %swap3A_522 = vector.shape_cast %mul3A_517 : vector<16xf32> to vector<1x16xf32>
        tpu.vector_store %arg22[%swap3A_518, %swap3A_519], %swap3A_522 {strides = array<i32>} : memref<80x64xf32, #tpu.memory_space<vmem>>, vector<1x16xf32>,
        %get3A_523 = arith.index_cast %scan3A_488 : i32 to index
        %get3A_524 = arith.constant 48 : index
        %get3A_525 = tpu.vector_load %arg22[%get3A_523, %get3A_524] {strides = array<i32>} : memref<80x64xf32, #tpu.memory_space<vmem>>, vector<1x16xf32>,
        %get3A_526 = vector.shape_cast %get3A_525 : vector<1x16xf32> to vector<16xf32>
        %mul3A_527 = arith.mulf %get3A_526, %get3A_492 : vector<16xf32>
        %swap3A_528 = arith.index_cast %scan3A_488 : i32 to index
        %swap3A_529 = arith.constant 48 : index
        %swap3A_530 = tpu.vector_load %arg22[%swap3A_528, %swap3A_529] {strides = array<i32>} : memref<80x64xf32, #tpu.memory_space<vmem>>, vector<1x16xf32>,
        %swap3A_531 = vector.shape_cast %swap3A_530 : vector<1x16xf32> to vector<16xf32>
        %swap3A_532 = vector.shape_cast %mul3A_527 : vector<16xf32> to vector<1x16xf32>
        tpu.vector_store %arg22[%swap3A_528, %swap3A_529], %swap3A_532 {strides = array<i32>} : memref<80x64xf32, #tpu.memory_space<vmem>>, vector<1x16xf32>,
        %scan3A_533 = arith.constant 0 : i32
        %scan3A_534 = arith.constant 6 : i32
        %scan3A_535 = arith.addi %scan3A_254, %scan3A_534 : i32
        %get3A_536 = arith.index_cast %scan3A_535 : i32 to index
        %get3A_537 = arith.constant 0 : index
        %get3A_538 = tpu.vector_load %arg18[%get3A_536, %get3A_537] {strides = array<i32>} : memref<80x16xf32, #tpu.memory_space<vmem>>, vector<1x16xf32>,
        %get3A_539 = vector.shape_cast %get3A_538 : vector<1x16xf32> to vector<16xf32>
        %get3A_540 = arith.index_cast %scan3A_535 : i32 to index
        %get3A_541 = arith.constant 0 : index
        %get3A_542 = tpu.vector_load %arg22[%get3A_540, %get3A_541] {strides = array<i32>} : memref<80x64xf32, #tpu.memory_space<vmem>>, vector<1x16xf32>,
        %get3A_543 = vector.shape_cast %get3A_542 : vector<1x16xf32> to vector<16xf32>
        %mul3A_544 = arith.mulf %get3A_543, %get3A_539 : vector<16xf32>
        %swap3A_545 = arith.index_cast %scan3A_535 : i32 to index
        %swap3A_546 = arith.constant 0 : index
        %swap3A_547 = tpu.vector_load %arg22[%swap3A_545, %swap3A_546] {strides = array<i32>} : memref<80x64xf32, #tpu.memory_space<vmem>>, vector<1x16xf32>,
        %swap3A_548 = vector.shape_cast %swap3A_547 : vector<1x16xf32> to vector<16xf32>
        %swap3A_549 = vector.shape_cast %mul3A_544 : vector<16xf32> to vector<1x16xf32>
        tpu.vector_store %arg22[%swap3A_545, %swap3A_546], %swap3A_549 {strides = array<i32>} : memref<80x64xf32, #tpu.memory_space<vmem>>, vector<1x16xf32>,
        %get3A_550 = arith.index_cast %scan3A_535 : i32 to index
        %get3A_551 = arith.constant 16 : index
        %get3A_552 = tpu.vector_load %arg22[%get3A_550, %get3A_551] {strides = array<i32>} : memref<80x64xf32, #tpu.memory_space<vmem>>, vector<1x16xf32>,
        %get3A_553 = vector.shape_cast %get3A_552 : vector<1x16xf32> to vector<16xf32>
        %mul3A_554 = arith.mulf %get3A_553, %get3A_539 : vector<16xf32>
        %swap3A_555 = arith.index_cast %scan3A_535 : i32 to index
        %swap3A_556 = arith.constant 16 : index
        %swap3A_557 = tpu.vector_load %arg22[%swap3A_555, %swap3A_556] {strides = array<i32>} : memref<80x64xf32, #tpu.memory_space<vmem>>, vector<1x16xf32>,
        %swap3A_558 = vector.shape_cast %swap3A_557 : vector<1x16xf32> to vector<16xf32>
        %swap3A_559 = vector.shape_cast %mul3A_554 : vector<16xf32> to vector<1x16xf32>
        tpu.vector_store %arg22[%swap3A_555, %swap3A_556], %swap3A_559 {strides = array<i32>} : memref<80x64xf32, #tpu.memory_space<vmem>>, vector<1x16xf32>,
        %get3A_560 = arith.index_cast %scan3A_535 : i32 to index
        %get3A_561 = arith.constant 32 : index
        %get3A_562 = tpu.vector_load %arg22[%get3A_560, %get3A_561] {strides = array<i32>} : memref<80x64xf32, #tpu.memory_space<vmem>>, vector<1x16xf32>,
        %get3A_563 = vector.shape_cast %get3A_562 : vector<1x16xf32> to vector<16xf32>
        %mul3A_564 = arith.mulf %get3A_563, %get3A_539 : vector<16xf32>
        %swap3A_565 = arith.index_cast %scan3A_535 : i32 to index
        %swap3A_566 = arith.constant 32 : index
        %swap3A_567 = tpu.vector_load %arg22[%swap3A_565, %swap3A_566] {strides = array<i32>} : memref<80x64xf32, #tpu.memory_space<vmem>>, vector<1x16xf32>,
        %swap3A_568 = vector.shape_cast %swap3A_567 : vector<1x16xf32> to vector<16xf32>
        %swap3A_569 = vector.shape_cast %mul3A_564 : vector<16xf32> to vector<1x16xf32>
        tpu.vector_store %arg22[%swap3A_565, %swap3A_566], %swap3A_569 {strides = array<i32>} : memref<80x64xf32, #tpu.memory_space<vmem>>, vector<1x16xf32>,
        %get3A_570 = arith.index_cast %scan3A_535 : i32 to index
        %get3A_571 = arith.constant 48 : index
        %get3A_572 = tpu.vector_load %arg22[%get3A_570, %get3A_571] {strides = array<i32>} : memref<80x64xf32, #tpu.memory_space<vmem>>, vector<1x16xf32>,
        %get3A_573 = vector.shape_cast %get3A_572 : vector<1x16xf32> to vector<16xf32>
        %mul3A_574 = arith.mulf %get3A_573, %get3A_539 : vector<16xf32>
        %swap3A_575 = arith.index_cast %scan3A_535 : i32 to index
        %swap3A_576 = arith.constant 48 : index
        %swap3A_577 = tpu.vector_load %arg22[%swap3A_575, %swap3A_576] {strides = array<i32>} : memref<80x64xf32, #tpu.memory_space<vmem>>, vector<1x16xf32>,
        %swap3A_578 = vector.shape_cast %swap3A_577 : vector<1x16xf32> to vector<16xf32>
        %swap3A_579 = vector.shape_cast %mul3A_574 : vector<16xf32> to vector<1x16xf32>
        tpu.vector_store %arg22[%swap3A_575, %swap3A_576], %swap3A_579 {strides = array<i32>} : memref<80x64xf32, #tpu.memory_space<vmem>>, vector<1x16xf32>,
        %scan3A_580 = arith.constant 0 : i32
        %scan3A_581 = arith.constant 7 : i32
        %scan3A_582 = arith.addi %scan3A_254, %scan3A_581 : i32
        %get3A_583 = arith.index_cast %scan3A_582 : i32 to index
        %get3A_584 = arith.constant 0 : index
        %get3A_585 = tpu.vector_load %arg18[%get3A_583, %get3A_584] {strides = array<i32>} : memref<80x16xf32, #tpu.memory_space<vmem>>, vector<1x16xf32>,
        %get3A_586 = vector.shape_cast %get3A_585 : vector<1x16xf32> to vector<16xf32>
        %get3A_587 = arith.index_cast %scan3A_582 : i32 to index
        %get3A_588 = arith.constant 0 : index
        %get3A_589 = tpu.vector_load %arg22[%get3A_587, %get3A_588] {strides = array<i32>} : memref<80x64xf32, #tpu.memory_space<vmem>>, vector<1x16xf32>,
        %get3A_590 = vector.shape_cast %get3A_589 : vector<1x16xf32> to vector<16xf32>
        %mul3A_591 = arith.mulf %get3A_590, %get3A_586 : vector<16xf32>
        %swap3A_592 = arith.index_cast %scan3A_582 : i32 to index
        %swap3A_593 = arith.constant 0 : index
        %swap3A_594 = tpu.vector_load %arg22[%swap3A_592, %swap3A_593] {strides = array<i32>} : memref<80x64xf32, #tpu.memory_space<vmem>>, vector<1x16xf32>,
        %swap3A_595 = vector.shape_cast %swap3A_594 : vector<1x16xf32> to vector<16xf32>
        %swap3A_596 = vector.shape_cast %mul3A_591 : vector<16xf32> to vector<1x16xf32>
        tpu.vector_store %arg22[%swap3A_592, %swap3A_593], %swap3A_596 {strides = array<i32>} : memref<80x64xf32, #tpu.memory_space<vmem>>, vector<1x16xf32>,
        %get3A_597 = arith.index_cast %scan3A_582 : i32 to index
        %get3A_598 = arith.constant 16 : index
        %get3A_599 = tpu.vector_load %arg22[%get3A_597, %get3A_598] {strides = array<i32>} : memref<80x64xf32, #tpu.memory_space<vmem>>, vector<1x16xf32>,
        %get3A_600 = vector.shape_cast %get3A_599 : vector<1x16xf32> to vector<16xf32>
        %mul3A_601 = arith.mulf %get3A_600, %get3A_586 : vector<16xf32>
        %swap3A_602 = arith.index_cast %scan3A_582 : i32 to index
        %swap3A_603 = arith.constant 16 : index
        %swap3A_604 = tpu.vector_load %arg22[%swap3A_602, %swap3A_603] {strides = array<i32>} : memref<80x64xf32, #tpu.memory_space<vmem>>, vector<1x16xf32>,
        %swap3A_605 = vector.shape_cast %swap3A_604 : vector<1x16xf32> to vector<16xf32>
        %swap3A_606 = vector.shape_cast %mul3A_601 : vector<16xf32> to vector<1x16xf32>
        tpu.vector_store %arg22[%swap3A_602, %swap3A_603], %swap3A_606 {strides = array<i32>} : memref<80x64xf32, #tpu.memory_space<vmem>>, vector<1x16xf32>,
        %get3A_607 = arith.index_cast %scan3A_582 : i32 to index
        %get3A_608 = arith.constant 32 : index
        %get3A_609 = tpu.vector_load %arg22[%get3A_607, %get3A_608] {strides = array<i32>} : memref<80x64xf32, #tpu.memory_space<vmem>>, vector<1x16xf32>,
        %get3A_610 = vector.shape_cast %get3A_609 : vector<1x16xf32> to vector<16xf32>
        %mul3A_611 = arith.mulf %get3A_610, %get3A_586 : vector<16xf32>
        %swap3A_612 = arith.index_cast %scan3A_582 : i32 to index
        %swap3A_613 = arith.constant 32 : index
        %swap3A_614 = tpu.vector_load %arg22[%swap3A_612, %swap3A_613] {strides = array<i32>} : memref<80x64xf32, #tpu.memory_space<vmem>>, vector<1x16xf32>,
        %swap3A_615 = vector.shape_cast %swap3A_614 : vector<1x16xf32> to vector<16xf32>
        %swap3A_616 = vector.shape_cast %mul3A_611 : vector<16xf32> to vector<1x16xf32>
        tpu.vector_store %arg22[%swap3A_612, %swap3A_613], %swap3A_616 {strides = array<i32>} : memref<80x64xf32, #tpu.memory_space<vmem>>, vector<1x16xf32>,
        %get3A_617 = arith.index_cast %scan3A_582 : i32 to index
        %get3A_618 = arith.constant 48 : index
        %get3A_619 = tpu.vector_load %arg22[%get3A_617, %get3A_618] {strides = array<i32>} : memref<80x64xf32, #tpu.memory_space<vmem>>, vector<1x16xf32>,
        %get3A_620 = vector.shape_cast %get3A_619 : vector<1x16xf32> to vector<16xf32>
        %mul3A_621 = arith.mulf %get3A_620, %get3A_586 : vector<16xf32>
        %swap3A_622 = arith.index_cast %scan3A_582 : i32 to index
        %swap3A_623 = arith.constant 48 : index
        %swap3A_624 = tpu.vector_load %arg22[%swap3A_622, %swap3A_623] {strides = array<i32>} : memref<80x64xf32, #tpu.memory_space<vmem>>, vector<1x16xf32>,
        %swap3A_625 = vector.shape_cast %swap3A_624 : vector<1x16xf32> to vector<16xf32>
        %swap3A_626 = vector.shape_cast %mul3A_621 : vector<16xf32> to vector<1x16xf32>
        tpu.vector_store %arg22[%swap3A_622, %swap3A_623], %swap3A_626 {strides = array<i32>} : memref<80x64xf32, #tpu.memory_space<vmem>>, vector<1x16xf32>,
        %scan3A_627 = arith.constant 0 : i32
        scf.yield %scan3A_627 : i32
      }
      %scan3A_189 = arith.constant 80 : i32
      "tpu.region"() ({
        %run_scoped3A = tpu.sem_alloc : memref<!tpu.dma_semaphore, #tpu.memory_space<semaphore_mem>>
        %dma_start3A_254 = arith.constant 0 : i32
        %dma_start3A_255 = arith.constant 0 : i32
        %dma_start3A_256 = tpu.memref_slice %arg7[%dma_start3A_254, %dma_start3A_255] : memref<10240x64xf32, #tpu.memory_space<vmem_shared>> -> memref<10240x64xf32, #tpu.memory_space<vmem_shared>>
        tpu.enqueue_indirect_dma source(%arg22 : memref<80x64xf32, #tpu.memory_space<vmem>>) target(%dma_start3A_256 : memref<10240x64xf32, #tpu.memory_space<vmem_shared>>) offsets(%arg14 : memref<80xi32, #tpu.memory_space<vmem>>) semaphore(%run_scoped3A : memref<!tpu.dma_semaphore, #tpu.memory_space<semaphore_mem>>) {add = true}
        %dma_wait3A_257 = arith.constant 0 : i32
        %dma_wait3A_258 = arith.constant 0 : i32
        %dma_wait3A_259 = tpu.memref_slice %arg7[%dma_wait3A_257, %dma_wait3A_258] : memref<10240x64xf32, #tpu.memory_space<vmem_shared>> -> memref<10240x64xf32, #tpu.memory_space<vmem_shared>>
        tpu.wait_indirect_dma semaphore(%run_scoped3A : memref<!tpu.dma_semaphore, #tpu.memory_space<semaphore_mem>>) src(%arg22 : memref<80x64xf32, #tpu.memory_space<vmem>>) dst(%dma_wait3A_259 : memref<10240x64xf32, #tpu.memory_space<vmem_shared>>)
        tpu.yield
      }) : () -> ()
      %add3A_190 = arith.constant 4 : i32
      %add3A_191 = arith.addi %add3A_172, %add3A_190 : i32
      %lt3A_192 = arith.constant 252 : i32
      %lt3A_193 = arith.cmpi slt, %add3A_191, %lt3A_192 : i32
      %convert_element_type3A_194 = arith.extui %lt3A_193 : i1 to i32
      %cond3A_195 = arith.constant 0 : i32
      %cond3A_196 = arith.cmpi ne, %convert_element_type3A_194, %cond3A_195 : i32
      scf.if %cond3A_196 {
        %add3A_254 = arith.constant 4 : i32
        %add3A_255 = arith.addi %add3A_172, %add3A_254 : i32
        %mul3A_256 = arith.constant 80 : i32
        %mul3A_257 = arith.muli %add3A_255, %mul3A_256 : i32
        %add3A_258 = arith.addi %mul3A_37, %mul3A_257 : i32
        %dma_start3A_259 = tpu.memref_slice %arg3[%add3A_258] : memref<322560xi32, #tpu.memory_space<hbm>> -> memref<80xi32, #tpu.memory_space<hbm>>
        %dma_start3A_260 = tpu.memref_slice %arg3[%add3A_258] : memref<322560xi32, #tpu.memory_space<hbm>> -> memref<80xi32, #tpu.memory_space<hbm>>
        tpu.enqueue_dma source(%dma_start3A_260 : memref<80xi32, #tpu.memory_space<hbm>>) target(%arg10 : memref<80xi32, #tpu.memory_space<vmem>>) target_semaphore(%arg26 : memref<!tpu.dma_semaphore, #tpu.memory_space<semaphore_mem>>)
        %dma_start3A_261 = tpu.memref_slice %arg4[%add3A_258] : memref<322560xi32, #tpu.memory_space<hbm>> -> memref<80xi32, #tpu.memory_space<hbm>>
        %dma_start3A_262 = tpu.memref_slice %arg4[%add3A_258] : memref<322560xi32, #tpu.memory_space<hbm>> -> memref<80xi32, #tpu.memory_space<hbm>>
        tpu.enqueue_dma source(%dma_start3A_262 : memref<80xi32, #tpu.memory_space<hbm>>) target(%arg14 : memref<80xi32, #tpu.memory_space<vmem>>) target_semaphore(%arg26 : memref<!tpu.dma_semaphore, #tpu.memory_space<semaphore_mem>>)
        %dma_start3A_263 = arith.constant 0 : i32
        %dma_start3A_264 = tpu.memref_slice %arg5[%add3A_258, %dma_start3A_263] : memref<322560x16xf32, #tpu.memory_space<hbm>> -> memref<80x16xf32, #tpu.memory_space<hbm>>
        %dma_start3A_265 = arith.constant 0 : i32
        %dma_start3A_266 = tpu.memref_slice %arg5[%add3A_258, %dma_start3A_265] : memref<322560x16xf32, #tpu.memory_space<hbm>> -> memref<80x16xf32, #tpu.memory_space<hbm>>
        tpu.enqueue_dma source(%dma_start3A_266 : memref<80x16xf32, #tpu.memory_space<hbm>>) target(%arg18 : memref<80x16xf32, #tpu.memory_space<vmem>>) target_semaphore(%arg26 : memref<!tpu.dma_semaphore, #tpu.memory_space<semaphore_mem>>)
      } else {
      }
      %mul3A_197 = arith.constant 4 : i32
      %mul3A_198 = arith.muli %mul3A_197, %scan3A_142 : i32
      %add3A_199 = arith.constant 2 : i32
      %add3A_200 = arith.addi %mul3A_198, %add3A_199 : i32
      %add3A_201 = arith.constant 2 : i32
      %add3A_202 = arith.addi %add3A_200, %add3A_201 : i32
      %lt3A_203 = arith.constant 252 : i32
      %lt3A_204 = arith.cmpi slt, %add3A_202, %lt3A_203 : i32
      %convert_element_type3A_205 = arith.extui %lt3A_204 : i1 to i32
      %cond3A_206 = arith.constant 0 : i32
      %cond3A_207 = arith.cmpi ne, %convert_element_type3A_205, %cond3A_206 : i32
      scf.if %cond3A_207 {
        %add3A_254 = arith.constant 2 : i32
        %add3A_255 = arith.addi %add3A_200, %add3A_254 : i32
        %mul3A_256 = arith.constant 80 : i32
        %mul3A_257 = arith.muli %add3A_255, %mul3A_256 : i32
        %add3A_258 = arith.addi %mul3A_37, %mul3A_257 : i32
        %dma_wait3A_259 = tpu.memref_slice %arg3[%add3A_258] : memref<322560xi32, #tpu.memory_space<hbm>> -> memref<80xi32, #tpu.memory_space<hbm>>
        %dma_wait3A_260 = tpu.memref_slice %arg3[%add3A_258] : memref<322560xi32, #tpu.memory_space<hbm>> -> memref<80xi32, #tpu.memory_space<hbm>>
        tpu.wait_dma2 semaphore(%arg25 : memref<!tpu.dma_semaphore, #tpu.memory_space<semaphore_mem>>) src(%dma_wait3A_260 : memref<80xi32, #tpu.memory_space<hbm>>) dst(%arg9 : memref<80xi32, #tpu.memory_space<vmem>>)
        %dma_wait3A_261 = tpu.memref_slice %arg4[%add3A_258] : memref<322560xi32, #tpu.memory_space<hbm>> -> memref<80xi32, #tpu.memory_space<hbm>>
        %dma_wait3A_262 = tpu.memref_slice %arg4[%add3A_258] : memref<322560xi32, #tpu.memory_space<hbm>> -> memref<80xi32, #tpu.memory_space<hbm>>
        tpu.wait_dma2 semaphore(%arg25 : memref<!tpu.dma_semaphore, #tpu.memory_space<semaphore_mem>>) src(%dma_wait3A_262 : memref<80xi32, #tpu.memory_space<hbm>>) dst(%arg13 : memref<80xi32, #tpu.memory_space<vmem>>)
        %dma_wait3A_263 = arith.constant 0 : i32
        %dma_wait3A_264 = tpu.memref_slice %arg5[%add3A_258, %dma_wait3A_263] : memref<322560x16xf32, #tpu.memory_space<hbm>> -> memref<80x16xf32, #tpu.memory_space<hbm>>
        %dma_wait3A_265 = arith.constant 0 : i32
        %dma_wait3A_266 = tpu.memref_slice %arg5[%add3A_258, %dma_wait3A_265] : memref<322560x16xf32, #tpu.memory_space<hbm>> -> memref<80x16xf32, #tpu.memory_space<hbm>>
        tpu.wait_dma2 semaphore(%arg25 : memref<!tpu.dma_semaphore, #tpu.memory_space<semaphore_mem>>) src(%dma_wait3A_266 : memref<80x16xf32, #tpu.memory_space<hbm>>) dst(%arg17 : memref<80x16xf32, #tpu.memory_space<vmem>>)
        %dma_start3A_267 = arith.constant 0 : i32
        %dma_start3A_268 = arith.constant 0 : i32
        %dma_start3A_269 = tpu.memref_slice %arg8[%dma_start3A_267, %dma_start3A_268] : memref<10240x64xf32, #tpu.memory_space<vmem_shared>> -> memref<10240x64xf32, #tpu.memory_space<vmem_shared>>
        tpu.enqueue_indirect_dma source(%dma_start3A_269 : memref<10240x64xf32, #tpu.memory_space<vmem_shared>>) target(%arg21 : memref<80x64xf32, #tpu.memory_space<vmem>>) offsets(%arg9 : memref<80xi32, #tpu.memory_space<vmem>>) semaphore(%arg29 : memref<!tpu.dma_semaphore, #tpu.memory_space<semaphore_mem>>)
      } else {
      }
      %dma_wait3A_208 = arith.constant 0 : i32
      %dma_wait3A_209 = arith.constant 0 : i32
      %dma_wait3A_210 = tpu.memref_slice %arg8[%dma_wait3A_208, %dma_wait3A_209] : memref<10240x64xf32, #tpu.memory_space<vmem_shared>> -> memref<10240x64xf32, #tpu.memory_space<vmem_shared>>
      tpu.wait_indirect_dma semaphore(%arg31 : memref<!tpu.dma_semaphore, #tpu.memory_space<semaphore_mem>>) src(%dma_wait3A_210 : memref<10240x64xf32, #tpu.memory_space<vmem_shared>>) dst(%arg23 : memref<80x64xf32, #tpu.memory_space<vmem>>)
      %scan3A_211 = arith.constant 0 : i32
      %scan3A_212 = arith.constant 0 : i32
      %scan3A_213 = arith.constant 80 : i32
      %scan3A_214 = arith.addi %scan3A_212, %scan3A_213 : i32
      %scan3A_215 = arith.constant 8 : i32
      %scan3A_216 = scf.for %scan3A_254 = %scan3A_212 to %scan3A_214 step %scan3A_215 iter_args(%scan3A_255 = %scan3A_211) -> (i32)  : i32 {
        %get3A = arith.index_cast %scan3A_254 : i32 to index
        %get3A_256 = arith.constant 0 : index
        %get3A_257 = tpu.vector_load %arg19[%get3A, %get3A_256] {strides = array<i32>} : memref<80x16xf32, #tpu.memory_space<vmem>>, vector<1x16xf32>,
        %get3A_258 = vector.shape_cast %get3A_257 : vector<1x16xf32> to vector<16xf32>
        %get3A_259 = arith.index_cast %scan3A_254 : i32 to index
        %get3A_260 = arith.constant 0 : index
        %get3A_261 = tpu.vector_load %arg23[%get3A_259, %get3A_260] {strides = array<i32>} : memref<80x64xf32, #tpu.memory_space<vmem>>, vector<1x16xf32>,
        %get3A_262 = vector.shape_cast %get3A_261 : vector<1x16xf32> to vector<16xf32>
        %mul3A_263 = arith.mulf %get3A_262, %get3A_258 : vector<16xf32>
        %swap3A = arith.index_cast %scan3A_254 : i32 to index
        %swap3A_264 = arith.constant 0 : index
        %swap3A_265 = tpu.vector_load %arg23[%swap3A, %swap3A_264] {strides = array<i32>} : memref<80x64xf32, #tpu.memory_space<vmem>>, vector<1x16xf32>,
        %swap3A_266 = vector.shape_cast %swap3A_265 : vector<1x16xf32> to vector<16xf32>
        %swap3A_267 = vector.shape_cast %mul3A_263 : vector<16xf32> to vector<1x16xf32>
        tpu.vector_store %arg23[%swap3A, %swap3A_264], %swap3A_267 {strides = array<i32>} : memref<80x64xf32, #tpu.memory_space<vmem>>, vector<1x16xf32>,
        %get3A_268 = arith.index_cast %scan3A_254 : i32 to index
        %get3A_269 = arith.constant 16 : index
        %get3A_270 = tpu.vector_load %arg23[%get3A_268, %get3A_269] {strides = array<i32>} : memref<80x64xf32, #tpu.memory_space<vmem>>, vector<1x16xf32>,
        %get3A_271 = vector.shape_cast %get3A_270 : vector<1x16xf32> to vector<16xf32>
        %mul3A_272 = arith.mulf %get3A_271, %get3A_258 : vector<16xf32>
        %swap3A_273 = arith.index_cast %scan3A_254 : i32 to index
        %swap3A_274 = arith.constant 16 : index
        %swap3A_275 = tpu.vector_load %arg23[%swap3A_273, %swap3A_274] {strides = array<i32>} : memref<80x64xf32, #tpu.memory_space<vmem>>, vector<1x16xf32>,
        %swap3A_276 = vector.shape_cast %swap3A_275 : vector<1x16xf32> to vector<16xf32>
        %swap3A_277 = vector.shape_cast %mul3A_272 : vector<16xf32> to vector<1x16xf32>
        tpu.vector_store %arg23[%swap3A_273, %swap3A_274], %swap3A_277 {strides = array<i32>} : memref<80x64xf32, #tpu.memory_space<vmem>>, vector<1x16xf32>,
        %get3A_278 = arith.index_cast %scan3A_254 : i32 to index
        %get3A_279 = arith.constant 32 : index
        %get3A_280 = tpu.vector_load %arg23[%get3A_278, %get3A_279] {strides = array<i32>} : memref<80x64xf32, #tpu.memory_space<vmem>>, vector<1x16xf32>,
        %get3A_281 = vector.shape_cast %get3A_280 : vector<1x16xf32> to vector<16xf32>
        %mul3A_282 = arith.mulf %get3A_281, %get3A_258 : vector<16xf32>
        %swap3A_283 = arith.index_cast %scan3A_254 : i32 to index
        %swap3A_284 = arith.constant 32 : index
        %swap3A_285 = tpu.vector_load %arg23[%swap3A_283, %swap3A_284] {strides = array<i32>} : memref<80x64xf32, #tpu.memory_space<vmem>>, vector<1x16xf32>,
        %swap3A_286 = vector.shape_cast %swap3A_285 : vector<1x16xf32> to vector<16xf32>
        %swap3A_287 = vector.shape_cast %mul3A_282 : vector<16xf32> to vector<1x16xf32>
        tpu.vector_store %arg23[%swap3A_283, %swap3A_284], %swap3A_287 {strides = array<i32>} : memref<80x64xf32, #tpu.memory_space<vmem>>, vector<1x16xf32>,
        %get3A_288 = arith.index_cast %scan3A_254 : i32 to index
        %get3A_289 = arith.constant 48 : index
        %get3A_290 = tpu.vector_load %arg23[%get3A_288, %get3A_289] {strides = array<i32>} : memref<80x64xf32, #tpu.memory_space<vmem>>, vector<1x16xf32>,
        %get3A_291 = vector.shape_cast %get3A_290 : vector<1x16xf32> to vector<16xf32>
        %mul3A_292 = arith.mulf %get3A_291, %get3A_258 : vector<16xf32>
        %swap3A_293 = arith.index_cast %scan3A_254 : i32 to index
        %swap3A_294 = arith.constant 48 : index
        %swap3A_295 = tpu.vector_load %arg23[%swap3A_293, %swap3A_294] {strides = array<i32>} : memref<80x64xf32, #tpu.memory_space<vmem>>, vector<1x16xf32>,
        %swap3A_296 = vector.shape_cast %swap3A_295 : vector<1x16xf32> to vector<16xf32>
        %swap3A_297 = vector.shape_cast %mul3A_292 : vector<16xf32> to vector<1x16xf32>
        tpu.vector_store %arg23[%swap3A_293, %swap3A_294], %swap3A_297 {strides = array<i32>} : memref<80x64xf32, #tpu.memory_space<vmem>>, vector<1x16xf32>,
        %scan3A_298 = arith.constant 0 : i32
        %scan3A_299 = arith.constant 1 : i32
        %scan3A_300 = arith.addi %scan3A_254, %scan3A_299 : i32
        %get3A_301 = arith.index_cast %scan3A_300 : i32 to index
        %get3A_302 = arith.constant 0 : index
        %get3A_303 = tpu.vector_load %arg19[%get3A_301, %get3A_302] {strides = array<i32>} : memref<80x16xf32, #tpu.memory_space<vmem>>, vector<1x16xf32>,
        %get3A_304 = vector.shape_cast %get3A_303 : vector<1x16xf32> to vector<16xf32>
        %get3A_305 = arith.index_cast %scan3A_300 : i32 to index
        %get3A_306 = arith.constant 0 : index
        %get3A_307 = tpu.vector_load %arg23[%get3A_305, %get3A_306] {strides = array<i32>} : memref<80x64xf32, #tpu.memory_space<vmem>>, vector<1x16xf32>,
        %get3A_308 = vector.shape_cast %get3A_307 : vector<1x16xf32> to vector<16xf32>
        %mul3A_309 = arith.mulf %get3A_308, %get3A_304 : vector<16xf32>
        %swap3A_310 = arith.index_cast %scan3A_300 : i32 to index
        %swap3A_311 = arith.constant 0 : index
        %swap3A_312 = tpu.vector_load %arg23[%swap3A_310, %swap3A_311] {strides = array<i32>} : memref<80x64xf32, #tpu.memory_space<vmem>>, vector<1x16xf32>,
        %swap3A_313 = vector.shape_cast %swap3A_312 : vector<1x16xf32> to vector<16xf32>
        %swap3A_314 = vector.shape_cast %mul3A_309 : vector<16xf32> to vector<1x16xf32>
        tpu.vector_store %arg23[%swap3A_310, %swap3A_311], %swap3A_314 {strides = array<i32>} : memref<80x64xf32, #tpu.memory_space<vmem>>, vector<1x16xf32>,
        %get3A_315 = arith.index_cast %scan3A_300 : i32 to index
        %get3A_316 = arith.constant 16 : index
        %get3A_317 = tpu.vector_load %arg23[%get3A_315, %get3A_316] {strides = array<i32>} : memref<80x64xf32, #tpu.memory_space<vmem>>, vector<1x16xf32>,
        %get3A_318 = vector.shape_cast %get3A_317 : vector<1x16xf32> to vector<16xf32>
        %mul3A_319 = arith.mulf %get3A_318, %get3A_304 : vector<16xf32>
        %swap3A_320 = arith.index_cast %scan3A_300 : i32 to index
        %swap3A_321 = arith.constant 16 : index
        %swap3A_322 = tpu.vector_load %arg23[%swap3A_320, %swap3A_321] {strides = array<i32>} : memref<80x64xf32, #tpu.memory_space<vmem>>, vector<1x16xf32>,
        %swap3A_323 = vector.shape_cast %swap3A_322 : vector<1x16xf32> to vector<16xf32>
        %swap3A_324 = vector.shape_cast %mul3A_319 : vector<16xf32> to vector<1x16xf32>
        tpu.vector_store %arg23[%swap3A_320, %swap3A_321], %swap3A_324 {strides = array<i32>} : memref<80x64xf32, #tpu.memory_space<vmem>>, vector<1x16xf32>,
        %get3A_325 = arith.index_cast %scan3A_300 : i32 to index
        %get3A_326 = arith.constant 32 : index
        %get3A_327 = tpu.vector_load %arg23[%get3A_325, %get3A_326] {strides = array<i32>} : memref<80x64xf32, #tpu.memory_space<vmem>>, vector<1x16xf32>,
        %get3A_328 = vector.shape_cast %get3A_327 : vector<1x16xf32> to vector<16xf32>
        %mul3A_329 = arith.mulf %get3A_328, %get3A_304 : vector<16xf32>
        %swap3A_330 = arith.index_cast %scan3A_300 : i32 to index
        %swap3A_331 = arith.constant 32 : index
        %swap3A_332 = tpu.vector_load %arg23[%swap3A_330, %swap3A_331] {strides = array<i32>} : memref<80x64xf32, #tpu.memory_space<vmem>>, vector<1x16xf32>,
        %swap3A_333 = vector.shape_cast %swap3A_332 : vector<1x16xf32> to vector<16xf32>
        %swap3A_334 = vector.shape_cast %mul3A_329 : vector<16xf32> to vector<1x16xf32>
        tpu.vector_store %arg23[%swap3A_330, %swap3A_331], %swap3A_334 {strides = array<i32>} : memref<80x64xf32, #tpu.memory_space<vmem>>, vector<1x16xf32>,
        %get3A_335 = arith.index_cast %scan3A_300 : i32 to index
        %get3A_336 = arith.constant 48 : index
        %get3A_337 = tpu.vector_load %arg23[%get3A_335, %get3A_336] {strides = array<i32>} : memref<80x64xf32, #tpu.memory_space<vmem>>, vector<1x16xf32>,
        %get3A_338 = vector.shape_cast %get3A_337 : vector<1x16xf32> to vector<16xf32>
        %mul3A_339 = arith.mulf %get3A_338, %get3A_304 : vector<16xf32>
        %swap3A_340 = arith.index_cast %scan3A_300 : i32 to index
        %swap3A_341 = arith.constant 48 : index
        %swap3A_342 = tpu.vector_load %arg23[%swap3A_340, %swap3A_341] {strides = array<i32>} : memref<80x64xf32, #tpu.memory_space<vmem>>, vector<1x16xf32>,
        %swap3A_343 = vector.shape_cast %swap3A_342 : vector<1x16xf32> to vector<16xf32>
        %swap3A_344 = vector.shape_cast %mul3A_339 : vector<16xf32> to vector<1x16xf32>
        tpu.vector_store %arg23[%swap3A_340, %swap3A_341], %swap3A_344 {strides = array<i32>} : memref<80x64xf32, #tpu.memory_space<vmem>>, vector<1x16xf32>,
        %scan3A_345 = arith.constant 0 : i32
        %scan3A_346 = arith.constant 2 : i32
        %scan3A_347 = arith.addi %scan3A_254, %scan3A_346 : i32
        %get3A_348 = arith.index_cast %scan3A_347 : i32 to index
        %get3A_349 = arith.constant 0 : index
        %get3A_350 = tpu.vector_load %arg19[%get3A_348, %get3A_349] {strides = array<i32>} : memref<80x16xf32, #tpu.memory_space<vmem>>, vector<1x16xf32>,
        %get3A_351 = vector.shape_cast %get3A_350 : vector<1x16xf32> to vector<16xf32>
        %get3A_352 = arith.index_cast %scan3A_347 : i32 to index
        %get3A_353 = arith.constant 0 : index
        %get3A_354 = tpu.vector_load %arg23[%get3A_352, %get3A_353] {strides = array<i32>} : memref<80x64xf32, #tpu.memory_space<vmem>>, vector<1x16xf32>,
        %get3A_355 = vector.shape_cast %get3A_354 : vector<1x16xf32> to vector<16xf32>
        %mul3A_356 = arith.mulf %get3A_355, %get3A_351 : vector<16xf32>
        %swap3A_357 = arith.index_cast %scan3A_347 : i32 to index
        %swap3A_358 = arith.constant 0 : index
        %swap3A_359 = tpu.vector_load %arg23[%swap3A_357, %swap3A_358] {strides = array<i32>} : memref<80x64xf32, #tpu.memory_space<vmem>>, vector<1x16xf32>,
        %swap3A_360 = vector.shape_cast %swap3A_359 : vector<1x16xf32> to vector<16xf32>
        %swap3A_361 = vector.shape_cast %mul3A_356 : vector<16xf32> to vector<1x16xf32>
        tpu.vector_store %arg23[%swap3A_357, %swap3A_358], %swap3A_361 {strides = array<i32>} : memref<80x64xf32, #tpu.memory_space<vmem>>, vector<1x16xf32>,
        %get3A_362 = arith.index_cast %scan3A_347 : i32 to index
        %get3A_363 = arith.constant 16 : index
        %get3A_364 = tpu.vector_load %arg23[%get3A_362, %get3A_363] {strides = array<i32>} : memref<80x64xf32, #tpu.memory_space<vmem>>, vector<1x16xf32>,
        %get3A_365 = vector.shape_cast %get3A_364 : vector<1x16xf32> to vector<16xf32>
        %mul3A_366 = arith.mulf %get3A_365, %get3A_351 : vector<16xf32>
        %swap3A_367 = arith.index_cast %scan3A_347 : i32 to index
        %swap3A_368 = arith.constant 16 : index
        %swap3A_369 = tpu.vector_load %arg23[%swap3A_367, %swap3A_368] {strides = array<i32>} : memref<80x64xf32, #tpu.memory_space<vmem>>, vector<1x16xf32>,
        %swap3A_370 = vector.shape_cast %swap3A_369 : vector<1x16xf32> to vector<16xf32>
        %swap3A_371 = vector.shape_cast %mul3A_366 : vector<16xf32> to vector<1x16xf32>
        tpu.vector_store %arg23[%swap3A_367, %swap3A_368], %swap3A_371 {strides = array<i32>} : memref<80x64xf32, #tpu.memory_space<vmem>>, vector<1x16xf32>,
        %get3A_372 = arith.index_cast %scan3A_347 : i32 to index
        %get3A_373 = arith.constant 32 : index
        %get3A_374 = tpu.vector_load %arg23[%get3A_372, %get3A_373] {strides = array<i32>} : memref<80x64xf32, #tpu.memory_space<vmem>>, vector<1x16xf32>,
        %get3A_375 = vector.shape_cast %get3A_374 : vector<1x16xf32> to vector<16xf32>
        %mul3A_376 = arith.mulf %get3A_375, %get3A_351 : vector<16xf32>
        %swap3A_377 = arith.index_cast %scan3A_347 : i32 to index
        %swap3A_378 = arith.constant 32 : index
        %swap3A_379 = tpu.vector_load %arg23[%swap3A_377, %swap3A_378] {strides = array<i32>} : memref<80x64xf32, #tpu.memory_space<vmem>>, vector<1x16xf32>,
        %swap3A_380 = vector.shape_cast %swap3A_379 : vector<1x16xf32> to vector<16xf32>
        %swap3A_381 = vector.shape_cast %mul3A_376 : vector<16xf32> to vector<1x16xf32>
        tpu.vector_store %arg23[%swap3A_377, %swap3A_378], %swap3A_381 {strides = array<i32>} : memref<80x64xf32, #tpu.memory_space<vmem>>, vector<1x16xf32>,
        %get3A_382 = arith.index_cast %scan3A_347 : i32 to index
        %get3A_383 = arith.constant 48 : index
        %get3A_384 = tpu.vector_load %arg23[%get3A_382, %get3A_383] {strides = array<i32>} : memref<80x64xf32, #tpu.memory_space<vmem>>, vector<1x16xf32>,
        %get3A_385 = vector.shape_cast %get3A_384 : vector<1x16xf32> to vector<16xf32>
        %mul3A_386 = arith.mulf %get3A_385, %get3A_351 : vector<16xf32>
        %swap3A_387 = arith.index_cast %scan3A_347 : i32 to index
        %swap3A_388 = arith.constant 48 : index
        %swap3A_389 = tpu.vector_load %arg23[%swap3A_387, %swap3A_388] {strides = array<i32>} : memref<80x64xf32, #tpu.memory_space<vmem>>, vector<1x16xf32>,
        %swap3A_390 = vector.shape_cast %swap3A_389 : vector<1x16xf32> to vector<16xf32>
        %swap3A_391 = vector.shape_cast %mul3A_386 : vector<16xf32> to vector<1x16xf32>
        tpu.vector_store %arg23[%swap3A_387, %swap3A_388], %swap3A_391 {strides = array<i32>} : memref<80x64xf32, #tpu.memory_space<vmem>>, vector<1x16xf32>,
        %scan3A_392 = arith.constant 0 : i32
        %scan3A_393 = arith.constant 3 : i32
        %scan3A_394 = arith.addi %scan3A_254, %scan3A_393 : i32
        %get3A_395 = arith.index_cast %scan3A_394 : i32 to index
        %get3A_396 = arith.constant 0 : index
        %get3A_397 = tpu.vector_load %arg19[%get3A_395, %get3A_396] {strides = array<i32>} : memref<80x16xf32, #tpu.memory_space<vmem>>, vector<1x16xf32>,
        %get3A_398 = vector.shape_cast %get3A_397 : vector<1x16xf32> to vector<16xf32>
        %get3A_399 = arith.index_cast %scan3A_394 : i32 to index
        %get3A_400 = arith.constant 0 : index
        %get3A_401 = tpu.vector_load %arg23[%get3A_399, %get3A_400] {strides = array<i32>} : memref<80x64xf32, #tpu.memory_space<vmem>>, vector<1x16xf32>,
        %get3A_402 = vector.shape_cast %get3A_401 : vector<1x16xf32> to vector<16xf32>
        %mul3A_403 = arith.mulf %get3A_402, %get3A_398 : vector<16xf32>
        %swap3A_404 = arith.index_cast %scan3A_394 : i32 to index
        %swap3A_405 = arith.constant 0 : index
        %swap3A_406 = tpu.vector_load %arg23[%swap3A_404, %swap3A_405] {strides = array<i32>} : memref<80x64xf32, #tpu.memory_space<vmem>>, vector<1x16xf32>,
        %swap3A_407 = vector.shape_cast %swap3A_406 : vector<1x16xf32> to vector<16xf32>
        %swap3A_408 = vector.shape_cast %mul3A_403 : vector<16xf32> to vector<1x16xf32>
        tpu.vector_store %arg23[%swap3A_404, %swap3A_405], %swap3A_408 {strides = array<i32>} : memref<80x64xf32, #tpu.memory_space<vmem>>, vector<1x16xf32>,
        %get3A_409 = arith.index_cast %scan3A_394 : i32 to index
        %get3A_410 = arith.constant 16 : index
        %get3A_411 = tpu.vector_load %arg23[%get3A_409, %get3A_410] {strides = array<i32>} : memref<80x64xf32, #tpu.memory_space<vmem>>, vector<1x16xf32>,
        %get3A_412 = vector.shape_cast %get3A_411 : vector<1x16xf32> to vector<16xf32>
        %mul3A_413 = arith.mulf %get3A_412, %get3A_398 : vector<16xf32>
        %swap3A_414 = arith.index_cast %scan3A_394 : i32 to index
        %swap3A_415 = arith.constant 16 : index
        %swap3A_416 = tpu.vector_load %arg23[%swap3A_414, %swap3A_415] {strides = array<i32>} : memref<80x64xf32, #tpu.memory_space<vmem>>, vector<1x16xf32>,
        %swap3A_417 = vector.shape_cast %swap3A_416 : vector<1x16xf32> to vector<16xf32>
        %swap3A_418 = vector.shape_cast %mul3A_413 : vector<16xf32> to vector<1x16xf32>
        tpu.vector_store %arg23[%swap3A_414, %swap3A_415], %swap3A_418 {strides = array<i32>} : memref<80x64xf32, #tpu.memory_space<vmem>>, vector<1x16xf32>,
        %get3A_419 = arith.index_cast %scan3A_394 : i32 to index
        %get3A_420 = arith.constant 32 : index
        %get3A_421 = tpu.vector_load %arg23[%get3A_419, %get3A_420] {strides = array<i32>} : memref<80x64xf32, #tpu.memory_space<vmem>>, vector<1x16xf32>,
        %get3A_422 = vector.shape_cast %get3A_421 : vector<1x16xf32> to vector<16xf32>
        %mul3A_423 = arith.mulf %get3A_422, %get3A_398 : vector<16xf32>
        %swap3A_424 = arith.index_cast %scan3A_394 : i32 to index
        %swap3A_425 = arith.constant 32 : index
        %swap3A_426 = tpu.vector_load %arg23[%swap3A_424, %swap3A_425] {strides = array<i32>} : memref<80x64xf32, #tpu.memory_space<vmem>>, vector<1x16xf32>,
        %swap3A_427 = vector.shape_cast %swap3A_426 : vector<1x16xf32> to vector<16xf32>
        %swap3A_428 = vector.shape_cast %mul3A_423 : vector<16xf32> to vector<1x16xf32>
        tpu.vector_store %arg23[%swap3A_424, %swap3A_425], %swap3A_428 {strides = array<i32>} : memref<80x64xf32, #tpu.memory_space<vmem>>, vector<1x16xf32>,
        %get3A_429 = arith.index_cast %scan3A_394 : i32 to index
        %get3A_430 = arith.constant 48 : index
        %get3A_431 = tpu.vector_load %arg23[%get3A_429, %get3A_430] {strides = array<i32>} : memref<80x64xf32, #tpu.memory_space<vmem>>, vector<1x16xf32>,
        %get3A_432 = vector.shape_cast %get3A_431 : vector<1x16xf32> to vector<16xf32>
        %mul3A_433 = arith.mulf %get3A_432, %get3A_398 : vector<16xf32>
        %swap3A_434 = arith.index_cast %scan3A_394 : i32 to index
        %swap3A_435 = arith.constant 48 : index
        %swap3A_436 = tpu.vector_load %arg23[%swap3A_434, %swap3A_435] {strides = array<i32>} : memref<80x64xf32, #tpu.memory_space<vmem>>, vector<1x16xf32>,
        %swap3A_437 = vector.shape_cast %swap3A_436 : vector<1x16xf32> to vector<16xf32>
        %swap3A_438 = vector.shape_cast %mul3A_433 : vector<16xf32> to vector<1x16xf32>
        tpu.vector_store %arg23[%swap3A_434, %swap3A_435], %swap3A_438 {strides = array<i32>} : memref<80x64xf32, #tpu.memory_space<vmem>>, vector<1x16xf32>,
        %scan3A_439 = arith.constant 0 : i32
        %scan3A_440 = arith.constant 4 : i32
        %scan3A_441 = arith.addi %scan3A_254, %scan3A_440 : i32
        %get3A_442 = arith.index_cast %scan3A_441 : i32 to index
        %get3A_443 = arith.constant 0 : index
        %get3A_444 = tpu.vector_load %arg19[%get3A_442, %get3A_443] {strides = array<i32>} : memref<80x16xf32, #tpu.memory_space<vmem>>, vector<1x16xf32>,
        %get3A_445 = vector.shape_cast %get3A_444 : vector<1x16xf32> to vector<16xf32>
        %get3A_446 = arith.index_cast %scan3A_441 : i32 to index
        %get3A_447 = arith.constant 0 : index
        %get3A_448 = tpu.vector_load %arg23[%get3A_446, %get3A_447] {strides = array<i32>} : memref<80x64xf32, #tpu.memory_space<vmem>>, vector<1x16xf32>,
        %get3A_449 = vector.shape_cast %get3A_448 : vector<1x16xf32> to vector<16xf32>
        %mul3A_450 = arith.mulf %get3A_449, %get3A_445 : vector<16xf32>
        %swap3A_451 = arith.index_cast %scan3A_441 : i32 to index
        %swap3A_452 = arith.constant 0 : index
        %swap3A_453 = tpu.vector_load %arg23[%swap3A_451, %swap3A_452] {strides = array<i32>} : memref<80x64xf32, #tpu.memory_space<vmem>>, vector<1x16xf32>,
        %swap3A_454 = vector.shape_cast %swap3A_453 : vector<1x16xf32> to vector<16xf32>
        %swap3A_455 = vector.shape_cast %mul3A_450 : vector<16xf32> to vector<1x16xf32>
        tpu.vector_store %arg23[%swap3A_451, %swap3A_452], %swap3A_455 {strides = array<i32>} : memref<80x64xf32, #tpu.memory_space<vmem>>, vector<1x16xf32>,
        %get3A_456 = arith.index_cast %scan3A_441 : i32 to index
        %get3A_457 = arith.constant 16 : index
        %get3A_458 = tpu.vector_load %arg23[%get3A_456, %get3A_457] {strides = array<i32>} : memref<80x64xf32, #tpu.memory_space<vmem>>, vector<1x16xf32>,
        %get3A_459 = vector.shape_cast %get3A_458 : vector<1x16xf32> to vector<16xf32>
        %mul3A_460 = arith.mulf %get3A_459, %get3A_445 : vector<16xf32>
        %swap3A_461 = arith.index_cast %scan3A_441 : i32 to index
        %swap3A_462 = arith.constant 16 : index
        %swap3A_463 = tpu.vector_load %arg23[%swap3A_461, %swap3A_462] {strides = array<i32>} : memref<80x64xf32, #tpu.memory_space<vmem>>, vector<1x16xf32>,
        %swap3A_464 = vector.shape_cast %swap3A_463 : vector<1x16xf32> to vector<16xf32>
        %swap3A_465 = vector.shape_cast %mul3A_460 : vector<16xf32> to vector<1x16xf32>
        tpu.vector_store %arg23[%swap3A_461, %swap3A_462], %swap3A_465 {strides = array<i32>} : memref<80x64xf32, #tpu.memory_space<vmem>>, vector<1x16xf32>,
        %get3A_466 = arith.index_cast %scan3A_441 : i32 to index
        %get3A_467 = arith.constant 32 : index
        %get3A_468 = tpu.vector_load %arg23[%get3A_466, %get3A_467] {strides = array<i32>} : memref<80x64xf32, #tpu.memory_space<vmem>>, vector<1x16xf32>,
        %get3A_469 = vector.shape_cast %get3A_468 : vector<1x16xf32> to vector<16xf32>
        %mul3A_470 = arith.mulf %get3A_469, %get3A_445 : vector<16xf32>
        %swap3A_471 = arith.index_cast %scan3A_441 : i32 to index
        %swap3A_472 = arith.constant 32 : index
        %swap3A_473 = tpu.vector_load %arg23[%swap3A_471, %swap3A_472] {strides = array<i32>} : memref<80x64xf32, #tpu.memory_space<vmem>>, vector<1x16xf32>,
        %swap3A_474 = vector.shape_cast %swap3A_473 : vector<1x16xf32> to vector<16xf32>
        %swap3A_475 = vector.shape_cast %mul3A_470 : vector<16xf32> to vector<1x16xf32>
        tpu.vector_store %arg23[%swap3A_471, %swap3A_472], %swap3A_475 {strides = array<i32>} : memref<80x64xf32, #tpu.memory_space<vmem>>, vector<1x16xf32>,
        %get3A_476 = arith.index_cast %scan3A_441 : i32 to index
        %get3A_477 = arith.constant 48 : index
        %get3A_478 = tpu.vector_load %arg23[%get3A_476, %get3A_477] {strides = array<i32>} : memref<80x64xf32, #tpu.memory_space<vmem>>, vector<1x16xf32>,
        %get3A_479 = vector.shape_cast %get3A_478 : vector<1x16xf32> to vector<16xf32>
        %mul3A_480 = arith.mulf %get3A_479, %get3A_445 : vector<16xf32>
        %swap3A_481 = arith.index_cast %scan3A_441 : i32 to index
        %swap3A_482 = arith.constant 48 : index
        %swap3A_483 = tpu.vector_load %arg23[%swap3A_481, %swap3A_482] {strides = array<i32>} : memref<80x64xf32, #tpu.memory_space<vmem>>, vector<1x16xf32>,
        %swap3A_484 = vector.shape_cast %swap3A_483 : vector<1x16xf32> to vector<16xf32>
        %swap3A_485 = vector.shape_cast %mul3A_480 : vector<16xf32> to vector<1x16xf32>
        tpu.vector_store %arg23[%swap3A_481, %swap3A_482], %swap3A_485 {strides = array<i32>} : memref<80x64xf32, #tpu.memory_space<vmem>>, vector<1x16xf32>,
        %scan3A_486 = arith.constant 0 : i32
        %scan3A_487 = arith.constant 5 : i32
        %scan3A_488 = arith.addi %scan3A_254, %scan3A_487 : i32
        %get3A_489 = arith.index_cast %scan3A_488 : i32 to index
        %get3A_490 = arith.constant 0 : index
        %get3A_491 = tpu.vector_load %arg19[%get3A_489, %get3A_490] {strides = array<i32>} : memref<80x16xf32, #tpu.memory_space<vmem>>, vector<1x16xf32>,
        %get3A_492 = vector.shape_cast %get3A_491 : vector<1x16xf32> to vector<16xf32>
        %get3A_493 = arith.index_cast %scan3A_488 : i32 to index
        %get3A_494 = arith.constant 0 : index
        %get3A_495 = tpu.vector_load %arg23[%get3A_493, %get3A_494] {strides = array<i32>} : memref<80x64xf32, #tpu.memory_space<vmem>>, vector<1x16xf32>,
        %get3A_496 = vector.shape_cast %get3A_495 : vector<1x16xf32> to vector<16xf32>
        %mul3A_497 = arith.mulf %get3A_496, %get3A_492 : vector<16xf32>
        %swap3A_498 = arith.index_cast %scan3A_488 : i32 to index
        %swap3A_499 = arith.constant 0 : index
        %swap3A_500 = tpu.vector_load %arg23[%swap3A_498, %swap3A_499] {strides = array<i32>} : memref<80x64xf32, #tpu.memory_space<vmem>>, vector<1x16xf32>,
        %swap3A_501 = vector.shape_cast %swap3A_500 : vector<1x16xf32> to vector<16xf32>
        %swap3A_502 = vector.shape_cast %mul3A_497 : vector<16xf32> to vector<1x16xf32>
        tpu.vector_store %arg23[%swap3A_498, %swap3A_499], %swap3A_502 {strides = array<i32>} : memref<80x64xf32, #tpu.memory_space<vmem>>, vector<1x16xf32>,
        %get3A_503 = arith.index_cast %scan3A_488 : i32 to index
        %get3A_504 = arith.constant 16 : index
        %get3A_505 = tpu.vector_load %arg23[%get3A_503, %get3A_504] {strides = array<i32>} : memref<80x64xf32, #tpu.memory_space<vmem>>, vector<1x16xf32>,
        %get3A_506 = vector.shape_cast %get3A_505 : vector<1x16xf32> to vector<16xf32>
        %mul3A_507 = arith.mulf %get3A_506, %get3A_492 : vector<16xf32>
        %swap3A_508 = arith.index_cast %scan3A_488 : i32 to index
        %swap3A_509 = arith.constant 16 : index
        %swap3A_510 = tpu.vector_load %arg23[%swap3A_508, %swap3A_509] {strides = array<i32>} : memref<80x64xf32, #tpu.memory_space<vmem>>, vector<1x16xf32>,
        %swap3A_511 = vector.shape_cast %swap3A_510 : vector<1x16xf32> to vector<16xf32>
        %swap3A_512 = vector.shape_cast %mul3A_507 : vector<16xf32> to vector<1x16xf32>
        tpu.vector_store %arg23[%swap3A_508, %swap3A_509], %swap3A_512 {strides = array<i32>} : memref<80x64xf32, #tpu.memory_space<vmem>>, vector<1x16xf32>,
        %get3A_513 = arith.index_cast %scan3A_488 : i32 to index
        %get3A_514 = arith.constant 32 : index
        %get3A_515 = tpu.vector_load %arg23[%get3A_513, %get3A_514] {strides = array<i32>} : memref<80x64xf32, #tpu.memory_space<vmem>>, vector<1x16xf32>,
        %get3A_516 = vector.shape_cast %get3A_515 : vector<1x16xf32> to vector<16xf32>
        %mul3A_517 = arith.mulf %get3A_516, %get3A_492 : vector<16xf32>
        %swap3A_518 = arith.index_cast %scan3A_488 : i32 to index
        %swap3A_519 = arith.constant 32 : index
        %swap3A_520 = tpu.vector_load %arg23[%swap3A_518, %swap3A_519] {strides = array<i32>} : memref<80x64xf32, #tpu.memory_space<vmem>>, vector<1x16xf32>,
        %swap3A_521 = vector.shape_cast %swap3A_520 : vector<1x16xf32> to vector<16xf32>
        %swap3A_522 = vector.shape_cast %mul3A_517 : vector<16xf32> to vector<1x16xf32>
        tpu.vector_store %arg23[%swap3A_518, %swap3A_519], %swap3A_522 {strides = array<i32>} : memref<80x64xf32, #tpu.memory_space<vmem>>, vector<1x16xf32>,
        %get3A_523 = arith.index_cast %scan3A_488 : i32 to index
        %get3A_524 = arith.constant 48 : index
        %get3A_525 = tpu.vector_load %arg23[%get3A_523, %get3A_524] {strides = array<i32>} : memref<80x64xf32, #tpu.memory_space<vmem>>, vector<1x16xf32>,
        %get3A_526 = vector.shape_cast %get3A_525 : vector<1x16xf32> to vector<16xf32>
        %mul3A_527 = arith.mulf %get3A_526, %get3A_492 : vector<16xf32>
        %swap3A_528 = arith.index_cast %scan3A_488 : i32 to index
        %swap3A_529 = arith.constant 48 : index
        %swap3A_530 = tpu.vector_load %arg23[%swap3A_528, %swap3A_529] {strides = array<i32>} : memref<80x64xf32, #tpu.memory_space<vmem>>, vector<1x16xf32>,
        %swap3A_531 = vector.shape_cast %swap3A_530 : vector<1x16xf32> to vector<16xf32>
        %swap3A_532 = vector.shape_cast %mul3A_527 : vector<16xf32> to vector<1x16xf32>
        tpu.vector_store %arg23[%swap3A_528, %swap3A_529], %swap3A_532 {strides = array<i32>} : memref<80x64xf32, #tpu.memory_space<vmem>>, vector<1x16xf32>,
        %scan3A_533 = arith.constant 0 : i32
        %scan3A_534 = arith.constant 6 : i32
        %scan3A_535 = arith.addi %scan3A_254, %scan3A_534 : i32
        %get3A_536 = arith.index_cast %scan3A_535 : i32 to index
        %get3A_537 = arith.constant 0 : index
        %get3A_538 = tpu.vector_load %arg19[%get3A_536, %get3A_537] {strides = array<i32>} : memref<80x16xf32, #tpu.memory_space<vmem>>, vector<1x16xf32>,
        %get3A_539 = vector.shape_cast %get3A_538 : vector<1x16xf32> to vector<16xf32>
        %get3A_540 = arith.index_cast %scan3A_535 : i32 to index
        %get3A_541 = arith.constant 0 : index
        %get3A_542 = tpu.vector_load %arg23[%get3A_540, %get3A_541] {strides = array<i32>} : memref<80x64xf32, #tpu.memory_space<vmem>>, vector<1x16xf32>,
        %get3A_543 = vector.shape_cast %get3A_542 : vector<1x16xf32> to vector<16xf32>
        %mul3A_544 = arith.mulf %get3A_543, %get3A_539 : vector<16xf32>
        %swap3A_545 = arith.index_cast %scan3A_535 : i32 to index
        %swap3A_546 = arith.constant 0 : index
        %swap3A_547 = tpu.vector_load %arg23[%swap3A_545, %swap3A_546] {strides = array<i32>} : memref<80x64xf32, #tpu.memory_space<vmem>>, vector<1x16xf32>,
        %swap3A_548 = vector.shape_cast %swap3A_547 : vector<1x16xf32> to vector<16xf32>
        %swap3A_549 = vector.shape_cast %mul3A_544 : vector<16xf32> to vector<1x16xf32>
        tpu.vector_store %arg23[%swap3A_545, %swap3A_546], %swap3A_549 {strides = array<i32>} : memref<80x64xf32, #tpu.memory_space<vmem>>, vector<1x16xf32>,
        %get3A_550 = arith.index_cast %scan3A_535 : i32 to index
        %get3A_551 = arith.constant 16 : index
        %get3A_552 = tpu.vector_load %arg23[%get3A_550, %get3A_551] {strides = array<i32>} : memref<80x64xf32, #tpu.memory_space<vmem>>, vector<1x16xf32>,
        %get3A_553 = vector.shape_cast %get3A_552 : vector<1x16xf32> to vector<16xf32>
        %mul3A_554 = arith.mulf %get3A_553, %get3A_539 : vector<16xf32>
        %swap3A_555 = arith.index_cast %scan3A_535 : i32 to index
        %swap3A_556 = arith.constant 16 : index
        %swap3A_557 = tpu.vector_load %arg23[%swap3A_555, %swap3A_556] {strides = array<i32>} : memref<80x64xf32, #tpu.memory_space<vmem>>, vector<1x16xf32>,
        %swap3A_558 = vector.shape_cast %swap3A_557 : vector<1x16xf32> to vector<16xf32>
        %swap3A_559 = vector.shape_cast %mul3A_554 : vector<16xf32> to vector<1x16xf32>
        tpu.vector_store %arg23[%swap3A_555, %swap3A_556], %swap3A_559 {strides = array<i32>} : memref<80x64xf32, #tpu.memory_space<vmem>>, vector<1x16xf32>,
        %get3A_560 = arith.index_cast %scan3A_535 : i32 to index
        %get3A_561 = arith.constant 32 : index
        %get3A_562 = tpu.vector_load %arg23[%get3A_560, %get3A_561] {strides = array<i32>} : memref<80x64xf32, #tpu.memory_space<vmem>>, vector<1x16xf32>,
        %get3A_563 = vector.shape_cast %get3A_562 : vector<1x16xf32> to vector<16xf32>
        %mul3A_564 = arith.mulf %get3A_563, %get3A_539 : vector<16xf32>
        %swap3A_565 = arith.index_cast %scan3A_535 : i32 to index
        %swap3A_566 = arith.constant 32 : index
        %swap3A_567 = tpu.vector_load %arg23[%swap3A_565, %swap3A_566] {strides = array<i32>} : memref<80x64xf32, #tpu.memory_space<vmem>>, vector<1x16xf32>,
        %swap3A_568 = vector.shape_cast %swap3A_567 : vector<1x16xf32> to vector<16xf32>
        %swap3A_569 = vector.shape_cast %mul3A_564 : vector<16xf32> to vector<1x16xf32>
        tpu.vector_store %arg23[%swap3A_565, %swap3A_566], %swap3A_569 {strides = array<i32>} : memref<80x64xf32, #tpu.memory_space<vmem>>, vector<1x16xf32>,
        %get3A_570 = arith.index_cast %scan3A_535 : i32 to index
        %get3A_571 = arith.constant 48 : index
        %get3A_572 = tpu.vector_load %arg23[%get3A_570, %get3A_571] {strides = array<i32>} : memref<80x64xf32, #tpu.memory_space<vmem>>, vector<1x16xf32>,
        %get3A_573 = vector.shape_cast %get3A_572 : vector<1x16xf32> to vector<16xf32>
        %mul3A_574 = arith.mulf %get3A_573, %get3A_539 : vector<16xf32>
        %swap3A_575 = arith.index_cast %scan3A_535 : i32 to index
        %swap3A_576 = arith.constant 48 : index
        %swap3A_577 = tpu.vector_load %arg23[%swap3A_575, %swap3A_576] {strides = array<i32>} : memref<80x64xf32, #tpu.memory_space<vmem>>, vector<1x16xf32>,
        %swap3A_578 = vector.shape_cast %swap3A_577 : vector<1x16xf32> to vector<16xf32>
        %swap3A_579 = vector.shape_cast %mul3A_574 : vector<16xf32> to vector<1x16xf32>
        tpu.vector_store %arg23[%swap3A_575, %swap3A_576], %swap3A_579 {strides = array<i32>} : memref<80x64xf32, #tpu.memory_space<vmem>>, vector<1x16xf32>,
        %scan3A_580 = arith.constant 0 : i32
        %scan3A_581 = arith.constant 7 : i32
        %scan3A_582 = arith.addi %scan3A_254, %scan3A_581 : i32
        %get3A_583 = arith.index_cast %scan3A_582 : i32 to index
        %get3A_584 = arith.constant 0 : index
        %get3A_585 = tpu.vector_load %arg19[%get3A_583, %get3A_584] {strides = array<i32>} : memref<80x16xf32, #tpu.memory_space<vmem>>, vector<1x16xf32>,
        %get3A_586 = vector.shape_cast %get3A_585 : vector<1x16xf32> to vector<16xf32>
        %get3A_587 = arith.index_cast %scan3A_582 : i32 to index
        %get3A_588 = arith.constant 0 : index
        %get3A_589 = tpu.vector_load %arg23[%get3A_587, %get3A_588] {strides = array<i32>} : memref<80x64xf32, #tpu.memory_space<vmem>>, vector<1x16xf32>,
        %get3A_590 = vector.shape_cast %get3A_589 : vector<1x16xf32> to vector<16xf32>
        %mul3A_591 = arith.mulf %get3A_590, %get3A_586 : vector<16xf32>
        %swap3A_592 = arith.index_cast %scan3A_582 : i32 to index
        %swap3A_593 = arith.constant 0 : index
        %swap3A_594 = tpu.vector_load %arg23[%swap3A_592, %swap3A_593] {strides = array<i32>} : memref<80x64xf32, #tpu.memory_space<vmem>>, vector<1x16xf32>,
        %swap3A_595 = vector.shape_cast %swap3A_594 : vector<1x16xf32> to vector<16xf32>
        %swap3A_596 = vector.shape_cast %mul3A_591 : vector<16xf32> to vector<1x16xf32>
        tpu.vector_store %arg23[%swap3A_592, %swap3A_593], %swap3A_596 {strides = array<i32>} : memref<80x64xf32, #tpu.memory_space<vmem>>, vector<1x16xf32>,
        %get3A_597 = arith.index_cast %scan3A_582 : i32 to index
        %get3A_598 = arith.constant 16 : index
        %get3A_599 = tpu.vector_load %arg23[%get3A_597, %get3A_598] {strides = array<i32>} : memref<80x64xf32, #tpu.memory_space<vmem>>, vector<1x16xf32>,
        %get3A_600 = vector.shape_cast %get3A_599 : vector<1x16xf32> to vector<16xf32>
        %mul3A_601 = arith.mulf %get3A_600, %get3A_586 : vector<16xf32>
        %swap3A_602 = arith.index_cast %scan3A_582 : i32 to index
        %swap3A_603 = arith.constant 16 : index
        %swap3A_604 = tpu.vector_load %arg23[%swap3A_602, %swap3A_603] {strides = array<i32>} : memref<80x64xf32, #tpu.memory_space<vmem>>, vector<1x16xf32>,
        %swap3A_605 = vector.shape_cast %swap3A_604 : vector<1x16xf32> to vector<16xf32>
        %swap3A_606 = vector.shape_cast %mul3A_601 : vector<16xf32> to vector<1x16xf32>
        tpu.vector_store %arg23[%swap3A_602, %swap3A_603], %swap3A_606 {strides = array<i32>} : memref<80x64xf32, #tpu.memory_space<vmem>>, vector<1x16xf32>,
        %get3A_607 = arith.index_cast %scan3A_582 : i32 to index
        %get3A_608 = arith.constant 32 : index
        %get3A_609 = tpu.vector_load %arg23[%get3A_607, %get3A_608] {strides = array<i32>} : memref<80x64xf32, #tpu.memory_space<vmem>>, vector<1x16xf32>,
        %get3A_610 = vector.shape_cast %get3A_609 : vector<1x16xf32> to vector<16xf32>
        %mul3A_611 = arith.mulf %get3A_610, %get3A_586 : vector<16xf32>
        %swap3A_612 = arith.index_cast %scan3A_582 : i32 to index
        %swap3A_613 = arith.constant 32 : index
        %swap3A_614 = tpu.vector_load %arg23[%swap3A_612, %swap3A_613] {strides = array<i32>} : memref<80x64xf32, #tpu.memory_space<vmem>>, vector<1x16xf32>,
        %swap3A_615 = vector.shape_cast %swap3A_614 : vector<1x16xf32> to vector<16xf32>
        %swap3A_616 = vector.shape_cast %mul3A_611 : vector<16xf32> to vector<1x16xf32>
        tpu.vector_store %arg23[%swap3A_612, %swap3A_613], %swap3A_616 {strides = array<i32>} : memref<80x64xf32, #tpu.memory_space<vmem>>, vector<1x16xf32>,
        %get3A_617 = arith.index_cast %scan3A_582 : i32 to index
        %get3A_618 = arith.constant 48 : index
        %get3A_619 = tpu.vector_load %arg23[%get3A_617, %get3A_618] {strides = array<i32>} : memref<80x64xf32, #tpu.memory_space<vmem>>, vector<1x16xf32>,
        %get3A_620 = vector.shape_cast %get3A_619 : vector<1x16xf32> to vector<16xf32>
        %mul3A_621 = arith.mulf %get3A_620, %get3A_586 : vector<16xf32>
        %swap3A_622 = arith.index_cast %scan3A_582 : i32 to index
        %swap3A_623 = arith.constant 48 : index
        %swap3A_624 = tpu.vector_load %arg23[%swap3A_622, %swap3A_623] {strides = array<i32>} : memref<80x64xf32, #tpu.memory_space<vmem>>, vector<1x16xf32>,
        %swap3A_625 = vector.shape_cast %swap3A_624 : vector<1x16xf32> to vector<16xf32>
        %swap3A_626 = vector.shape_cast %mul3A_621 : vector<16xf32> to vector<1x16xf32>
        tpu.vector_store %arg23[%swap3A_622, %swap3A_623], %swap3A_626 {strides = array<i32>} : memref<80x64xf32, #tpu.memory_space<vmem>>, vector<1x16xf32>,
        %scan3A_627 = arith.constant 0 : i32
        scf.yield %scan3A_627 : i32
      }
      %scan3A_217 = arith.constant 80 : i32
      "tpu.region"() ({
        %run_scoped3A = tpu.sem_alloc : memref<!tpu.dma_semaphore, #tpu.memory_space<semaphore_mem>>
        %dma_start3A_254 = arith.constant 0 : i32
        %dma_start3A_255 = arith.constant 0 : i32
        %dma_start3A_256 = tpu.memref_slice %arg7[%dma_start3A_254, %dma_start3A_255] : memref<10240x64xf32, #tpu.memory_space<vmem_shared>> -> memref<10240x64xf32, #tpu.memory_space<vmem_shared>>
        tpu.enqueue_indirect_dma source(%arg23 : memref<80x64xf32, #tpu.memory_space<vmem>>) target(%dma_start3A_256 : memref<10240x64xf32, #tpu.memory_space<vmem_shared>>) offsets(%arg15 : memref<80xi32, #tpu.memory_space<vmem>>) semaphore(%run_scoped3A : memref<!tpu.dma_semaphore, #tpu.memory_space<semaphore_mem>>) {add = true}
        %dma_wait3A_257 = arith.constant 0 : i32
        %dma_wait3A_258 = arith.constant 0 : i32
        %dma_wait3A_259 = tpu.memref_slice %arg7[%dma_wait3A_257, %dma_wait3A_258] : memref<10240x64xf32, #tpu.memory_space<vmem_shared>> -> memref<10240x64xf32, #tpu.memory_space<vmem_shared>>
        tpu.wait_indirect_dma semaphore(%run_scoped3A : memref<!tpu.dma_semaphore, #tpu.memory_space<semaphore_mem>>) src(%arg23 : memref<80x64xf32, #tpu.memory_space<vmem>>) dst(%dma_wait3A_259 : memref<10240x64xf32, #tpu.memory_space<vmem_shared>>)
        tpu.yield
      }) : () -> ()
      %add3A_218 = arith.constant 4 : i32
      %add3A_219 = arith.addi %add3A_200, %add3A_218 : i32
      %lt3A_220 = arith.constant 252 : i32
      %lt3A_221 = arith.cmpi slt, %add3A_219, %lt3A_220 : i32
      %convert_element_type3A_222 = arith.extui %lt3A_221 : i1 to i32
      %cond3A_223 = arith.constant 0 : i32
      %cond3A_224 = arith.cmpi ne, %convert_element_type3A_222, %cond3A_223 : i32
      scf.if %cond3A_224 {
        %add3A_254 = arith.constant 4 : i32
        %add3A_255 = arith.addi %add3A_200, %add3A_254 : i32
        %mul3A_256 = arith.constant 80 : i32
        %mul3A_257 = arith.muli %add3A_255, %mul3A_256 : i32
        %add3A_258 = arith.addi %mul3A_37, %mul3A_257 : i32
        %dma_start3A_259 = tpu.memref_slice %arg3[%add3A_258] : memref<322560xi32, #tpu.memory_space<hbm>> -> memref<80xi32, #tpu.memory_space<hbm>>
        %dma_start3A_260 = tpu.memref_slice %arg3[%add3A_258] : memref<322560xi32, #tpu.memory_space<hbm>> -> memref<80xi32, #tpu.memory_space<hbm>>
        tpu.enqueue_dma source(%dma_start3A_260 : memref<80xi32, #tpu.memory_space<hbm>>) target(%arg11 : memref<80xi32, #tpu.memory_space<vmem>>) target_semaphore(%arg27 : memref<!tpu.dma_semaphore, #tpu.memory_space<semaphore_mem>>)
        %dma_start3A_261 = tpu.memref_slice %arg4[%add3A_258] : memref<322560xi32, #tpu.memory_space<hbm>> -> memref<80xi32, #tpu.memory_space<hbm>>
        %dma_start3A_262 = tpu.memref_slice %arg4[%add3A_258] : memref<322560xi32, #tpu.memory_space<hbm>> -> memref<80xi32, #tpu.memory_space<hbm>>
        tpu.enqueue_dma source(%dma_start3A_262 : memref<80xi32, #tpu.memory_space<hbm>>) target(%arg15 : memref<80xi32, #tpu.memory_space<vmem>>) target_semaphore(%arg27 : memref<!tpu.dma_semaphore, #tpu.memory_space<semaphore_mem>>)
        %dma_start3A_263 = arith.constant 0 : i32
        %dma_start3A_264 = tpu.memref_slice %arg5[%add3A_258, %dma_start3A_263] : memref<322560x16xf32, #tpu.memory_space<hbm>> -> memref<80x16xf32, #tpu.memory_space<hbm>>
        %dma_start3A_265 = arith.constant 0 : i32
        %dma_start3A_266 = tpu.memref_slice %arg5[%add3A_258, %dma_start3A_265] : memref<322560x16xf32, #tpu.memory_space<hbm>> -> memref<80x16xf32, #tpu.memory_space<hbm>>
        tpu.enqueue_dma source(%dma_start3A_266 : memref<80x16xf32, #tpu.memory_space<hbm>>) target(%arg19 : memref<80x16xf32, #tpu.memory_space<vmem>>) target_semaphore(%arg27 : memref<!tpu.dma_semaphore, #tpu.memory_space<semaphore_mem>>)
      } else {
      }
      %mul3A_225 = arith.constant 4 : i32
      %mul3A_226 = arith.muli %mul3A_225, %scan3A_142 : i32
      %add3A_227 = arith.constant 3 : i32
      %add3A_228 = arith.addi %mul3A_226, %add3A_227 : i32
      %add3A_229 = arith.constant 2 : i32
      %add3A_230 = arith.addi %add3A_228, %add3A_229 : i32
      %lt3A_231 = arith.constant 252 : i32
      %lt3A_232 = arith.cmpi slt, %add3A_230, %lt3A_231 : i32
      %convert_element_type3A_233 = arith.extui %lt3A_232 : i1 to i32
      %cond3A_234 = arith.constant 0 : i32
      %cond3A_235 = arith.cmpi ne, %convert_element_type3A_233, %cond3A_234 : i32
      scf.if %cond3A_235 {
        %add3A_254 = arith.constant 2 : i32
        %add3A_255 = arith.addi %add3A_228, %add3A_254 : i32
        %mul3A_256 = arith.constant 80 : i32
        %mul3A_257 = arith.muli %add3A_255, %mul3A_256 : i32
        %add3A_258 = arith.addi %mul3A_37, %mul3A_257 : i32
        %dma_wait3A_259 = tpu.memref_slice %arg3[%add3A_258] : memref<322560xi32, #tpu.memory_space<hbm>> -> memref<80xi32, #tpu.memory_space<hbm>>
        %dma_wait3A_260 = tpu.memref_slice %arg3[%add3A_258] : memref<322560xi32, #tpu.memory_space<hbm>> -> memref<80xi32, #tpu.memory_space<hbm>>
        tpu.wait_dma2 semaphore(%arg26 : memref<!tpu.dma_semaphore, #tpu.memory_space<semaphore_mem>>) src(%dma_wait3A_260 : memref<80xi32, #tpu.memory_space<hbm>>) dst(%arg10 : memref<80xi32, #tpu.memory_space<vmem>>)
        %dma_wait3A_261 = tpu.memref_slice %arg4[%add3A_258] : memref<322560xi32, #tpu.memory_space<hbm>> -> memref<80xi32, #tpu.memory_space<hbm>>
        %dma_wait3A_262 = tpu.memref_slice %arg4[%add3A_258] : memref<322560xi32, #tpu.memory_space<hbm>> -> memref<80xi32, #tpu.memory_space<hbm>>
        tpu.wait_dma2 semaphore(%arg26 : memref<!tpu.dma_semaphore, #tpu.memory_space<semaphore_mem>>) src(%dma_wait3A_262 : memref<80xi32, #tpu.memory_space<hbm>>) dst(%arg14 : memref<80xi32, #tpu.memory_space<vmem>>)
        %dma_wait3A_263 = arith.constant 0 : i32
        %dma_wait3A_264 = tpu.memref_slice %arg5[%add3A_258, %dma_wait3A_263] : memref<322560x16xf32, #tpu.memory_space<hbm>> -> memref<80x16xf32, #tpu.memory_space<hbm>>
        %dma_wait3A_265 = arith.constant 0 : i32
        %dma_wait3A_266 = tpu.memref_slice %arg5[%add3A_258, %dma_wait3A_265] : memref<322560x16xf32, #tpu.memory_space<hbm>> -> memref<80x16xf32, #tpu.memory_space<hbm>>
        tpu.wait_dma2 semaphore(%arg26 : memref<!tpu.dma_semaphore, #tpu.memory_space<semaphore_mem>>) src(%dma_wait3A_266 : memref<80x16xf32, #tpu.memory_space<hbm>>) dst(%arg18 : memref<80x16xf32, #tpu.memory_space<vmem>>)
        %dma_start3A_267 = arith.constant 0 : i32
        %dma_start3A_268 = arith.constant 0 : i32
        %dma_start3A_269 = tpu.memref_slice %arg8[%dma_start3A_267, %dma_start3A_268] : memref<10240x64xf32, #tpu.memory_space<vmem_shared>> -> memref<10240x64xf32, #tpu.memory_space<vmem_shared>>
        tpu.enqueue_indirect_dma source(%dma_start3A_269 : memref<10240x64xf32, #tpu.memory_space<vmem_shared>>) target(%arg22 : memref<80x64xf32, #tpu.memory_space<vmem>>) offsets(%arg10 : memref<80xi32, #tpu.memory_space<vmem>>) semaphore(%arg30 : memref<!tpu.dma_semaphore, #tpu.memory_space<semaphore_mem>>)
      } else {
      }
      %dma_wait3A_236 = arith.constant 0 : i32
      %dma_wait3A_237 = arith.constant 0 : i32
      %dma_wait3A_238 = tpu.memref_slice %arg8[%dma_wait3A_236, %dma_wait3A_237] : memref<10240x64xf32, #tpu.memory_space<vmem_shared>> -> memref<10240x64xf32, #tpu.memory_space<vmem_shared>>
      tpu.wait_indirect_dma semaphore(%arg32 : memref<!tpu.dma_semaphore, #tpu.memory_space<semaphore_mem>>) src(%dma_wait3A_238 : memref<10240x64xf32, #tpu.memory_space<vmem_shared>>) dst(%arg24 : memref<80x64xf32, #tpu.memory_space<vmem>>)
      %scan3A_239 = arith.constant 0 : i32
      %scan3A_240 = arith.constant 0 : i32
      %scan3A_241 = arith.constant 80 : i32
      %scan3A_242 = arith.addi %scan3A_240, %scan3A_241 : i32
      %scan3A_243 = arith.constant 8 : i32
      %scan3A_244 = scf.for %scan3A_254 = %scan3A_240 to %scan3A_242 step %scan3A_243 iter_args(%scan3A_255 = %scan3A_239) -> (i32)  : i32 {
        %get3A = arith.index_cast %scan3A_254 : i32 to index
        %get3A_256 = arith.constant 0 : index
        %get3A_257 = tpu.vector_load %arg20[%get3A, %get3A_256] {strides = array<i32>} : memref<80x16xf32, #tpu.memory_space<vmem>>, vector<1x16xf32>,
        %get3A_258 = vector.shape_cast %get3A_257 : vector<1x16xf32> to vector<16xf32>
        %get3A_259 = arith.index_cast %scan3A_254 : i32 to index
        %get3A_260 = arith.constant 0 : index
        %get3A_261 = tpu.vector_load %arg24[%get3A_259, %get3A_260] {strides = array<i32>} : memref<80x64xf32, #tpu.memory_space<vmem>>, vector<1x16xf32>,
        %get3A_262 = vector.shape_cast %get3A_261 : vector<1x16xf32> to vector<16xf32>
        %mul3A_263 = arith.mulf %get3A_262, %get3A_258 : vector<16xf32>
        %swap3A = arith.index_cast %scan3A_254 : i32 to index
        %swap3A_264 = arith.constant 0 : index
        %swap3A_265 = tpu.vector_load %arg24[%swap3A, %swap3A_264] {strides = array<i32>} : memref<80x64xf32, #tpu.memory_space<vmem>>, vector<1x16xf32>,
        %swap3A_266 = vector.shape_cast %swap3A_265 : vector<1x16xf32> to vector<16xf32>
        %swap3A_267 = vector.shape_cast %mul3A_263 : vector<16xf32> to vector<1x16xf32>
        tpu.vector_store %arg24[%swap3A, %swap3A_264], %swap3A_267 {strides = array<i32>} : memref<80x64xf32, #tpu.memory_space<vmem>>, vector<1x16xf32>,
        %get3A_268 = arith.index_cast %scan3A_254 : i32 to index
        %get3A_269 = arith.constant 16 : index
        %get3A_270 = tpu.vector_load %arg24[%get3A_268, %get3A_269] {strides = array<i32>} : memref<80x64xf32, #tpu.memory_space<vmem>>, vector<1x16xf32>,
        %get3A_271 = vector.shape_cast %get3A_270 : vector<1x16xf32> to vector<16xf32>
        %mul3A_272 = arith.mulf %get3A_271, %get3A_258 : vector<16xf32>
        %swap3A_273 = arith.index_cast %scan3A_254 : i32 to index
        %swap3A_274 = arith.constant 16 : index
        %swap3A_275 = tpu.vector_load %arg24[%swap3A_273, %swap3A_274] {strides = array<i32>} : memref<80x64xf32, #tpu.memory_space<vmem>>, vector<1x16xf32>,
        %swap3A_276 = vector.shape_cast %swap3A_275 : vector<1x16xf32> to vector<16xf32>
        %swap3A_277 = vector.shape_cast %mul3A_272 : vector<16xf32> to vector<1x16xf32>
        tpu.vector_store %arg24[%swap3A_273, %swap3A_274], %swap3A_277 {strides = array<i32>} : memref<80x64xf32, #tpu.memory_space<vmem>>, vector<1x16xf32>,
        %get3A_278 = arith.index_cast %scan3A_254 : i32 to index
        %get3A_279 = arith.constant 32 : index
        %get3A_280 = tpu.vector_load %arg24[%get3A_278, %get3A_279] {strides = array<i32>} : memref<80x64xf32, #tpu.memory_space<vmem>>, vector<1x16xf32>,
        %get3A_281 = vector.shape_cast %get3A_280 : vector<1x16xf32> to vector<16xf32>
        %mul3A_282 = arith.mulf %get3A_281, %get3A_258 : vector<16xf32>
        %swap3A_283 = arith.index_cast %scan3A_254 : i32 to index
        %swap3A_284 = arith.constant 32 : index
        %swap3A_285 = tpu.vector_load %arg24[%swap3A_283, %swap3A_284] {strides = array<i32>} : memref<80x64xf32, #tpu.memory_space<vmem>>, vector<1x16xf32>,
        %swap3A_286 = vector.shape_cast %swap3A_285 : vector<1x16xf32> to vector<16xf32>
        %swap3A_287 = vector.shape_cast %mul3A_282 : vector<16xf32> to vector<1x16xf32>
        tpu.vector_store %arg24[%swap3A_283, %swap3A_284], %swap3A_287 {strides = array<i32>} : memref<80x64xf32, #tpu.memory_space<vmem>>, vector<1x16xf32>,
        %get3A_288 = arith.index_cast %scan3A_254 : i32 to index
        %get3A_289 = arith.constant 48 : index
        %get3A_290 = tpu.vector_load %arg24[%get3A_288, %get3A_289] {strides = array<i32>} : memref<80x64xf32, #tpu.memory_space<vmem>>, vector<1x16xf32>,
        %get3A_291 = vector.shape_cast %get3A_290 : vector<1x16xf32> to vector<16xf32>
        %mul3A_292 = arith.mulf %get3A_291, %get3A_258 : vector<16xf32>
        %swap3A_293 = arith.index_cast %scan3A_254 : i32 to index
        %swap3A_294 = arith.constant 48 : index
        %swap3A_295 = tpu.vector_load %arg24[%swap3A_293, %swap3A_294] {strides = array<i32>} : memref<80x64xf32, #tpu.memory_space<vmem>>, vector<1x16xf32>,
        %swap3A_296 = vector.shape_cast %swap3A_295 : vector<1x16xf32> to vector<16xf32>
        %swap3A_297 = vector.shape_cast %mul3A_292 : vector<16xf32> to vector<1x16xf32>
        tpu.vector_store %arg24[%swap3A_293, %swap3A_294], %swap3A_297 {strides = array<i32>} : memref<80x64xf32, #tpu.memory_space<vmem>>, vector<1x16xf32>,
        %scan3A_298 = arith.constant 0 : i32
        %scan3A_299 = arith.constant 1 : i32
        %scan3A_300 = arith.addi %scan3A_254, %scan3A_299 : i32
        %get3A_301 = arith.index_cast %scan3A_300 : i32 to index
        %get3A_302 = arith.constant 0 : index
        %get3A_303 = tpu.vector_load %arg20[%get3A_301, %get3A_302] {strides = array<i32>} : memref<80x16xf32, #tpu.memory_space<vmem>>, vector<1x16xf32>,
        %get3A_304 = vector.shape_cast %get3A_303 : vector<1x16xf32> to vector<16xf32>
        %get3A_305 = arith.index_cast %scan3A_300 : i32 to index
        %get3A_306 = arith.constant 0 : index
        %get3A_307 = tpu.vector_load %arg24[%get3A_305, %get3A_306] {strides = array<i32>} : memref<80x64xf32, #tpu.memory_space<vmem>>, vector<1x16xf32>,
        %get3A_308 = vector.shape_cast %get3A_307 : vector<1x16xf32> to vector<16xf32>
        %mul3A_309 = arith.mulf %get3A_308, %get3A_304 : vector<16xf32>
        %swap3A_310 = arith.index_cast %scan3A_300 : i32 to index
        %swap3A_311 = arith.constant 0 : index
        %swap3A_312 = tpu.vector_load %arg24[%swap3A_310, %swap3A_311] {strides = array<i32>} : memref<80x64xf32, #tpu.memory_space<vmem>>, vector<1x16xf32>,
        %swap3A_313 = vector.shape_cast %swap3A_312 : vector<1x16xf32> to vector<16xf32>
        %swap3A_314 = vector.shape_cast %mul3A_309 : vector<16xf32> to vector<1x16xf32>
        tpu.vector_store %arg24[%swap3A_310, %swap3A_311], %swap3A_314 {strides = array<i32>} : memref<80x64xf32, #tpu.memory_space<vmem>>, vector<1x16xf32>,
        %get3A_315 = arith.index_cast %scan3A_300 : i32 to index
        %get3A_316 = arith.constant 16 : index
        %get3A_317 = tpu.vector_load %arg24[%get3A_315, %get3A_316] {strides = array<i32>} : memref<80x64xf32, #tpu.memory_space<vmem>>, vector<1x16xf32>,
        %get3A_318 = vector.shape_cast %get3A_317 : vector<1x16xf32> to vector<16xf32>
        %mul3A_319 = arith.mulf %get3A_318, %get3A_304 : vector<16xf32>
        %swap3A_320 = arith.index_cast %scan3A_300 : i32 to index
        %swap3A_321 = arith.constant 16 : index
        %swap3A_322 = tpu.vector_load %arg24[%swap3A_320, %swap3A_321] {strides = array<i32>} : memref<80x64xf32, #tpu.memory_space<vmem>>, vector<1x16xf32>,
        %swap3A_323 = vector.shape_cast %swap3A_322 : vector<1x16xf32> to vector<16xf32>
        %swap3A_324 = vector.shape_cast %mul3A_319 : vector<16xf32> to vector<1x16xf32>
        tpu.vector_store %arg24[%swap3A_320, %swap3A_321], %swap3A_324 {strides = array<i32>} : memref<80x64xf32, #tpu.memory_space<vmem>>, vector<1x16xf32>,
        %get3A_325 = arith.index_cast %scan3A_300 : i32 to index
        %get3A_326 = arith.constant 32 : index
        %get3A_327 = tpu.vector_load %arg24[%get3A_325, %get3A_326] {strides = array<i32>} : memref<80x64xf32, #tpu.memory_space<vmem>>, vector<1x16xf32>,
        %get3A_328 = vector.shape_cast %get3A_327 : vector<1x16xf32> to vector<16xf32>
        %mul3A_329 = arith.mulf %get3A_328, %get3A_304 : vector<16xf32>
        %swap3A_330 = arith.index_cast %scan3A_300 : i32 to index
        %swap3A_331 = arith.constant 32 : index
        %swap3A_332 = tpu.vector_load %arg24[%swap3A_330, %swap3A_331] {strides = array<i32>} : memref<80x64xf32, #tpu.memory_space<vmem>>, vector<1x16xf32>,
        %swap3A_333 = vector.shape_cast %swap3A_332 : vector<1x16xf32> to vector<16xf32>
        %swap3A_334 = vector.shape_cast %mul3A_329 : vector<16xf32> to vector<1x16xf32>
        tpu.vector_store %arg24[%swap3A_330, %swap3A_331], %swap3A_334 {strides = array<i32>} : memref<80x64xf32, #tpu.memory_space<vmem>>, vector<1x16xf32>,
        %get3A_335 = arith.index_cast %scan3A_300 : i32 to index
        %get3A_336 = arith.constant 48 : index
        %get3A_337 = tpu.vector_load %arg24[%get3A_335, %get3A_336] {strides = array<i32>} : memref<80x64xf32, #tpu.memory_space<vmem>>, vector<1x16xf32>,
        %get3A_338 = vector.shape_cast %get3A_337 : vector<1x16xf32> to vector<16xf32>
        %mul3A_339 = arith.mulf %get3A_338, %get3A_304 : vector<16xf32>
        %swap3A_340 = arith.index_cast %scan3A_300 : i32 to index
        %swap3A_341 = arith.constant 48 : index
        %swap3A_342 = tpu.vector_load %arg24[%swap3A_340, %swap3A_341] {strides = array<i32>} : memref<80x64xf32, #tpu.memory_space<vmem>>, vector<1x16xf32>,
        %swap3A_343 = vector.shape_cast %swap3A_342 : vector<1x16xf32> to vector<16xf32>
        %swap3A_344 = vector.shape_cast %mul3A_339 : vector<16xf32> to vector<1x16xf32>
        tpu.vector_store %arg24[%swap3A_340, %swap3A_341], %swap3A_344 {strides = array<i32>} : memref<80x64xf32, #tpu.memory_space<vmem>>, vector<1x16xf32>,
        %scan3A_345 = arith.constant 0 : i32
        %scan3A_346 = arith.constant 2 : i32
        %scan3A_347 = arith.addi %scan3A_254, %scan3A_346 : i32
        %get3A_348 = arith.index_cast %scan3A_347 : i32 to index
        %get3A_349 = arith.constant 0 : index
        %get3A_350 = tpu.vector_load %arg20[%get3A_348, %get3A_349] {strides = array<i32>} : memref<80x16xf32, #tpu.memory_space<vmem>>, vector<1x16xf32>,
        %get3A_351 = vector.shape_cast %get3A_350 : vector<1x16xf32> to vector<16xf32>
        %get3A_352 = arith.index_cast %scan3A_347 : i32 to index
        %get3A_353 = arith.constant 0 : index
        %get3A_354 = tpu.vector_load %arg24[%get3A_352, %get3A_353] {strides = array<i32>} : memref<80x64xf32, #tpu.memory_space<vmem>>, vector<1x16xf32>,
        %get3A_355 = vector.shape_cast %get3A_354 : vector<1x16xf32> to vector<16xf32>
        %mul3A_356 = arith.mulf %get3A_355, %get3A_351 : vector<16xf32>
        %swap3A_357 = arith.index_cast %scan3A_347 : i32 to index
        %swap3A_358 = arith.constant 0 : index
        %swap3A_359 = tpu.vector_load %arg24[%swap3A_357, %swap3A_358] {strides = array<i32>} : memref<80x64xf32, #tpu.memory_space<vmem>>, vector<1x16xf32>,
        %swap3A_360 = vector.shape_cast %swap3A_359 : vector<1x16xf32> to vector<16xf32>
        %swap3A_361 = vector.shape_cast %mul3A_356 : vector<16xf32> to vector<1x16xf32>
        tpu.vector_store %arg24[%swap3A_357, %swap3A_358], %swap3A_361 {strides = array<i32>} : memref<80x64xf32, #tpu.memory_space<vmem>>, vector<1x16xf32>,
        %get3A_362 = arith.index_cast %scan3A_347 : i32 to index
        %get3A_363 = arith.constant 16 : index
        %get3A_364 = tpu.vector_load %arg24[%get3A_362, %get3A_363] {strides = array<i32>} : memref<80x64xf32, #tpu.memory_space<vmem>>, vector<1x16xf32>,
        %get3A_365 = vector.shape_cast %get3A_364 : vector<1x16xf32> to vector<16xf32>
        %mul3A_366 = arith.mulf %get3A_365, %get3A_351 : vector<16xf32>
        %swap3A_367 = arith.index_cast %scan3A_347 : i32 to index
        %swap3A_368 = arith.constant 16 : index
        %swap3A_369 = tpu.vector_load %arg24[%swap3A_367, %swap3A_368] {strides = array<i32>} : memref<80x64xf32, #tpu.memory_space<vmem>>, vector<1x16xf32>,
        %swap3A_370 = vector.shape_cast %swap3A_369 : vector<1x16xf32> to vector<16xf32>
        %swap3A_371 = vector.shape_cast %mul3A_366 : vector<16xf32> to vector<1x16xf32>
        tpu.vector_store %arg24[%swap3A_367, %swap3A_368], %swap3A_371 {strides = array<i32>} : memref<80x64xf32, #tpu.memory_space<vmem>>, vector<1x16xf32>,
        %get3A_372 = arith.index_cast %scan3A_347 : i32 to index
        %get3A_373 = arith.constant 32 : index
        %get3A_374 = tpu.vector_load %arg24[%get3A_372, %get3A_373] {strides = array<i32>} : memref<80x64xf32, #tpu.memory_space<vmem>>, vector<1x16xf32>,
        %get3A_375 = vector.shape_cast %get3A_374 : vector<1x16xf32> to vector<16xf32>
        %mul3A_376 = arith.mulf %get3A_375, %get3A_351 : vector<16xf32>
        %swap3A_377 = arith.index_cast %scan3A_347 : i32 to index
        %swap3A_378 = arith.constant 32 : index
        %swap3A_379 = tpu.vector_load %arg24[%swap3A_377, %swap3A_378] {strides = array<i32>} : memref<80x64xf32, #tpu.memory_space<vmem>>, vector<1x16xf32>,
        %swap3A_380 = vector.shape_cast %swap3A_379 : vector<1x16xf32> to vector<16xf32>
        %swap3A_381 = vector.shape_cast %mul3A_376 : vector<16xf32> to vector<1x16xf32>
        tpu.vector_store %arg24[%swap3A_377, %swap3A_378], %swap3A_381 {strides = array<i32>} : memref<80x64xf32, #tpu.memory_space<vmem>>, vector<1x16xf32>,
        %get3A_382 = arith.index_cast %scan3A_347 : i32 to index
        %get3A_383 = arith.constant 48 : index
        %get3A_384 = tpu.vector_load %arg24[%get3A_382, %get3A_383] {strides = array<i32>} : memref<80x64xf32, #tpu.memory_space<vmem>>, vector<1x16xf32>,
        %get3A_385 = vector.shape_cast %get3A_384 : vector<1x16xf32> to vector<16xf32>
        %mul3A_386 = arith.mulf %get3A_385, %get3A_351 : vector<16xf32>
        %swap3A_387 = arith.index_cast %scan3A_347 : i32 to index
        %swap3A_388 = arith.constant 48 : index
        %swap3A_389 = tpu.vector_load %arg24[%swap3A_387, %swap3A_388] {strides = array<i32>} : memref<80x64xf32, #tpu.memory_space<vmem>>, vector<1x16xf32>,
        %swap3A_390 = vector.shape_cast %swap3A_389 : vector<1x16xf32> to vector<16xf32>
        %swap3A_391 = vector.shape_cast %mul3A_386 : vector<16xf32> to vector<1x16xf32>
        tpu.vector_store %arg24[%swap3A_387, %swap3A_388], %swap3A_391 {strides = array<i32>} : memref<80x64xf32, #tpu.memory_space<vmem>>, vector<1x16xf32>,
        %scan3A_392 = arith.constant 0 : i32
        %scan3A_393 = arith.constant 3 : i32
        %scan3A_394 = arith.addi %scan3A_254, %scan3A_393 : i32
        %get3A_395 = arith.index_cast %scan3A_394 : i32 to index
        %get3A_396 = arith.constant 0 : index
        %get3A_397 = tpu.vector_load %arg20[%get3A_395, %get3A_396] {strides = array<i32>} : memref<80x16xf32, #tpu.memory_space<vmem>>, vector<1x16xf32>,
        %get3A_398 = vector.shape_cast %get3A_397 : vector<1x16xf32> to vector<16xf32>
        %get3A_399 = arith.index_cast %scan3A_394 : i32 to index
        %get3A_400 = arith.constant 0 : index
        %get3A_401 = tpu.vector_load %arg24[%get3A_399, %get3A_400] {strides = array<i32>} : memref<80x64xf32, #tpu.memory_space<vmem>>, vector<1x16xf32>,
        %get3A_402 = vector.shape_cast %get3A_401 : vector<1x16xf32> to vector<16xf32>
        %mul3A_403 = arith.mulf %get3A_402, %get3A_398 : vector<16xf32>
        %swap3A_404 = arith.index_cast %scan3A_394 : i32 to index
        %swap3A_405 = arith.constant 0 : index
        %swap3A_406 = tpu.vector_load %arg24[%swap3A_404, %swap3A_405] {strides = array<i32>} : memref<80x64xf32, #tpu.memory_space<vmem>>, vector<1x16xf32>,
        %swap3A_407 = vector.shape_cast %swap3A_406 : vector<1x16xf32> to vector<16xf32>
        %swap3A_408 = vector.shape_cast %mul3A_403 : vector<16xf32> to vector<1x16xf32>
        tpu.vector_store %arg24[%swap3A_404, %swap3A_405], %swap3A_408 {strides = array<i32>} : memref<80x64xf32, #tpu.memory_space<vmem>>, vector<1x16xf32>,
        %get3A_409 = arith.index_cast %scan3A_394 : i32 to index
        %get3A_410 = arith.constant 16 : index
        %get3A_411 = tpu.vector_load %arg24[%get3A_409, %get3A_410] {strides = array<i32>} : memref<80x64xf32, #tpu.memory_space<vmem>>, vector<1x16xf32>,
        %get3A_412 = vector.shape_cast %get3A_411 : vector<1x16xf32> to vector<16xf32>
        %mul3A_413 = arith.mulf %get3A_412, %get3A_398 : vector<16xf32>
        %swap3A_414 = arith.index_cast %scan3A_394 : i32 to index
        %swap3A_415 = arith.constant 16 : index
        %swap3A_416 = tpu.vector_load %arg24[%swap3A_414, %swap3A_415] {strides = array<i32>} : memref<80x64xf32, #tpu.memory_space<vmem>>, vector<1x16xf32>,
        %swap3A_417 = vector.shape_cast %swap3A_416 : vector<1x16xf32> to vector<16xf32>
        %swap3A_418 = vector.shape_cast %mul3A_413 : vector<16xf32> to vector<1x16xf32>
        tpu.vector_store %arg24[%swap3A_414, %swap3A_415], %swap3A_418 {strides = array<i32>} : memref<80x64xf32, #tpu.memory_space<vmem>>, vector<1x16xf32>,
        %get3A_419 = arith.index_cast %scan3A_394 : i32 to index
        %get3A_420 = arith.constant 32 : index
        %get3A_421 = tpu.vector_load %arg24[%get3A_419, %get3A_420] {strides = array<i32>} : memref<80x64xf32, #tpu.memory_space<vmem>>, vector<1x16xf32>,
        %get3A_422 = vector.shape_cast %get3A_421 : vector<1x16xf32> to vector<16xf32>
        %mul3A_423 = arith.mulf %get3A_422, %get3A_398 : vector<16xf32>
        %swap3A_424 = arith.index_cast %scan3A_394 : i32 to index
        %swap3A_425 = arith.constant 32 : index
        %swap3A_426 = tpu.vector_load %arg24[%swap3A_424, %swap3A_425] {strides = array<i32>} : memref<80x64xf32, #tpu.memory_space<vmem>>, vector<1x16xf32>,
        %swap3A_427 = vector.shape_cast %swap3A_426 : vector<1x16xf32> to vector<16xf32>
        %swap3A_428 = vector.shape_cast %mul3A_423 : vector<16xf32> to vector<1x16xf32>
        tpu.vector_store %arg24[%swap3A_424, %swap3A_425], %swap3A_428 {strides = array<i32>} : memref<80x64xf32, #tpu.memory_space<vmem>>, vector<1x16xf32>,
        %get3A_429 = arith.index_cast %scan3A_394 : i32 to index
        %get3A_430 = arith.constant 48 : index
        %get3A_431 = tpu.vector_load %arg24[%get3A_429, %get3A_430] {strides = array<i32>} : memref<80x64xf32, #tpu.memory_space<vmem>>, vector<1x16xf32>,
        %get3A_432 = vector.shape_cast %get3A_431 : vector<1x16xf32> to vector<16xf32>
        %mul3A_433 = arith.mulf %get3A_432, %get3A_398 : vector<16xf32>
        %swap3A_434 = arith.index_cast %scan3A_394 : i32 to index
        %swap3A_435 = arith.constant 48 : index
        %swap3A_436 = tpu.vector_load %arg24[%swap3A_434, %swap3A_435] {strides = array<i32>} : memref<80x64xf32, #tpu.memory_space<vmem>>, vector<1x16xf32>,
        %swap3A_437 = vector.shape_cast %swap3A_436 : vector<1x16xf32> to vector<16xf32>
        %swap3A_438 = vector.shape_cast %mul3A_433 : vector<16xf32> to vector<1x16xf32>
        tpu.vector_store %arg24[%swap3A_434, %swap3A_435], %swap3A_438 {strides = array<i32>} : memref<80x64xf32, #tpu.memory_space<vmem>>, vector<1x16xf32>,
        %scan3A_439 = arith.constant 0 : i32
        %scan3A_440 = arith.constant 4 : i32
        %scan3A_441 = arith.addi %scan3A_254, %scan3A_440 : i32
        %get3A_442 = arith.index_cast %scan3A_441 : i32 to index
        %get3A_443 = arith.constant 0 : index
        %get3A_444 = tpu.vector_load %arg20[%get3A_442, %get3A_443] {strides = array<i32>} : memref<80x16xf32, #tpu.memory_space<vmem>>, vector<1x16xf32>,
        %get3A_445 = vector.shape_cast %get3A_444 : vector<1x16xf32> to vector<16xf32>
        %get3A_446 = arith.index_cast %scan3A_441 : i32 to index
        %get3A_447 = arith.constant 0 : index
        %get3A_448 = tpu.vector_load %arg24[%get3A_446, %get3A_447] {strides = array<i32>} : memref<80x64xf32, #tpu.memory_space<vmem>>, vector<1x16xf32>,
        %get3A_449 = vector.shape_cast %get3A_448 : vector<1x16xf32> to vector<16xf32>
        %mul3A_450 = arith.mulf %get3A_449, %get3A_445 : vector<16xf32>
        %swap3A_451 = arith.index_cast %scan3A_441 : i32 to index
        %swap3A_452 = arith.constant 0 : index
        %swap3A_453 = tpu.vector_load %arg24[%swap3A_451, %swap3A_452] {strides = array<i32>} : memref<80x64xf32, #tpu.memory_space<vmem>>, vector<1x16xf32>,
        %swap3A_454 = vector.shape_cast %swap3A_453 : vector<1x16xf32> to vector<16xf32>
        %swap3A_455 = vector.shape_cast %mul3A_450 : vector<16xf32> to vector<1x16xf32>
        tpu.vector_store %arg24[%swap3A_451, %swap3A_452], %swap3A_455 {strides = array<i32>} : memref<80x64xf32, #tpu.memory_space<vmem>>, vector<1x16xf32>,
        %get3A_456 = arith.index_cast %scan3A_441 : i32 to index
        %get3A_457 = arith.constant 16 : index
        %get3A_458 = tpu.vector_load %arg24[%get3A_456, %get3A_457] {strides = array<i32>} : memref<80x64xf32, #tpu.memory_space<vmem>>, vector<1x16xf32>,
        %get3A_459 = vector.shape_cast %get3A_458 : vector<1x16xf32> to vector<16xf32>
        %mul3A_460 = arith.mulf %get3A_459, %get3A_445 : vector<16xf32>
        %swap3A_461 = arith.index_cast %scan3A_441 : i32 to index
        %swap3A_462 = arith.constant 16 : index
        %swap3A_463 = tpu.vector_load %arg24[%swap3A_461, %swap3A_462] {strides = array<i32>} : memref<80x64xf32, #tpu.memory_space<vmem>>, vector<1x16xf32>,
        %swap3A_464 = vector.shape_cast %swap3A_463 : vector<1x16xf32> to vector<16xf32>
        %swap3A_465 = vector.shape_cast %mul3A_460 : vector<16xf32> to vector<1x16xf32>
        tpu.vector_store %arg24[%swap3A_461, %swap3A_462], %swap3A_465 {strides = array<i32>} : memref<80x64xf32, #tpu.memory_space<vmem>>, vector<1x16xf32>,
        %get3A_466 = arith.index_cast %scan3A_441 : i32 to index
        %get3A_467 = arith.constant 32 : index
        %get3A_468 = tpu.vector_load %arg24[%get3A_466, %get3A_467] {strides = array<i32>} : memref<80x64xf32, #tpu.memory_space<vmem>>, vector<1x16xf32>,
        %get3A_469 = vector.shape_cast %get3A_468 : vector<1x16xf32> to vector<16xf32>
        %mul3A_470 = arith.mulf %get3A_469, %get3A_445 : vector<16xf32>
        %swap3A_471 = arith.index_cast %scan3A_441 : i32 to index
        %swap3A_472 = arith.constant 32 : index
        %swap3A_473 = tpu.vector_load %arg24[%swap3A_471, %swap3A_472] {strides = array<i32>} : memref<80x64xf32, #tpu.memory_space<vmem>>, vector<1x16xf32>,
        %swap3A_474 = vector.shape_cast %swap3A_473 : vector<1x16xf32> to vector<16xf32>
        %swap3A_475 = vector.shape_cast %mul3A_470 : vector<16xf32> to vector<1x16xf32>
        tpu.vector_store %arg24[%swap3A_471, %swap3A_472], %swap3A_475 {strides = array<i32>} : memref<80x64xf32, #tpu.memory_space<vmem>>, vector<1x16xf32>,
        %get3A_476 = arith.index_cast %scan3A_441 : i32 to index
        %get3A_477 = arith.constant 48 : index
        %get3A_478 = tpu.vector_load %arg24[%get3A_476, %get3A_477] {strides = array<i32>} : memref<80x64xf32, #tpu.memory_space<vmem>>, vector<1x16xf32>,
        %get3A_479 = vector.shape_cast %get3A_478 : vector<1x16xf32> to vector<16xf32>
        %mul3A_480 = arith.mulf %get3A_479, %get3A_445 : vector<16xf32>
        %swap3A_481 = arith.index_cast %scan3A_441 : i32 to index
        %swap3A_482 = arith.constant 48 : index
        %swap3A_483 = tpu.vector_load %arg24[%swap3A_481, %swap3A_482] {strides = array<i32>} : memref<80x64xf32, #tpu.memory_space<vmem>>, vector<1x16xf32>,
        %swap3A_484 = vector.shape_cast %swap3A_483 : vector<1x16xf32> to vector<16xf32>
        %swap3A_485 = vector.shape_cast %mul3A_480 : vector<16xf32> to vector<1x16xf32>
        tpu.vector_store %arg24[%swap3A_481, %swap3A_482], %swap3A_485 {strides = array<i32>} : memref<80x64xf32, #tpu.memory_space<vmem>>, vector<1x16xf32>,
        %scan3A_486 = arith.constant 0 : i32
        %scan3A_487 = arith.constant 5 : i32
        %scan3A_488 = arith.addi %scan3A_254, %scan3A_487 : i32
        %get3A_489 = arith.index_cast %scan3A_488 : i32 to index
        %get3A_490 = arith.constant 0 : index
        %get3A_491 = tpu.vector_load %arg20[%get3A_489, %get3A_490] {strides = array<i32>} : memref<80x16xf32, #tpu.memory_space<vmem>>, vector<1x16xf32>,
        %get3A_492 = vector.shape_cast %get3A_491 : vector<1x16xf32> to vector<16xf32>
        %get3A_493 = arith.index_cast %scan3A_488 : i32 to index
        %get3A_494 = arith.constant 0 : index
        %get3A_495 = tpu.vector_load %arg24[%get3A_493, %get3A_494] {strides = array<i32>} : memref<80x64xf32, #tpu.memory_space<vmem>>, vector<1x16xf32>,
        %get3A_496 = vector.shape_cast %get3A_495 : vector<1x16xf32> to vector<16xf32>
        %mul3A_497 = arith.mulf %get3A_496, %get3A_492 : vector<16xf32>
        %swap3A_498 = arith.index_cast %scan3A_488 : i32 to index
        %swap3A_499 = arith.constant 0 : index
        %swap3A_500 = tpu.vector_load %arg24[%swap3A_498, %swap3A_499] {strides = array<i32>} : memref<80x64xf32, #tpu.memory_space<vmem>>, vector<1x16xf32>,
        %swap3A_501 = vector.shape_cast %swap3A_500 : vector<1x16xf32> to vector<16xf32>
        %swap3A_502 = vector.shape_cast %mul3A_497 : vector<16xf32> to vector<1x16xf32>
        tpu.vector_store %arg24[%swap3A_498, %swap3A_499], %swap3A_502 {strides = array<i32>} : memref<80x64xf32, #tpu.memory_space<vmem>>, vector<1x16xf32>,
        %get3A_503 = arith.index_cast %scan3A_488 : i32 to index
        %get3A_504 = arith.constant 16 : index
        %get3A_505 = tpu.vector_load %arg24[%get3A_503, %get3A_504] {strides = array<i32>} : memref<80x64xf32, #tpu.memory_space<vmem>>, vector<1x16xf32>,
        %get3A_506 = vector.shape_cast %get3A_505 : vector<1x16xf32> to vector<16xf32>
        %mul3A_507 = arith.mulf %get3A_506, %get3A_492 : vector<16xf32>
        %swap3A_508 = arith.index_cast %scan3A_488 : i32 to index
        %swap3A_509 = arith.constant 16 : index
        %swap3A_510 = tpu.vector_load %arg24[%swap3A_508, %swap3A_509] {strides = array<i32>} : memref<80x64xf32, #tpu.memory_space<vmem>>, vector<1x16xf32>,
        %swap3A_511 = vector.shape_cast %swap3A_510 : vector<1x16xf32> to vector<16xf32>
        %swap3A_512 = vector.shape_cast %mul3A_507 : vector<16xf32> to vector<1x16xf32>
        tpu.vector_store %arg24[%swap3A_508, %swap3A_509], %swap3A_512 {strides = array<i32>} : memref<80x64xf32, #tpu.memory_space<vmem>>, vector<1x16xf32>,
        %get3A_513 = arith.index_cast %scan3A_488 : i32 to index
        %get3A_514 = arith.constant 32 : index
        %get3A_515 = tpu.vector_load %arg24[%get3A_513, %get3A_514] {strides = array<i32>} : memref<80x64xf32, #tpu.memory_space<vmem>>, vector<1x16xf32>,
        %get3A_516 = vector.shape_cast %get3A_515 : vector<1x16xf32> to vector<16xf32>
        %mul3A_517 = arith.mulf %get3A_516, %get3A_492 : vector<16xf32>
        %swap3A_518 = arith.index_cast %scan3A_488 : i32 to index
        %swap3A_519 = arith.constant 32 : index
        %swap3A_520 = tpu.vector_load %arg24[%swap3A_518, %swap3A_519] {strides = array<i32>} : memref<80x64xf32, #tpu.memory_space<vmem>>, vector<1x16xf32>,
        %swap3A_521 = vector.shape_cast %swap3A_520 : vector<1x16xf32> to vector<16xf32>
        %swap3A_522 = vector.shape_cast %mul3A_517 : vector<16xf32> to vector<1x16xf32>
        tpu.vector_store %arg24[%swap3A_518, %swap3A_519], %swap3A_522 {strides = array<i32>} : memref<80x64xf32, #tpu.memory_space<vmem>>, vector<1x16xf32>,
        %get3A_523 = arith.index_cast %scan3A_488 : i32 to index
        %get3A_524 = arith.constant 48 : index
        %get3A_525 = tpu.vector_load %arg24[%get3A_523, %get3A_524] {strides = array<i32>} : memref<80x64xf32, #tpu.memory_space<vmem>>, vector<1x16xf32>,
        %get3A_526 = vector.shape_cast %get3A_525 : vector<1x16xf32> to vector<16xf32>
        %mul3A_527 = arith.mulf %get3A_526, %get3A_492 : vector<16xf32>
        %swap3A_528 = arith.index_cast %scan3A_488 : i32 to index
        %swap3A_529 = arith.constant 48 : index
        %swap3A_530 = tpu.vector_load %arg24[%swap3A_528, %swap3A_529] {strides = array<i32>} : memref<80x64xf32, #tpu.memory_space<vmem>>, vector<1x16xf32>,
        %swap3A_531 = vector.shape_cast %swap3A_530 : vector<1x16xf32> to vector<16xf32>
        %swap3A_532 = vector.shape_cast %mul3A_527 : vector<16xf32> to vector<1x16xf32>
        tpu.vector_store %arg24[%swap3A_528, %swap3A_529], %swap3A_532 {strides = array<i32>} : memref<80x64xf32, #tpu.memory_space<vmem>>, vector<1x16xf32>,
        %scan3A_533 = arith.constant 0 : i32
        %scan3A_534 = arith.constant 6 : i32
        %scan3A_535 = arith.addi %scan3A_254, %scan3A_534 : i32
        %get3A_536 = arith.index_cast %scan3A_535 : i32 to index
        %get3A_537 = arith.constant 0 : index
        %get3A_538 = tpu.vector_load %arg20[%get3A_536, %get3A_537] {strides = array<i32>} : memref<80x16xf32, #tpu.memory_space<vmem>>, vector<1x16xf32>,
        %get3A_539 = vector.shape_cast %get3A_538 : vector<1x16xf32> to vector<16xf32>
        %get3A_540 = arith.index_cast %scan3A_535 : i32 to index
        %get3A_541 = arith.constant 0 : index
        %get3A_542 = tpu.vector_load %arg24[%get3A_540, %get3A_541] {strides = array<i32>} : memref<80x64xf32, #tpu.memory_space<vmem>>, vector<1x16xf32>,
        %get3A_543 = vector.shape_cast %get3A_542 : vector<1x16xf32> to vector<16xf32>
        %mul3A_544 = arith.mulf %get3A_543, %get3A_539 : vector<16xf32>
        %swap3A_545 = arith.index_cast %scan3A_535 : i32 to index
        %swap3A_546 = arith.constant 0 : index
        %swap3A_547 = tpu.vector_load %arg24[%swap3A_545, %swap3A_546] {strides = array<i32>} : memref<80x64xf32, #tpu.memory_space<vmem>>, vector<1x16xf32>,
        %swap3A_548 = vector.shape_cast %swap3A_547 : vector<1x16xf32> to vector<16xf32>
        %swap3A_549 = vector.shape_cast %mul3A_544 : vector<16xf32> to vector<1x16xf32>
        tpu.vector_store %arg24[%swap3A_545, %swap3A_546], %swap3A_549 {strides = array<i32>} : memref<80x64xf32, #tpu.memory_space<vmem>>, vector<1x16xf32>,
        %get3A_550 = arith.index_cast %scan3A_535 : i32 to index
        %get3A_551 = arith.constant 16 : index
        %get3A_552 = tpu.vector_load %arg24[%get3A_550, %get3A_551] {strides = array<i32>} : memref<80x64xf32, #tpu.memory_space<vmem>>, vector<1x16xf32>,
        %get3A_553 = vector.shape_cast %get3A_552 : vector<1x16xf32> to vector<16xf32>
        %mul3A_554 = arith.mulf %get3A_553, %get3A_539 : vector<16xf32>
        %swap3A_555 = arith.index_cast %scan3A_535 : i32 to index
        %swap3A_556 = arith.constant 16 : index
        %swap3A_557 = tpu.vector_load %arg24[%swap3A_555, %swap3A_556] {strides = array<i32>} : memref<80x64xf32, #tpu.memory_space<vmem>>, vector<1x16xf32>,
        %swap3A_558 = vector.shape_cast %swap3A_557 : vector<1x16xf32> to vector<16xf32>
        %swap3A_559 = vector.shape_cast %mul3A_554 : vector<16xf32> to vector<1x16xf32>
        tpu.vector_store %arg24[%swap3A_555, %swap3A_556], %swap3A_559 {strides = array<i32>} : memref<80x64xf32, #tpu.memory_space<vmem>>, vector<1x16xf32>,
        %get3A_560 = arith.index_cast %scan3A_535 : i32 to index
        %get3A_561 = arith.constant 32 : index
        %get3A_562 = tpu.vector_load %arg24[%get3A_560, %get3A_561] {strides = array<i32>} : memref<80x64xf32, #tpu.memory_space<vmem>>, vector<1x16xf32>,
        %get3A_563 = vector.shape_cast %get3A_562 : vector<1x16xf32> to vector<16xf32>
        %mul3A_564 = arith.mulf %get3A_563, %get3A_539 : vector<16xf32>
        %swap3A_565 = arith.index_cast %scan3A_535 : i32 to index
        %swap3A_566 = arith.constant 32 : index
        %swap3A_567 = tpu.vector_load %arg24[%swap3A_565, %swap3A_566] {strides = array<i32>} : memref<80x64xf32, #tpu.memory_space<vmem>>, vector<1x16xf32>,
        %swap3A_568 = vector.shape_cast %swap3A_567 : vector<1x16xf32> to vector<16xf32>
        %swap3A_569 = vector.shape_cast %mul3A_564 : vector<16xf32> to vector<1x16xf32>
        tpu.vector_store %arg24[%swap3A_565, %swap3A_566], %swap3A_569 {strides = array<i32>} : memref<80x64xf32, #tpu.memory_space<vmem>>, vector<1x16xf32>,
        %get3A_570 = arith.index_cast %scan3A_535 : i32 to index
        %get3A_571 = arith.constant 48 : index
        %get3A_572 = tpu.vector_load %arg24[%get3A_570, %get3A_571] {strides = array<i32>} : memref<80x64xf32, #tpu.memory_space<vmem>>, vector<1x16xf32>,
        %get3A_573 = vector.shape_cast %get3A_572 : vector<1x16xf32> to vector<16xf32>
        %mul3A_574 = arith.mulf %get3A_573, %get3A_539 : vector<16xf32>
        %swap3A_575 = arith.index_cast %scan3A_535 : i32 to index
        %swap3A_576 = arith.constant 48 : index
        %swap3A_577 = tpu.vector_load %arg24[%swap3A_575, %swap3A_576] {strides = array<i32>} : memref<80x64xf32, #tpu.memory_space<vmem>>, vector<1x16xf32>,
        %swap3A_578 = vector.shape_cast %swap3A_577 : vector<1x16xf32> to vector<16xf32>
        %swap3A_579 = vector.shape_cast %mul3A_574 : vector<16xf32> to vector<1x16xf32>
        tpu.vector_store %arg24[%swap3A_575, %swap3A_576], %swap3A_579 {strides = array<i32>} : memref<80x64xf32, #tpu.memory_space<vmem>>, vector<1x16xf32>,
        %scan3A_580 = arith.constant 0 : i32
        %scan3A_581 = arith.constant 7 : i32
        %scan3A_582 = arith.addi %scan3A_254, %scan3A_581 : i32
        %get3A_583 = arith.index_cast %scan3A_582 : i32 to index
        %get3A_584 = arith.constant 0 : index
        %get3A_585 = tpu.vector_load %arg20[%get3A_583, %get3A_584] {strides = array<i32>} : memref<80x16xf32, #tpu.memory_space<vmem>>, vector<1x16xf32>,
        %get3A_586 = vector.shape_cast %get3A_585 : vector<1x16xf32> to vector<16xf32>
        %get3A_587 = arith.index_cast %scan3A_582 : i32 to index
        %get3A_588 = arith.constant 0 : index
        %get3A_589 = tpu.vector_load %arg24[%get3A_587, %get3A_588] {strides = array<i32>} : memref<80x64xf32, #tpu.memory_space<vmem>>, vector<1x16xf32>,
        %get3A_590 = vector.shape_cast %get3A_589 : vector<1x16xf32> to vector<16xf32>
        %mul3A_591 = arith.mulf %get3A_590, %get3A_586 : vector<16xf32>
        %swap3A_592 = arith.index_cast %scan3A_582 : i32 to index
        %swap3A_593 = arith.constant 0 : index
        %swap3A_594 = tpu.vector_load %arg24[%swap3A_592, %swap3A_593] {strides = array<i32>} : memref<80x64xf32, #tpu.memory_space<vmem>>, vector<1x16xf32>,
        %swap3A_595 = vector.shape_cast %swap3A_594 : vector<1x16xf32> to vector<16xf32>
        %swap3A_596 = vector.shape_cast %mul3A_591 : vector<16xf32> to vector<1x16xf32>
        tpu.vector_store %arg24[%swap3A_592, %swap3A_593], %swap3A_596 {strides = array<i32>} : memref<80x64xf32, #tpu.memory_space<vmem>>, vector<1x16xf32>,
        %get3A_597 = arith.index_cast %scan3A_582 : i32 to index
        %get3A_598 = arith.constant 16 : index
        %get3A_599 = tpu.vector_load %arg24[%get3A_597, %get3A_598] {strides = array<i32>} : memref<80x64xf32, #tpu.memory_space<vmem>>, vector<1x16xf32>,
        %get3A_600 = vector.shape_cast %get3A_599 : vector<1x16xf32> to vector<16xf32>
        %mul3A_601 = arith.mulf %get3A_600, %get3A_586 : vector<16xf32>
        %swap3A_602 = arith.index_cast %scan3A_582 : i32 to index
        %swap3A_603 = arith.constant 16 : index
        %swap3A_604 = tpu.vector_load %arg24[%swap3A_602, %swap3A_603] {strides = array<i32>} : memref<80x64xf32, #tpu.memory_space<vmem>>, vector<1x16xf32>,
        %swap3A_605 = vector.shape_cast %swap3A_604 : vector<1x16xf32> to vector<16xf32>
        %swap3A_606 = vector.shape_cast %mul3A_601 : vector<16xf32> to vector<1x16xf32>
        tpu.vector_store %arg24[%swap3A_602, %swap3A_603], %swap3A_606 {strides = array<i32>} : memref<80x64xf32, #tpu.memory_space<vmem>>, vector<1x16xf32>,
        %get3A_607 = arith.index_cast %scan3A_582 : i32 to index
        %get3A_608 = arith.constant 32 : index
        %get3A_609 = tpu.vector_load %arg24[%get3A_607, %get3A_608] {strides = array<i32>} : memref<80x64xf32, #tpu.memory_space<vmem>>, vector<1x16xf32>,
        %get3A_610 = vector.shape_cast %get3A_609 : vector<1x16xf32> to vector<16xf32>
        %mul3A_611 = arith.mulf %get3A_610, %get3A_586 : vector<16xf32>
        %swap3A_612 = arith.index_cast %scan3A_582 : i32 to index
        %swap3A_613 = arith.constant 32 : index
        %swap3A_614 = tpu.vector_load %arg24[%swap3A_612, %swap3A_613] {strides = array<i32>} : memref<80x64xf32, #tpu.memory_space<vmem>>, vector<1x16xf32>,
        %swap3A_615 = vector.shape_cast %swap3A_614 : vector<1x16xf32> to vector<16xf32>
        %swap3A_616 = vector.shape_cast %mul3A_611 : vector<16xf32> to vector<1x16xf32>
        tpu.vector_store %arg24[%swap3A_612, %swap3A_613], %swap3A_616 {strides = array<i32>} : memref<80x64xf32, #tpu.memory_space<vmem>>, vector<1x16xf32>,
        %get3A_617 = arith.index_cast %scan3A_582 : i32 to index
        %get3A_618 = arith.constant 48 : index
        %get3A_619 = tpu.vector_load %arg24[%get3A_617, %get3A_618] {strides = array<i32>} : memref<80x64xf32, #tpu.memory_space<vmem>>, vector<1x16xf32>,
        %get3A_620 = vector.shape_cast %get3A_619 : vector<1x16xf32> to vector<16xf32>
        %mul3A_621 = arith.mulf %get3A_620, %get3A_586 : vector<16xf32>
        %swap3A_622 = arith.index_cast %scan3A_582 : i32 to index
        %swap3A_623 = arith.constant 48 : index
        %swap3A_624 = tpu.vector_load %arg24[%swap3A_622, %swap3A_623] {strides = array<i32>} : memref<80x64xf32, #tpu.memory_space<vmem>>, vector<1x16xf32>,
        %swap3A_625 = vector.shape_cast %swap3A_624 : vector<1x16xf32> to vector<16xf32>
        %swap3A_626 = vector.shape_cast %mul3A_621 : vector<16xf32> to vector<1x16xf32>
        tpu.vector_store %arg24[%swap3A_622, %swap3A_623], %swap3A_626 {strides = array<i32>} : memref<80x64xf32, #tpu.memory_space<vmem>>, vector<1x16xf32>,
        %scan3A_627 = arith.constant 0 : i32
        scf.yield %scan3A_627 : i32
      }
      %scan3A_245 = arith.constant 80 : i32
      "tpu.region"() ({
        %run_scoped3A = tpu.sem_alloc : memref<!tpu.dma_semaphore, #tpu.memory_space<semaphore_mem>>
        %dma_start3A_254 = arith.constant 0 : i32
        %dma_start3A_255 = arith.constant 0 : i32
        %dma_start3A_256 = tpu.memref_slice %arg7[%dma_start3A_254, %dma_start3A_255] : memref<10240x64xf32, #tpu.memory_space<vmem_shared>> -> memref<10240x64xf32, #tpu.memory_space<vmem_shared>>
        tpu.enqueue_indirect_dma source(%arg24 : memref<80x64xf32, #tpu.memory_space<vmem>>) target(%dma_start3A_256 : memref<10240x64xf32, #tpu.memory_space<vmem_shared>>) offsets(%arg16 : memref<80xi32, #tpu.memory_space<vmem>>) semaphore(%run_scoped3A : memref<!tpu.dma_semaphore, #tpu.memory_space<semaphore_mem>>) {add = true}
        %dma_wait3A_257 = arith.constant 0 : i32
        %dma_wait3A_258 = arith.constant 0 : i32
        %dma_wait3A_259 = tpu.memref_slice %arg7[%dma_wait3A_257, %dma_wait3A_258] : memref<10240x64xf32, #tpu.memory_space<vmem_shared>> -> memref<10240x64xf32, #tpu.memory_space<vmem_shared>>
        tpu.wait_indirect_dma semaphore(%run_scoped3A : memref<!tpu.dma_semaphore, #tpu.memory_space<semaphore_mem>>) src(%arg24 : memref<80x64xf32, #tpu.memory_space<vmem>>) dst(%dma_wait3A_259 : memref<10240x64xf32, #tpu.memory_space<vmem_shared>>)
        tpu.yield
      }) : () -> ()
      %add3A_246 = arith.constant 4 : i32
      %add3A_247 = arith.addi %add3A_228, %add3A_246 : i32
      %lt3A_248 = arith.constant 252 : i32
      %lt3A_249 = arith.cmpi slt, %add3A_247, %lt3A_248 : i32
      %convert_element_type3A_250 = arith.extui %lt3A_249 : i1 to i32
      %cond3A_251 = arith.constant 0 : i32
      %cond3A_252 = arith.cmpi ne, %convert_element_type3A_250, %cond3A_251 : i32
      scf.if %cond3A_252 {
        %add3A_254 = arith.constant 4 : i32
        %add3A_255 = arith.addi %add3A_228, %add3A_254 : i32
        %mul3A_256 = arith.constant 80 : i32
        %mul3A_257 = arith.muli %add3A_255, %mul3A_256 : i32
        %add3A_258 = arith.addi %mul3A_37, %mul3A_257 : i32
        %dma_start3A_259 = tpu.memref_slice %arg3[%add3A_258] : memref<322560xi32, #tpu.memory_space<hbm>> -> memref<80xi32, #tpu.memory_space<hbm>>
        %dma_start3A_260 = tpu.memref_slice %arg3[%add3A_258] : memref<322560xi32, #tpu.memory_space<hbm>> -> memref<80xi32, #tpu.memory_space<hbm>>
        tpu.enqueue_dma source(%dma_start3A_260 : memref<80xi32, #tpu.memory_space<hbm>>) target(%arg12 : memref<80xi32, #tpu.memory_space<vmem>>) target_semaphore(%arg28 : memref<!tpu.dma_semaphore, #tpu.memory_space<semaphore_mem>>)
        %dma_start3A_261 = tpu.memref_slice %arg4[%add3A_258] : memref<322560xi32, #tpu.memory_space<hbm>> -> memref<80xi32, #tpu.memory_space<hbm>>
        %dma_start3A_262 = tpu.memref_slice %arg4[%add3A_258] : memref<322560xi32, #tpu.memory_space<hbm>> -> memref<80xi32, #tpu.memory_space<hbm>>
        tpu.enqueue_dma source(%dma_start3A_262 : memref<80xi32, #tpu.memory_space<hbm>>) target(%arg16 : memref<80xi32, #tpu.memory_space<vmem>>) target_semaphore(%arg28 : memref<!tpu.dma_semaphore, #tpu.memory_space<semaphore_mem>>)
        %dma_start3A_263 = arith.constant 0 : i32
        %dma_start3A_264 = tpu.memref_slice %arg5[%add3A_258, %dma_start3A_263] : memref<322560x16xf32, #tpu.memory_space<hbm>> -> memref<80x16xf32, #tpu.memory_space<hbm>>
        %dma_start3A_265 = arith.constant 0 : i32
        %dma_start3A_266 = tpu.memref_slice %arg5[%add3A_258, %dma_start3A_265] : memref<322560x16xf32, #tpu.memory_space<hbm>> -> memref<80x16xf32, #tpu.memory_space<hbm>>
        tpu.enqueue_dma source(%dma_start3A_266 : memref<80x16xf32, #tpu.memory_space<hbm>>) target(%arg20 : memref<80x16xf32, #tpu.memory_space<vmem>>) target_semaphore(%arg28 : memref<!tpu.dma_semaphore, #tpu.memory_space<semaphore_mem>>)
      } else {
      }
      %scan3A_253 = arith.constant 0 : i32
      scf.yield %scan3A_253 : i32
    }
    %scan3A_108 = arith.constant 63 : i32
    %barrier3A_109 = arith.constant 0 : index
    tpu.barrier barrier_id(%barrier3A_109)
    %mul3A_110 = arith.constant 640 : i32
    %mul3A_111 = arith.muli %arg1, %mul3A_110 : i32
    %add3A_112 = arith.constant 0 : i32
    %add3A_113 = arith.addi %mul3A_111, %add3A_112 : i32
    "tpu.region"() ({
      %run_scoped3A = tpu.sem_alloc : memref<!tpu.dma_semaphore, #tpu.memory_space<semaphore_mem>>
      %dma_start3A_142 = arith.constant 0 : i32
      %dma_start3A_143 = tpu.memref_slice %arg7[%add3A_113, %dma_start3A_142] : memref<10240x64xf32, #tpu.memory_space<vmem_shared>> -> memref<80x64xf32, #tpu.memory_space<vmem_shared>>
      %dma_start3A_144 = arith.constant 0 : i32
      %dma_start3A_145 = tpu.memref_slice %arg7[%add3A_113, %dma_start3A_144] : memref<10240x64xf32, #tpu.memory_space<vmem_shared>> -> memref<80x64xf32, #tpu.memory_space<vmem_shared>>
      tpu.enqueue_dma source(%dma_start3A_145 : memref<80x64xf32, #tpu.memory_space<vmem_shared>>) target(%arg21 : memref<80x64xf32, #tpu.memory_space<vmem>>) target_semaphore(%run_scoped3A : memref<!tpu.dma_semaphore, #tpu.memory_space<semaphore_mem>>)
      %dma_wait3A_146 = arith.constant 0 : i32
      %dma_wait3A_147 = tpu.memref_slice %arg7[%add3A_113, %dma_wait3A_146] : memref<10240x64xf32, #tpu.memory_space<vmem_shared>> -> memref<80x64xf32, #tpu.memory_space<vmem_shared>>
      %dma_wait3A_148 = arith.constant 0 : i32
      %dma_wait3A_149 = tpu.memref_slice %arg7[%add3A_113, %dma_wait3A_148] : memref<10240x64xf32, #tpu.memory_space<vmem_shared>> -> memref<80x64xf32, #tpu.memory_space<vmem_shared>>
      tpu.wait_dma2 semaphore(%run_scoped3A : memref<!tpu.dma_semaphore, #tpu.memory_space<semaphore_mem>>) src(%dma_wait3A_149 : memref<80x64xf32, #tpu.memory_space<vmem_shared>>) dst(%arg21 : memref<80x64xf32, #tpu.memory_space<vmem>>)
      tpu.yield
    }) : () -> ()
    "tpu.region"() ({
      %run_scoped3A = tpu.sem_alloc : memref<!tpu.dma_semaphore, #tpu.memory_space<semaphore_mem>>
      %dma_start3A_142 = arith.constant 0 : i32
      %dma_start3A_143 = tpu.memref_slice %arg6[%arg0, %add3A_113, %dma_start3A_142] : memref<2x10240x64xf32, #tpu.memory_space<hbm>> -> memref<1x80x64xf32, #tpu.memory_space<hbm>>
      %dma_start3A_144 = tpu.memref_squeeze %dma_start3A_143 : memref<1x80x64xf32, #tpu.memory_space<hbm>> -> memref<80x64xf32, #tpu.memory_space<hbm>>
      %dma_start3A_145 = arith.constant 0 : i32
      %dma_start3A_146 = tpu.memref_slice %arg6[%arg0, %add3A_113, %dma_start3A_145] : memref<2x10240x64xf32, #tpu.memory_space<hbm>> -> memref<1x80x64xf32, #tpu.memory_space<hbm>>
      %dma_start3A_147 = tpu.memref_squeeze %dma_start3A_146 : memref<1x80x64xf32, #tpu.memory_space<hbm>> -> memref<80x64xf32, #tpu.memory_space<hbm>>
      tpu.enqueue_dma source(%arg21 : memref<80x64xf32, #tpu.memory_space<vmem>>) target(%dma_start3A_147 : memref<80x64xf32, #tpu.memory_space<hbm>>) target_semaphore(%run_scoped3A : memref<!tpu.dma_semaphore, #tpu.memory_space<semaphore_mem>>)
      %dma_wait3A_148 = arith.constant 0 : i32
      %dma_wait3A_149 = tpu.memref_slice %arg6[%arg0, %add3A_113, %dma_wait3A_148] : memref<2x10240x64xf32, #tpu.memory_space<hbm>> -> memref<1x80x64xf32, #tpu.memory_space<hbm>>
      %dma_wait3A_150 = tpu.memref_squeeze %dma_wait3A_149 : memref<1x80x64xf32, #tpu.memory_space<hbm>> -> memref<80x64xf32, #tpu.memory_space<hbm>>
      %dma_wait3A_151 = arith.constant 0 : i32
      %dma_wait3A_152 = tpu.memref_slice %arg6[%arg0, %add3A_113, %dma_wait3A_151] : memref<2x10240x64xf32, #tpu.memory_space<hbm>> -> memref<1x80x64xf32, #tpu.memory_space<hbm>>
      %dma_wait3A_153 = tpu.memref_squeeze %dma_wait3A_152 : memref<1x80x64xf32, #tpu.memory_space<hbm>> -> memref<80x64xf32, #tpu.memory_space<hbm>>
      tpu.wait_dma2 semaphore(%run_scoped3A : memref<!tpu.dma_semaphore, #tpu.memory_space<semaphore_mem>>) src(%arg21 : memref<80x64xf32, #tpu.memory_space<vmem>>) dst(%dma_wait3A_153 : memref<80x64xf32, #tpu.memory_space<hbm>>)
      tpu.yield
    }) : () -> ()
    %mul3A_114 = arith.constant 640 : i32
    %mul3A_115 = arith.muli %arg1, %mul3A_114 : i32
    %add3A_116 = arith.constant 80 : i32
    %add3A_117 = arith.addi %mul3A_115, %add3A_116 : i32
    "tpu.region"() ({
      %run_scoped3A = tpu.sem_alloc : memref<!tpu.dma_semaphore, #tpu.memory_space<semaphore_mem>>
      %dma_start3A_142 = arith.constant 0 : i32
      %dma_start3A_143 = tpu.memref_slice %arg7[%add3A_117, %dma_start3A_142] : memref<10240x64xf32, #tpu.memory_space<vmem_shared>> -> memref<80x64xf32, #tpu.memory_space<vmem_shared>>
      %dma_start3A_144 = arith.constant 0 : i32
      %dma_start3A_145 = tpu.memref_slice %arg7[%add3A_117, %dma_start3A_144] : memref<10240x64xf32, #tpu.memory_space<vmem_shared>> -> memref<80x64xf32, #tpu.memory_space<vmem_shared>>
      tpu.enqueue_dma source(%dma_start3A_145 : memref<80x64xf32, #tpu.memory_space<vmem_shared>>) target(%arg22 : memref<80x64xf32, #tpu.memory_space<vmem>>) target_semaphore(%run_scoped3A : memref<!tpu.dma_semaphore, #tpu.memory_space<semaphore_mem>>)
      %dma_wait3A_146 = arith.constant 0 : i32
      %dma_wait3A_147 = tpu.memref_slice %arg7[%add3A_117, %dma_wait3A_146] : memref<10240x64xf32, #tpu.memory_space<vmem_shared>> -> memref<80x64xf32, #tpu.memory_space<vmem_shared>>
      %dma_wait3A_148 = arith.constant 0 : i32
      %dma_wait3A_149 = tpu.memref_slice %arg7[%add3A_117, %dma_wait3A_148] : memref<10240x64xf32, #tpu.memory_space<vmem_shared>> -> memref<80x64xf32, #tpu.memory_space<vmem_shared>>
      tpu.wait_dma2 semaphore(%run_scoped3A : memref<!tpu.dma_semaphore, #tpu.memory_space<semaphore_mem>>) src(%dma_wait3A_149 : memref<80x64xf32, #tpu.memory_space<vmem_shared>>) dst(%arg22 : memref<80x64xf32, #tpu.memory_space<vmem>>)
      tpu.yield
    }) : () -> ()
    "tpu.region"() ({
      %run_scoped3A = tpu.sem_alloc : memref<!tpu.dma_semaphore, #tpu.memory_space<semaphore_mem>>
      %dma_start3A_142 = arith.constant 0 : i32
      %dma_start3A_143 = tpu.memref_slice %arg6[%arg0, %add3A_117, %dma_start3A_142] : memref<2x10240x64xf32, #tpu.memory_space<hbm>> -> memref<1x80x64xf32, #tpu.memory_space<hbm>>
      %dma_start3A_144 = tpu.memref_squeeze %dma_start3A_143 : memref<1x80x64xf32, #tpu.memory_space<hbm>> -> memref<80x64xf32, #tpu.memory_space<hbm>>
      %dma_start3A_145 = arith.constant 0 : i32
      %dma_start3A_146 = tpu.memref_slice %arg6[%arg0, %add3A_117, %dma_start3A_145] : memref<2x10240x64xf32, #tpu.memory_space<hbm>> -> memref<1x80x64xf32, #tpu.memory_space<hbm>>
      %dma_start3A_147 = tpu.memref_squeeze %dma_start3A_146 : memref<1x80x64xf32, #tpu.memory_space<hbm>> -> memref<80x64xf32, #tpu.memory_space<hbm>>
      tpu.enqueue_dma source(%arg22 : memref<80x64xf32, #tpu.memory_space<vmem>>) target(%dma_start3A_147 : memref<80x64xf32, #tpu.memory_space<hbm>>) target_semaphore(%run_scoped3A : memref<!tpu.dma_semaphore, #tpu.memory_space<semaphore_mem>>)
      %dma_wait3A_148 = arith.constant 0 : i32
      %dma_wait3A_149 = tpu.memref_slice %arg6[%arg0, %add3A_117, %dma_wait3A_148] : memref<2x10240x64xf32, #tpu.memory_space<hbm>> -> memref<1x80x64xf32, #tpu.memory_space<hbm>>
      %dma_wait3A_150 = tpu.memref_squeeze %dma_wait3A_149 : memref<1x80x64xf32, #tpu.memory_space<hbm>> -> memref<80x64xf32, #tpu.memory_space<hbm>>
      %dma_wait3A_151 = arith.constant 0 : i32
      %dma_wait3A_152 = tpu.memref_slice %arg6[%arg0, %add3A_117, %dma_wait3A_151] : memref<2x10240x64xf32, #tpu.memory_space<hbm>> -> memref<1x80x64xf32, #tpu.memory_space<hbm>>
      %dma_wait3A_153 = tpu.memref_squeeze %dma_wait3A_152 : memref<1x80x64xf32, #tpu.memory_space<hbm>> -> memref<80x64xf32, #tpu.memory_space<hbm>>
      tpu.wait_dma2 semaphore(%run_scoped3A : memref<!tpu.dma_semaphore, #tpu.memory_space<semaphore_mem>>) src(%arg22 : memref<80x64xf32, #tpu.memory_space<vmem>>) dst(%dma_wait3A_153 : memref<80x64xf32, #tpu.memory_space<hbm>>)
      tpu.yield
    }) : () -> ()
    %mul3A_118 = arith.constant 640 : i32
    %mul3A_119 = arith.muli %arg1, %mul3A_118 : i32
    %add3A_120 = arith.constant 160 : i32
    %add3A_121 = arith.addi %mul3A_119, %add3A_120 : i32
    "tpu.region"() ({
      %run_scoped3A = tpu.sem_alloc : memref<!tpu.dma_semaphore, #tpu.memory_space<semaphore_mem>>
      %dma_start3A_142 = arith.constant 0 : i32
      %dma_start3A_143 = tpu.memref_slice %arg7[%add3A_121, %dma_start3A_142] : memref<10240x64xf32, #tpu.memory_space<vmem_shared>> -> memref<80x64xf32, #tpu.memory_space<vmem_shared>>
      %dma_start3A_144 = arith.constant 0 : i32
      %dma_start3A_145 = tpu.memref_slice %arg7[%add3A_121, %dma_start3A_144] : memref<10240x64xf32, #tpu.memory_space<vmem_shared>> -> memref<80x64xf32, #tpu.memory_space<vmem_shared>>
      tpu.enqueue_dma source(%dma_start3A_145 : memref<80x64xf32, #tpu.memory_space<vmem_shared>>) target(%arg21 : memref<80x64xf32, #tpu.memory_space<vmem>>) target_semaphore(%run_scoped3A : memref<!tpu.dma_semaphore, #tpu.memory_space<semaphore_mem>>)
      %dma_wait3A_146 = arith.constant 0 : i32
      %dma_wait3A_147 = tpu.memref_slice %arg7[%add3A_121, %dma_wait3A_146] : memref<10240x64xf32, #tpu.memory_space<vmem_shared>> -> memref<80x64xf32, #tpu.memory_space<vmem_shared>>
      %dma_wait3A_148 = arith.constant 0 : i32
      %dma_wait3A_149 = tpu.memref_slice %arg7[%add3A_121, %dma_wait3A_148] : memref<10240x64xf32, #tpu.memory_space<vmem_shared>> -> memref<80x64xf32, #tpu.memory_space<vmem_shared>>
      tpu.wait_dma2 semaphore(%run_scoped3A : memref<!tpu.dma_semaphore, #tpu.memory_space<semaphore_mem>>) src(%dma_wait3A_149 : memref<80x64xf32, #tpu.memory_space<vmem_shared>>) dst(%arg21 : memref<80x64xf32, #tpu.memory_space<vmem>>)
      tpu.yield
    }) : () -> ()
    "tpu.region"() ({
      %run_scoped3A = tpu.sem_alloc : memref<!tpu.dma_semaphore, #tpu.memory_space<semaphore_mem>>
      %dma_start3A_142 = arith.constant 0 : i32
      %dma_start3A_143 = tpu.memref_slice %arg6[%arg0, %add3A_121, %dma_start3A_142] : memref<2x10240x64xf32, #tpu.memory_space<hbm>> -> memref<1x80x64xf32, #tpu.memory_space<hbm>>
      %dma_start3A_144 = tpu.memref_squeeze %dma_start3A_143 : memref<1x80x64xf32, #tpu.memory_space<hbm>> -> memref<80x64xf32, #tpu.memory_space<hbm>>
      %dma_start3A_145 = arith.constant 0 : i32
      %dma_start3A_146 = tpu.memref_slice %arg6[%arg0, %add3A_121, %dma_start3A_145] : memref<2x10240x64xf32, #tpu.memory_space<hbm>> -> memref<1x80x64xf32, #tpu.memory_space<hbm>>
      %dma_start3A_147 = tpu.memref_squeeze %dma_start3A_146 : memref<1x80x64xf32, #tpu.memory_space<hbm>> -> memref<80x64xf32, #tpu.memory_space<hbm>>
      tpu.enqueue_dma source(%arg21 : memref<80x64xf32, #tpu.memory_space<vmem>>) target(%dma_start3A_147 : memref<80x64xf32, #tpu.memory_space<hbm>>) target_semaphore(%run_scoped3A : memref<!tpu.dma_semaphore, #tpu.memory_space<semaphore_mem>>)
      %dma_wait3A_148 = arith.constant 0 : i32
      %dma_wait3A_149 = tpu.memref_slice %arg6[%arg0, %add3A_121, %dma_wait3A_148] : memref<2x10240x64xf32, #tpu.memory_space<hbm>> -> memref<1x80x64xf32, #tpu.memory_space<hbm>>
      %dma_wait3A_150 = tpu.memref_squeeze %dma_wait3A_149 : memref<1x80x64xf32, #tpu.memory_space<hbm>> -> memref<80x64xf32, #tpu.memory_space<hbm>>
      %dma_wait3A_151 = arith.constant 0 : i32
      %dma_wait3A_152 = tpu.memref_slice %arg6[%arg0, %add3A_121, %dma_wait3A_151] : memref<2x10240x64xf32, #tpu.memory_space<hbm>> -> memref<1x80x64xf32, #tpu.memory_space<hbm>>
      %dma_wait3A_153 = tpu.memref_squeeze %dma_wait3A_152 : memref<1x80x64xf32, #tpu.memory_space<hbm>> -> memref<80x64xf32, #tpu.memory_space<hbm>>
      tpu.wait_dma2 semaphore(%run_scoped3A : memref<!tpu.dma_semaphore, #tpu.memory_space<semaphore_mem>>) src(%arg21 : memref<80x64xf32, #tpu.memory_space<vmem>>) dst(%dma_wait3A_153 : memref<80x64xf32, #tpu.memory_space<hbm>>)
      tpu.yield
    }) : () -> ()
    %mul3A_122 = arith.constant 640 : i32
    %mul3A_123 = arith.muli %arg1, %mul3A_122 : i32
    %add3A_124 = arith.constant 240 : i32
    %add3A_125 = arith.addi %mul3A_123, %add3A_124 : i32
    "tpu.region"() ({
      %run_scoped3A = tpu.sem_alloc : memref<!tpu.dma_semaphore, #tpu.memory_space<semaphore_mem>>
      %dma_start3A_142 = arith.constant 0 : i32
      %dma_start3A_143 = tpu.memref_slice %arg7[%add3A_125, %dma_start3A_142] : memref<10240x64xf32, #tpu.memory_space<vmem_shared>> -> memref<80x64xf32, #tpu.memory_space<vmem_shared>>
      %dma_start3A_144 = arith.constant 0 : i32
      %dma_start3A_145 = tpu.memref_slice %arg7[%add3A_125, %dma_start3A_144] : memref<10240x64xf32, #tpu.memory_space<vmem_shared>> -> memref<80x64xf32, #tpu.memory_space<vmem_shared>>
      tpu.enqueue_dma source(%dma_start3A_145 : memref<80x64xf32, #tpu.memory_space<vmem_shared>>) target(%arg22 : memref<80x64xf32, #tpu.memory_space<vmem>>) target_semaphore(%run_scoped3A : memref<!tpu.dma_semaphore, #tpu.memory_space<semaphore_mem>>)
      %dma_wait3A_146 = arith.constant 0 : i32
      %dma_wait3A_147 = tpu.memref_slice %arg7[%add3A_125, %dma_wait3A_146] : memref<10240x64xf32, #tpu.memory_space<vmem_shared>> -> memref<80x64xf32, #tpu.memory_space<vmem_shared>>
      %dma_wait3A_148 = arith.constant 0 : i32
      %dma_wait3A_149 = tpu.memref_slice %arg7[%add3A_125, %dma_wait3A_148] : memref<10240x64xf32, #tpu.memory_space<vmem_shared>> -> memref<80x64xf32, #tpu.memory_space<vmem_shared>>
      tpu.wait_dma2 semaphore(%run_scoped3A : memref<!tpu.dma_semaphore, #tpu.memory_space<semaphore_mem>>) src(%dma_wait3A_149 : memref<80x64xf32, #tpu.memory_space<vmem_shared>>) dst(%arg22 : memref<80x64xf32, #tpu.memory_space<vmem>>)
      tpu.yield
    }) : () -> ()
    "tpu.region"() ({
      %run_scoped3A = tpu.sem_alloc : memref<!tpu.dma_semaphore, #tpu.memory_space<semaphore_mem>>
      %dma_start3A_142 = arith.constant 0 : i32
      %dma_start3A_143 = tpu.memref_slice %arg6[%arg0, %add3A_125, %dma_start3A_142] : memref<2x10240x64xf32, #tpu.memory_space<hbm>> -> memref<1x80x64xf32, #tpu.memory_space<hbm>>
      %dma_start3A_144 = tpu.memref_squeeze %dma_start3A_143 : memref<1x80x64xf32, #tpu.memory_space<hbm>> -> memref<80x64xf32, #tpu.memory_space<hbm>>
      %dma_start3A_145 = arith.constant 0 : i32
      %dma_start3A_146 = tpu.memref_slice %arg6[%arg0, %add3A_125, %dma_start3A_145] : memref<2x10240x64xf32, #tpu.memory_space<hbm>> -> memref<1x80x64xf32, #tpu.memory_space<hbm>>
      %dma_start3A_147 = tpu.memref_squeeze %dma_start3A_146 : memref<1x80x64xf32, #tpu.memory_space<hbm>> -> memref<80x64xf32, #tpu.memory_space<hbm>>
      tpu.enqueue_dma source(%arg22 : memref<80x64xf32, #tpu.memory_space<vmem>>) target(%dma_start3A_147 : memref<80x64xf32, #tpu.memory_space<hbm>>) target_semaphore(%run_scoped3A : memref<!tpu.dma_semaphore, #tpu.memory_space<semaphore_mem>>)
      %dma_wait3A_148 = arith.constant 0 : i32
      %dma_wait3A_149 = tpu.memref_slice %arg6[%arg0, %add3A_125, %dma_wait3A_148] : memref<2x10240x64xf32, #tpu.memory_space<hbm>> -> memref<1x80x64xf32, #tpu.memory_space<hbm>>
      %dma_wait3A_150 = tpu.memref_squeeze %dma_wait3A_149 : memref<1x80x64xf32, #tpu.memory_space<hbm>> -> memref<80x64xf32, #tpu.memory_space<hbm>>
      %dma_wait3A_151 = arith.constant 0 : i32
      %dma_wait3A_152 = tpu.memref_slice %arg6[%arg0, %add3A_125, %dma_wait3A_151] : memref<2x10240x64xf32, #tpu.memory_space<hbm>> -> memref<1x80x64xf32, #tpu.memory_space<hbm>>
      %dma_wait3A_153 = tpu.memref_squeeze %dma_wait3A_152 : memref<1x80x64xf32, #tpu.memory_space<hbm>> -> memref<80x64xf32, #tpu.memory_space<hbm>>
      tpu.wait_dma2 semaphore(%run_scoped3A : memref<!tpu.dma_semaphore, #tpu.memory_space<semaphore_mem>>) src(%arg22 : memref<80x64xf32, #tpu.memory_space<vmem>>) dst(%dma_wait3A_153 : memref<80x64xf32, #tpu.memory_space<hbm>>)
      tpu.yield
    }) : () -> ()
    %mul3A_126 = arith.constant 640 : i32
    %mul3A_127 = arith.muli %arg1, %mul3A_126 : i32
    %add3A_128 = arith.constant 320 : i32
    %add3A_129 = arith.addi %mul3A_127, %add3A_128 : i32
    "tpu.region"() ({
      %run_scoped3A = tpu.sem_alloc : memref<!tpu.dma_semaphore, #tpu.memory_space<semaphore_mem>>
      %dma_start3A_142 = arith.constant 0 : i32
      %dma_start3A_143 = tpu.memref_slice %arg7[%add3A_129, %dma_start3A_142] : memref<10240x64xf32, #tpu.memory_space<vmem_shared>> -> memref<80x64xf32, #tpu.memory_space<vmem_shared>>
      %dma_start3A_144 = arith.constant 0 : i32
      %dma_start3A_145 = tpu.memref_slice %arg7[%add3A_129, %dma_start3A_144] : memref<10240x64xf32, #tpu.memory_space<vmem_shared>> -> memref<80x64xf32, #tpu.memory_space<vmem_shared>>
      tpu.enqueue_dma source(%dma_start3A_145 : memref<80x64xf32, #tpu.memory_space<vmem_shared>>) target(%arg21 : memref<80x64xf32, #tpu.memory_space<vmem>>) target_semaphore(%run_scoped3A : memref<!tpu.dma_semaphore, #tpu.memory_space<semaphore_mem>>)
      %dma_wait3A_146 = arith.constant 0 : i32
      %dma_wait3A_147 = tpu.memref_slice %arg7[%add3A_129, %dma_wait3A_146] : memref<10240x64xf32, #tpu.memory_space<vmem_shared>> -> memref<80x64xf32, #tpu.memory_space<vmem_shared>>
      %dma_wait3A_148 = arith.constant 0 : i32
      %dma_wait3A_149 = tpu.memref_slice %arg7[%add3A_129, %dma_wait3A_148] : memref<10240x64xf32, #tpu.memory_space<vmem_shared>> -> memref<80x64xf32, #tpu.memory_space<vmem_shared>>
      tpu.wait_dma2 semaphore(%run_scoped3A : memref<!tpu.dma_semaphore, #tpu.memory_space<semaphore_mem>>) src(%dma_wait3A_149 : memref<80x64xf32, #tpu.memory_space<vmem_shared>>) dst(%arg21 : memref<80x64xf32, #tpu.memory_space<vmem>>)
      tpu.yield
    }) : () -> ()
    "tpu.region"() ({
      %run_scoped3A = tpu.sem_alloc : memref<!tpu.dma_semaphore, #tpu.memory_space<semaphore_mem>>
      %dma_start3A_142 = arith.constant 0 : i32
      %dma_start3A_143 = tpu.memref_slice %arg6[%arg0, %add3A_129, %dma_start3A_142] : memref<2x10240x64xf32, #tpu.memory_space<hbm>> -> memref<1x80x64xf32, #tpu.memory_space<hbm>>
      %dma_start3A_144 = tpu.memref_squeeze %dma_start3A_143 : memref<1x80x64xf32, #tpu.memory_space<hbm>> -> memref<80x64xf32, #tpu.memory_space<hbm>>
      %dma_start3A_145 = arith.constant 0 : i32
      %dma_start3A_146 = tpu.memref_slice %arg6[%arg0, %add3A_129, %dma_start3A_145] : memref<2x10240x64xf32, #tpu.memory_space<hbm>> -> memref<1x80x64xf32, #tpu.memory_space<hbm>>
      %dma_start3A_147 = tpu.memref_squeeze %dma_start3A_146 : memref<1x80x64xf32, #tpu.memory_space<hbm>> -> memref<80x64xf32, #tpu.memory_space<hbm>>
      tpu.enqueue_dma source(%arg21 : memref<80x64xf32, #tpu.memory_space<vmem>>) target(%dma_start3A_147 : memref<80x64xf32, #tpu.memory_space<hbm>>) target_semaphore(%run_scoped3A : memref<!tpu.dma_semaphore, #tpu.memory_space<semaphore_mem>>)
      %dma_wait3A_148 = arith.constant 0 : i32
      %dma_wait3A_149 = tpu.memref_slice %arg6[%arg0, %add3A_129, %dma_wait3A_148] : memref<2x10240x64xf32, #tpu.memory_space<hbm>> -> memref<1x80x64xf32, #tpu.memory_space<hbm>>
      %dma_wait3A_150 = tpu.memref_squeeze %dma_wait3A_149 : memref<1x80x64xf32, #tpu.memory_space<hbm>> -> memref<80x64xf32, #tpu.memory_space<hbm>>
      %dma_wait3A_151 = arith.constant 0 : i32
      %dma_wait3A_152 = tpu.memref_slice %arg6[%arg0, %add3A_129, %dma_wait3A_151] : memref<2x10240x64xf32, #tpu.memory_space<hbm>> -> memref<1x80x64xf32, #tpu.memory_space<hbm>>
      %dma_wait3A_153 = tpu.memref_squeeze %dma_wait3A_152 : memref<1x80x64xf32, #tpu.memory_space<hbm>> -> memref<80x64xf32, #tpu.memory_space<hbm>>
      tpu.wait_dma2 semaphore(%run_scoped3A : memref<!tpu.dma_semaphore, #tpu.memory_space<semaphore_mem>>) src(%arg21 : memref<80x64xf32, #tpu.memory_space<vmem>>) dst(%dma_wait3A_153 : memref<80x64xf32, #tpu.memory_space<hbm>>)
      tpu.yield
    }) : () -> ()
    %mul3A_130 = arith.constant 640 : i32
    %mul3A_131 = arith.muli %arg1, %mul3A_130 : i32
    %add3A_132 = arith.constant 400 : i32
    %add3A_133 = arith.addi %mul3A_131, %add3A_132 : i32
    "tpu.region"() ({
      %run_scoped3A = tpu.sem_alloc : memref<!tpu.dma_semaphore, #tpu.memory_space<semaphore_mem>>
      %dma_start3A_142 = arith.constant 0 : i32
      %dma_start3A_143 = tpu.memref_slice %arg7[%add3A_133, %dma_start3A_142] : memref<10240x64xf32, #tpu.memory_space<vmem_shared>> -> memref<80x64xf32, #tpu.memory_space<vmem_shared>>
      %dma_start3A_144 = arith.constant 0 : i32
      %dma_start3A_145 = tpu.memref_slice %arg7[%add3A_133, %dma_start3A_144] : memref<10240x64xf32, #tpu.memory_space<vmem_shared>> -> memref<80x64xf32, #tpu.memory_space<vmem_shared>>
      tpu.enqueue_dma source(%dma_start3A_145 : memref<80x64xf32, #tpu.memory_space<vmem_shared>>) target(%arg22 : memref<80x64xf32, #tpu.memory_space<vmem>>) target_semaphore(%run_scoped3A : memref<!tpu.dma_semaphore, #tpu.memory_space<semaphore_mem>>)
      %dma_wait3A_146 = arith.constant 0 : i32
      %dma_wait3A_147 = tpu.memref_slice %arg7[%add3A_133, %dma_wait3A_146] : memref<10240x64xf32, #tpu.memory_space<vmem_shared>> -> memref<80x64xf32, #tpu.memory_space<vmem_shared>>
      %dma_wait3A_148 = arith.constant 0 : i32
      %dma_wait3A_149 = tpu.memref_slice %arg7[%add3A_133, %dma_wait3A_148] : memref<10240x64xf32, #tpu.memory_space<vmem_shared>> -> memref<80x64xf32, #tpu.memory_space<vmem_shared>>
      tpu.wait_dma2 semaphore(%run_scoped3A : memref<!tpu.dma_semaphore, #tpu.memory_space<semaphore_mem>>) src(%dma_wait3A_149 : memref<80x64xf32, #tpu.memory_space<vmem_shared>>) dst(%arg22 : memref<80x64xf32, #tpu.memory_space<vmem>>)
      tpu.yield
    }) : () -> ()
    "tpu.region"() ({
      %run_scoped3A = tpu.sem_alloc : memref<!tpu.dma_semaphore, #tpu.memory_space<semaphore_mem>>
      %dma_start3A_142 = arith.constant 0 : i32
      %dma_start3A_143 = tpu.memref_slice %arg6[%arg0, %add3A_133, %dma_start3A_142] : memref<2x10240x64xf32, #tpu.memory_space<hbm>> -> memref<1x80x64xf32, #tpu.memory_space<hbm>>
      %dma_start3A_144 = tpu.memref_squeeze %dma_start3A_143 : memref<1x80x64xf32, #tpu.memory_space<hbm>> -> memref<80x64xf32, #tpu.memory_space<hbm>>
      %dma_start3A_145 = arith.constant 0 : i32
      %dma_start3A_146 = tpu.memref_slice %arg6[%arg0, %add3A_133, %dma_start3A_145] : memref<2x10240x64xf32, #tpu.memory_space<hbm>> -> memref<1x80x64xf32, #tpu.memory_space<hbm>>
      %dma_start3A_147 = tpu.memref_squeeze %dma_start3A_146 : memref<1x80x64xf32, #tpu.memory_space<hbm>> -> memref<80x64xf32, #tpu.memory_space<hbm>>
      tpu.enqueue_dma source(%arg22 : memref<80x64xf32, #tpu.memory_space<vmem>>) target(%dma_start3A_147 : memref<80x64xf32, #tpu.memory_space<hbm>>) target_semaphore(%run_scoped3A : memref<!tpu.dma_semaphore, #tpu.memory_space<semaphore_mem>>)
      %dma_wait3A_148 = arith.constant 0 : i32
      %dma_wait3A_149 = tpu.memref_slice %arg6[%arg0, %add3A_133, %dma_wait3A_148] : memref<2x10240x64xf32, #tpu.memory_space<hbm>> -> memref<1x80x64xf32, #tpu.memory_space<hbm>>
      %dma_wait3A_150 = tpu.memref_squeeze %dma_wait3A_149 : memref<1x80x64xf32, #tpu.memory_space<hbm>> -> memref<80x64xf32, #tpu.memory_space<hbm>>
      %dma_wait3A_151 = arith.constant 0 : i32
      %dma_wait3A_152 = tpu.memref_slice %arg6[%arg0, %add3A_133, %dma_wait3A_151] : memref<2x10240x64xf32, #tpu.memory_space<hbm>> -> memref<1x80x64xf32, #tpu.memory_space<hbm>>
      %dma_wait3A_153 = tpu.memref_squeeze %dma_wait3A_152 : memref<1x80x64xf32, #tpu.memory_space<hbm>> -> memref<80x64xf32, #tpu.memory_space<hbm>>
      tpu.wait_dma2 semaphore(%run_scoped3A : memref<!tpu.dma_semaphore, #tpu.memory_space<semaphore_mem>>) src(%arg22 : memref<80x64xf32, #tpu.memory_space<vmem>>) dst(%dma_wait3A_153 : memref<80x64xf32, #tpu.memory_space<hbm>>)
      tpu.yield
    }) : () -> ()
    %mul3A_134 = arith.constant 640 : i32
    %mul3A_135 = arith.muli %arg1, %mul3A_134 : i32
    %add3A_136 = arith.constant 480 : i32
    %add3A_137 = arith.addi %mul3A_135, %add3A_136 : i32
    "tpu.region"() ({
      %run_scoped3A = tpu.sem_alloc : memref<!tpu.dma_semaphore, #tpu.memory_space<semaphore_mem>>
      %dma_start3A_142 = arith.constant 0 : i32
      %dma_start3A_143 = tpu.memref_slice %arg7[%add3A_137, %dma_start3A_142] : memref<10240x64xf32, #tpu.memory_space<vmem_shared>> -> memref<80x64xf32, #tpu.memory_space<vmem_shared>>
      %dma_start3A_144 = arith.constant 0 : i32
      %dma_start3A_145 = tpu.memref_slice %arg7[%add3A_137, %dma_start3A_144] : memref<10240x64xf32, #tpu.memory_space<vmem_shared>> -> memref<80x64xf32, #tpu.memory_space<vmem_shared>>
      tpu.enqueue_dma source(%dma_start3A_145 : memref<80x64xf32, #tpu.memory_space<vmem_shared>>) target(%arg21 : memref<80x64xf32, #tpu.memory_space<vmem>>) target_semaphore(%run_scoped3A : memref<!tpu.dma_semaphore, #tpu.memory_space<semaphore_mem>>)
      %dma_wait3A_146 = arith.constant 0 : i32
      %dma_wait3A_147 = tpu.memref_slice %arg7[%add3A_137, %dma_wait3A_146] : memref<10240x64xf32, #tpu.memory_space<vmem_shared>> -> memref<80x64xf32, #tpu.memory_space<vmem_shared>>
      %dma_wait3A_148 = arith.constant 0 : i32
      %dma_wait3A_149 = tpu.memref_slice %arg7[%add3A_137, %dma_wait3A_148] : memref<10240x64xf32, #tpu.memory_space<vmem_shared>> -> memref<80x64xf32, #tpu.memory_space<vmem_shared>>
      tpu.wait_dma2 semaphore(%run_scoped3A : memref<!tpu.dma_semaphore, #tpu.memory_space<semaphore_mem>>) src(%dma_wait3A_149 : memref<80x64xf32, #tpu.memory_space<vmem_shared>>) dst(%arg21 : memref<80x64xf32, #tpu.memory_space<vmem>>)
      tpu.yield
    }) : () -> ()
    "tpu.region"() ({
      %run_scoped3A = tpu.sem_alloc : memref<!tpu.dma_semaphore, #tpu.memory_space<semaphore_mem>>
      %dma_start3A_142 = arith.constant 0 : i32
      %dma_start3A_143 = tpu.memref_slice %arg6[%arg0, %add3A_137, %dma_start3A_142] : memref<2x10240x64xf32, #tpu.memory_space<hbm>> -> memref<1x80x64xf32, #tpu.memory_space<hbm>>
      %dma_start3A_144 = tpu.memref_squeeze %dma_start3A_143 : memref<1x80x64xf32, #tpu.memory_space<hbm>> -> memref<80x64xf32, #tpu.memory_space<hbm>>
      %dma_start3A_145 = arith.constant 0 : i32
      %dma_start3A_146 = tpu.memref_slice %arg6[%arg0, %add3A_137, %dma_start3A_145] : memref<2x10240x64xf32, #tpu.memory_space<hbm>> -> memref<1x80x64xf32, #tpu.memory_space<hbm>>
      %dma_start3A_147 = tpu.memref_squeeze %dma_start3A_146 : memref<1x80x64xf32, #tpu.memory_space<hbm>> -> memref<80x64xf32, #tpu.memory_space<hbm>>
      tpu.enqueue_dma source(%arg21 : memref<80x64xf32, #tpu.memory_space<vmem>>) target(%dma_start3A_147 : memref<80x64xf32, #tpu.memory_space<hbm>>) target_semaphore(%run_scoped3A : memref<!tpu.dma_semaphore, #tpu.memory_space<semaphore_mem>>)
      %dma_wait3A_148 = arith.constant 0 : i32
      %dma_wait3A_149 = tpu.memref_slice %arg6[%arg0, %add3A_137, %dma_wait3A_148] : memref<2x10240x64xf32, #tpu.memory_space<hbm>> -> memref<1x80x64xf32, #tpu.memory_space<hbm>>
      %dma_wait3A_150 = tpu.memref_squeeze %dma_wait3A_149 : memref<1x80x64xf32, #tpu.memory_space<hbm>> -> memref<80x64xf32, #tpu.memory_space<hbm>>
      %dma_wait3A_151 = arith.constant 0 : i32
      %dma_wait3A_152 = tpu.memref_slice %arg6[%arg0, %add3A_137, %dma_wait3A_151] : memref<2x10240x64xf32, #tpu.memory_space<hbm>> -> memref<1x80x64xf32, #tpu.memory_space<hbm>>
      %dma_wait3A_153 = tpu.memref_squeeze %dma_wait3A_152 : memref<1x80x64xf32, #tpu.memory_space<hbm>> -> memref<80x64xf32, #tpu.memory_space<hbm>>
      tpu.wait_dma2 semaphore(%run_scoped3A : memref<!tpu.dma_semaphore, #tpu.memory_space<semaphore_mem>>) src(%arg21 : memref<80x64xf32, #tpu.memory_space<vmem>>) dst(%dma_wait3A_153 : memref<80x64xf32, #tpu.memory_space<hbm>>)
      tpu.yield
    }) : () -> ()
    %mul3A_138 = arith.constant 640 : i32
    %mul3A_139 = arith.muli %arg1, %mul3A_138 : i32
    %add3A_140 = arith.constant 560 : i32
    %add3A_141 = arith.addi %mul3A_139, %add3A_140 : i32
    "tpu.region"() ({
      %run_scoped3A = tpu.sem_alloc : memref<!tpu.dma_semaphore, #tpu.memory_space<semaphore_mem>>
      %dma_start3A_142 = arith.constant 0 : i32
      %dma_start3A_143 = tpu.memref_slice %arg7[%add3A_141, %dma_start3A_142] : memref<10240x64xf32, #tpu.memory_space<vmem_shared>> -> memref<80x64xf32, #tpu.memory_space<vmem_shared>>
      %dma_start3A_144 = arith.constant 0 : i32
      %dma_start3A_145 = tpu.memref_slice %arg7[%add3A_141, %dma_start3A_144] : memref<10240x64xf32, #tpu.memory_space<vmem_shared>> -> memref<80x64xf32, #tpu.memory_space<vmem_shared>>
      tpu.enqueue_dma source(%dma_start3A_145 : memref<80x64xf32, #tpu.memory_space<vmem_shared>>) target(%arg22 : memref<80x64xf32, #tpu.memory_space<vmem>>) target_semaphore(%run_scoped3A : memref<!tpu.dma_semaphore, #tpu.memory_space<semaphore_mem>>)
      %dma_wait3A_146 = arith.constant 0 : i32
      %dma_wait3A_147 = tpu.memref_slice %arg7[%add3A_141, %dma_wait3A_146] : memref<10240x64xf32, #tpu.memory_space<vmem_shared>> -> memref<80x64xf32, #tpu.memory_space<vmem_shared>>
      %dma_wait3A_148 = arith.constant 0 : i32
      %dma_wait3A_149 = tpu.memref_slice %arg7[%add3A_141, %dma_wait3A_148] : memref<10240x64xf32, #tpu.memory_space<vmem_shared>> -> memref<80x64xf32, #tpu.memory_space<vmem_shared>>
      tpu.wait_dma2 semaphore(%run_scoped3A : memref<!tpu.dma_semaphore, #tpu.memory_space<semaphore_mem>>) src(%dma_wait3A_149 : memref<80x64xf32, #tpu.memory_space<vmem_shared>>) dst(%arg22 : memref<80x64xf32, #tpu.memory_space<vmem>>)
      tpu.yield
    }) : () -> ()
    "tpu.region"() ({
      %run_scoped3A = tpu.sem_alloc : memref<!tpu.dma_semaphore, #tpu.memory_space<semaphore_mem>>
      %dma_start3A_142 = arith.constant 0 : i32
      %dma_start3A_143 = tpu.memref_slice %arg6[%arg0, %add3A_141, %dma_start3A_142] : memref<2x10240x64xf32, #tpu.memory_space<hbm>> -> memref<1x80x64xf32, #tpu.memory_space<hbm>>
      %dma_start3A_144 = tpu.memref_squeeze %dma_start3A_143 : memref<1x80x64xf32, #tpu.memory_space<hbm>> -> memref<80x64xf32, #tpu.memory_space<hbm>>
      %dma_start3A_145 = arith.constant 0 : i32
      %dma_start3A_146 = tpu.memref_slice %arg6[%arg0, %add3A_141, %dma_start3A_145] : memref<2x10240x64xf32, #tpu.memory_space<hbm>> -> memref<1x80x64xf32, #tpu.memory_space<hbm>>
      %dma_start3A_147 = tpu.memref_squeeze %dma_start3A_146 : memref<1x80x64xf32, #tpu.memory_space<hbm>> -> memref<80x64xf32, #tpu.memory_space<hbm>>
      tpu.enqueue_dma source(%arg22 : memref<80x64xf32, #tpu.memory_space<vmem>>) target(%dma_start3A_147 : memref<80x64xf32, #tpu.memory_space<hbm>>) target_semaphore(%run_scoped3A : memref<!tpu.dma_semaphore, #tpu.memory_space<semaphore_mem>>)
      %dma_wait3A_148 = arith.constant 0 : i32
      %dma_wait3A_149 = tpu.memref_slice %arg6[%arg0, %add3A_141, %dma_wait3A_148] : memref<2x10240x64xf32, #tpu.memory_space<hbm>> -> memref<1x80x64xf32, #tpu.memory_space<hbm>>
      %dma_wait3A_150 = tpu.memref_squeeze %dma_wait3A_149 : memref<1x80x64xf32, #tpu.memory_space<hbm>> -> memref<80x64xf32, #tpu.memory_space<hbm>>
      %dma_wait3A_151 = arith.constant 0 : i32
      %dma_wait3A_152 = tpu.memref_slice %arg6[%arg0, %add3A_141, %dma_wait3A_151] : memref<2x10240x64xf32, #tpu.memory_space<hbm>> -> memref<1x80x64xf32, #tpu.memory_space<hbm>>
      %dma_wait3A_153 = tpu.memref_squeeze %dma_wait3A_152 : memref<1x80x64xf32, #tpu.memory_space<hbm>> -> memref<80x64xf32, #tpu.memory_space<hbm>>
      tpu.wait_dma2 semaphore(%run_scoped3A : memref<!tpu.dma_semaphore, #tpu.memory_space<semaphore_mem>>) src(%arg22 : memref<80x64xf32, #tpu.memory_space<vmem>>) dst(%dma_wait3A_153 : memref<80x64xf32, #tpu.memory_space<hbm>>)
      tpu.yield
    }) : () -> ()
    return
  }
}

</mosaic_0001>

<sc_bundles>
// kernel: _spmm.3.cloned.1.call-start
scs
__scs_entry_jumppad:
0x0: {  	(pc) =	sbr.rel $0x88, $3  }
0x1: {  	(tag) =	ssettag $0x0;
	lr =	simm.s32 $0x1  }
0x2: {  	[smem:$0x3F9D] =	sst lr;
	_ =	strace $0xD0000000  }
0x3: {  	_ = 	snop  }
0x4: {  	_ = 	snop  }
0x5: {  	_ = 	snop  }
0x6: {  	_ = 	snop  }
0x7: {  	_ = 	snop  }
__scs_overlays_trampoline_lowered:
0x8: {  	[smem:$0x3FAC] =	sst s0  }
0x9: {  	[smem:$0x3FAD] =	sst s1  }
0xa: {  	[smem:$0x3FAE] =	sst s2  }
0xb: {  	[smem:$0x3FAF] =	sst s3  }
0xc: {  	[smem:$0x3FB0] =	sst s4  }
0xd: {  	[smem:$0x3FB1] =	sst s5  }
0xe: {  	[smem:$0x3FB2] =	sst s6  }
0xf: {  	[smem:$0x3FB3] =	sst s7  }
0x10: {  	[smem:$0x3FB4] =	sst s8  }
0x11: {  	[smem:$0x3FB5] =	sst s9;
	s0 =	simm.s32 @!p0 $0x0  }
0x12: {  	s1 =	sld [smem:$0x3F9B];
	s0 =	simm.s32 @p0 $0x1  }
0x13: {  	[smem:$0x3FB6] =	sst s0;
	s0 =	simm.s32 @!p1 $0x0  }
0x14: {  	s2 =	sld [smem:$0x3F9A];
	s0 =	simm.s32 @p1 $0x1  }
0x15: {  	[smem:$0x3FB7] =	sst s0;
	s0 =	simm.s32 @!p2 $0x0  }
0x16: {  	s3 =	sld [smem:$0x3FDB];
	s0 =	simm.s32 @p2 $0x1  }
0x17: {  	s4 =	simm.s32 $0x1BF5;
	[smem:$0x3FB9] =	sst s0  }
0x18: {  	s0 =	sld [smem:$0x3F9C];
	_ =	swait.ge [sflag:s4], $0x0  }
0x19: {  	s7 =	sld [smem:$0x3F9D]  }
0x1a: {  	s8 =	sadd.s32 $0xFFFFE003, lr  }
0x1b: {  	s9 =	sadd.s32 $0xFFFFFEF7, lr;
	s5 =	simm.s32 $0xFFFFFFFF;
	p2 =	slt.u32 s8, $0xFFFFF086  }
0x1c: {  	p1 =	slt.u32 s9, $0xF7A;
	s5 =	simm.s32 @!p2 $0x0  }
0x1d: {  	s5 =	simm.s32 @p1 $0x1;
	p0 =	seq.s32 s7, s2  }
0x1e: {  	s7 =	smul.u32 @!p0 $0xF7A, s2;
	p2 =	seq.s32 @!p0 s5, $0x0  }
0x1f: {  	s9 =	smul.u32 $0xF7A, s1;
	s8 =	simm.s32 @!p0 $0x1BF5;
	p2 =	por !p2, p0  }
0x20: {  	[sflag:s8] =	ssyncset.s32 @!p0 $0xFFFFF086;
	s6 =	sadd.s32 @!p0 s3, s7;
	s7 =	simm.s32 @!p0 $0x108  }
0x21: {  	s3 =	sadd.s32 s3, s9;
	s6 =	sadd.s32 @!p0 $0x88, s6;
	s7 =	simm.s32 @p2 $0x1082  }
0x22: {  	[simem:s7], [sflag:s8] =	dma.local @!p0 [hbm:s6], $0xF7A  }
0x23: {  	s9 =	sor.u32 $0xD0000000, s2;
	s6 =	simm.s32 $0x108;
	_ =	swait.ge @!p0 [sflag:s8], $0x0  }
0x24: {  	s3 =	sadd.s32 $0x88, s3;
	s6 =	simm.s32 @!p1 $0x1082;
	[sflag:s4] =	ssyncset.s32 $0xFFFFF086  }
0x25: {  	[simem:s6], [sflag:s4] =	dma.local [hbm:s3], $0xF7A  }
0x26: {  	[smem:$0x3F9D] =	sst s1;
	(tag) =	ssettag s2;
	_ =	strace s9  }
0x27: {  	s1 =	sld [smem:$0x3FAD]  }
0x28: {  	s2 =	sld [smem:$0x3FAE]  }
0x29: {  	s4 =	sld [smem:$0x3FB0]  }
0x2a: {  	p0 =	seq.s32 s5, $0x0;
	s5 =	sld [smem:$0x3FB1]  }
0x2b: {  	s6 =	sld [smem:$0x3FB2]  }
0x2c: {  	s7 =	sld [smem:$0x3FB3]  }
0x2d: {  	s3 =	simm.s32 $0x108;
	s8 =	sld [smem:$0x3FB4]  }
0x2e: {  	s3 =	simm.s32 @!p0 $0x1082;
	s9 =	sld [smem:$0x3FB5]  }
0x2f: {  	lr =	sadd.s32 s0, s3;
	s0 =	sld [smem:$0x3FAC]  }
0x30: {  	s3 =	sld [smem:$0x3FAF]  }
0x31: {  	[smem:$0x3FB8] =	sst s10  }
0x32: {  	s10 =	sld [smem:$0x3FB6];
	_ =	sdelay $0x3  }
0x33: {  	p0 =	seq.s32 s10, $0x1;
	s10 =	sld [smem:$0x3FB8];
	_ =	sdelay $0x3  }
0x34: {  	[smem:$0x3FB8] =	sst s10  }
0x35: {  	s10 =	sld [smem:$0x3FB7];
	_ =	sdelay $0x3  }
0x36: {  	p1 =	seq.s32 s10, $0x1;
	s10 =	sld [smem:$0x3FB8];
	_ =	sdelay $0x3  }
0x37: {  	[smem:$0x3FB8] =	sst s10  }
0x38: {  	s10 =	sld [smem:$0x3FB9]  }
0x39: {  	_ = 	snop;
	(pc) =	sbr.ind lr, $3  }
0x3a: {  	_ = 	snop  }
0x3b: {  	_ = 	snop  }
0x3c: {  	p2 =	seq.s32 s10, $0x1;
	s10 =	sld [smem:$0x3FB8]  }
0x3d: {  	_ =	shalt  }
0x3e: {  	_ =	shalt  }
0x3f: {  	_ =	shalt  }
0x40: {  	_ =	shalt  }
0x41: {  	_ =	shalt  }
0x42: {  	_ =	shalt  }
0x43: {  	_ =	shalt  }
0x44: {  	_ =	shalt  }
0x45: {  	_ =	shalt  }
0x46: {  	_ =	shalt  }
0x47: {  	_ =	shalt  }
0x48: {  	_ =	shalt  }
0x49: {  	_ =	shalt  }
0x4a: {  	_ =	shalt  }
0x4b: {  	_ =	shalt  }
0x4c: {  	_ =	shalt  }
0x4d: {  	_ =	shalt  }
0x4e: {  	_ =	shalt  }
0x4f: {  	_ =	shalt  }
0x50: {  	_ =	shalt  }
0x51: {  	_ =	shalt  }
0x52: {  	_ =	shalt  }
0x53: {  	_ =	shalt  }
0x54: {  	_ =	shalt  }
0x55: {  	_ =	shalt  }
0x56: {  	_ =	shalt  }
0x57: {  	_ =	shalt  }
0x58: {  	_ =	shalt  }
0x59: {  	_ =	shalt  }
0x5a: {  	_ =	shalt  }
0x5b: {  	_ =	shalt  }
0x5c: {  	_ =	shalt  }
0x5d: {  	_ =	shalt  }
0x5e: {  	_ =	shalt  }
0x5f: {  	_ =	shalt  }
0x60: {  	_ =	shalt  }
0x61: {  	_ =	shalt  }
0x62: {  	_ =	shalt  }
0x63: {  	_ =	shalt  }
0x64: {  	_ =	shalt  }
0x65: {  	_ =	shalt  }
0x66: {  	_ =	shalt  }
0x67: {  	_ =	shalt  }
0x68: {  	_ =	shalt  }
0x69: {  	_ =	shalt  }
0x6a: {  	_ =	shalt  }
0x6b: {  	_ =	shalt  }
0x6c: {  	_ =	shalt  }
0x6d: {  	_ =	shalt  }
0x6e: {  	_ =	shalt  }
0x6f: {  	_ =	shalt  }
0x70: {  	_ =	shalt  }
0x71: {  	_ =	shalt  }
0x72: {  	_ =	shalt  }
0x73: {  	_ =	shalt  }
0x74: {  	_ =	shalt  }
0x75: {  	_ =	shalt  }
0x76: {  	_ =	shalt  }
0x77: {  	_ =	shalt  }
0x78: {  	_ =	shalt  }
0x79: {  	_ =	shalt  }
0x7a: {  	_ =	shalt  }
0x7b: {  	_ =	shalt  }
0x7c: {  	_ =	shalt  }
0x7d: {  	_ =	shalt  }
0x7e: {  	_ =	shalt  }
0x7f: {  	_ =	shalt  }
0x80: {  	_ =	shalt  }
0x81: {  	_ =	shalt  }
0x82: {  	_ =	shalt  }
0x83: {  	_ =	shalt  }
0x84: {  	_ =	shalt  }
0x85: {  	_ =	shalt  }
0x86: {  	_ =	shalt  }
0x87: {  	_ =	shalt  }
.Lfunc_end0:
.L_simem_size_0:
called_computation_lowered:
.L_overlay_start_0:
0x88: {  	s2 =	sld [smem:$0x3FD9]  }
0x89: {  	s3 =	sld [smem:$0x3FFE];
	_ =	sdelay $0x1  }
0x8a: {  	s1 =	srdreg.scid  }
0x8b: {  	s0 =	sand.u32 $0x1, s1  }
0x8c: {  	s17 =	sshll.u32 s0, $0xA;
	s2 =	sadd.s32 s3, s2  }
0x8d: {  	s2 =	sadd.s32 s2, s17  }
0x8e: {  	[smem:$0x3FC4] =	sst s2  }
0x8f: {  	_ = 	snop  }
0x90: {  	s2 =	sld [smem:$0x3FC8]  }
0x91: {  	s18 =	sld [smem:$0x3FC7]  }
0x92: {  	s4 =	sld [smem:$0x3FD0];
	(tm) =	ssettm $0x1  }
0x93: {  	s5 =	sld [smem:$0x3FFB];
	_ =	sdelay $0x3  }
0x94: {  	_ =	strace s5  }
0x95: {  	s5 =	sld [smem:$0x3FFC];
	_ =	sdelay $0x3  }
0x96: {  	_ =	strace s5  }
0x97: {  	s5 =	sld [smem:$0x3FFD];
	_ =	sdelay $0x3  }
0x98: {  	_ =	strace s5  }
0x99: {  	_ =	strace $0x8FFFFFFF  }
0x9a: {  	s19 =	sld [smem:$0x3FDB];
	_ =	sdelay $0x1  }
0x9b: {  	s6 =	simm.s32 $_scs_section_size  }
0x9c: {  	s7 =	simm.s32 $_size__tile_overlayer_lowered;
	s8 =	simm.s32 $_tile_overlayer_lowered  }
0x9d: {  	s22 =	simm.s32 $0x1BFF;
	s21 =	sshll.u32 s8, $0x1;
	s5 =	sadd.s32 s6, s19  }
0x9e: {  	s9 =	simm.s32 $0x0;
	s20 =	sshll.u32 s7, $0x1;
	s7 =	sadd.s32 s21, s5  }
0x9f: {  	[timem:s9], [sflag:s22] =	dma.local [hbm:s7], s20  }
0xa0: {  	_ =	swait.ge [sflag:s22], s20  }
0xa1: {  	s6 =	ssub.s32 $0x0, s20;
	[sflag:s22] =	ssyncset.done $0x0  }
0xa2: {  	[sflag:s22] =	ssyncadd.s32 s6;
	_ =	sdelay $0x1  }
0xa3: {  	s23 =	simm.s32 $0x1B8B  }
0xa4: {  	_ =	swait.ge [sflag:s23], $0x1  }
0xa5: {  	[sflag:s23] =	ssyncset.done $0x0  }
0xa6: {  	s25 =	simm.s32 $0x1B8E;
	s24 =	sld [smem:$0x3FFE];
	[sflag:s23] =	ssyncadd.s32 $0xFFFFFFFF  }
0xa7: {  	s26 =	simm.s32 $execute0_lowered;
	[smem:$0x3FD2] =	sst s25  }
0xa8: {  	s7 =	sshll.u32 s26, $0x1;
	_ =	strace $0x80000046;
	[dreg:$0x1] =	wrdreg $0xFFFFFFFF  }
0xa9: {  	s28 =	simm.s32 $_size_execute0_lowered;
	s5 =	sadd.s32 s5, s7;
	[dreg:$0x0] =	wrdreg $0x0  }
0xaa: {  	s7 =	sshll.u32 s28, $0x1;
	[dreg:$0x2] =	wrdreg s5  }
0xab: {  	[dreg:$0x3] =	wrdreg s7  }
0xac: {  	[dreg:$0x4] =	wrdreg $0xC0  }
0xad: {  	_ =	task [dreg:s9], $0x5FFFF  }
0xae: {  	[dreg:$0x1] =	wrdreg $0xFFFFFFFF  }
0xaf: {  	[dreg:$0x0] =	wrdreg $0x60  }
0xb0: {  	[dreg:$0x2] =	wrdreg s4  }
0xb1: {  	[dreg:$0x3] =	wrdreg s2  }
0xb2: {  	[dreg:$0x4] =	wrdreg s18  }
0xb3: {  	[dreg:$0x5] =	wrdreg s24  }
0xb4: {  	[dreg:$0x6] =	wrdreg $0x0  }
0xb5: {  	[dreg:$0x7] =	wrdreg $0xA0000  }
0xb6: {  	[dreg:$0x8] =	wrdreg $0x9  }
0xb7: {  	_ =	task.clear_ibuf [dreg:s9], $0x9FFFF;
	_ =	strace $0x90000046  }
0xb8: {  	s29 =	simm.s32 $0x9;
	_ =	strace $0x80000048  }
0xb9: {  	_ =	swait.ge [sflag:s29], $0x1  }
0xba: {  	[sflag:s29] =	ssyncadd.s32 $0xFFFFFFFF  }
0xbb: {  	_ =	strace $0x90000048  }
0xbc: {  	_ =	sfence  }
0xbd: {  	s30 =	sld [smem:$0x0];
	_ =	sdelay $0x2  }
0xbe: {  	s31 =	sshll.u32 s1, $0xD;
	s1 =	sshrl.u32 s1, $0x2  }
0xbf: {  	s3 =	sand.u32 $0x4000, s31;
	s1 =	sadd.s32 s1, s30  }
0xc0: {  	s0 =	sor.u32 s3, s0;
	s1 =	sshll.u32 s1, $0x11  }
0xc1: {  	s0 =	sor.u32 s1, s0  }
0xc2: {  	s0 =	sadd.s32 $0x8F2B, s0  }
0xc3: {  	[sflag:s0] =	ssyncadd.remote.s32 $0x1  }
0xc4: {  	_ =	sfence.sel $0xFFFF  }
0xc5: {  	[dreg:$0x0] =	wrdreg $0xFFFFFFFF;
	(pc) =	sbr.abs _section_cstart, $3  }
0xc6: {  	[dreg:$0x1] =	wrdreg $0xFFFFFFFF  }
0xc7: {  	_ =	task.clear_ibuf [dreg:s9], $0x2FFFF;
	_ =	strace $0x9FFFFFFF  }
0xc8: {  	(tm) =	ssettm $0x7FFFFFFF  }
0xc9: {  	_ =	shalt  }
tec
execute0_lowered:
.L_overlay_start_1:
0x0: {  	(tag) =	ssettag $0x1  }
0x1: {  	s3 =	rddreg [dreg:$0x0]  }
0x2: {  	s1 =	rddreg [dreg:$0x1]  }
0x3: {  	s4 =	rddreg [dreg:$0x3];
	s0 =	srdreg.scid  }
0x4: {  	s25 =	stileid.u32;
	s2 =	simm.s32 $0x0;
	s0 =	sand.u32 $0x1, s0  }
0x5: {  	s5 =	smul.u32 $0xA000, s25;
	[smem:$0x7FF] =	sst s2;
	s6 =	ssub.s32 $0x2, s0  }
0x6: {  	s8 =	sadd.s32 $0x600, s4;
	s7 =	smul.u32 $0xA0000, s0;
	s20 =	sshrl.u32 s6, $0x1  }
0x7: {  	s9 =	sor.u32 $0x1400, s5;
	s11 =	sadd.s32 $0x2800, s5;
	s14 =	sadd.s32 $0x3C00, s5  }
0x8: {  	s15 =	sadd.s32 $0x5000, s5;
	s0 =	ssub.s32 s6, s20;
	s21 =	sadd.s32 s5, s7  }
0x9: {  	s10 =	sadd.s32 s7, s9;
	s24 =	sadd.s32 s7, s14;
	s6 =	sshrl.u32 s21, $0x3  }
0xa: {  	s16 =	sadd.s32 s7, s15;
	s10 =	sshrl.u32 s10, $0x3;
	s12 =	sadd.s32 s3, s6  }
0xb: {  	s17 =	sshrl.u32 s24, $0x3;
	s22 =	sadd.s32 s3, s10;
	[dreg:$0x7] =	wrdreg s12  }
0xc: {  	s18 =	sshrl.u32 s16, $0x3;
	s16 =	sadd.s32 s3, s17;
	[dreg:$0x8] =	wrdreg s22  }
0xd: {  	s23 =	sadd.s32 s7, s11;
	s19 =	sadd.s32 s3, s18;
	[dreg:$0xa] =	wrdreg s16  }
0xe: {  	s20 =	sadd.s32 $0x6400, s5;
	s6 =	sadd.s32 s8, s6;
	[dreg:$0xb] =	wrdreg s19  }
0xf: {  	s13 =	sshrl.u32 s23, $0x3;
	s10 =	sadd.s32 s8, s10;
	[dreg:$0xf] =	wrdreg s6  }
0x10: {  	s26 =	sadd.s32 s7, s20;
	s17 =	sadd.s32 s8, s17;
	[dreg:$0x10] =	wrdreg s10  }
0x11: {  	s23 =	sshrl.u32 s26, $0x3;
	s12 =	sadd.s32 s3, s13;
	[dreg:$0x12] =	wrdreg s17  }
0x12: {  	s26 =	sadd.s32 s3, s23;
	[dreg:$0x9] =	wrdreg s12  }
0x13: {  	[dreg:$0xc] =	wrdreg s26  }
0x14: {  	s16 =	sadd.s32 s8, s13;
	s12 =	rddreg [dreg:$0x2]  }
0x15: {  	[dreg:$0x11] =	wrdreg s16  }
0x16: {  	s21 =	sadd.s32 $0x7800, s5;
	s19 =	sadd.s32 s8, s18;
	s16 =	rddreg [dreg:$0x4]  }
0x17: {  	s28 =	sadd.s32 s7, s21;
	s22 =	sadd.s32 $0x8C00, s5;
	[dreg:$0x13] =	wrdreg s19  }
0x18: {  	s24 =	sshrl.u32 s28, $0x3;
	s23 =	sadd.s32 s8, s23;
	s19 =	rddreg [dreg:$0x5]  }
0x19: {  	s7 =	sadd.s32 s7, s22;
	s28 =	sadd.s32 s3, s24;
	[dreg:$0x14] =	wrdreg s23  }
0x1a: {  	s26 =	sadd.s32 s8, s24;
	s7 =	sshrl.u32 s7, $0x3;
	[dreg:$0xd] =	wrdreg s28  }
0x1b: {  	[dreg:$0x15] =	wrdreg s26;
	s3 =	sadd.s32 s3, s7  }
0x1c: {  	s23 =	sadd.s32 $0x4EC600, s4;
	s28 =	sadd.s32 s8, s7;
	[dreg:$0xe] =	wrdreg s3  }
0x1d: {  	s17 =	sadd.s32 s5, s16;
	s4 =	sadd.s32 s5, s19;
	[dreg:$0x16] =	wrdreg s28  }
0x1e: {  	s5 =	sadd.s32 s9, s19;
	_ =	strace $0x80000047;
	[dreg:$0x18] =	wrdreg s4  }
0x1f: {  	s6 =	sadd.s32 s11, s16;
	[dreg:$0x1a] =	wrdreg s5  }
0x20: {  	s7 =	sadd.s32 s11, s19;
	[dreg:$0x1b] =	wrdreg s6  }
0x21: {  	s8 =	sadd.s32 s14, s16;
	[dreg:$0x1c] =	wrdreg s7  }
0x22: {  	s18 =	sadd.s32 s9, s16;
	s9 =	sadd.s32 s14, s19;
	[dreg:$0x1d] =	wrdreg s8  }
0x23: {  	s10 =	sadd.s32 s15, s16;
	[dreg:$0x1e] =	wrdreg s9  }
0x24: {  	s11 =	sadd.s32 s15, s19;
	[dreg:$0x1f] =	wrdreg s10  }
0x25: {  	s13 =	sadd.s32 s20, s16;
	[smem:$0x7EA] =	sst s11  }
0x26: {  	s14 =	sadd.s32 s20, s19;
	[smem:$0x7EB] =	sst s13  }
0x27: {  	s15 =	sadd.s32 s21, s16;
	[smem:$0x7EC] =	sst s14  }
0x28: {  	s20 =	sadd.s32 s21, s19;
	[smem:$0x7ED] =	sst s15  }
0x29: {  	s21 =	sadd.s32 s22, s16;
	[smem:$0x7EE] =	sst s20  }
0x2a: {  	s30 =	simm.s32 $0x50;
	s26 =	sadd.s32 s22, s19;
	[smem:$0x7EF] =	sst s21  }
0x2b: {  	s29 =	simm.s32 $0x5;
	s0 =	smax.u32 s0, $0x1;
	[smem:$0x7F0] =	sst s26  }
0x2c: {  	s31 =	simm.s32 $0x4;
	s4 =	smul.u32 $0x4EC0, s25;
	[smem:$0x7FD] =	sst s0  }
0x2d: {  	s25 =	smul.u32 $0x9D80, s25;
	s0 =	simm.s32 $0x19280;
	[dreg:$0x17] =	wrdreg s17  }
0x2e: {  	s6 =	simm.s32 $0x7;
	[dreg:$0x19] =	wrdreg s18;
	s24 =	sshrl.u32 s4, $0x3  }
0x2f: {  	s7 =	sadd.s32 $0x50, s4;
	s8 =	sadd.s32 s23, s25;
	s13 =	sadd.s32 $0xA0, s4  }
0x30: {  	s22 =	sadd.s32 $0xF0, s4;
	s5 =	sadd.s32 $0x1E0, s4;
	s28 =	sadd.s32 s1, s24  }
0x31: {  	s3 =	sadd.s32 s12, s24;
	[smem:$0x7F3] =	sst s8;
	s9 =	sshrl.u32 s7, $0x3  }
0x32: {  	s10 =	sshll.u32 s7, $0x1;
	s15 =	sshrl.u32 s13, $0x3;
	s20 =	sshll.u32 s13, $0x1  }
0x33: {  	s25 =	sshrl.u32 s22, $0x3;
	s7 =	sadd.s32 $0x230, s4;
	[smem:$0x7F1] =	sst s28  }
0x34: {  	s13 =	simm.s32 $0x16A80;
	[smem:$0x7F2] =	sst s3;
	s11 =	sadd.s32 s1, s9  }
0x35: {  	s8 =	simm.s32 $0x8;
	s3 =	sadd.s32 s12, s9;
	[smem:$0x7F4] =	sst s11  }
0x36: {  	s14 =	sadd.s32 s23, s10;
	s21 =	sadd.s32 s1, s15;
	[smem:$0x7F5] =	sst s3  }
0x37: {  	s24 =	sadd.s32 s23, s20;
	s26 =	sadd.s32 s1, s25;
	[smem:$0x7F6] =	sst s14  }
0x38: {  	s28 =	sshll.u32 s22, $0x1;
	s10 =	simm.s32 $0x15680;
	[smem:$0x7F7] =	sst s21  }
0x39: {  	s22 =	simm.s32 $0x14230;
	s3 =	sadd.s32 s12, s15;
	[smem:$0x7F9] =	sst s24  }
.Ltmp0:
0x3a: {  	[smem:$0x7FA] =	sst s26;
	s15 =	sadd.s32 $0x140, s4;
	(pc) =	sbr.rel .LBB2_1-.Ltmp0, $4  }
0x3b: {  	s11 =	simm.s32 $0x9;
	s21 =	simm.s32 $0x140F0;
	s24 =	simm.s32 $0x3  }
0x3c: {  	s26 =	simm.s32 $0x17E80;
	[smem:$0x7F8] =	sst s3;
	s3 =	sadd.s32 s12, s25  }
0x3d: {  	s14 =	simm.s32 $0x0;
	[smem:$0x7FB] =	sst s3;
	s3 =	sadd.s32 s23, s28  }
0x3e: {  	v0 =	vimm.f32 $0.0e+00;
	[smem:$0x7FC] =	sst s3;
	s3 =	sadd.s32 $0x190, s4;
	s4 =	simm.s32 $0x6  }
.LBB2_14:
0x3f: {  	[bflag:$0x0] =	sbarrier.arrive $0xFFFF  }
0x40: {  	s17 =	rddreg [dreg:$0x17]  }
0x41: {  	[tilespmem:s10], [sflag:$0x9] =	stream.linear.gather [spmem:s17], $0x1400, $0x38;
	[tilespmem:$0x1A680] =	vst v63  }
0x42: {  	_ =	swait.ge [sflag:s11], $0x1400  }
0x43: {  	[sflag:s11] =	ssyncset.done $0x0  }
0x44: {  	s9 =	rddreg [dreg:$0xf];
	[sflag:s11] =	ssyncadd.s32 $0xFFFFEC00  }
0x45: {  	[hbm4b:s9+s2] =	stream.linear.scatter [tilespmem:s10], [sflag:$0x9], $0x1400, $0x38;
	[tilespmem:$0x1A680] =	vst v63  }
0x46: {  	_ =	swait.ge [sflag:s11], $0x1400  }
0x47: {  	[sflag:s11] =	ssyncset.done $0x0  }
0x48: {  	s18 =	rddreg [dreg:$0x19];
	[sflag:s11] =	ssyncadd.s32 $0xFFFFEC00  }
0x49: {  	[tilespmem:s13], [sflag:$0x9] =	stream.linear.gather [spmem:s18], $0x1400, $0x38;
	[tilespmem:$0x1A680] =	vst v63  }
0x4a: {  	_ =	swait.ge [sflag:s11], $0x1400  }
0x4b: {  	[sflag:s11] =	ssyncset.done $0x0  }
0x4c: {  	s25 =	rddreg [dreg:$0x10];
	[sflag:s11] =	ssyncadd.s32 $0xFFFFEC00  }
0x4d: {  	[hbm4b:s25+s2] =	stream.linear.scatter [tilespmem:s13], [sflag:$0x9], $0x1400, $0x38;
	[tilespmem:$0x1A680] =	vst v63  }
0x4e: {  	_ =	swait.ge [sflag:s11], $0x1400  }
0x4f: {  	[sflag:s11] =	ssyncset.done $0x0  }
0x50: {  	s28 =	rddreg [dreg:$0x1b];
	[sflag:s11] =	ssyncadd.s32 $0xFFFFEC00  }
0x51: {  	[tilespmem:s10], [sflag:$0x9] =	stream.linear.gather [spmem:s28], $0x1400, $0x38;
	[tilespmem:$0x1A680] =	vst v63  }
0x52: {  	_ =	swait.ge [sflag:s11], $0x1400  }
0x53: {  	[sflag:s11] =	ssyncset.done $0x0  }
0x54: {  	s14 =	rddreg [dreg:$0x11];
	[sflag:s11] =	ssyncadd.s32 $0xFFFFEC00  }
0x55: {  	[hbm4b:s14+s2] =	stream.linear.scatter [tilespmem:s10], [sflag:$0x9], $0x1400, $0x38;
	[tilespmem:$0x1A680] =	vst v63  }
0x56: {  	_ =	swait.ge [sflag:s11], $0x1400  }
0x57: {  	[sflag:s11] =	ssyncset.done $0x0  }
0x58: {  	s20 =	rddreg [dreg:$0x1d];
	[sflag:s11] =	ssyncadd.s32 $0xFFFFEC00  }
0x59: {  	[tilespmem:s13], [sflag:$0x9] =	stream.linear.gather [spmem:s20], $0x1400, $0x38;
	[tilespmem:$0x1A680] =	vst v63  }
0x5a: {  	_ =	swait.ge [sflag:s11], $0x1400  }
0x5b: {  	[sflag:s11] =	ssyncset.done $0x0  }
0x5c: {  	s25 =	rddreg [dreg:$0x12];
	[sflag:s11] =	ssyncadd.s32 $0xFFFFEC00  }
0x5d: {  	[hbm4b:s25+s2] =	stream.linear.scatter [tilespmem:s13], [sflag:$0x9], $0x1400, $0x38;
	[tilespmem:$0x1A680] =	vst v63  }
0x5e: {  	_ =	swait.ge [sflag:s11], $0x1400  }
0x5f: {  	[sflag:s11] =	ssyncset.done $0x0  }
0x60: {  	s28 =	rddreg [dreg:$0x1f];
	[sflag:s11] =	ssyncadd.s32 $0xFFFFEC00  }
0x61: {  	[tilespmem:s10], [sflag:$0x9] =	stream.linear.gather [spmem:s28], $0x1400, $0x38;
	[tilespmem:$0x1A680] =	vst v63  }
0x62: {  	_ =	swait.ge [sflag:s11], $0x1400  }
0x63: {  	[sflag:s11] =	ssyncset.done $0x0  }
0x64: {  	s14 =	rddreg [dreg:$0x13];
	[sflag:s11] =	ssyncadd.s32 $0xFFFFEC00  }
0x65: {  	[hbm4b:s14+s2] =	stream.linear.scatter [tilespmem:s10], [sflag:$0x9], $0x1400, $0x38;
	[tilespmem:$0x1A680] =	vst v63  }
0x66: {  	_ =	swait.ge [sflag:s11], $0x1400  }
0x67: {  	s20 =	sld [smem:$0x7EB]  }
0x68: {  	[sflag:s11] =	ssyncset.done $0x0  }
0x69: {  	[sflag:s11] =	ssyncadd.s32 $0xFFFFEC00  }
0x6a: {  	[tilespmem:s13], [sflag:$0x9] =	stream.linear.gather [spmem:s20], $0x1400, $0x38;
	[tilespmem:$0x1A680] =	vst v63  }
0x6b: {  	_ =	swait.ge [sflag:s11], $0x1400  }
0x6c: {  	[sflag:s11] =	ssyncset.done $0x0  }
0x6d: {  	s25 =	rddreg [dreg:$0x14];
	[sflag:s11] =	ssyncadd.s32 $0xFFFFEC00  }
0x6e: {  	[hbm4b:s25+s2] =	stream.linear.scatter [tilespmem:s13], [sflag:$0x9], $0x1400, $0x38;
	[tilespmem:$0x1A680] =	vst v63  }
0x6f: {  	_ =	swait.ge [sflag:s11], $0x1400  }
0x70: {  	s28 =	sld [smem:$0x7ED]  }
0x71: {  	[sflag:s11] =	ssyncset.done $0x0  }
0x72: {  	[sflag:s11] =	ssyncadd.s32 $0xFFFFEC00  }
0x73: {  	[tilespmem:s10], [sflag:$0x9] =	stream.linear.gather [spmem:s28], $0x1400, $0x38;
	[tilespmem:$0x1A680] =	vst v63  }
0x74: {  	_ =	swait.ge [sflag:s11], $0x1400  }
0x75: {  	[sflag:s11] =	ssyncset.done $0x0  }
0x76: {  	s14 =	rddreg [dreg:$0x15];
	[sflag:s11] =	ssyncadd.s32 $0xFFFFEC00  }
0x77: {  	[hbm4b:s14+s2] =	stream.linear.scatter [tilespmem:s10], [sflag:$0x9], $0x1400, $0x38;
	[tilespmem:$0x1A680] =	vst v63  }
0x78: {  	_ =	swait.ge [sflag:s11], $0x1400  }
0x79: {  	s20 =	sld [smem:$0x7EF]  }
0x7a: {  	[sflag:s11] =	ssyncset.done $0x0  }
0x7b: {  	[sflag:s11] =	ssyncadd.s32 $0xFFFFEC00  }
0x7c: {  	[tilespmem:s13], [sflag:$0x9] =	stream.linear.gather [spmem:s20], $0x1400, $0x38;
	[tilespmem:$0x1A680] =	vst v63  }
0x7d: {  	_ =	swait.ge [sflag:s11], $0x1400  }
0x7e: {  	[sflag:s11] =	ssyncset.done $0x0  }
0x7f: {  	s25 =	rddreg [dreg:$0x16];
	[sflag:s11] =	ssyncadd.s32 $0xFFFFEC00  }
0x80: {  	[hbm4b:s25+s2] =	stream.linear.scatter [tilespmem:s13], [sflag:$0x9], $0x1400, $0x38;
	[tilespmem:$0x1A680] =	vst v63  }
0x81: {  	_ =	swait.ge [sflag:s11], $0x1400  }
0x82: {  	s14 =	sld [smem:$0x7E9]  }
0x83: {  	s28 =	sld [smem:$0x7FD];
	_ =	sdelay $0x1  }
0x84: {  	s14 =	sadd.s32 $0x1, s14  }
0x85: {  	p0 =	sne.s32 s14, s28  }
.Ltmp1:
0x86: {  	_ = 	snop;
	(pc) =	sbr.rel @!p0 .LBB2_15-.Ltmp1, $3  }
0x87: {  	_ =	sdelay $0x1  }
0x88: {  	[sflag:s11] =	ssyncset.done $0x0  }
0x89: {  	[sflag:s11] =	ssyncadd.s32 $0xFFFFEC00  }
.LBB2_1:
0x8a: {  	s9 =	simm.s32 $0x15700  }
0x8b: {  	[tilespmem:s9+$0xFFFFFF80] =	vst v0  }
0x8c: {  	[tilespmem:s9+$0x70] =	vst v0  }
0x8d: {  	[tilespmem:s9+$0x60] =	vst v0  }
0x8e: {  	[tilespmem:s9+$0x50] =	vst v0  }
0x8f: {  	[tilespmem:s9+$0x40] =	vst v0  }
0x90: {  	[tilespmem:s9+$0x30] =	vst v0  }
0x91: {  	[tilespmem:s9+$0x20] =	vst v0  }
0x92: {  	[tilespmem:s9+$0x10] =	vst v0  }
0x93: {  	[tilespmem:s9+$0x0] =	vst v0  }
0x94: {  	[tilespmem:s9+$0xFFFFFFF0] =	vst v0  }
0x95: {  	[tilespmem:s9+$0xFFFFFFE0] =	vst v0  }
0x96: {  	[tilespmem:s9+$0xFFFFFFD0] =	vst v0  }
0x97: {  	[tilespmem:s9+$0xFFFFFFC0] =	vst v0  }
0x98: {  	[tilespmem:s9+$0xFFFFFFB0] =	vst v0  }
0x99: {  	[smem:$0x7E9] =	sst s14;
	s14 =	simm.s32 $0x0;
	[tilespmem:s9+$0xFFFFFFA0] =	vst v0  }
.LBB2_2:
0x9a: {  	s14 =	sadd.s32 $0x4, s14;
	[tilespmem:s9+$0xFFFFFF90] =	vst v0;
	s9 =	sadd.s32 $0x100, s9  }
0x9b: {  	[tilespmem:s9+$0xFFFFFF80] =	vst v0;
	p0 =	slt.u32 s14, $0x4C  }
0x9c: {  	[tilespmem:s9+$0x70] =	vst v0  }
0x9d: {  	[tilespmem:s9+$0x60] =	vst v0  }
0x9e: {  	[tilespmem:s9+$0x50] =	vst v0  }
0x9f: {  	[tilespmem:s9+$0x40] =	vst v0  }
0xa0: {  	[tilespmem:s9+$0x30] =	vst v0  }
0xa1: {  	[tilespmem:s9+$0x20] =	vst v0  }
0xa2: {  	[tilespmem:s9+$0x10] =	vst v0  }
0xa3: {  	[tilespmem:s9+$0x0] =	vst v0  }
0xa4: {  	[tilespmem:s9+$0xFFFFFFF0] =	vst v0  }
.Ltmp2:
0xa5: {  	[tilespmem:s9+$0xFFFFFFE0] =	vst v0;
	(pc) =	sbr.rel @p0 .LBB2_2-.Ltmp2, $4  }
0xa6: {  	[tilespmem:s9+$0xFFFFFFD0] =	vst v0  }
0xa7: {  	[tilespmem:s9+$0xFFFFFFC0] =	vst v0  }
0xa8: {  	[tilespmem:s9+$0xFFFFFFB0] =	vst v0  }
0xa9: {  	[tilespmem:s9+$0xFFFFFFA0] =	vst v0  }
0xaa: {  	[tilespmem:s9+$0xFFFFFF90] =	vst v0  }
0xab: {  	[spmem:s17] =	stream.linear.scatter [tilespmem:s10], [sflag:$0x9], $0x1400, $0x38;
	[tilespmem:$0x1A680] =	vst v63  }
0xac: {  	_ =	swait.ge [sflag:s11], $0x1400  }
0xad: {  	[sflag:s11] =	ssyncset.done $0x0  }
0xae: {  	s9 =	simm.s32 $0x0;
	s14 =	rddreg [dreg:$0x7];
	[sflag:s11] =	ssyncadd.s32 $0xFFFFEC00  }
0xaf: {  	[tilespmem:s13], [sflag:$0x9] =	stream.linear.gather [hbm4b:s14+s9], $0x1400, $0x38;
	[tilespmem:$0x1A680] =	vst v63  }
0xb0: {  	_ =	swait.ge [sflag:s11], $0x1400  }
0xb1: {  	[sflag:s11] =	ssyncset.done $0x0  }
0xb2: {  	s17 =	rddreg [dreg:$0x18];
	[sflag:s11] =	ssyncadd.s32 $0xFFFFEC00  }
0xb3: {  	[spmem:s17] =	stream.linear.scatter [tilespmem:s13], [sflag:$0x9], $0x1400, $0x38;
	[tilespmem:$0x1A680] =	vst v63  }
0xb4: {  	_ =	swait.ge [sflag:s11], $0x1400  }
0xb5: {  	[sflag:s11] =	ssyncset.done $0x0  }
0xb6: {  	[sflag:s11] =	ssyncadd.s32 $0xFFFFEC00  }
0xb7: {  	[spmem:s18] =	stream.linear.scatter [tilespmem:s10], [sflag:$0x9], $0x1400, $0x38;
	[tilespmem:$0x1A680] =	vst v63  }
0xb8: {  	_ =	swait.ge [sflag:s11], $0x1400  }
0xb9: {  	[sflag:s11] =	ssyncset.done $0x0  }
0xba: {  	s20 =	rddreg [dreg:$0x8];
	[sflag:s11] =	ssyncadd.s32 $0xFFFFEC00  }
0xbb: {  	[tilespmem:s13], [sflag:$0x9] =	stream.linear.gather [hbm4b:s20+s9], $0x1400, $0x38;
	[tilespmem:$0x1A680] =	vst v63  }
0xbc: {  	_ =	swait.ge [sflag:s11], $0x1400  }
0xbd: {  	[sflag:s11] =	ssyncset.done $0x0  }
0xbe: {  	s25 =	rddreg [dreg:$0x1a];
	[sflag:s11] =	ssyncadd.s32 $0xFFFFEC00  }
0xbf: {  	[spmem:s25] =	stream.linear.scatter [tilespmem:s13], [sflag:$0x9], $0x1400, $0x38;
	[tilespmem:$0x1A680] =	vst v63  }
0xc0: {  	_ =	swait.ge [sflag:s11], $0x1400  }
0xc1: {  	[sflag:s11] =	ssyncset.done $0x0  }
0xc2: {  	s28 =	rddreg [dreg:$0x1b];
	[sflag:s11] =	ssyncadd.s32 $0xFFFFEC00  }
0xc3: {  	[spmem:s28] =	stream.linear.scatter [tilespmem:s10], [sflag:$0x9], $0x1400, $0x38;
	[tilespmem:$0x1A680] =	vst v63  }
0xc4: {  	_ =	swait.ge [sflag:s11], $0x1400  }
0xc5: {  	[sflag:s11] =	ssyncset.done $0x0  }
0xc6: {  	s17 =	rddreg [dreg:$0x9];
	[sflag:s11] =	ssyncadd.s32 $0xFFFFEC00  }
0xc7: {  	[tilespmem:s13], [sflag:$0x9] =	stream.linear.gather [hbm4b:s17+s9], $0x1400, $0x38;
	[tilespmem:$0x1A680] =	vst v63  }
0xc8: {  	_ =	swait.ge [sflag:s11], $0x1400  }
0xc9: {  	[sflag:s11] =	ssyncset.done $0x0  }
0xca: {  	s18 =	rddreg [dreg:$0x1c];
	[sflag:s11] =	ssyncadd.s32 $0xFFFFEC00  }
0xcb: {  	[spmem:s18] =	stream.linear.scatter [tilespmem:s13], [sflag:$0x9], $0x1400, $0x38;
	[tilespmem:$0x1A680] =	vst v63  }
0xcc: {  	_ =	swait.ge [sflag:s11], $0x1400  }
0xcd: {  	[sflag:s11] =	ssyncset.done $0x0  }
0xce: {  	s20 =	rddreg [dreg:$0x1d];
	[sflag:s11] =	ssyncadd.s32 $0xFFFFEC00  }
0xcf: {  	[spmem:s20] =	stream.linear.scatter [tilespmem:s10], [sflag:$0x9], $0x1400, $0x38;
	[tilespmem:$0x1A680] =	vst v63  }
0xd0: {  	_ =	swait.ge [sflag:s11], $0x1400  }
0xd1: {  	[sflag:s11] =	ssyncset.done $0x0  }
0xd2: {  	s25 =	rddreg [dreg:$0xa];
	[sflag:s11] =	ssyncadd.s32 $0xFFFFEC00  }
0xd3: {  	[tilespmem:s13], [sflag:$0x9] =	stream.linear.gather [hbm4b:s25+s9], $0x1400, $0x38;
	[tilespmem:$0x1A680] =	vst v63  }
0xd4: {  	_ =	swait.ge [sflag:s11], $0x1400  }
0xd5: {  	[sflag:s11] =	ssyncset.done $0x0  }
0xd6: {  	s28 =	rddreg [dreg:$0x1e];
	[sflag:s11] =	ssyncadd.s32 $0xFFFFEC00  }
0xd7: {  	[spmem:s28] =	stream.linear.scatter [tilespmem:s13], [sflag:$0x9], $0x1400, $0x38;
	[tilespmem:$0x1A680] =	vst v63  }
0xd8: {  	_ =	swait.ge [sflag:s11], $0x1400  }
0xd9: {  	[sflag:s11] =	ssyncset.done $0x0  }
0xda: {  	s17 =	rddreg [dreg:$0x1f];
	[sflag:s11] =	ssyncadd.s32 $0xFFFFEC00  }
0xdb: {  	[spmem:s17] =	stream.linear.scatter [tilespmem:s10], [sflag:$0x9], $0x1400, $0x38;
	[tilespmem:$0x1A680] =	vst v63  }
0xdc: {  	_ =	swait.ge [sflag:s11], $0x1400  }
0xdd: {  	[sflag:s11] =	ssyncset.done $0x0  }
0xde: {  	s18 =	rddreg [dreg:$0xb];
	[sflag:s11] =	ssyncadd.s32 $0xFFFFEC00  }
0xdf: {  	[tilespmem:s13], [sflag:$0x9] =	stream.linear.gather [hbm4b:s18+s9], $0x1400, $0x38;
	[tilespmem:$0x1A680] =	vst v63  }
0xe0: {  	_ =	swait.ge [sflag:s11], $0x1400  }
0xe1: {  	s20 =	sld [smem:$0x7EA]  }
0xe2: {  	[sflag:s11] =	ssyncset.done $0x0  }
0xe3: {  	[sflag:s11] =	ssyncadd.s32 $0xFFFFEC00  }
0xe4: {  	[spmem:s20] =	stream.linear.scatter [tilespmem:s13], [sflag:$0x9], $0x1400, $0x38;
	[tilespmem:$0x1A680] =	vst v63  }
0xe5: {  	_ =	swait.ge [sflag:s11], $0x1400  }
0xe6: {  	s25 =	sld [smem:$0x7EB]  }
0xe7: {  	[sflag:s11] =	ssyncset.done $0x0  }
0xe8: {  	[sflag:s11] =	ssyncadd.s32 $0xFFFFEC00  }
0xe9: {  	[spmem:s25] =	stream.linear.scatter [tilespmem:s10], [sflag:$0x9], $0x1400, $0x38;
	[tilespmem:$0x1A680] =	vst v63  }
0xea: {  	_ =	swait.ge [sflag:s11], $0x1400  }
0xeb: {  	[sflag:s11] =	ssyncset.done $0x0  }
0xec: {  	s28 =	rddreg [dreg:$0xc];
	[sflag:s11] =	ssyncadd.s32 $0xFFFFEC00  }
0xed: {  	[tilespmem:s13], [sflag:$0x9] =	stream.linear.gather [hbm4b:s28+s9], $0x1400, $0x38;
	[tilespmem:$0x1A680] =	vst v63  }
0xee: {  	_ =	swait.ge [sflag:s11], $0x1400  }
0xef: {  	s17 =	sld [smem:$0x7EC]  }
0xf0: {  	[sflag:s11] =	ssyncset.done $0x0  }
0xf1: {  	[sflag:s11] =	ssyncadd.s32 $0xFFFFEC00  }
0xf2: {  	[spmem:s17] =	stream.linear.scatter [tilespmem:s13], [sflag:$0x9], $0x1400, $0x38;
	[tilespmem:$0x1A680] =	vst v63  }
0xf3: {  	_ =	swait.ge [sflag:s11], $0x1400  }
0xf4: {  	s18 =	sld [smem:$0x7ED]  }
0xf5: {  	[sflag:s11] =	ssyncset.done $0x0  }
0xf6: {  	[sflag:s11] =	ssyncadd.s32 $0xFFFFEC00  }
0xf7: {  	[spmem:s18] =	stream.linear.scatter [tilespmem:s10], [sflag:$0x9], $0x1400, $0x38;
	[tilespmem:$0x1A680] =	vst v63  }
0xf8: {  	_ =	swait.ge [sflag:s11], $0x1400  }
0xf9: {  	[sflag:s11] =	ssyncset.done $0x0  }
0xfa: {  	s20 =	rddreg [dreg:$0xd];
	[sflag:s11] =	ssyncadd.s32 $0xFFFFEC00  }
0xfb: {  	[tilespmem:s13], [sflag:$0x9] =	stream.linear.gather [hbm4b:s20+s9], $0x1400, $0x38;
	[tilespmem:$0x1A680] =	vst v63  }
0xfc: {  	_ =	swait.ge [sflag:s11], $0x1400  }
0xfd: {  	s25 =	sld [smem:$0x7EE]  }
0xfe: {  	[sflag:s11] =	ssyncset.done $0x0  }
0xff: {  	[sflag:s11] =	ssyncadd.s32 $0xFFFFEC00  }
0x100: {  	[spmem:s25] =	stream.linear.scatter [tilespmem:s13], [sflag:$0x9], $0x1400, $0x38;
	[tilespmem:$0x1A680] =	vst v63  }
0x101: {  	_ =	swait.ge [sflag:s11], $0x1400  }
0x102: {  	s28 =	sld [smem:$0x7EF]  }
0x103: {  	[sflag:s11] =	ssyncset.done $0x0  }
0x104: {  	[sflag:s11] =	ssyncadd.s32 $0xFFFFEC00  }
0x105: {  	[spmem:s28] =	stream.linear.scatter [tilespmem:s10], [sflag:$0x9], $0x1400, $0x38;
	[tilespmem:$0x1A680] =	vst v63  }
0x106: {  	_ =	swait.ge [sflag:s11], $0x1400  }
0x107: {  	[sflag:s11] =	ssyncset.done $0x0  }
0x108: {  	s17 =	rddreg [dreg:$0xe];
	[sflag:s11] =	ssyncadd.s32 $0xFFFFEC00  }
0x109: {  	[tilespmem:s13], [sflag:$0x9] =	stream.linear.gather [hbm4b:s17+s9], $0x1400, $0x38;
	[tilespmem:$0x1A680] =	vst v63  }
0x10a: {  	_ =	swait.ge [sflag:s11], $0x1400  }
0x10b: {  	s18 =	sld [smem:$0x7F0]  }
0x10c: {  	[sflag:s11] =	ssyncset.done $0x0  }
0x10d: {  	[sflag:s11] =	ssyncadd.s32 $0xFFFFEC00  }
0x10e: {  	[spmem:s18] =	stream.linear.scatter [tilespmem:s13], [sflag:$0x9], $0x1400, $0x38;
	[tilespmem:$0x1A680] =	vst v63  }
0x10f: {  	_ =	swait.ge [sflag:s11], $0x1400  }
0x110: {  	[sflag:s11] =	ssyncset.done $0x0  }
0x111: {  	[sflag:s11] =	ssyncadd.s32 $0xFFFFEC00  }
0x112: {  	[bflag:$0x0] =	sbarrier.arrive $0xFFFF  }
0x113: {  	s20 =	sld [smem:$0x7F1];
	_ =	sdelay $0x1  }
0x114: {  	s17 =	simm.s32 $0x14000;
	s25 =	sld [smem:$0x7F2]  }
0x115: {  	[tilespmem:s17], [sflag:$0x1] =	stream.linear.gather [hbm4b:s20+s9], $0x50, $0x38;
	[tilespmem:$0x1A680] =	vst v63  }
0x116: {  	s28 =	simm.s32 $0x14140;
	s18 =	sld [smem:$0x7F3]  }
0x117: {  	[tilespmem:s28], [sflag:$0x1] =	stream.linear.gather [hbm4b:s25+s9], $0x50, $0x38;
	[tilespmem:$0x1A680] =	vst v63  }
0x118: {  	s20 =	simm.s32 $0x14280;
	s25 =	sld [smem:$0x7F4]  }
0x119: {  	[tilespmem:s20], [sflag:$0x1] =	stream.linear.gather [hbm4b:s18+s9], $0x500, $0x38;
	[tilespmem:$0x1A680] =	vst v63  }
0x11a: {  	s28 =	sld [smem:$0x7F5];
	s18 =	simm.s32 $0x14050  }
0x11b: {  	[tilespmem:s18], [sflag:$0x2] =	stream.linear.gather [hbm4b:s25+s9], $0x50, $0x38;
	[tilespmem:$0x1A680] =	vst v63  }
0x11c: {  	s20 =	simm.s32 $0x14190;
	s25 =	sld [smem:$0x7F6]  }
0x11d: {  	[tilespmem:s20], [sflag:$0x2] =	stream.linear.gather [hbm4b:s28+s9], $0x50, $0x38;
	[tilespmem:$0x1A680] =	vst v63  }
0x11e: {  	s28 =	simm.s32 $0x14780  }
0x11f: {  	[tilespmem:s28], [sflag:$0x2] =	stream.linear.gather [hbm4b:s25+s9], $0x500, $0x38;
	[tilespmem:$0x1A680] =	vst v63  }
0x120: {  	s25 =	sld [smem:$0x7F7];
	_ =	sdelay $0x1  }
0x121: {  	s28 =	simm.s32 $0x140A0  }
0x122: {  	[tilespmem:s28], [sflag:$0x3] =	stream.linear.gather [hbm4b:s25+s9], $0x50, $0x38;
	[tilespmem:$0x1A680] =	vst v63  }
0x123: {  	s25 =	sld [smem:$0x7F8];
	_ =	sdelay $0x1  }
0x124: {  	s20 =	sld [smem:$0x7F9];
	s28 =	simm.s32 $0x141E0  }
0x125: {  	[tilespmem:s28], [sflag:$0x3] =	stream.linear.gather [hbm4b:s25+s9], $0x50, $0x38;
	[tilespmem:$0x1A680] =	vst v63  }
0x126: {  	s25 =	simm.s32 $0x14C80;
	s28 =	sld [smem:$0x7FA]  }
0x127: {  	[tilespmem:s25], [sflag:$0x3] =	stream.linear.gather [hbm4b:s20+s9], $0x500, $0x38;
	[tilespmem:$0x1A680] =	vst v63  }
0x128: {  	s20 =	sld [smem:$0x7FB]  }
0x129: {  	[tilespmem:s21], [sflag:$0x4] =	stream.linear.gather [hbm4b:s28+s9], $0x50, $0x38;
	[tilespmem:$0x1A680] =	vst v63  }
0x12a: {  	s25 =	sld [smem:$0x7FC]  }
0x12b: {  	[tilespmem:s22], [sflag:$0x4] =	stream.linear.gather [hbm4b:s20+s9], $0x50, $0x38;
	[tilespmem:$0x1A680] =	vst v63  }
0x12c: {  	s28 =	simm.s32 $0x15180  }
0x12d: {  	[tilespmem:s28], [sflag:$0x4] =	stream.linear.gather [hbm4b:s25+s9], $0x500, $0x38;
	[tilespmem:$0x1A680] =	vst v63  }
0x12e: {  	s25 =	simm.s32 $0x1  }
0x12f: {  	_ =	swait.ge [sflag:s25], $0x50  }
0x130: {  	[sflag:s25] =	ssyncset.done $0x0  }
0x131: {  	[sflag:s25] =	ssyncadd.s32 $0xFFFFFFB0  }
0x132: {  	_ =	swait.ge [sflag:s25], $0x50  }
0x133: {  	[sflag:s25] =	ssyncset.done $0x0  }
0x134: {  	[sflag:s25] =	ssyncadd.s32 $0xFFFFFFB0  }
0x135: {  	_ =	swait.ge [sflag:s25], $0x500  }
0x136: {  	[sflag:s25] =	ssyncset.done $0x0  }
0x137: {  	s28 =	simm.s32 $0x2;
	[sflag:s25] =	ssyncadd.s32 $0xFFFFFB00  }
0x138: {  	[tilespmem:s10], [sflag:$0x5] =	stream.indirect.gather [spmem:s19], $0x40, s17, s30, $0xb8;
	[tilespmem:$0x1A680] =	vst v63  }
0x139: {  	_ =	swait.ge [sflag:s28], $0x50  }
0x13a: {  	[sflag:s28] =	ssyncset.done $0x0  }
0x13b: {  	[sflag:s28] =	ssyncadd.s32 $0xFFFFFFB0  }
0x13c: {  	_ =	swait.ge [sflag:s28], $0x50  }
0x13d: {  	[sflag:s28] =	ssyncset.done $0x0  }
0x13e: {  	[sflag:s28] =	ssyncadd.s32 $0xFFFFFFB0  }
0x13f: {  	_ =	swait.ge [sflag:s28], $0x500  }
0x140: {  	[sflag:s28] =	ssyncset.done $0x0  }
0x141: {  	[sflag:s28] =	ssyncadd.s32 $0xFFFFFB00  }
0x142: {  	[tilespmem:s13], [sflag:$0x6] =	stream.indirect.gather [spmem:s19], $0x40, s18, s30, $0xb8;
	[tilespmem:$0x1A680] =	vst v63  }
.LBB2_4:
0x143: {  	_ =	swait.ge [sflag:s24], $0x50  }
0x144: {  	[sflag:s24] =	ssyncset.done $0x0  }
0x145: {  	[sflag:s24] =	ssyncadd.s32 $0xFFFFFFB0  }
0x146: {  	_ =	swait.ge [sflag:s24], $0x50  }
0x147: {  	[sflag:s24] =	ssyncset.done $0x0  }
0x148: {  	[sflag:s24] =	ssyncadd.s32 $0xFFFFFFB0  }
0x149: {  	_ =	swait.ge [sflag:s24], $0x500  }
0x14a: {  	[sflag:s24] =	ssyncset.done $0x0  }
0x14b: {  	s14 =	simm.s32 $0x140A0;
	[sflag:s24] =	ssyncadd.s32 $0xFFFFFB00  }
0x14c: {  	[tilespmem:s26], [sflag:$0x7] =	stream.indirect.gather [spmem:s19], $0x40, s14, s30, $0xb8;
	[tilespmem:$0x1A680] =	vst v63  }
0x14d: {  	_ =	swait.ge [sflag:s29], $0x1400  }
0x14e: {  	[sflag:s29] =	ssyncset.done $0x0  }
0x14f: {  	s28 =	simm.s32 $0x15780;
	[sflag:s29] =	ssyncadd.s32 $0xFFFFEC00  }
0x150: {  	s25 =	simm.s32 $0x142C0;
	v1 =	vld [tilespmem:s28+$0xFFFFFF10]  }
0x151: {  	v2 =	vld [tilespmem:s25+$0xFFFFFFC0]  }
0x152: {  	v3 =	vld [tilespmem:s28+$0xFFFFFF20]  }
0x153: {  	v4 =	vld [tilespmem:s28+$0xFFFFFF00]  }
0x154: {  	v5 =	vld [tilespmem:s28+$0xFFFFFF30];
	_ =	sdelay $0x1  }
0x155: {  	v1 =	vmul.f32 v1, v2  }
0x156: {  	v3 =	vmul.f32 v3, v2  }
0x157: {  	v4 =	vmul.f32 v4, v2;
	[tilespmem:s28+$0xFFFFFF10] =	vst v1  }
0x158: {  	v1 =	vmul.f32 v5, v2;
	[tilespmem:s28+$0xFFFFFF20] =	vst v3  }
0x159: {  	[tilespmem:s28+$0xFFFFFF00] =	vst v4  }
0x15a: {  	v2 =	vld [tilespmem:s28+$0xFFFFFF50];
	[tilespmem:s28+$0xFFFFFF30] =	vst v1  }
0x15b: {  	v1 =	vld [tilespmem:s25+$0xFFFFFFD0]  }
0x15c: {  	v3 =	vld [tilespmem:s28+$0xFFFFFF60]  }
0x15d: {  	v4 =	vld [tilespmem:s28+$0xFFFFFF40]  }
0x15e: {  	v5 =	vld [tilespmem:s28+$0xFFFFFF70];
	_ =	sdelay $0x1  }
0x15f: {  	v2 =	vmul.f32 v2, v1  }
0x160: {  	v3 =	vmul.f32 v3, v1  }
0x161: {  	v4 =	vmul.f32 v4, v1;
	[tilespmem:s28+$0xFFFFFF50] =	vst v2  }
0x162: {  	v1 =	vmul.f32 v5, v1;
	[tilespmem:s28+$0xFFFFFF60] =	vst v3  }
0x163: {  	[tilespmem:s28+$0xFFFFFF40] =	vst v4  }
0x164: {  	v2 =	vld [tilespmem:s28+$0xFFFFFF90];
	[tilespmem:s28+$0xFFFFFF70] =	vst v1  }
0x165: {  	v1 =	vld [tilespmem:s25+$0xFFFFFFE0]  }
0x166: {  	v3 =	vld [tilespmem:s28+$0xFFFFFF80]  }
0x167: {  	v4 =	vld [tilespmem:s28+$0xFFFFFFA0]  }
0x168: {  	v5 =	vld [tilespmem:s28+$0xFFFFFFB0];
	_ =	sdelay $0x1  }
0x169: {  	v2 =	vmul.f32 v2, v1  }
0x16a: {  	v3 =	vmul.f32 v3, v1  }
0x16b: {  	v4 =	vmul.f32 v4, v1;
	[tilespmem:s28+$0xFFFFFF90] =	vst v2  }
0x16c: {  	v1 =	vmul.f32 v5, v1;
	[tilespmem:s28+$0xFFFFFF80] =	vst v3  }
0x16d: {  	[tilespmem:s28+$0xFFFFFFA0] =	vst v4  }
0x16e: {  	[tilespmem:s28+$0xFFFFFFB0] =	vst v1;
	v1 =	vld [tilespmem:s28+$0xFFFFFFC0]  }
0x16f: {  	v3 =	vld [tilespmem:s25+$0xFFFFFFF0]  }
0x170: {  	v2 =	vld [tilespmem:s28+$0xFFFFFFD0]  }
0x171: {  	v4 =	vld [tilespmem:s28+$0xFFFFFFF0]  }
0x172: {  	v5 =	vld [tilespmem:s28+$0xFFFFFFE0];
	_ =	sdelay $0x1  }
0x173: {  	v1 =	vmul.f32 v1, v3  }
0x174: {  	v2 =	vmul.f32 v2, v3  }
0x175: {  	v4 =	vmul.f32 v4, v3;
	[tilespmem:s28+$0xFFFFFFC0] =	vst v1  }
0x176: {  	[tilespmem:s28+$0xFFFFFFD0] =	vst v2;
	v1 =	vmul.f32 v5, v3  }
0x177: {  	[tilespmem:s28+$0xFFFFFFF0] =	vst v4  }
0x178: {  	[tilespmem:s28+$0xFFFFFFE0] =	vst v1;
	v1 =	vld [tilespmem:s28+$0x0]  }
0x179: {  	v3 =	vld [tilespmem:s25+$0x0]  }
0x17a: {  	v2 =	vld [tilespmem:s28+$0x10]  }
0x17b: {  	v4 =	vld [tilespmem:s28+$0x20]  }
0x17c: {  	v5 =	vld [tilespmem:s28+$0x30];
	_ =	sdelay $0x1  }
0x17d: {  	v1 =	vmul.f32 v1, v3  }
0x17e: {  	v2 =	vmul.f32 v2, v3  }
0x17f: {  	v4 =	vmul.f32 v4, v3;
	[tilespmem:s28+$0x0] =	vst v1  }
0x180: {  	[tilespmem:s28+$0x10] =	vst v2;
	v1 =	vmul.f32 v5, v3  }
0x181: {  	[tilespmem:s28+$0x20] =	vst v4  }
0x182: {  	v3 =	vld [tilespmem:s28+$0x40];
	[tilespmem:s28+$0x30] =	vst v1  }
0x183: {  	v1 =	vld [tilespmem:s25+$0x10]  }
0x184: {  	v2 =	vld [tilespmem:s28+$0x60]  }
0x185: {  	v4 =	vld [tilespmem:s28+$0x50]  }
0x186: {  	v5 =	vld [tilespmem:s28+$0x70];
	_ =	sdelay $0x1  }
0x187: {  	v3 =	vmul.f32 v3, v1  }
0x188: {  	v6 =	vmul.f32 v2, v1  }
0x189: {  	[tilespmem:s28+$0x40] =	vst v3;
	v3 =	vmul.f32 v4, v1  }
0x18a: {  	s17 =	simm.s32 $0x0;
	s18 =	simm.s32 $0x15780;
	s14 =	simm.s32 $0x142C0;
	v2 =	vmul.f32 v5, v1;
	[tilespmem:s28+$0x60] =	vst v6;
	v1 =	vld [tilespmem:s28+$0xA0]  }
.LBB2_5:
0x18b: {  	s17 =	sadd.s32 $0x8, s17;
	[tilespmem:s28+$0x50] =	vst v3;
	v3 =	vld [tilespmem:s28+$0x80];
	s25 =	sadd.s32 $0x80, s25;
	s18 =	sadd.s32 $0x200, s18  }
0x18c: {  	p0 =	slt.u32 s17, $0x48;
	[tilespmem:s28+$0x70] =	vst v2;
	v2 =	vld [tilespmem:s28+$0x90]  }
0x18d: {  	v4 =	vld [tilespmem:s14+$0x20]  }
0x18e: {  	v5 =	vld [tilespmem:s28+$0xB0];
	_ =	sdelay $0x3  }
0x18f: {  	v3 =	vmul.f32 v3, v4;
	v2 =	vmul.f32 v2, v4  }
0x190: {  	v1 =	vmul.f32 v1, v4;
	v4 =	vmul.f32 v5, v4  }
0x191: {  	[tilespmem:s28+$0x80] =	vst v3  }
0x192: {  	[tilespmem:s28+$0xA0] =	vst v1;
	v1 =	vld [tilespmem:s28+$0xC0]  }
0x193: {  	[tilespmem:s28+$0xB0] =	vst v4;
	v3 =	vld [tilespmem:s28+$0xF0]  }
0x194: {  	[tilespmem:s28+$0x90] =	vst v2;
	v2 =	vld [tilespmem:s28+$0xD0]  }
0x195: {  	v4 =	vld [tilespmem:s14+$0x30];
	s14 =	smov.u32 s25  }
0x196: {  	v5 =	vld [tilespmem:s28+$0xE0];
	_ =	sdelay $0x3  }
0x197: {  	v1 =	vmul.f32 v1, v4;
	v2 =	vmul.f32 v2, v4  }
0x198: {  	v3 =	vmul.f32 v3, v4;
	v5 =	vmul.f32 v5, v4  }
0x199: {  	[tilespmem:s28+$0xC0] =	vst v1  }
0x19a: {  	v1 =	vld [tilespmem:s18+$0xFFFFFF30];
	[tilespmem:s28+$0xD0] =	vst v2  }
0x19b: {  	v2 =	vld [tilespmem:s18+$0xFFFFFF20];
	[tilespmem:s28+$0xF0] =	vst v3  }
0x19c: {  	v3 =	vld [tilespmem:s18+$0xFFFFFF10];
	[tilespmem:s28+$0xE0] =	vst v5;
	s28 =	smov.u32 s18  }
0x19d: {  	v4 =	vld [tilespmem:s25+$0xFFFFFFC0]  }
0x19e: {  	v5 =	vld [tilespmem:s18+$0xFFFFFF00];
	_ =	sdelay $0x3  }
0x19f: {  	v3 =	vmul.f32 v3, v4;
	v2 =	vmul.f32 v2, v4  }
0x1a0: {  	v1 =	vmul.f32 v1, v4;
	v5 =	vmul.f32 v5, v4  }
0x1a1: {  	[tilespmem:s18+$0xFFFFFF10] =	vst v3  }
0x1a2: {  	[tilespmem:s18+$0xFFFFFF20] =	vst v2;
	v2 =	vld [tilespmem:s18+$0xFFFFFF70]  }
0x1a3: {  	[tilespmem:s18+$0xFFFFFF00] =	vst v5;
	v3 =	vld [tilespmem:s18+$0xFFFFFF50]  }
0x1a4: {  	[tilespmem:s18+$0xFFFFFF30] =	vst v1;
	v1 =	vld [tilespmem:s18+$0xFFFFFF40]  }
0x1a5: {  	v4 =	vld [tilespmem:s25+$0xFFFFFFD0]  }
0x1a6: {  	v5 =	vld [tilespmem:s18+$0xFFFFFF60];
	_ =	sdelay $0x3  }
0x1a7: {  	v1 =	vmul.f32 v1, v4;
	v3 =	vmul.f32 v3, v4  }
0x1a8: {  	v2 =	vmul.f32 v2, v4;
	v5 =	vmul.f32 v5, v4  }
0x1a9: {  	[tilespmem:s18+$0xFFFFFF50] =	vst v3  }
0x1aa: {  	[tilespmem:s18+$0xFFFFFF60] =	vst v5;
	v3 =	vld [tilespmem:s18+$0xFFFFFFB0]  }
0x1ab: {  	[tilespmem:s18+$0xFFFFFF40] =	vst v1;
	v1 =	vld [tilespmem:s18+$0xFFFFFF90]  }
0x1ac: {  	[tilespmem:s18+$0xFFFFFF70] =	vst v2;
	v2 =	vld [tilespmem:s18+$0xFFFFFF80]  }
0x1ad: {  	v4 =	vld [tilespmem:s25+$0xFFFFFFE0]  }
0x1ae: {  	v5 =	vld [tilespmem:s18+$0xFFFFFFA0];
	_ =	sdelay $0x3  }
0x1af: {  	v2 =	vmul.f32 v2, v4;
	v1 =	vmul.f32 v1, v4  }
0x1b0: {  	v3 =	vmul.f32 v3, v4;
	v5 =	vmul.f32 v5, v4  }
0x1b1: {  	[tilespmem:s18+$0xFFFFFF90] =	vst v1  }
0x1b2: {  	[tilespmem:s18+$0xFFFFFF80] =	vst v2;
	v1 =	vld [tilespmem:s18+$0xFFFFFFF0]  }
0x1b3: {  	[tilespmem:s18+$0xFFFFFFA0] =	vst v5;
	v2 =	vld [tilespmem:s18+$0xFFFFFFD0]  }
0x1b4: {  	[tilespmem:s18+$0xFFFFFFB0] =	vst v3;
	v3 =	vld [tilespmem:s18+$0xFFFFFFC0]  }
0x1b5: {  	v4 =	vld [tilespmem:s25+$0xFFFFFFF0]  }
0x1b6: {  	v5 =	vld [tilespmem:s18+$0xFFFFFFE0];
	_ =	sdelay $0x3  }
0x1b7: {  	v3 =	vmul.f32 v3, v4;
	v2 =	vmul.f32 v2, v4  }
0x1b8: {  	v1 =	vmul.f32 v1, v4;
	v5 =	vmul.f32 v5, v4  }
0x1b9: {  	[tilespmem:s18+$0xFFFFFFC0] =	vst v3  }
0x1ba: {  	[tilespmem:s18+$0xFFFFFFD0] =	vst v2;
	v2 =	vld [tilespmem:s18+$0x30]  }
0x1bb: {  	[tilespmem:s18+$0xFFFFFFF0] =	vst v1;
	v1 =	vld [tilespmem:s18+$0x10]  }
0x1bc: {  	[tilespmem:s18+$0xFFFFFFE0] =	vst v5;
	v3 =	vld [tilespmem:s18+$0x0]  }
0x1bd: {  	v4 =	vld [tilespmem:s25+$0x0]  }
0x1be: {  	v5 =	vld [tilespmem:s18+$0x20];
	_ =	sdelay $0x3  }
0x1bf: {  	v3 =	vmul.f32 v3, v4;
	v1 =	vmul.f32 v1, v4  }
0x1c0: {  	v2 =	vmul.f32 v2, v4;
	v5 =	vmul.f32 v5, v4  }
0x1c1: {  	[tilespmem:s18+$0x0] =	vst v3  }
0x1c2: {  	[tilespmem:s18+$0x10] =	vst v1;
	v1 =	vld [tilespmem:s18+$0x60]  }
0x1c3: {  	[tilespmem:s18+$0x20] =	vst v5;
	v3 =	vld [tilespmem:s18+$0x40]  }
0x1c4: {  	[tilespmem:s18+$0x30] =	vst v2;
	v2 =	vld [tilespmem:s18+$0x50]  }
0x1c5: {  	v4 =	vld [tilespmem:s25+$0x10]  }
0x1c6: {  	v5 =	vld [tilespmem:s18+$0x70];
	_ =	sdelay $0x2  }
.Ltmp3:
0x1c7: {  	(pc) =	sbr.rel @p0 .LBB2_5-.Ltmp3, $4  }
0x1c8: {  	v6 =	vmul.f32 v3, v4;
	v3 =	vmul.f32 v2, v4  }
0x1c9: {  	v1 =	vmul.f32 v1, v4;
	v2 =	vmul.f32 v5, v4  }
0x1ca: {  	[tilespmem:s18+$0x40] =	vst v6  }
0x1cb: {  	[tilespmem:s18+$0x60] =	vst v1;
	v1 =	vld [tilespmem:s18+$0xA0]  }
0x1cc: {  	[tilespmem:s28+$0x50] =	vst v3  }
0x1cd: {  	v3 =	vld [tilespmem:s28+$0x80];
	[tilespmem:s28+$0x70] =	vst v2  }
0x1ce: {  	v2 =	vld [tilespmem:s14+$0x20];
	_ =	sdelay $0x1  }
0x1cf: {  	v4 =	vld [tilespmem:s28+$0xB0]  }
0x1d0: {  	v5 =	vld [tilespmem:s28+$0x90];
	_ =	sdelay $0x1  }
0x1d1: {  	v3 =	vmul.f32 v3, v2  }
0x1d2: {  	v1 =	vmul.f32 v1, v2  }
0x1d3: {  	[tilespmem:s28+$0x80] =	vst v3;
	v3 =	vmul.f32 v4, v2  }
0x1d4: {  	[tilespmem:s28+$0xA0] =	vst v1;
	v1 =	vmul.f32 v5, v2  }
0x1d5: {  	[tilespmem:s28+$0xB0] =	vst v3  }
0x1d6: {  	v2 =	vld [tilespmem:s28+$0xC0];
	[tilespmem:s28+$0x90] =	vst v1  }
0x1d7: {  	v1 =	vld [tilespmem:s14+$0x30]  }
0x1d8: {  	v3 =	vld [tilespmem:s28+$0xD0]  }
0x1d9: {  	v4 =	vld [tilespmem:s28+$0xF0]  }
0x1da: {  	v5 =	vld [tilespmem:s28+$0xE0];
	_ =	sdelay $0x1  }
0x1db: {  	v2 =	vmul.f32 v2, v1  }
0x1dc: {  	v3 =	vmul.f32 v3, v1  }
0x1dd: {  	v4 =	vmul.f32 v4, v1;
	[tilespmem:s28+$0xC0] =	vst v2  }
0x1de: {  	v1 =	vmul.f32 v5, v1;
	[tilespmem:s28+$0xD0] =	vst v3  }
0x1df: {  	p0 =	seq.s32 s9, $0x3E;
	[tilespmem:s28+$0xF0] =	vst v4  }
0x1e0: {  	s25 =	simm.s32 $0x14140;
	[tilespmem:s28+$0xE0] =	vst v1;
	s28 =	smul.u32 @!p0 $0x140, s9  }
0x1e1: {  	[spmem:s16] =	stream.indirect.scatter.add.f32 [tilespmem:s10], [sflag:$0x9], $0x40, s25, s30, $0xb8;
	[tilespmem:$0x1A680] =	vst v63  }
0x1e2: {  	_ =	swait.ge [sflag:s11], $0x1400;
	s14 =	sadd.s32 @!p0 s28, s15  }
0x1e3: {  	s20 =	simm.s32 @!p0 $0x0;
	[sflag:s11] =	ssyncset.done $0x0;
	s17 =	sshrl.u32 @!p0 s14, $0x3  }
0x1e4: {  	s25 =	simm.s32 @!p0 $0x14000;
	[sflag:s11] =	ssyncadd.s32 $0xFFFFEC00;
	s18 =	sadd.s32 @!p0 s1, s17  }
0x1e5: {  	[tilespmem:s25], [sflag:$0x1] =	stream.linear.gather @!p0 [hbm4b:s18+s20], $0x50, $0x38;
	[tilespmem:$0x1A680] =	vst v63  }
0x1e6: {  	s14 =	sshll.u32 @!p0 s14, $0x1;
	s17 =	sadd.s32 @!p0 s12, s17;
	s18 =	simm.s32 @!p0 $0x14140  }
0x1e7: {  	[tilespmem:s18], [sflag:$0x1] =	stream.linear.gather @!p0 [hbm4b:s17+s20], $0x50, $0x38;
	[tilespmem:$0x1A680] =	vst v63  }
0x1e8: {  	s14 =	sadd.s32 @!p0 s23, s14;
	s17 =	simm.s32 @!p0 $0x14280  }
0x1e9: {  	[tilespmem:s17], [sflag:$0x1] =	stream.linear.gather @!p0 [hbm4b:s14+s20], $0x500, $0x38;
	[tilespmem:$0x1A680] =	vst v63  }
0x1ea: {  	_ =	swait.ge [sflag:s31], $0x50  }
0x1eb: {  	[sflag:s31] =	ssyncset.done $0x0  }
0x1ec: {  	[sflag:s31] =	ssyncadd.s32 $0xFFFFFFB0  }
0x1ed: {  	_ =	swait.ge [sflag:s31], $0x50  }
0x1ee: {  	[sflag:s31] =	ssyncset.done $0x0  }
0x1ef: {  	[sflag:s31] =	ssyncadd.s32 $0xFFFFFFB0  }
0x1f0: {  	_ =	swait.ge [sflag:s31], $0x500  }
0x1f1: {  	[sflag:s31] =	ssyncset.done $0x0  }
0x1f2: {  	[sflag:s31] =	ssyncadd.s32 $0xFFFFFB00  }
0x1f3: {  	[tilespmem:s0], [sflag:$0x8] =	stream.indirect.gather [spmem:s19], $0x40, s21, s30, $0xb8;
	[tilespmem:$0x1A680] =	vst v63  }
0x1f4: {  	_ =	swait.ge [sflag:s4], $0x1400  }
0x1f5: {  	[sflag:s4] =	ssyncset.done $0x0  }
0x1f6: {  	s25 =	simm.s32 $0x16B80;
	[sflag:s4] =	ssyncadd.s32 $0xFFFFEC00  }
0x1f7: {  	s14 =	simm.s32 $0x147C0;
	v1 =	vld [tilespmem:s25+$0xFFFFFF10]  }
0x1f8: {  	v2 =	vld [tilespmem:s14+$0xFFFFFFC0]  }
0x1f9: {  	v3 =	vld [tilespmem:s25+$0xFFFFFF20]  }
0x1fa: {  	v4 =	vld [tilespmem:s25+$0xFFFFFF00]  }
0x1fb: {  	v5 =	vld [tilespmem:s25+$0xFFFFFF30];
	_ =	sdelay $0x1  }
0x1fc: {  	v1 =	vmul.f32 v1, v2  }
0x1fd: {  	v3 =	vmul.f32 v3, v2  }
0x1fe: {  	v4 =	vmul.f32 v4, v2;
	[tilespmem:s25+$0xFFFFFF10] =	vst v1  }
0x1ff: {  	v1 =	vmul.f32 v5, v2;
	[tilespmem:s25+$0xFFFFFF20] =	vst v3  }
0x200: {  	[tilespmem:s25+$0xFFFFFF00] =	vst v4  }
0x201: {  	v2 =	vld [tilespmem:s25+$0xFFFFFF50];
	[tilespmem:s25+$0xFFFFFF30] =	vst v1  }
0x202: {  	v1 =	vld [tilespmem:s14+$0xFFFFFFD0]  }
0x203: {  	v3 =	vld [tilespmem:s25+$0xFFFFFF60]  }
0x204: {  	v4 =	vld [tilespmem:s25+$0xFFFFFF40]  }
0x205: {  	v5 =	vld [tilespmem:s25+$0xFFFFFF70];
	_ =	sdelay $0x1  }
0x206: {  	v2 =	vmul.f32 v2, v1  }
0x207: {  	v3 =	vmul.f32 v3, v1  }
0x208: {  	v4 =	vmul.f32 v4, v1;
	[tilespmem:s25+$0xFFFFFF50] =	vst v2  }
0x209: {  	v1 =	vmul.f32 v5, v1;
	[tilespmem:s25+$0xFFFFFF60] =	vst v3  }
0x20a: {  	[tilespmem:s25+$0xFFFFFF40] =	vst v4  }
0x20b: {  	v2 =	vld [tilespmem:s25+$0xFFFFFF90];
	[tilespmem:s25+$0xFFFFFF70] =	vst v1  }
0x20c: {  	v1 =	vld [tilespmem:s14+$0xFFFFFFE0]  }
0x20d: {  	v3 =	vld [tilespmem:s25+$0xFFFFFF80]  }
0x20e: {  	v4 =	vld [tilespmem:s25+$0xFFFFFFA0]  }
0x20f: {  	v5 =	vld [tilespmem:s25+$0xFFFFFFB0];
	_ =	sdelay $0x1  }
0x210: {  	v2 =	vmul.f32 v2, v1  }
0x211: {  	v3 =	vmul.f32 v3, v1  }
0x212: {  	v4 =	vmul.f32 v4, v1;
	[tilespmem:s25+$0xFFFFFF90] =	vst v2  }
0x213: {  	v1 =	vmul.f32 v5, v1;
	[tilespmem:s25+$0xFFFFFF80] =	vst v3  }
0x214: {  	[tilespmem:s25+$0xFFFFFFA0] =	vst v4  }
0x215: {  	[tilespmem:s25+$0xFFFFFFB0] =	vst v1;
	v1 =	vld [tilespmem:s25+$0xFFFFFFC0]  }
0x216: {  	v3 =	vld [tilespmem:s14+$0xFFFFFFF0]  }
0x217: {  	v2 =	vld [tilespmem:s25+$0xFFFFFFD0]  }
0x218: {  	v4 =	vld [tilespmem:s25+$0xFFFFFFF0]  }
0x219: {  	v5 =	vld [tilespmem:s25+$0xFFFFFFE0];
	_ =	sdelay $0x1  }
0x21a: {  	v1 =	vmul.f32 v1, v3  }
0x21b: {  	v2 =	vmul.f32 v2, v3  }
0x21c: {  	v4 =	vmul.f32 v4, v3;
	[tilespmem:s25+$0xFFFFFFC0] =	vst v1  }
0x21d: {  	[tilespmem:s25+$0xFFFFFFD0] =	vst v2;
	v1 =	vmul.f32 v5, v3  }
0x21e: {  	[tilespmem:s25+$0xFFFFFFF0] =	vst v4  }
0x21f: {  	[tilespmem:s25+$0xFFFFFFE0] =	vst v1;
	v1 =	vld [tilespmem:s25+$0x0]  }
0x220: {  	v3 =	vld [tilespmem:s14+$0x0]  }
0x221: {  	v2 =	vld [tilespmem:s25+$0x10]  }
0x222: {  	v4 =	vld [tilespmem:s25+$0x20]  }
0x223: {  	v5 =	vld [tilespmem:s25+$0x30];
	_ =	sdelay $0x1  }
0x224: {  	v1 =	vmul.f32 v1, v3  }
0x225: {  	v2 =	vmul.f32 v2, v3  }
0x226: {  	v4 =	vmul.f32 v4, v3;
	[tilespmem:s25+$0x0] =	vst v1  }
0x227: {  	[tilespmem:s25+$0x10] =	vst v2;
	v1 =	vmul.f32 v5, v3  }
0x228: {  	[tilespmem:s25+$0x20] =	vst v4  }
0x229: {  	v3 =	vld [tilespmem:s25+$0x40];
	[tilespmem:s25+$0x30] =	vst v1  }
0x22a: {  	v1 =	vld [tilespmem:s14+$0x10]  }
0x22b: {  	v2 =	vld [tilespmem:s25+$0x60]  }
0x22c: {  	v4 =	vld [tilespmem:s25+$0x50]  }
0x22d: {  	v5 =	vld [tilespmem:s25+$0x70];
	_ =	sdelay $0x1  }
0x22e: {  	v3 =	vmul.f32 v3, v1  }
0x22f: {  	v6 =	vmul.f32 v2, v1  }
0x230: {  	[tilespmem:s25+$0x40] =	vst v3;
	v3 =	vmul.f32 v4, v1  }
0x231: {  	s18 =	simm.s32 $0x0;
	s20 =	simm.s32 $0x16B80;
	s17 =	simm.s32 $0x147C0;
	v2 =	vmul.f32 v5, v1;
	[tilespmem:s25+$0x60] =	vst v6;
	v1 =	vld [tilespmem:s25+$0xA0]  }
.LBB2_7:
0x232: {  	s18 =	sadd.s32 $0x8, s18;
	[tilespmem:s25+$0x50] =	vst v3;
	v3 =	vld [tilespmem:s25+$0x80];
	s14 =	sadd.s32 $0x80, s14;
	s20 =	sadd.s32 $0x200, s20  }
0x233: {  	p1 =	slt.u32 s18, $0x48;
	[tilespmem:s25+$0x70] =	vst v2;
	v2 =	vld [tilespmem:s25+$0x90]  }
0x234: {  	v4 =	vld [tilespmem:s17+$0x20]  }
0x235: {  	v5 =	vld [tilespmem:s25+$0xB0];
	_ =	sdelay $0x3  }
0x236: {  	v3 =	vmul.f32 v3, v4;
	v2 =	vmul.f32 v2, v4  }
0x237: {  	v1 =	vmul.f32 v1, v4;
	v4 =	vmul.f32 v5, v4  }
0x238: {  	[tilespmem:s25+$0x80] =	vst v3  }
0x239: {  	[tilespmem:s25+$0xA0] =	vst v1;
	v1 =	vld [tilespmem:s25+$0xC0]  }
0x23a: {  	[tilespmem:s25+$0xB0] =	vst v4;
	v3 =	vld [tilespmem:s25+$0xF0]  }
0x23b: {  	[tilespmem:s25+$0x90] =	vst v2;
	v2 =	vld [tilespmem:s25+$0xD0]  }
0x23c: {  	v4 =	vld [tilespmem:s17+$0x30];
	s17 =	smov.u32 s14  }
0x23d: {  	v5 =	vld [tilespmem:s25+$0xE0];
	_ =	sdelay $0x3  }
0x23e: {  	v1 =	vmul.f32 v1, v4;
	v2 =	vmul.f32 v2, v4  }
0x23f: {  	v3 =	vmul.f32 v3, v4;
	v5 =	vmul.f32 v5, v4  }
0x240: {  	[tilespmem:s25+$0xC0] =	vst v1  }
0x241: {  	v1 =	vld [tilespmem:s20+$0xFFFFFF30];
	[tilespmem:s25+$0xD0] =	vst v2  }
0x242: {  	v2 =	vld [tilespmem:s20+$0xFFFFFF20];
	[tilespmem:s25+$0xF0] =	vst v3  }
0x243: {  	v3 =	vld [tilespmem:s20+$0xFFFFFF10];
	[tilespmem:s25+$0xE0] =	vst v5;
	s25 =	smov.u32 s20  }
0x244: {  	v4 =	vld [tilespmem:s14+$0xFFFFFFC0]  }
0x245: {  	v5 =	vld [tilespmem:s20+$0xFFFFFF00];
	_ =	sdelay $0x3  }
0x246: {  	v3 =	vmul.f32 v3, v4;
	v2 =	vmul.f32 v2, v4  }
0x247: {  	v1 =	vmul.f32 v1, v4;
	v5 =	vmul.f32 v5, v4  }
0x248: {  	[tilespmem:s20+$0xFFFFFF10] =	vst v3  }
0x249: {  	[tilespmem:s20+$0xFFFFFF20] =	vst v2;
	v2 =	vld [tilespmem:s20+$0xFFFFFF70]  }
0x24a: {  	[tilespmem:s20+$0xFFFFFF00] =	vst v5;
	v3 =	vld [tilespmem:s20+$0xFFFFFF50]  }
0x24b: {  	[tilespmem:s20+$0xFFFFFF30] =	vst v1;
	v1 =	vld [tilespmem:s20+$0xFFFFFF40]  }
0x24c: {  	v4 =	vld [tilespmem:s14+$0xFFFFFFD0]  }
0x24d: {  	v5 =	vld [tilespmem:s20+$0xFFFFFF60];
	_ =	sdelay $0x3  }
0x24e: {  	v1 =	vmul.f32 v1, v4;
	v3 =	vmul.f32 v3, v4  }
0x24f: {  	v2 =	vmul.f32 v2, v4;
	v5 =	vmul.f32 v5, v4  }
0x250: {  	[tilespmem:s20+$0xFFFFFF50] =	vst v3  }
0x251: {  	[tilespmem:s20+$0xFFFFFF60] =	vst v5;
	v3 =	vld [tilespmem:s20+$0xFFFFFFB0]  }
0x252: {  	[tilespmem:s20+$0xFFFFFF40] =	vst v1;
	v1 =	vld [tilespmem:s20+$0xFFFFFF90]  }
0x253: {  	[tilespmem:s20+$0xFFFFFF70] =	vst v2;
	v2 =	vld [tilespmem:s20+$0xFFFFFF80]  }
0x254: {  	v4 =	vld [tilespmem:s14+$0xFFFFFFE0]  }
0x255: {  	v5 =	vld [tilespmem:s20+$0xFFFFFFA0];
	_ =	sdelay $0x3  }
0x256: {  	v2 =	vmul.f32 v2, v4;
	v1 =	vmul.f32 v1, v4  }
0x257: {  	v3 =	vmul.f32 v3, v4;
	v5 =	vmul.f32 v5, v4  }
0x258: {  	[tilespmem:s20+$0xFFFFFF90] =	vst v1  }
0x259: {  	[tilespmem:s20+$0xFFFFFF80] =	vst v2;
	v1 =	vld [tilespmem:s20+$0xFFFFFFF0]  }
0x25a: {  	[tilespmem:s20+$0xFFFFFFA0] =	vst v5;
	v2 =	vld [tilespmem:s20+$0xFFFFFFD0]  }
0x25b: {  	[tilespmem:s20+$0xFFFFFFB0] =	vst v3;
	v3 =	vld [tilespmem:s20+$0xFFFFFFC0]  }
0x25c: {  	v4 =	vld [tilespmem:s14+$0xFFFFFFF0]  }
0x25d: {  	v5 =	vld [tilespmem:s20+$0xFFFFFFE0];
	_ =	sdelay $0x3  }
0x25e: {  	v3 =	vmul.f32 v3, v4;
	v2 =	vmul.f32 v2, v4  }
0x25f: {  	v1 =	vmul.f32 v1, v4;
	v5 =	vmul.f32 v5, v4  }
0x260: {  	[tilespmem:s20+$0xFFFFFFC0] =	vst v3  }
0x261: {  	[tilespmem:s20+$0xFFFFFFD0] =	vst v2;
	v2 =	vld [tilespmem:s20+$0x30]  }
0x262: {  	[tilespmem:s20+$0xFFFFFFF0] =	vst v1;
	v1 =	vld [tilespmem:s20+$0x10]  }
0x263: {  	[tilespmem:s20+$0xFFFFFFE0] =	vst v5;
	v3 =	vld [tilespmem:s20+$0x0]  }
0x264: {  	v4 =	vld [tilespmem:s14+$0x0]  }
0x265: {  	v5 =	vld [tilespmem:s20+$0x20];
	_ =	sdelay $0x3  }
0x266: {  	v3 =	vmul.f32 v3, v4;
	v1 =	vmul.f32 v1, v4  }
0x267: {  	v2 =	vmul.f32 v2, v4;
	v5 =	vmul.f32 v5, v4  }
0x268: {  	[tilespmem:s20+$0x0] =	vst v3  }
0x269: {  	[tilespmem:s20+$0x10] =	vst v1;
	v1 =	vld [tilespmem:s20+$0x60]  }
0x26a: {  	[tilespmem:s20+$0x20] =	vst v5;
	v3 =	vld [tilespmem:s20+$0x40]  }
0x26b: {  	[tilespmem:s20+$0x30] =	vst v2;
	v2 =	vld [tilespmem:s20+$0x50]  }
0x26c: {  	v4 =	vld [tilespmem:s14+$0x10]  }
0x26d: {  	v5 =	vld [tilespmem:s20+$0x70];
	_ =	sdelay $0x2  }
.Ltmp4:
0x26e: {  	(pc) =	sbr.rel @p1 .LBB2_7-.Ltmp4, $4  }
0x26f: {  	v6 =	vmul.f32 v3, v4;
	v3 =	vmul.f32 v2, v4  }
0x270: {  	v1 =	vmul.f32 v1, v4;
	v2 =	vmul.f32 v5, v4  }
0x271: {  	[tilespmem:s20+$0x40] =	vst v6  }
0x272: {  	[tilespmem:s20+$0x60] =	vst v1;
	v1 =	vld [tilespmem:s20+$0xA0]  }
0x273: {  	[tilespmem:s25+$0x50] =	vst v3  }
0x274: {  	v3 =	vld [tilespmem:s25+$0x80];
	[tilespmem:s25+$0x70] =	vst v2  }
0x275: {  	v2 =	vld [tilespmem:s17+$0x20];
	_ =	sdelay $0x1  }
0x276: {  	v4 =	vld [tilespmem:s25+$0xB0]  }
0x277: {  	v5 =	vld [tilespmem:s25+$0x90];
	_ =	sdelay $0x1  }
0x278: {  	v3 =	vmul.f32 v3, v2  }
0x279: {  	v1 =	vmul.f32 v1, v2  }
0x27a: {  	[tilespmem:s25+$0x80] =	vst v3;
	v3 =	vmul.f32 v4, v2  }
0x27b: {  	[tilespmem:s25+$0xA0] =	vst v1;
	v1 =	vmul.f32 v5, v2  }
0x27c: {  	[tilespmem:s25+$0xB0] =	vst v3  }
0x27d: {  	v2 =	vld [tilespmem:s25+$0xC0];
	[tilespmem:s25+$0x90] =	vst v1  }
0x27e: {  	v1 =	vld [tilespmem:s17+$0x30]  }
0x27f: {  	v3 =	vld [tilespmem:s25+$0xD0]  }
0x280: {  	v4 =	vld [tilespmem:s25+$0xF0]  }
0x281: {  	v5 =	vld [tilespmem:s25+$0xE0];
	_ =	sdelay $0x1  }
0x282: {  	v2 =	vmul.f32 v2, v1  }
0x283: {  	v3 =	vmul.f32 v3, v1  }
0x284: {  	v4 =	vmul.f32 v4, v1;
	[tilespmem:s25+$0xC0] =	vst v2  }
0x285: {  	v1 =	vmul.f32 v5, v1;
	[tilespmem:s25+$0xD0] =	vst v3  }
0x286: {  	[tilespmem:s25+$0xF0] =	vst v4  }
0x287: {  	s14 =	simm.s32 $0x14190;
	[tilespmem:s25+$0xE0] =	vst v1  }
0x288: {  	[spmem:s16] =	stream.indirect.scatter.add.f32 [tilespmem:s13], [sflag:$0x9], $0x40, s14, s30, $0xb8;
	[tilespmem:$0x1A680] =	vst v63  }
0x289: {  	s14 =	sadd.s32 @!p0 s28, s3;
	_ =	swait.ge [sflag:s11], $0x1400  }
0x28a: {  	s20 =	simm.s32 @!p0 $0x0;
	s17 =	sshrl.u32 @!p0 s14, $0x3;
	[sflag:s11] =	ssyncset.done $0x0  }
0x28b: {  	s25 =	simm.s32 @!p0 $0x14050;
	s18 =	sadd.s32 @!p0 s1, s17;
	[sflag:s11] =	ssyncadd.s32 $0xFFFFEC00  }
0x28c: {  	[tilespmem:s25], [sflag:$0x2] =	stream.linear.gather @!p0 [hbm4b:s18+s20], $0x50, $0x38;
	[tilespmem:$0x1A680] =	vst v63  }
0x28d: {  	s14 =	sshll.u32 @!p0 s14, $0x1;
	s17 =	sadd.s32 @!p0 s12, s17;
	s18 =	simm.s32 @!p0 $0x14190  }
0x28e: {  	[tilespmem:s18], [sflag:$0x2] =	stream.linear.gather @!p0 [hbm4b:s17+s20], $0x50, $0x38;
	[tilespmem:$0x1A680] =	vst v63  }
0x28f: {  	s14 =	sadd.s32 @!p0 s23, s14;
	s17 =	simm.s32 @!p0 $0x14780  }
0x290: {  	[tilespmem:s17], [sflag:$0x2] =	stream.linear.gather @!p0 [hbm4b:s14+s20], $0x500, $0x38;
	[tilespmem:$0x1A680] =	vst v63  }
0x291: {  	s14 =	simm.s32 @!p0 $0x1  }
0x292: {  	_ =	swait.ge @!p0 [sflag:s14], $0x50  }
0x293: {  	[sflag:s14] =	ssyncset.done @!p0 $0x0  }
0x294: {  	[sflag:s14] =	ssyncadd.s32 @!p0 $0xFFFFFFB0  }
0x295: {  	_ =	swait.ge @!p0 [sflag:s14], $0x50  }
0x296: {  	[sflag:s14] =	ssyncset.done @!p0 $0x0  }
0x297: {  	[sflag:s14] =	ssyncadd.s32 @!p0 $0xFFFFFFB0  }
0x298: {  	_ =	swait.ge @!p0 [sflag:s14], $0x500  }
0x299: {  	s18 =	simm.s32 @!p0 $0x15680;
	[sflag:s14] =	ssyncset.done @!p0 $0x0  }
0x29a: {  	s17 =	simm.s32 @!p0 $0x14000;
	[sflag:s14] =	ssyncadd.s32 @!p0 $0xFFFFFB00;
	s14 =	simm.s32 @!p0 $0x50  }
0x29b: {  	[tilespmem:s18], [sflag:$0x5] =	stream.indirect.gather @!p0 [spmem:s19], $0x40, s17, s14, $0xb8;
	[tilespmem:$0x1A680] =	vst v63  }
0x29c: {  	_ =	swait.ge [sflag:s6], $0x1400  }
0x29d: {  	[sflag:s6] =	ssyncset.done $0x0  }
0x29e: {  	s25 =	simm.s32 $0x17F80;
	[sflag:s6] =	ssyncadd.s32 $0xFFFFEC00  }
0x29f: {  	s14 =	simm.s32 $0x14CC0;
	v1 =	vld [tilespmem:s25+$0xFFFFFF10]  }
0x2a0: {  	v2 =	vld [tilespmem:s14+$0xFFFFFFC0]  }
0x2a1: {  	v3 =	vld [tilespmem:s25+$0xFFFFFF20]  }
0x2a2: {  	v4 =	vld [tilespmem:s25+$0xFFFFFF00]  }
0x2a3: {  	v5 =	vld [tilespmem:s25+$0xFFFFFF30];
	_ =	sdelay $0x1  }
0x2a4: {  	v1 =	vmul.f32 v1, v2  }
0x2a5: {  	v3 =	vmul.f32 v3, v2  }
0x2a6: {  	v4 =	vmul.f32 v4, v2;
	[tilespmem:s25+$0xFFFFFF10] =	vst v1  }
0x2a7: {  	v1 =	vmul.f32 v5, v2;
	[tilespmem:s25+$0xFFFFFF20] =	vst v3  }
0x2a8: {  	[tilespmem:s25+$0xFFFFFF00] =	vst v4  }
0x2a9: {  	v2 =	vld [tilespmem:s25+$0xFFFFFF50];
	[tilespmem:s25+$0xFFFFFF30] =	vst v1  }
0x2aa: {  	v1 =	vld [tilespmem:s14+$0xFFFFFFD0]  }
0x2ab: {  	v3 =	vld [tilespmem:s25+$0xFFFFFF60]  }
0x2ac: {  	v4 =	vld [tilespmem:s25+$0xFFFFFF40]  }
0x2ad: {  	v5 =	vld [tilespmem:s25+$0xFFFFFF70];
	_ =	sdelay $0x1  }
0x2ae: {  	v2 =	vmul.f32 v2, v1  }
0x2af: {  	v3 =	vmul.f32 v3, v1  }
0x2b0: {  	v4 =	vmul.f32 v4, v1;
	[tilespmem:s25+$0xFFFFFF50] =	vst v2  }
0x2b1: {  	v1 =	vmul.f32 v5, v1;
	[tilespmem:s25+$0xFFFFFF60] =	vst v3  }
0x2b2: {  	[tilespmem:s25+$0xFFFFFF40] =	vst v4  }
0x2b3: {  	v2 =	vld [tilespmem:s25+$0xFFFFFF90];
	[tilespmem:s25+$0xFFFFFF70] =	vst v1  }
0x2b4: {  	v1 =	vld [tilespmem:s14+$0xFFFFFFE0]  }
0x2b5: {  	v3 =	vld [tilespmem:s25+$0xFFFFFF80]  }
0x2b6: {  	v4 =	vld [tilespmem:s25+$0xFFFFFFA0]  }
0x2b7: {  	v5 =	vld [tilespmem:s25+$0xFFFFFFB0];
	_ =	sdelay $0x1  }
0x2b8: {  	v2 =	vmul.f32 v2, v1  }
0x2b9: {  	v3 =	vmul.f32 v3, v1  }
0x2ba: {  	v4 =	vmul.f32 v4, v1;
	[tilespmem:s25+$0xFFFFFF90] =	vst v2  }
0x2bb: {  	v1 =	vmul.f32 v5, v1;
	[tilespmem:s25+$0xFFFFFF80] =	vst v3  }
0x2bc: {  	[tilespmem:s25+$0xFFFFFFA0] =	vst v4  }
0x2bd: {  	[tilespmem:s25+$0xFFFFFFB0] =	vst v1;
	v1 =	vld [tilespmem:s25+$0xFFFFFFC0]  }
0x2be: {  	v3 =	vld [tilespmem:s14+$0xFFFFFFF0]  }
0x2bf: {  	v2 =	vld [tilespmem:s25+$0xFFFFFFD0]  }
0x2c0: {  	v4 =	vld [tilespmem:s25+$0xFFFFFFF0]  }
0x2c1: {  	v5 =	vld [tilespmem:s25+$0xFFFFFFE0];
	_ =	sdelay $0x1  }
0x2c2: {  	v1 =	vmul.f32 v1, v3  }
0x2c3: {  	v2 =	vmul.f32 v2, v3  }
0x2c4: {  	v4 =	vmul.f32 v4, v3;
	[tilespmem:s25+$0xFFFFFFC0] =	vst v1  }
0x2c5: {  	[tilespmem:s25+$0xFFFFFFD0] =	vst v2;
	v1 =	vmul.f32 v5, v3  }
0x2c6: {  	[tilespmem:s25+$0xFFFFFFF0] =	vst v4  }
0x2c7: {  	[tilespmem:s25+$0xFFFFFFE0] =	vst v1;
	v1 =	vld [tilespmem:s25+$0x0]  }
0x2c8: {  	v3 =	vld [tilespmem:s14+$0x0]  }
0x2c9: {  	v2 =	vld [tilespmem:s25+$0x10]  }
0x2ca: {  	v4 =	vld [tilespmem:s25+$0x20]  }
0x2cb: {  	v5 =	vld [tilespmem:s25+$0x30];
	_ =	sdelay $0x1  }
0x2cc: {  	v1 =	vmul.f32 v1, v3  }
0x2cd: {  	v2 =	vmul.f32 v2, v3  }
0x2ce: {  	v4 =	vmul.f32 v4, v3;
	[tilespmem:s25+$0x0] =	vst v1  }
0x2cf: {  	[tilespmem:s25+$0x10] =	vst v2;
	v1 =	vmul.f32 v5, v3  }
0x2d0: {  	[tilespmem:s25+$0x20] =	vst v4  }
0x2d1: {  	v3 =	vld [tilespmem:s25+$0x40];
	[tilespmem:s25+$0x30] =	vst v1  }
0x2d2: {  	v1 =	vld [tilespmem:s14+$0x10]  }
0x2d3: {  	v2 =	vld [tilespmem:s25+$0x60]  }
0x2d4: {  	v4 =	vld [tilespmem:s25+$0x50]  }
0x2d5: {  	v5 =	vld [tilespmem:s25+$0x70];
	_ =	sdelay $0x1  }
0x2d6: {  	v3 =	vmul.f32 v3, v1  }
0x2d7: {  	v6 =	vmul.f32 v2, v1  }
0x2d8: {  	[tilespmem:s25+$0x40] =	vst v3;
	v3 =	vmul.f32 v4, v1  }
0x2d9: {  	s20 =	simm.s32 $0x17F80;
	s18 =	simm.s32 $0x0;
	s17 =	simm.s32 $0x14CC0;
	v2 =	vmul.f32 v5, v1;
	[tilespmem:s25+$0x60] =	vst v6;
	v1 =	vld [tilespmem:s25+$0xA0]  }
.LBB2_9:
0x2da: {  	s18 =	sadd.s32 $0x8, s18;
	[tilespmem:s25+$0x50] =	vst v3;
	v3 =	vld [tilespmem:s25+$0x80];
	s14 =	sadd.s32 $0x80, s14;
	s20 =	sadd.s32 $0x200, s20  }
0x2db: {  	p1 =	slt.u32 s18, $0x48;
	[tilespmem:s25+$0x70] =	vst v2;
	v2 =	vld [tilespmem:s25+$0x90]  }
0x2dc: {  	v4 =	vld [tilespmem:s17+$0x20]  }
0x2dd: {  	v5 =	vld [tilespmem:s25+$0xB0];
	_ =	sdelay $0x3  }
0x2de: {  	v3 =	vmul.f32 v3, v4;
	v2 =	vmul.f32 v2, v4  }
0x2df: {  	v1 =	vmul.f32 v1, v4;
	v4 =	vmul.f32 v5, v4  }
0x2e0: {  	[tilespmem:s25+$0x80] =	vst v3  }
0x2e1: {  	[tilespmem:s25+$0xA0] =	vst v1;
	v1 =	vld [tilespmem:s25+$0xC0]  }
0x2e2: {  	[tilespmem:s25+$0xB0] =	vst v4;
	v3 =	vld [tilespmem:s25+$0xF0]  }
0x2e3: {  	[tilespmem:s25+$0x90] =	vst v2;
	v2 =	vld [tilespmem:s25+$0xD0]  }
0x2e4: {  	v4 =	vld [tilespmem:s17+$0x30];
	s17 =	smov.u32 s14  }
0x2e5: {  	v5 =	vld [tilespmem:s25+$0xE0];
	_ =	sdelay $0x3  }
0x2e6: {  	v1 =	vmul.f32 v1, v4;
	v2 =	vmul.f32 v2, v4  }
0x2e7: {  	v3 =	vmul.f32 v3, v4;
	v5 =	vmul.f32 v5, v4  }
0x2e8: {  	[tilespmem:s25+$0xC0] =	vst v1  }
0x2e9: {  	v1 =	vld [tilespmem:s20+$0xFFFFFF30];
	[tilespmem:s25+$0xD0] =	vst v2  }
0x2ea: {  	v2 =	vld [tilespmem:s20+$0xFFFFFF20];
	[tilespmem:s25+$0xF0] =	vst v3  }
0x2eb: {  	v3 =	vld [tilespmem:s20+$0xFFFFFF10];
	[tilespmem:s25+$0xE0] =	vst v5;
	s25 =	smov.u32 s20  }
0x2ec: {  	v4 =	vld [tilespmem:s14+$0xFFFFFFC0]  }
0x2ed: {  	v5 =	vld [tilespmem:s20+$0xFFFFFF00];
	_ =	sdelay $0x3  }
0x2ee: {  	v3 =	vmul.f32 v3, v4;
	v2 =	vmul.f32 v2, v4  }
0x2ef: {  	v1 =	vmul.f32 v1, v4;
	v5 =	vmul.f32 v5, v4  }
0x2f0: {  	[tilespmem:s20+$0xFFFFFF10] =	vst v3  }
0x2f1: {  	[tilespmem:s20+$0xFFFFFF20] =	vst v2;
	v2 =	vld [tilespmem:s20+$0xFFFFFF70]  }
0x2f2: {  	[tilespmem:s20+$0xFFFFFF00] =	vst v5;
	v3 =	vld [tilespmem:s20+$0xFFFFFF50]  }
0x2f3: {  	[tilespmem:s20+$0xFFFFFF30] =	vst v1;
	v1 =	vld [tilespmem:s20+$0xFFFFFF40]  }
0x2f4: {  	v4 =	vld [tilespmem:s14+$0xFFFFFFD0]  }
0x2f5: {  	v5 =	vld [tilespmem:s20+$0xFFFFFF60];
	_ =	sdelay $0x3  }
0x2f6: {  	v1 =	vmul.f32 v1, v4;
	v3 =	vmul.f32 v3, v4  }
0x2f7: {  	v2 =	vmul.f32 v2, v4;
	v5 =	vmul.f32 v5, v4  }
0x2f8: {  	[tilespmem:s20+$0xFFFFFF50] =	vst v3  }
0x2f9: {  	[tilespmem:s20+$0xFFFFFF60] =	vst v5;
	v3 =	vld [tilespmem:s20+$0xFFFFFFB0]  }
0x2fa: {  	[tilespmem:s20+$0xFFFFFF40] =	vst v1;
	v1 =	vld [tilespmem:s20+$0xFFFFFF90]  }
0x2fb: {  	[tilespmem:s20+$0xFFFFFF70] =	vst v2;
	v2 =	vld [tilespmem:s20+$0xFFFFFF80]  }
0x2fc: {  	v4 =	vld [tilespmem:s14+$0xFFFFFFE0]  }
0x2fd: {  	v5 =	vld [tilespmem:s20+$0xFFFFFFA0];
	_ =	sdelay $0x3  }
0x2fe: {  	v2 =	vmul.f32 v2, v4;
	v1 =	vmul.f32 v1, v4  }
0x2ff: {  	v3 =	vmul.f32 v3, v4;
	v5 =	vmul.f32 v5, v4  }
0x300: {  	[tilespmem:s20+$0xFFFFFF90] =	vst v1  }
0x301: {  	[tilespmem:s20+$0xFFFFFF80] =	vst v2;
	v1 =	vld [tilespmem:s20+$0xFFFFFFF0]  }
0x302: {  	[tilespmem:s20+$0xFFFFFFA0] =	vst v5;
	v2 =	vld [tilespmem:s20+$0xFFFFFFD0]  }
0x303: {  	[tilespmem:s20+$0xFFFFFFB0] =	vst v3;
	v3 =	vld [tilespmem:s20+$0xFFFFFFC0]  }
0x304: {  	v4 =	vld [tilespmem:s14+$0xFFFFFFF0]  }
0x305: {  	v5 =	vld [tilespmem:s20+$0xFFFFFFE0];
	_ =	sdelay $0x3  }
0x306: {  	v3 =	vmul.f32 v3, v4;
	v2 =	vmul.f32 v2, v4  }
0x307: {  	v1 =	vmul.f32 v1, v4;
	v5 =	vmul.f32 v5, v4  }
0x308: {  	[tilespmem:s20+$0xFFFFFFC0] =	vst v3  }
0x309: {  	[tilespmem:s20+$0xFFFFFFD0] =	vst v2;
	v2 =	vld [tilespmem:s20+$0x30]  }
0x30a: {  	[tilespmem:s20+$0xFFFFFFF0] =	vst v1;
	v1 =	vld [tilespmem:s20+$0x10]  }
0x30b: {  	[tilespmem:s20+$0xFFFFFFE0] =	vst v5;
	v3 =	vld [tilespmem:s20+$0x0]  }
0x30c: {  	v4 =	vld [tilespmem:s14+$0x0]  }
0x30d: {  	v5 =	vld [tilespmem:s20+$0x20];
	_ =	sdelay $0x3  }
0x30e: {  	v3 =	vmul.f32 v3, v4;
	v1 =	vmul.f32 v1, v4  }
0x30f: {  	v2 =	vmul.f32 v2, v4;
	v5 =	vmul.f32 v5, v4  }
0x310: {  	[tilespmem:s20+$0x0] =	vst v3  }
0x311: {  	[tilespmem:s20+$0x10] =	vst v1;
	v1 =	vld [tilespmem:s20+$0x60]  }
0x312: {  	[tilespmem:s20+$0x20] =	vst v5;
	v3 =	vld [tilespmem:s20+$0x40]  }
0x313: {  	[tilespmem:s20+$0x30] =	vst v2;
	v2 =	vld [tilespmem:s20+$0x50]  }
0x314: {  	v4 =	vld [tilespmem:s14+$0x10]  }
0x315: {  	v5 =	vld [tilespmem:s20+$0x70];
	_ =	sdelay $0x2  }
.Ltmp5:
0x316: {  	(pc) =	sbr.rel @p1 .LBB2_9-.Ltmp5, $4  }
0x317: {  	v6 =	vmul.f32 v3, v4;
	v3 =	vmul.f32 v2, v4  }
0x318: {  	v1 =	vmul.f32 v1, v4;
	v2 =	vmul.f32 v5, v4  }
0x319: {  	[tilespmem:s20+$0x40] =	vst v6  }
0x31a: {  	[tilespmem:s20+$0x60] =	vst v1;
	v1 =	vld [tilespmem:s20+$0xA0]  }
0x31b: {  	[tilespmem:s25+$0x50] =	vst v3  }
0x31c: {  	v3 =	vld [tilespmem:s25+$0x80];
	[tilespmem:s25+$0x70] =	vst v2  }
0x31d: {  	v2 =	vld [tilespmem:s17+$0x20];
	_ =	sdelay $0x1  }
0x31e: {  	v4 =	vld [tilespmem:s25+$0xB0]  }
0x31f: {  	v5 =	vld [tilespmem:s25+$0x90];
	_ =	sdelay $0x1  }
0x320: {  	v3 =	vmul.f32 v3, v2  }
0x321: {  	v1 =	vmul.f32 v1, v2  }
0x322: {  	[tilespmem:s25+$0x80] =	vst v3;
	v3 =	vmul.f32 v4, v2  }
0x323: {  	[tilespmem:s25+$0xA0] =	vst v1;
	v1 =	vmul.f32 v5, v2  }
0x324: {  	[tilespmem:s25+$0xB0] =	vst v3  }
0x325: {  	v2 =	vld [tilespmem:s25+$0xC0];
	[tilespmem:s25+$0x90] =	vst v1  }
0x326: {  	v1 =	vld [tilespmem:s17+$0x30]  }
0x327: {  	v3 =	vld [tilespmem:s25+$0xD0]  }
0x328: {  	v4 =	vld [tilespmem:s25+$0xF0]  }
0x329: {  	v5 =	vld [tilespmem:s25+$0xE0];
	_ =	sdelay $0x1  }
0x32a: {  	v2 =	vmul.f32 v2, v1  }
0x32b: {  	v3 =	vmul.f32 v3, v1  }
0x32c: {  	v4 =	vmul.f32 v4, v1;
	[tilespmem:s25+$0xC0] =	vst v2  }
0x32d: {  	v1 =	vmul.f32 v5, v1;
	[tilespmem:s25+$0xD0] =	vst v3  }
0x32e: {  	[tilespmem:s25+$0xF0] =	vst v4  }
0x32f: {  	s14 =	simm.s32 $0x141E0;
	[tilespmem:s25+$0xE0] =	vst v1  }
0x330: {  	[spmem:s16] =	stream.indirect.scatter.add.f32 [tilespmem:s26], [sflag:$0x9], $0x40, s14, s30, $0xb8;
	[tilespmem:$0x1A680] =	vst v63  }
0x331: {  	s14 =	sadd.s32 @!p0 s28, s5;
	_ =	swait.ge [sflag:s11], $0x1400  }
0x332: {  	s20 =	simm.s32 @!p0 $0x0;
	s17 =	sshrl.u32 @!p0 s14, $0x3;
	[sflag:s11] =	ssyncset.done $0x0  }
0x333: {  	s25 =	simm.s32 @!p0 $0x140A0;
	s18 =	sadd.s32 @!p0 s1, s17;
	[sflag:s11] =	ssyncadd.s32 $0xFFFFEC00  }
0x334: {  	[tilespmem:s25], [sflag:$0x3] =	stream.linear.gather @!p0 [hbm4b:s18+s20], $0x50, $0x38;
	[tilespmem:$0x1A680] =	vst v63  }
0x335: {  	s14 =	sshll.u32 @!p0 s14, $0x1;
	s17 =	sadd.s32 @!p0 s12, s17;
	s18 =	simm.s32 @!p0 $0x141E0  }
0x336: {  	[tilespmem:s18], [sflag:$0x3] =	stream.linear.gather @!p0 [hbm4b:s17+s20], $0x50, $0x38;
	[tilespmem:$0x1A680] =	vst v63  }
0x337: {  	s14 =	sadd.s32 @!p0 s23, s14;
	s17 =	simm.s32 @!p0 $0x14C80  }
0x338: {  	[tilespmem:s17], [sflag:$0x3] =	stream.linear.gather @!p0 [hbm4b:s14+s20], $0x500, $0x38;
	[tilespmem:$0x1A680] =	vst v63  }
0x339: {  	s14 =	simm.s32 @!p0 $0x2  }
0x33a: {  	_ =	swait.ge @!p0 [sflag:s14], $0x50  }
0x33b: {  	[sflag:s14] =	ssyncset.done @!p0 $0x0  }
0x33c: {  	[sflag:s14] =	ssyncadd.s32 @!p0 $0xFFFFFFB0  }
0x33d: {  	_ =	swait.ge @!p0 [sflag:s14], $0x50  }
0x33e: {  	[sflag:s14] =	ssyncset.done @!p0 $0x0  }
0x33f: {  	[sflag:s14] =	ssyncadd.s32 @!p0 $0xFFFFFFB0  }
0x340: {  	_ =	swait.ge @!p0 [sflag:s14], $0x500  }
0x341: {  	s18 =	simm.s32 @!p0 $0x16A80;
	[sflag:s14] =	ssyncset.done @!p0 $0x0  }
0x342: {  	s17 =	simm.s32 @!p0 $0x14050;
	[sflag:s14] =	ssyncadd.s32 @!p0 $0xFFFFFB00;
	s14 =	simm.s32 @!p0 $0x50  }
0x343: {  	[tilespmem:s18], [sflag:$0x6] =	stream.indirect.gather @!p0 [spmem:s19], $0x40, s17, s14, $0xb8;
	[tilespmem:$0x1A680] =	vst v63  }
0x344: {  	_ =	swait.ge [sflag:s8], $0x1400  }
0x345: {  	[sflag:s8] =	ssyncset.done $0x0  }
0x346: {  	s25 =	simm.s32 $0x19380;
	[sflag:s8] =	ssyncadd.s32 $0xFFFFEC00  }
0x347: {  	s14 =	simm.s32 $0x151C0;
	v1 =	vld [tilespmem:s25+$0xFFFFFF10]  }
0x348: {  	v2 =	vld [tilespmem:s14+$0xFFFFFFC0]  }
0x349: {  	v3 =	vld [tilespmem:s25+$0xFFFFFF20]  }
0x34a: {  	v4 =	vld [tilespmem:s25+$0xFFFFFF00]  }
0x34b: {  	v5 =	vld [tilespmem:s25+$0xFFFFFF30];
	_ =	sdelay $0x1  }
0x34c: {  	v1 =	vmul.f32 v1, v2  }
0x34d: {  	v3 =	vmul.f32 v3, v2  }
0x34e: {  	v4 =	vmul.f32 v4, v2;
	[tilespmem:s25+$0xFFFFFF10] =	vst v1  }
0x34f: {  	v1 =	vmul.f32 v5, v2;
	[tilespmem:s25+$0xFFFFFF20] =	vst v3  }
0x350: {  	[tilespmem:s25+$0xFFFFFF00] =	vst v4  }
0x351: {  	v2 =	vld [tilespmem:s25+$0xFFFFFF50];
	[tilespmem:s25+$0xFFFFFF30] =	vst v1  }
0x352: {  	v1 =	vld [tilespmem:s14+$0xFFFFFFD0]  }
0x353: {  	v3 =	vld [tilespmem:s25+$0xFFFFFF60]  }
0x354: {  	v4 =	vld [tilespmem:s25+$0xFFFFFF40]  }
0x355: {  	v5 =	vld [tilespmem:s25+$0xFFFFFF70];
	_ =	sdelay $0x1  }
0x356: {  	v2 =	vmul.f32 v2, v1  }
0x357: {  	v3 =	vmul.f32 v3, v1  }
0x358: {  	v4 =	vmul.f32 v4, v1;
	[tilespmem:s25+$0xFFFFFF50] =	vst v2  }
0x359: {  	v1 =	vmul.f32 v5, v1;
	[tilespmem:s25+$0xFFFFFF60] =	vst v3  }
0x35a: {  	[tilespmem:s25+$0xFFFFFF40] =	vst v4  }
0x35b: {  	v2 =	vld [tilespmem:s25+$0xFFFFFF90];
	[tilespmem:s25+$0xFFFFFF70] =	vst v1  }
0x35c: {  	v1 =	vld [tilespmem:s14+$0xFFFFFFE0]  }
0x35d: {  	v3 =	vld [tilespmem:s25+$0xFFFFFF80]  }
0x35e: {  	v4 =	vld [tilespmem:s25+$0xFFFFFFA0]  }
0x35f: {  	v5 =	vld [tilespmem:s25+$0xFFFFFFB0];
	_ =	sdelay $0x1  }
0x360: {  	v2 =	vmul.f32 v2, v1  }
0x361: {  	v3 =	vmul.f32 v3, v1  }
0x362: {  	v4 =	vmul.f32 v4, v1;
	[tilespmem:s25+$0xFFFFFF90] =	vst v2  }
0x363: {  	v1 =	vmul.f32 v5, v1;
	[tilespmem:s25+$0xFFFFFF80] =	vst v3  }
0x364: {  	[tilespmem:s25+$0xFFFFFFA0] =	vst v4  }
0x365: {  	[tilespmem:s25+$0xFFFFFFB0] =	vst v1;
	v1 =	vld [tilespmem:s25+$0xFFFFFFC0]  }
0x366: {  	v3 =	vld [tilespmem:s14+$0xFFFFFFF0]  }
0x367: {  	v2 =	vld [tilespmem:s25+$0xFFFFFFD0]  }
0x368: {  	v4 =	vld [tilespmem:s25+$0xFFFFFFF0]  }
0x369: {  	v5 =	vld [tilespmem:s25+$0xFFFFFFE0];
	_ =	sdelay $0x1  }
0x36a: {  	v1 =	vmul.f32 v1, v3  }
0x36b: {  	v2 =	vmul.f32 v2, v3  }
0x36c: {  	v4 =	vmul.f32 v4, v3;
	[tilespmem:s25+$0xFFFFFFC0] =	vst v1  }
0x36d: {  	[tilespmem:s25+$0xFFFFFFD0] =	vst v2;
	v1 =	vmul.f32 v5, v3  }
0x36e: {  	[tilespmem:s25+$0xFFFFFFF0] =	vst v4  }
0x36f: {  	[tilespmem:s25+$0xFFFFFFE0] =	vst v1;
	v1 =	vld [tilespmem:s25+$0x0]  }
0x370: {  	v3 =	vld [tilespmem:s14+$0x0]  }
0x371: {  	v2 =	vld [tilespmem:s25+$0x10]  }
0x372: {  	v4 =	vld [tilespmem:s25+$0x20]  }
0x373: {  	v5 =	vld [tilespmem:s25+$0x30];
	_ =	sdelay $0x1  }
0x374: {  	v1 =	vmul.f32 v1, v3  }
0x375: {  	v2 =	vmul.f32 v2, v3  }
0x376: {  	v4 =	vmul.f32 v4, v3;
	[tilespmem:s25+$0x0] =	vst v1  }
0x377: {  	[tilespmem:s25+$0x10] =	vst v2;
	v1 =	vmul.f32 v5, v3  }
0x378: {  	[tilespmem:s25+$0x20] =	vst v4  }
0x379: {  	v3 =	vld [tilespmem:s25+$0x40];
	[tilespmem:s25+$0x30] =	vst v1  }
0x37a: {  	v1 =	vld [tilespmem:s14+$0x10]  }
0x37b: {  	v2 =	vld [tilespmem:s25+$0x60]  }
0x37c: {  	v4 =	vld [tilespmem:s25+$0x50]  }
0x37d: {  	v5 =	vld [tilespmem:s25+$0x70];
	_ =	sdelay $0x1  }
0x37e: {  	v3 =	vmul.f32 v3, v1  }
0x37f: {  	v6 =	vmul.f32 v2, v1  }
0x380: {  	[tilespmem:s25+$0x40] =	vst v3;
	v3 =	vmul.f32 v4, v1  }
0x381: {  	s20 =	simm.s32 $0x19380;
	s18 =	simm.s32 $0x0;
	s17 =	simm.s32 $0x151C0;
	v2 =	vmul.f32 v5, v1;
	[tilespmem:s25+$0x60] =	vst v6;
	v1 =	vld [tilespmem:s25+$0xA0]  }
.LBB2_11:
0x382: {  	s18 =	sadd.s32 $0x8, s18;
	[tilespmem:s25+$0x50] =	vst v3;
	v3 =	vld [tilespmem:s25+$0x80];
	s14 =	sadd.s32 $0x80, s14;
	s20 =	sadd.s32 $0x200, s20  }
0x383: {  	p1 =	slt.u32 s18, $0x48;
	[tilespmem:s25+$0x70] =	vst v2;
	v2 =	vld [tilespmem:s25+$0x90]  }
0x384: {  	v4 =	vld [tilespmem:s17+$0x20]  }
0x385: {  	v5 =	vld [tilespmem:s25+$0xB0];
	_ =	sdelay $0x3  }
0x386: {  	v3 =	vmul.f32 v3, v4;
	v2 =	vmul.f32 v2, v4  }
0x387: {  	v1 =	vmul.f32 v1, v4;
	v4 =	vmul.f32 v5, v4  }
0x388: {  	[tilespmem:s25+$0x80] =	vst v3  }
0x389: {  	[tilespmem:s25+$0xA0] =	vst v1;
	v1 =	vld [tilespmem:s25+$0xC0]  }
0x38a: {  	[tilespmem:s25+$0xB0] =	vst v4;
	v3 =	vld [tilespmem:s25+$0xF0]  }
0x38b: {  	[tilespmem:s25+$0x90] =	vst v2;
	v2 =	vld [tilespmem:s25+$0xD0]  }
0x38c: {  	v4 =	vld [tilespmem:s17+$0x30];
	s17 =	smov.u32 s14  }
0x38d: {  	v5 =	vld [tilespmem:s25+$0xE0];
	_ =	sdelay $0x3  }
0x38e: {  	v1 =	vmul.f32 v1, v4;
	v2 =	vmul.f32 v2, v4  }
0x38f: {  	v3 =	vmul.f32 v3, v4;
	v5 =	vmul.f32 v5, v4  }
0x390: {  	[tilespmem:s25+$0xC0] =	vst v1  }
0x391: {  	v1 =	vld [tilespmem:s20+$0xFFFFFF30];
	[tilespmem:s25+$0xD0] =	vst v2  }
0x392: {  	v2 =	vld [tilespmem:s20+$0xFFFFFF20];
	[tilespmem:s25+$0xF0] =	vst v3  }
0x393: {  	v3 =	vld [tilespmem:s20+$0xFFFFFF10];
	[tilespmem:s25+$0xE0] =	vst v5;
	s25 =	smov.u32 s20  }
0x394: {  	v4 =	vld [tilespmem:s14+$0xFFFFFFC0]  }
0x395: {  	v5 =	vld [tilespmem:s20+$0xFFFFFF00];
	_ =	sdelay $0x3  }
0x396: {  	v3 =	vmul.f32 v3, v4;
	v2 =	vmul.f32 v2, v4  }
0x397: {  	v1 =	vmul.f32 v1, v4;
	v5 =	vmul.f32 v5, v4  }
0x398: {  	[tilespmem:s20+$0xFFFFFF10] =	vst v3  }
0x399: {  	[tilespmem:s20+$0xFFFFFF20] =	vst v2;
	v2 =	vld [tilespmem:s20+$0xFFFFFF70]  }
0x39a: {  	[tilespmem:s20+$0xFFFFFF00] =	vst v5;
	v3 =	vld [tilespmem:s20+$0xFFFFFF50]  }
0x39b: {  	[tilespmem:s20+$0xFFFFFF30] =	vst v1;
	v1 =	vld [tilespmem:s20+$0xFFFFFF40]  }
0x39c: {  	v4 =	vld [tilespmem:s14+$0xFFFFFFD0]  }
0x39d: {  	v5 =	vld [tilespmem:s20+$0xFFFFFF60];
	_ =	sdelay $0x3  }
0x39e: {  	v1 =	vmul.f32 v1, v4;
	v3 =	vmul.f32 v3, v4  }
0x39f: {  	v2 =	vmul.f32 v2, v4;
	v5 =	vmul.f32 v5, v4  }
0x3a0: {  	[tilespmem:s20+$0xFFFFFF50] =	vst v3  }
0x3a1: {  	[tilespmem:s20+$0xFFFFFF60] =	vst v5;
	v3 =	vld [tilespmem:s20+$0xFFFFFFB0]  }
0x3a2: {  	[tilespmem:s20+$0xFFFFFF40] =	vst v1;
	v1 =	vld [tilespmem:s20+$0xFFFFFF90]  }
0x3a3: {  	[tilespmem:s20+$0xFFFFFF70] =	vst v2;
	v2 =	vld [tilespmem:s20+$0xFFFFFF80]  }
0x3a4: {  	v4 =	vld [tilespmem:s14+$0xFFFFFFE0]  }
0x3a5: {  	v5 =	vld [tilespmem:s20+$0xFFFFFFA0];
	_ =	sdelay $0x3  }
0x3a6: {  	v2 =	vmul.f32 v2, v4;
	v1 =	vmul.f32 v1, v4  }
0x3a7: {  	v3 =	vmul.f32 v3, v4;
	v5 =	vmul.f32 v5, v4  }
0x3a8: {  	[tilespmem:s20+$0xFFFFFF90] =	vst v1  }
0x3a9: {  	[tilespmem:s20+$0xFFFFFF80] =	vst v2;
	v1 =	vld [tilespmem:s20+$0xFFFFFFF0]  }
0x3aa: {  	[tilespmem:s20+$0xFFFFFFA0] =	vst v5;
	v2 =	vld [tilespmem:s20+$0xFFFFFFD0]  }
0x3ab: {  	[tilespmem:s20+$0xFFFFFFB0] =	vst v3;
	v3 =	vld [tilespmem:s20+$0xFFFFFFC0]  }
0x3ac: {  	v4 =	vld [tilespmem:s14+$0xFFFFFFF0]  }
0x3ad: {  	v5 =	vld [tilespmem:s20+$0xFFFFFFE0];
	_ =	sdelay $0x3  }
0x3ae: {  	v3 =	vmul.f32 v3, v4;
	v2 =	vmul.f32 v2, v4  }
0x3af: {  	v1 =	vmul.f32 v1, v4;
	v5 =	vmul.f32 v5, v4  }
0x3b0: {  	[tilespmem:s20+$0xFFFFFFC0] =	vst v3  }
0x3b1: {  	[tilespmem:s20+$0xFFFFFFD0] =	vst v2;
	v2 =	vld [tilespmem:s20+$0x30]  }
0x3b2: {  	[tilespmem:s20+$0xFFFFFFF0] =	vst v1;
	v1 =	vld [tilespmem:s20+$0x10]  }
0x3b3: {  	[tilespmem:s20+$0xFFFFFFE0] =	vst v5;
	v3 =	vld [tilespmem:s20+$0x0]  }
0x3b4: {  	v4 =	vld [tilespmem:s14+$0x0]  }
0x3b5: {  	v5 =	vld [tilespmem:s20+$0x20];
	_ =	sdelay $0x3  }
0x3b6: {  	v3 =	vmul.f32 v3, v4;
	v1 =	vmul.f32 v1, v4  }
0x3b7: {  	v2 =	vmul.f32 v2, v4;
	v5 =	vmul.f32 v5, v4  }
0x3b8: {  	[tilespmem:s20+$0x0] =	vst v3  }
0x3b9: {  	[tilespmem:s20+$0x10] =	vst v1;
	v1 =	vld [tilespmem:s20+$0x60]  }
0x3ba: {  	[tilespmem:s20+$0x20] =	vst v5;
	v3 =	vld [tilespmem:s20+$0x40]  }
0x3bb: {  	[tilespmem:s20+$0x30] =	vst v2;
	v2 =	vld [tilespmem:s20+$0x50]  }
0x3bc: {  	v4 =	vld [tilespmem:s14+$0x10]  }
0x3bd: {  	v5 =	vld [tilespmem:s20+$0x70];
	_ =	sdelay $0x2  }
.Ltmp6:
0x3be: {  	(pc) =	sbr.rel @p1 .LBB2_11-.Ltmp6, $4  }
0x3bf: {  	v6 =	vmul.f32 v3, v4;
	v3 =	vmul.f32 v2, v4  }
0x3c0: {  	v1 =	vmul.f32 v1, v4;
	v2 =	vmul.f32 v5, v4  }
0x3c1: {  	[tilespmem:s20+$0x40] =	vst v6  }
0x3c2: {  	[tilespmem:s20+$0x60] =	vst v1;
	v1 =	vld [tilespmem:s20+$0xA0]  }
0x3c3: {  	[tilespmem:s25+$0x50] =	vst v3  }
0x3c4: {  	v3 =	vld [tilespmem:s25+$0x80];
	[tilespmem:s25+$0x70] =	vst v2  }
0x3c5: {  	v2 =	vld [tilespmem:s17+$0x20];
	_ =	sdelay $0x1  }
0x3c6: {  	v4 =	vld [tilespmem:s25+$0xB0]  }
0x3c7: {  	v5 =	vld [tilespmem:s25+$0x90];
	_ =	sdelay $0x1  }
0x3c8: {  	v3 =	vmul.f32 v3, v2  }
0x3c9: {  	v1 =	vmul.f32 v1, v2  }
0x3ca: {  	[tilespmem:s25+$0x80] =	vst v3;
	v3 =	vmul.f32 v4, v2  }
0x3cb: {  	[tilespmem:s25+$0xA0] =	vst v1;
	v1 =	vmul.f32 v5, v2  }
0x3cc: {  	[tilespmem:s25+$0xB0] =	vst v3  }
0x3cd: {  	v2 =	vld [tilespmem:s25+$0xC0];
	[tilespmem:s25+$0x90] =	vst v1  }
0x3ce: {  	v1 =	vld [tilespmem:s17+$0x30]  }
0x3cf: {  	v3 =	vld [tilespmem:s25+$0xD0]  }
0x3d0: {  	v62 =	vld [tilespmem:s25+$0xF0]  }
0x3d1: {  	v63 =	vld [tilespmem:s25+$0xE0];
	_ =	sdelay $0x1  }
0x3d2: {  	v2 =	vmul.f32 v2, v1  }
0x3d3: {  	v3 =	vmul.f32 v3, v1  }
0x3d4: {  	v4 =	vmul.f32 v62, v1;
	[tilespmem:s25+$0xC0] =	vst v2  }
0x3d5: {  	v1 =	vmul.f32 v63, v1;
	[tilespmem:s25+$0xD0] =	vst v3  }
0x3d6: {  	[tilespmem:s25+$0xF0] =	vst v4  }
.Ltmp7:
0x3d7: {  	[tilespmem:s25+$0xE0] =	vst v1;
	(pc) =	sbr.rel @p0 .LBB2_14-.Ltmp7, $4  }
0x3d8: {  	[spmem:s16] =	stream.indirect.scatter.add.f32 [tilespmem:s0], [sflag:$0x9], $0x40, s22, s30, $0xb8;
	[tilespmem:$0x1A680] =	vst v63  }
0x3d9: {  	_ =	swait.ge [sflag:s11], $0x1400  }
0x3da: {  	[sflag:s11] =	ssyncset.done $0x0  }
0x3db: {  	[sflag:s11] =	ssyncadd.s32 $0xFFFFEC00  }
0x3dc: {  	s14 =	smul.u32 $0x140, s9;
	_ =	sdelay $0x1  }
0x3dd: {  	s14 =	sadd.s32 s14, s7  }
0x3de: {  	s17 =	sshrl.u32 s14, $0x3  }
0x3df: {  	s18 =	sadd.s32 s1, s17  }
0x3e0: {  	[tilespmem:s21], [sflag:$0x4] =	stream.linear.gather [hbm4b:s18+s2], $0x50, $0x38;
	[tilespmem:$0x1A680] =	vst v63  }
.Ltmp8:
0x3e1: {  	_ = 	snop;
	(pc) =	sbr.rel .LBB2_4-.Ltmp8, $4  }
0x3e2: {  	s14 =	sshll.u32 s14, $0x1;
	s17 =	sadd.s32 s12, s17  }
0x3e3: {  	[tilespmem:s22], [sflag:$0x4] =	stream.linear.gather [hbm4b:s17+s2], $0x50, $0x38;
	[tilespmem:$0x1A680] =	vst v63  }
0x3e4: {  	s28 =	simm.s32 $0x15180;
	s9 =	sadd.s32 $0x1, s9;
	s14 =	sadd.s32 s23, s14  }
0x3e5: {  	[tilespmem:s28], [sflag:$0x4] =	stream.linear.gather [hbm4b:s14+s2], $0x500, $0x38;
	[tilespmem:$0x1A680] =	vst v63  }
.LBB2_15:
0x3e6: {  	_ =	sfence.sel $0x180000  }
0x3e7: {  	[bflag:$0x0] =	sbarrier.arrive $0xFFFF  }
0x3e8: {  	_ =	strace $0x90000047  }
0x3e9: {  	s0 =	stileid.u32;
	[bflag:$0x2] =	sbarrier.arrive $0xFFFF  }
0x3ea: {  	p0 =	sne.s32 s0, $0x0;
	s0 =	rddreg [dreg:$0x6]  }
0x3eb: {  	s0 =	sadd.s32 @!p0 $0x100000, s0  }
0x3ec: {  	[sflag:s0] =	ssyncadd.tile.s32 @!p0 $0x1;
	_ =	shalt  }
.Lfunc_end2:
_tile_overlayer_lowered:
.L_overlay_start_2:
0x3ed: {  	(tag) =	ssettag $0x2  }
0x3ee: {  	s0 =	rddreg [dreg:$0x0];
	s2 =	stileid.u32  }
0x3ef: {  	s1 =	rddreg [dreg:$0x1];
	p0 =	sne.s32 s2, $0x0  }
0x3f0: {  	s3 =	rddreg [dreg:$0x2];
	[bflag:$0x3] =	sbarrier.arrive $0xFFFF;
	s2 =	simm.s32 @!p0 $0x1C09  }
0x3f1: {  	[timem:s3], [sflag:s2] =	dma.local @!p0 [hbm:s0], s1  }
0x3f2: {  	s0 =	simm.s32 @!p0 $0x9  }
0x3f3: {  	_ =	swait.ge @!p0 [sflag:s0], s1  }
0x3f4: {  	s1 =	ssub.s32 @!p0 $0x0, s1;
	[sflag:s0] =	ssyncset.done @!p0 $0x0  }
0x3f5: {  	[sflag:s0] =	ssyncadd.s32 @!p0 s1  }
0x3f6: {  	[bflag:$0x3] =	sbarrier.arrive $0xFFFF  }
0x3f7: {  	_ =	shalt  }

</sc_bundles>
